<compile_context>
chip_gen: v7x
topology: tpu7x:2x2x1
jax: 0.10.2.dev20260603
libtpu: 0.0.44.dev20260713+nightly
codegen_flags: <defaults>
</compile_context>

<pallas_src>
import functools

import jax
import jax.numpy as jnp
from jax import lax
from jax.experimental import pallas as pl
from jax.experimental.pallas import tpu as pltpu
from jax.experimental.pallas import tpu_sc as plsc

_DIM = 32
_LAMBDA = 0.01
_CHUNK = 64
_EB = 4096


def _pack_tables(ereT, eimT, n_ent):
    n_blocks = (n_ent + _EB - 1) // _EB
    n_sub = _EB // 256

    def body(a_ref, b_ref, o_ref):
        for k in range(n_sub):
            s0 = pl.ds(256 * k, 128)
            s1 = pl.ds(256 * k + 128, 128)
            stacked = jnp.concatenate(
                [a_ref[:, s0], b_ref[:, s0], a_ref[:, s1], b_ref[:, s1]],
                axis=0)
            o_ref[pl.ds(128 * k, 128), :] = stacked.T

    return pl.pallas_call(
        body,
        grid=(n_blocks,),
        in_specs=[
            pl.BlockSpec((_DIM, _EB), lambda g: (0, g)),
            pl.BlockSpec((_DIM, _EB), lambda g: (0, g)),
        ],
        out_specs=pl.BlockSpec((_EB // 2, 128), lambda g: (g, 0)),
        out_shape=jax.ShapeDtypeStruct((n_blocks * (_EB // 2), 128), jnp.float32),
    )(ereT, eimT)


def _sc_stage(h, r, t, packed, rreT, rimT, n_rows, n_rel):
    info = plsc.get_sparse_core_info()
    nc, ns = info.num_cores, info.num_subcores
    nw = nc * ns
    rows_per_w = n_rows // nw
    n_chunks = rows_per_w // _CHUNK
    n_groups = _CHUNK // 16
    mesh = plsc.VectorSubcoreMesh(core_axis_name="c", subcore_axis_name="s")

    @functools.partial(
        pl.kernel,
        mesh=mesh,
        compiler_params=pltpu.CompilerParams(needs_layout_passes=False),
        out_type=(
            jax.ShapeDtypeStruct((n_rows,), jnp.float32),
            jax.ShapeDtypeStruct((nw, 16), jnp.float32),
        ),
        scratch_types=[
            pltpu.VMEM((2, _CHUNK), jnp.int32),
            pltpu.VMEM((2, _CHUNK), jnp.int32),
            pltpu.VMEM((2, _CHUNK), jnp.int32),
            pltpu.VMEM((2, 2 * _CHUNK), jnp.int32),
            pltpu.VMEM((2, 2 * _CHUNK, 128), jnp.float32),
            pltpu.VMEM((_DIM, n_rel), jnp.float32),
            pltpu.VMEM((_DIM, n_rel), jnp.float32),
            pltpu.VMEM((2, _CHUNK), jnp.float32),
            pltpu.VMEM((16,), jnp.float32),
            pltpu.SemaphoreType.DMA,
            pltpu.SemaphoreType.DMA,
            pltpu.SemaphoreType.DMA,
        ],
    )
    def sc_kernel(h_hbm, r_hbm, t_hbm, packed_hbm, rreT_hbm, rimT_hbm,
                  score_out, sq_out,
                  hi_v, ri_v, ti_v, q_v, bg, vrr, vri,
                  sc_v, sq_v, sem_i, sem_g, sem_o):
        wid = lax.axis_index("s") * nc + lax.axis_index("c")
        base_w = wid * rows_per_w

        rd0 = pltpu.async_copy(rreT_hbm, vrr, sem_o)
        rd1 = pltpu.async_copy(rimT_hbm, vri, sem_o)
        sq_v[...] = jnp.zeros((16,), jnp.float32)

        def load_idx(g, b):
            base = pl.multiple_of(base_w + g * _CHUNK, _CHUNK)
            return (
                pltpu.async_copy(h_hbm.at[pl.ds(base, _CHUNK)], hi_v.at[b], sem_i),
                pltpu.async_copy(r_hbm.at[pl.ds(base, _CHUNK)], ri_v.at[b], sem_i),
                pltpu.async_copy(t_hbm.at[pl.ds(base, _CHUNK)], ti_v.at[b], sem_i),
            )

        def start_gather(b):
            for g2 in range(n_groups):
                sl = pl.ds(g2 * 16, 16)
                e = hi_v[b, sl]
                q_v[b, sl] = lax.shift_left(lax.shift_right_logical(e, 8), 7) | (e & 127)
                e = ti_v[b, sl]
                q_v[b, pl.ds(_CHUNK + g2 * 16, 16)] = (
                    lax.shift_left(lax.shift_right_logical(e, 8), 7) | (e & 127))
            return pltpu.async_copy(packed_hbm.at[q_v.at[b]], bg.at[b], sem_g)

        def compute(g, b):
            def group(g2, sq):
                sl = pl.ds(g2 * 16, 16)
                j16 = lax.iota(jnp.int32, 16) + g2 * 16
                offh = (lax.shift_right_logical(hi_v[b, sl], 7) & 1) * 64
                offt = (lax.shift_right_logical(ti_v[b, sl], 7) & 1) * 64
                r16 = ri_v[b, sl]
                score = jnp.zeros((16,), jnp.float32)
                jt16 = j16 + _CHUNK
                for c in range(_DIM):
                    cc = jnp.full((16,), c, jnp.int32)
                    reh = plsc.load_gather(bg.at[b], [j16, offh + c])
                    imh = plsc.load_gather(bg.at[b], [j16, offh + (32 + c)])
                    ret_ = plsc.load_gather(bg.at[b], [jt16, offt + c])
                    imt = plsc.load_gather(bg.at[b], [jt16, offt + (32 + c)])
                    rre = plsc.load_gather(vrr, [cc, r16])
                    rim = plsc.load_gather(vri, [cc, r16])
                    score = score + (rre * (reh * ret_ + imh * imt)
                                     + rim * (reh * imt - imh * ret_))
                    sq = sq + (reh * reh + imh * imh + ret_ * ret_
                               + imt * imt + rre * rre + rim * rim)
                sc_v[b, sl] = score
                return sq

            sq = lax.fori_loop(0, n_groups, group, sq_v[...])
            sq_v[...] = sq
            base = pl.multiple_of(base_w + g * _CHUNK, _CHUNK)
            return pltpu.async_copy(
                sc_v.at[b], score_out.at[pl.ds(base, _CHUNK)], sem_o)

        def wait_idx(b):
            pltpu.make_async_copy(
                h_hbm.at[pl.ds(0, _CHUNK)], hi_v.at[b], sem_i).wait()
            pltpu.make_async_copy(
                r_hbm.at[pl.ds(0, _CHUNK)], ri_v.at[b], sem_i).wait()
            pltpu.make_async_copy(
                t_hbm.at[pl.ds(0, _CHUNK)], ti_v.at[b], sem_i).wait()

        def wait_gather(b):
            pltpu.make_async_copy(
                packed_hbm.at[q_v.at[b]], bg.at[b], sem_g).wait()

        def wait_score(b):
            pltpu.make_async_copy(
                sc_v.at[b], score_out.at[pl.ds(0, _CHUNK)], sem_o).wait()

        load_idx(0, 0)
        rd0.wait()
        rd1.wait()
        wait_idx(0)
        start_gather(0)

        def step(g, carry):
            b = g & 1
            nb = b ^ 1
            more = g + 1 < n_chunks

            @pl.when(more)
            def _():
                load_idx(g + 1, nb)

            wait_gather(b)

            @pl.when(more)
            def _():
                wait_idx(nb)
                start_gather(nb)

            @pl.when(g > 0)
            def _():
                wait_score(nb)

            compute(g, b)
            return carry

        lax.fori_loop(0, n_chunks, step, 0)
        wait_score((n_chunks - 1) & 1)

        pltpu.sync_copy(sq_v, sq_out.at[wid])

    return sc_kernel(h, r, t, packed, rreT, rimT)


def _tc_reduce(score, sq, n_rows):
    def body(s_ref, sq_ref, o_ref):
        s = s_ref[...]
        sp = jnp.maximum(s, 0.0) + jnp.log(1.0 + jnp.exp(-jnp.abs(s)))
        loss = jnp.sum(sp) * (1.0 / n_rows)
        regul = jnp.sum(sq_ref[...]) * (1.0 / (n_rows * _DIM))
        o_ref[0, 0] = loss + _LAMBDA * regul

    out = pl.pallas_call(
        body,
        out_shape=jax.ShapeDtypeStruct((1, 1), jnp.float32),
        out_specs=pl.BlockSpec(memory_space=pltpu.SMEM),
    )(score.reshape(n_rows // 128, 128), sq)
    return out[0, 0]


def kernel(pos_h, pos_r, pos_t, neg_h, neg_r, neg_t, ent_re, ent_im, rel_re, rel_im):
    h = jnp.concatenate([pos_h, neg_h])
    r = jnp.concatenate([pos_r, neg_r])
    t = jnp.concatenate([pos_t, neg_t])
    n_rows = h.shape[0]
    packed = _pack_tables(ent_re.T, ent_im.T, ent_re.shape[0])
    score, sq = _sc_stage(h, r, t, packed, rel_re.T, rel_im.T,
                          n_rows, rel_re.shape[0])
    return _tc_reduce(score, sq, n_rows)

# --- scband reference (transcript-rebuilt; emitter-appended) ---
"""Pipeline reference for scband-compl-ex-50895362458241 (READ-ONLY COPY).

The authoritative reference and input builder live on the scoring server;
editing this copy changes nothing except your own understanding.
"""

import jax, jax.numpy as jnp
import numpy as np

NUM_ENTITY = 1000000
NUM_RELATION = 1000
DIM = 32
B = 16384
LAMBDA = 0.01


def _xavier_uniform(key, shape):
    fan_in, fan_out = shape[0], shape[1]
    bound = np.sqrt(6.0 / (fan_in + fan_out))
    return jax.random.uniform(key, shape, dtype=jnp.float32, minval=-bound, maxval=bound)


def setup_inputs(seed: int = 0) -> dict:
    key = jax.random.key(seed)
    ks = jax.random.split(key, 10)
    ent_re = _xavier_uniform(ks[0], (NUM_ENTITY, DIM))
    ent_im = _xavier_uniform(ks[1], (NUM_ENTITY, DIM))
    rel_re = _xavier_uniform(ks[2], (NUM_RELATION, DIM))
    rel_im = _xavier_uniform(ks[3], (NUM_RELATION, DIM))
    pos_h = jax.random.randint(ks[4], (B,), 0, NUM_ENTITY, dtype=jnp.int64) if jax.config.jax_enable_x64 else jax.random.randint(ks[4], (B,), 0, NUM_ENTITY).astype(jnp.int32)
    pos_r = jax.random.randint(ks[5], (B,), 0, NUM_RELATION).astype(jnp.int32)
    pos_t = jax.random.randint(ks[6], (B,), 0, NUM_ENTITY).astype(jnp.int32)
    neg_h = jax.random.randint(ks[7], (B,), 0, NUM_ENTITY).astype(jnp.int32)
    neg_r = jax.random.randint(ks[8], (B,), 0, NUM_RELATION).astype(jnp.int32)
    neg_t = jax.random.randint(ks[9], (B,), 0, NUM_ENTITY).astype(jnp.int32)
    pos_h = pos_h.astype(jnp.int32)
    return {
        'pos_h': pos_h, 'pos_r': pos_r, 'pos_t': pos_t,
        'neg_h': neg_h, 'neg_r': neg_r, 'neg_t': neg_t,
        'ent_re': ent_re, 'ent_im': ent_im, 'rel_re': rel_re, 'rel_im': rel_im,
    }


def _calc(e_re_h, e_im_h, e_re_t, e_im_t, r_re, r_im):
    return jnp.sum(
        r_re * e_re_h * e_re_t
        + r_re * e_im_h * e_im_t
        + r_im * e_re_h * e_im_t
        - r_im * e_im_h * e_re_t,
        axis=1,
    )


def reference(pos_h, pos_r, pos_t, neg_h, neg_r, neg_t, ent_re, ent_im, rel_re, rel_im):
    # positive lookups
    e_re_h = jnp.take(ent_re, pos_h, axis=0)
    e_im_h = jnp.take(ent_im, pos_h, axis=0)
    e_re_t = jnp.take(ent_re, pos_t, axis=0)
    e_im_t = jnp.take(ent_im, pos_t, axis=0)
    r_re = jnp.take(rel_re, pos_r, axis=0)
    r_im = jnp.take(rel_im, pos_r, axis=0)
    # negative lookups
    n_e_re_h = jnp.take(ent_re, neg_h, axis=0)
    n_e_im_h = jnp.take(ent_im, neg_h, axis=0)
    n_e_re_t = jnp.take(ent_re, neg_t, axis=0)
    n_e_im_t = jnp.take(ent_im, neg_t, axis=0)
    n_r_re = jnp.take(rel_re, neg_r, axis=0)
    n_r_im = jnp.take(rel_im, neg_r, axis=0)
    # concat (matches torch.cat in original forward)
    e_re_h = jnp.concatenate([e_re_h, n_e_re_h], axis=0)
    e_im_h = jnp.concatenate([e_im_h, n_e_im_h], axis=0)
    e_re_t = jnp.concatenate([e_re_t, n_e_re_t], axis=0)
    e_im_t = jnp.concatenate([e_im_t, n_e_im_t], axis=0)
    r_re = jnp.concatenate([r_re, n_r_re], axis=0)
    r_im = jnp.concatenate([r_im, n_r_im], axis=0)
    # original sets y = -1 for both positive and negative rows, so -y*res = res
    res = _calc(e_re_h, e_im_h, e_re_t, e_im_t, r_re, r_im)
    loss = jnp.mean(jax.nn.softplus(res))
    regul = (jnp.mean(e_re_h ** 2) + jnp.mean(e_im_h ** 2)
             + jnp.mean(e_re_t ** 2) + jnp.mean(e_im_t ** 2)
             + jnp.mean(r_re ** 2) + jnp.mean(r_im ** 2))
    return loss + LAMBDA * regul

if __name__ == "__main__":
    import jax
    _d = setup_inputs()
    print(jax.jit(kernel)(*tuple(_d.values())))

</pallas_src>

<mosaic_0001>
#map = affine_map<(d0, d1) -> (0)>
#map1 = affine_map<(d0, d1) -> (0, 0)>
module attributes {stable_mosaic.version = 14 : i64} {
  func.func @sc_kernel(%arg0: i32, %arg1: i32, %arg2: memref<32768xi32, #tpu.memory_space<hbm>>, %arg3: memref<32768xi32, #tpu.memory_space<hbm>>, %arg4: memref<32768xi32, #tpu.memory_space<hbm>>, %arg5: memref<501760x128xf32, #tpu.memory_space<hbm>>, %arg6: memref<32x1000xf32, #tpu.memory_space<hbm>>, %arg7: memref<32x1000xf32, #tpu.memory_space<hbm>>, %arg8: memref<32768xf32, #tpu.memory_space<hbm>>, %arg9: memref<32x16xf32, #tpu.memory_space<hbm>>, %arg10: memref<2x64xi32, #tpu.memory_space<vmem>>, %arg11: memref<2x64xi32, #tpu.memory_space<vmem>>, %arg12: memref<2x64xi32, #tpu.memory_space<vmem>>, %arg13: memref<2x128xi32, #tpu.memory_space<vmem>>, %arg14: memref<2x128x128xf32, #tpu.memory_space<vmem>>, %arg15: memref<32x1000xf32, #tpu.memory_space<vmem>>, %arg16: memref<32x1000xf32, #tpu.memory_space<vmem>>, %arg17: memref<2x64xf32, #tpu.memory_space<vmem>>, %arg18: memref<16xf32, #tpu.memory_space<vmem>>, %arg19: memref<!tpu.dma_semaphore, #tpu.memory_space<semaphore_mem>>, %arg20: memref<!tpu.dma_semaphore, #tpu.memory_space<semaphore_mem>>, %arg21: memref<!tpu.dma_semaphore, #tpu.memory_space<semaphore_mem>>) attributes {dimension_semantics = [#tpu.dimension_semantics<core_parallel>, #tpu.dimension_semantics<subcore_parallel>], iteration_bounds = array<i64: 2, 16>, scalar_prefetch = 0 : i64, scratch_operands = 12 : i64, tpu.core_type = #tpu.core_type<sc_vector_subcore>, window_params = [{transform_indices = #map}, {transform_indices = #map}, {transform_indices = #map}, {transform_indices = #map1}, {transform_indices = #map1}, {transform_indices = #map1}, {transform_indices = #map}, {transform_indices = #map1}]} {
    %mul3A = arith.constant 2 : i32
    %mul3A_0 = arith.muli %arg1, %mul3A : i32
    %add3A = arith.addi %mul3A_0, %arg0 : i32
    %mul3A_1 = arith.constant 1024 : i32
    %mul3A_2 = arith.muli %add3A, %mul3A_1 : i32
    tpu.enqueue_dma source(%arg6 : memref<32x1000xf32, #tpu.memory_space<hbm>>) target(%arg15 : memref<32x1000xf32, #tpu.memory_space<vmem>>) target_semaphore(%arg21 : memref<!tpu.dma_semaphore, #tpu.memory_space<semaphore_mem>>)
    tpu.enqueue_dma source(%arg7 : memref<32x1000xf32, #tpu.memory_space<hbm>>) target(%arg16 : memref<32x1000xf32, #tpu.memory_space<vmem>>) target_semaphore(%arg21 : memref<!tpu.dma_semaphore, #tpu.memory_space<semaphore_mem>>)
    %broadcast_in_dim3A = arith.constant 0.000000e+00 : f32
    %broadcast_in_dim3A_3 = vector.broadcast %broadcast_in_dim3A : f32 to vector<16xf32>
    %swap3A = arith.constant 0 : index
    %swap3A_4 = tpu.vector_load %arg18[%swap3A] {strides = array<i32>} : memref<16xf32, #tpu.memory_space<vmem>>, vector<16xf32>,
    tpu.vector_store %arg18[%swap3A], %broadcast_in_dim3A_3 {strides = array<i32>} : memref<16xf32, #tpu.memory_space<vmem>>, vector<16xf32>,
    %add3A_5 = arith.constant 0 : i32
    %add3A_6 = arith.addi %mul3A_2, %add3A_5 : i32
    %multiple_of3A = tpu.assume_multiple %add3A_6, 64 : i32
    %dma_start3A = arith.constant 0 : i32
    %dma_start3A_7 = arith.constant 0 : i32
    %dma_start3A_8 = tpu.memref_slice %arg10[%dma_start3A, %dma_start3A_7] : memref<2x64xi32, #tpu.memory_space<vmem>> -> memref<1x64xi32, #tpu.memory_space<vmem>>
    %dma_start3A_9 = tpu.memref_squeeze %dma_start3A_8 : memref<1x64xi32, #tpu.memory_space<vmem>> -> memref<64xi32, #tpu.memory_space<vmem>>
    %dma_start3A_10 = tpu.memref_slice %arg2[%multiple_of3A] : memref<32768xi32, #tpu.memory_space<hbm>> -> memref<64xi32, #tpu.memory_space<hbm>>
    %dma_start3A_11 = arith.constant 0 : i32
    %dma_start3A_12 = tpu.memref_slice %arg10[%dma_start3A, %dma_start3A_11] : memref<2x64xi32, #tpu.memory_space<vmem>> -> memref<1x64xi32, #tpu.memory_space<vmem>>
    %dma_start3A_13 = tpu.memref_squeeze %dma_start3A_12 : memref<1x64xi32, #tpu.memory_space<vmem>> -> memref<64xi32, #tpu.memory_space<vmem>>
    %dma_start3A_14 = tpu.memref_slice %arg2[%multiple_of3A] : memref<32768xi32, #tpu.memory_space<hbm>> -> memref<64xi32, #tpu.memory_space<hbm>>
    tpu.enqueue_dma source(%dma_start3A_14 : memref<64xi32, #tpu.memory_space<hbm>>) target(%dma_start3A_13 : memref<64xi32, #tpu.memory_space<vmem>>) target_semaphore(%arg19 : memref<!tpu.dma_semaphore, #tpu.memory_space<semaphore_mem>>)
    %dma_start3A_15 = arith.constant 0 : i32
    %dma_start3A_16 = arith.constant 0 : i32
    %dma_start3A_17 = tpu.memref_slice %arg11[%dma_start3A_15, %dma_start3A_16] : memref<2x64xi32, #tpu.memory_space<vmem>> -> memref<1x64xi32, #tpu.memory_space<vmem>>
    %dma_start3A_18 = tpu.memref_squeeze %dma_start3A_17 : memref<1x64xi32, #tpu.memory_space<vmem>> -> memref<64xi32, #tpu.memory_space<vmem>>
    %dma_start3A_19 = tpu.memref_slice %arg3[%multiple_of3A] : memref<32768xi32, #tpu.memory_space<hbm>> -> memref<64xi32, #tpu.memory_space<hbm>>
    %dma_start3A_20 = arith.constant 0 : i32
    %dma_start3A_21 = tpu.memref_slice %arg11[%dma_start3A_15, %dma_start3A_20] : memref<2x64xi32, #tpu.memory_space<vmem>> -> memref<1x64xi32, #tpu.memory_space<vmem>>
    %dma_start3A_22 = tpu.memref_squeeze %dma_start3A_21 : memref<1x64xi32, #tpu.memory_space<vmem>> -> memref<64xi32, #tpu.memory_space<vmem>>
    %dma_start3A_23 = tpu.memref_slice %arg3[%multiple_of3A] : memref<32768xi32, #tpu.memory_space<hbm>> -> memref<64xi32, #tpu.memory_space<hbm>>
    tpu.enqueue_dma source(%dma_start3A_23 : memref<64xi32, #tpu.memory_space<hbm>>) target(%dma_start3A_22 : memref<64xi32, #tpu.memory_space<vmem>>) target_semaphore(%arg19 : memref<!tpu.dma_semaphore, #tpu.memory_space<semaphore_mem>>)
    %dma_start3A_24 = arith.constant 0 : i32
    %dma_start3A_25 = arith.constant 0 : i32
    %dma_start3A_26 = tpu.memref_slice %arg12[%dma_start3A_24, %dma_start3A_25] : memref<2x64xi32, #tpu.memory_space<vmem>> -> memref<1x64xi32, #tpu.memory_space<vmem>>
    %dma_start3A_27 = tpu.memref_squeeze %dma_start3A_26 : memref<1x64xi32, #tpu.memory_space<vmem>> -> memref<64xi32, #tpu.memory_space<vmem>>
    %dma_start3A_28 = tpu.memref_slice %arg4[%multiple_of3A] : memref<32768xi32, #tpu.memory_space<hbm>> -> memref<64xi32, #tpu.memory_space<hbm>>
    %dma_start3A_29 = arith.constant 0 : i32
    %dma_start3A_30 = tpu.memref_slice %arg12[%dma_start3A_24, %dma_start3A_29] : memref<2x64xi32, #tpu.memory_space<vmem>> -> memref<1x64xi32, #tpu.memory_space<vmem>>
    %dma_start3A_31 = tpu.memref_squeeze %dma_start3A_30 : memref<1x64xi32, #tpu.memory_space<vmem>> -> memref<64xi32, #tpu.memory_space<vmem>>
    %dma_start3A_32 = tpu.memref_slice %arg4[%multiple_of3A] : memref<32768xi32, #tpu.memory_space<hbm>> -> memref<64xi32, #tpu.memory_space<hbm>>
    tpu.enqueue_dma source(%dma_start3A_32 : memref<64xi32, #tpu.memory_space<hbm>>) target(%dma_start3A_31 : memref<64xi32, #tpu.memory_space<vmem>>) target_semaphore(%arg19 : memref<!tpu.dma_semaphore, #tpu.memory_space<semaphore_mem>>)
    tpu.wait_dma2 semaphore(%arg21 : memref<!tpu.dma_semaphore, #tpu.memory_space<semaphore_mem>>) src(%arg6 : memref<32x1000xf32, #tpu.memory_space<hbm>>) dst(%arg15 : memref<32x1000xf32, #tpu.memory_space<vmem>>)
    tpu.wait_dma2 semaphore(%arg21 : memref<!tpu.dma_semaphore, #tpu.memory_space<semaphore_mem>>) src(%arg7 : memref<32x1000xf32, #tpu.memory_space<hbm>>) dst(%arg16 : memref<32x1000xf32, #tpu.memory_space<vmem>>)
    %dma_wait3A = arith.constant 0 : i32
    %dma_wait3A_33 = arith.constant 0 : i32
    %dma_wait3A_34 = tpu.memref_slice %arg10[%dma_wait3A, %dma_wait3A_33] : memref<2x64xi32, #tpu.memory_space<vmem>> -> memref<1x64xi32, #tpu.memory_space<vmem>>
    %dma_wait3A_35 = tpu.memref_squeeze %dma_wait3A_34 : memref<1x64xi32, #tpu.memory_space<vmem>> -> memref<64xi32, #tpu.memory_space<vmem>>
    %dma_wait3A_36 = arith.constant 0 : i32
    %dma_wait3A_37 = tpu.memref_slice %arg2[%dma_wait3A_36] : memref<32768xi32, #tpu.memory_space<hbm>> -> memref<64xi32, #tpu.memory_space<hbm>>
    %dma_wait3A_38 = arith.constant 0 : i32
    %dma_wait3A_39 = tpu.memref_slice %arg10[%dma_wait3A, %dma_wait3A_38] : memref<2x64xi32, #tpu.memory_space<vmem>> -> memref<1x64xi32, #tpu.memory_space<vmem>>
    %dma_wait3A_40 = tpu.memref_squeeze %dma_wait3A_39 : memref<1x64xi32, #tpu.memory_space<vmem>> -> memref<64xi32, #tpu.memory_space<vmem>>
    %dma_wait3A_41 = arith.constant 0 : i32
    %dma_wait3A_42 = tpu.memref_slice %arg2[%dma_wait3A_41] : memref<32768xi32, #tpu.memory_space<hbm>> -> memref<64xi32, #tpu.memory_space<hbm>>
    tpu.wait_dma2 semaphore(%arg19 : memref<!tpu.dma_semaphore, #tpu.memory_space<semaphore_mem>>) src(%dma_wait3A_42 : memref<64xi32, #tpu.memory_space<hbm>>) dst(%dma_wait3A_40 : memref<64xi32, #tpu.memory_space<vmem>>)
    %dma_wait3A_43 = arith.constant 0 : i32
    %dma_wait3A_44 = arith.constant 0 : i32
    %dma_wait3A_45 = tpu.memref_slice %arg11[%dma_wait3A_43, %dma_wait3A_44] : memref<2x64xi32, #tpu.memory_space<vmem>> -> memref<1x64xi32, #tpu.memory_space<vmem>>
    %dma_wait3A_46 = tpu.memref_squeeze %dma_wait3A_45 : memref<1x64xi32, #tpu.memory_space<vmem>> -> memref<64xi32, #tpu.memory_space<vmem>>
    %dma_wait3A_47 = arith.constant 0 : i32
    %dma_wait3A_48 = tpu.memref_slice %arg3[%dma_wait3A_47] : memref<32768xi32, #tpu.memory_space<hbm>> -> memref<64xi32, #tpu.memory_space<hbm>>
    %dma_wait3A_49 = arith.constant 0 : i32
    %dma_wait3A_50 = tpu.memref_slice %arg11[%dma_wait3A_43, %dma_wait3A_49] : memref<2x64xi32, #tpu.memory_space<vmem>> -> memref<1x64xi32, #tpu.memory_space<vmem>>
    %dma_wait3A_51 = tpu.memref_squeeze %dma_wait3A_50 : memref<1x64xi32, #tpu.memory_space<vmem>> -> memref<64xi32, #tpu.memory_space<vmem>>
    %dma_wait3A_52 = arith.constant 0 : i32
    %dma_wait3A_53 = tpu.memref_slice %arg3[%dma_wait3A_52] : memref<32768xi32, #tpu.memory_space<hbm>> -> memref<64xi32, #tpu.memory_space<hbm>>
    tpu.wait_dma2 semaphore(%arg19 : memref<!tpu.dma_semaphore, #tpu.memory_space<semaphore_mem>>) src(%dma_wait3A_53 : memref<64xi32, #tpu.memory_space<hbm>>) dst(%dma_wait3A_51 : memref<64xi32, #tpu.memory_space<vmem>>)
    %dma_wait3A_54 = arith.constant 0 : i32
    %dma_wait3A_55 = arith.constant 0 : i32
    %dma_wait3A_56 = tpu.memref_slice %arg12[%dma_wait3A_54, %dma_wait3A_55] : memref<2x64xi32, #tpu.memory_space<vmem>> -> memref<1x64xi32, #tpu.memory_space<vmem>>
    %dma_wait3A_57 = tpu.memref_squeeze %dma_wait3A_56 : memref<1x64xi32, #tpu.memory_space<vmem>> -> memref<64xi32, #tpu.memory_space<vmem>>
    %dma_wait3A_58 = arith.constant 0 : i32
    %dma_wait3A_59 = tpu.memref_slice %arg4[%dma_wait3A_58] : memref<32768xi32, #tpu.memory_space<hbm>> -> memref<64xi32, #tpu.memory_space<hbm>>
    %dma_wait3A_60 = arith.constant 0 : i32
    %dma_wait3A_61 = tpu.memref_slice %arg12[%dma_wait3A_54, %dma_wait3A_60] : memref<2x64xi32, #tpu.memory_space<vmem>> -> memref<1x64xi32, #tpu.memory_space<vmem>>
    %dma_wait3A_62 = tpu.memref_squeeze %dma_wait3A_61 : memref<1x64xi32, #tpu.memory_space<vmem>> -> memref<64xi32, #tpu.memory_space<vmem>>
    %dma_wait3A_63 = arith.constant 0 : i32
    %dma_wait3A_64 = tpu.memref_slice %arg4[%dma_wait3A_63] : memref<32768xi32, #tpu.memory_space<hbm>> -> memref<64xi32, #tpu.memory_space<hbm>>
    tpu.wait_dma2 semaphore(%arg19 : memref<!tpu.dma_semaphore, #tpu.memory_space<semaphore_mem>>) src(%dma_wait3A_64 : memref<64xi32, #tpu.memory_space<hbm>>) dst(%dma_wait3A_62 : memref<64xi32, #tpu.memory_space<vmem>>)
    %get3A = arith.constant 0 : i32
    %get3A_65 = arith.index_cast %get3A : i32 to index
    %get3A_66 = arith.constant 0 : index
    %get3A_67 = tpu.vector_load %arg10[%get3A_65, %get3A_66] {strides = array<i32>} : memref<2x64xi32, #tpu.memory_space<vmem>>, vector<16xi32>,
    %shift_right_logical3A = arith.constant 8 : i32
    %shift_right_logical3A_68 = vector.broadcast %shift_right_logical3A : i32 to vector<16xi32>
    %shift_right_logical3A_69 = arith.shrui %get3A_67, %shift_right_logical3A_68 : vector<16xi32>
    %shift_left3A = arith.constant 7 : i32
    %shift_left3A_70 = vector.broadcast %shift_left3A : i32 to vector<16xi32>
    %shift_left3A_71 = arith.shli %shift_right_logical3A_69, %shift_left3A_70 : vector<16xi32>
    %and3A = arith.constant 127 : i32
    %and3A_72 = vector.broadcast %and3A : i32 to vector<16xi32>
    %and3A_73 = arith.andi %get3A_67, %and3A_72 : vector<16xi32>
    %or3A = arith.ori %shift_left3A_71, %and3A_73 : vector<16xi32>
    %swap3A_74 = arith.constant 0 : i32
    %swap3A_75 = arith.index_cast %swap3A_74 : i32 to index
    %swap3A_76 = arith.constant 0 : index
    %swap3A_77 = tpu.vector_load %arg13[%swap3A_75, %swap3A_76] {strides = array<i32>} : memref<2x128xi32, #tpu.memory_space<vmem>>, vector<16xi32>,
    tpu.vector_store %arg13[%swap3A_75, %swap3A_76], %or3A {strides = array<i32>} : memref<2x128xi32, #tpu.memory_space<vmem>>, vector<16xi32>,
    %get3A_78 = arith.constant 0 : i32
    %get3A_79 = arith.index_cast %get3A_78 : i32 to index
    %get3A_80 = arith.constant 0 : index
    %get3A_81 = tpu.vector_load %arg12[%get3A_79, %get3A_80] {strides = array<i32>} : memref<2x64xi32, #tpu.memory_space<vmem>>, vector<16xi32>,
    %shift_right_logical3A_82 = arith.constant 8 : i32
    %shift_right_logical3A_83 = vector.broadcast %shift_right_logical3A_82 : i32 to vector<16xi32>
    %shift_right_logical3A_84 = arith.shrui %get3A_81, %shift_right_logical3A_83 : vector<16xi32>
    %shift_left3A_85 = arith.constant 7 : i32
    %shift_left3A_86 = vector.broadcast %shift_left3A_85 : i32 to vector<16xi32>
    %shift_left3A_87 = arith.shli %shift_right_logical3A_84, %shift_left3A_86 : vector<16xi32>
    %and3A_88 = arith.constant 127 : i32
    %and3A_89 = vector.broadcast %and3A_88 : i32 to vector<16xi32>
    %and3A_90 = arith.andi %get3A_81, %and3A_89 : vector<16xi32>
    %or3A_91 = arith.ori %shift_left3A_87, %and3A_90 : vector<16xi32>
    %swap3A_92 = arith.constant 0 : i32
    %swap3A_93 = arith.index_cast %swap3A_92 : i32 to index
    %swap3A_94 = arith.constant 64 : index
    %swap3A_95 = tpu.vector_load %arg13[%swap3A_93, %swap3A_94] {strides = array<i32>} : memref<2x128xi32, #tpu.memory_space<vmem>>, vector<16xi32>,
    tpu.vector_store %arg13[%swap3A_93, %swap3A_94], %or3A_91 {strides = array<i32>} : memref<2x128xi32, #tpu.memory_space<vmem>>, vector<16xi32>,
    %get3A_96 = arith.constant 0 : i32
    %get3A_97 = arith.index_cast %get3A_96 : i32 to index
    %get3A_98 = arith.constant 16 : index
    %get3A_99 = tpu.vector_load %arg10[%get3A_97, %get3A_98] {strides = array<i32>} : memref<2x64xi32, #tpu.memory_space<vmem>>, vector<16xi32>,
    %shift_right_logical3A_100 = arith.constant 8 : i32
    %shift_right_logical3A_101 = vector.broadcast %shift_right_logical3A_100 : i32 to vector<16xi32>
    %shift_right_logical3A_102 = arith.shrui %get3A_99, %shift_right_logical3A_101 : vector<16xi32>
    %shift_left3A_103 = arith.constant 7 : i32
    %shift_left3A_104 = vector.broadcast %shift_left3A_103 : i32 to vector<16xi32>
    %shift_left3A_105 = arith.shli %shift_right_logical3A_102, %shift_left3A_104 : vector<16xi32>
    %and3A_106 = arith.constant 127 : i32
    %and3A_107 = vector.broadcast %and3A_106 : i32 to vector<16xi32>
    %and3A_108 = arith.andi %get3A_99, %and3A_107 : vector<16xi32>
    %or3A_109 = arith.ori %shift_left3A_105, %and3A_108 : vector<16xi32>
    %swap3A_110 = arith.constant 0 : i32
    %swap3A_111 = arith.index_cast %swap3A_110 : i32 to index
    %swap3A_112 = arith.constant 16 : index
    %swap3A_113 = tpu.vector_load %arg13[%swap3A_111, %swap3A_112] {strides = array<i32>} : memref<2x128xi32, #tpu.memory_space<vmem>>, vector<16xi32>,
    tpu.vector_store %arg13[%swap3A_111, %swap3A_112], %or3A_109 {strides = array<i32>} : memref<2x128xi32, #tpu.memory_space<vmem>>, vector<16xi32>,
    %get3A_114 = arith.constant 0 : i32
    %get3A_115 = arith.index_cast %get3A_114 : i32 to index
    %get3A_116 = arith.constant 16 : index
    %get3A_117 = tpu.vector_load %arg12[%get3A_115, %get3A_116] {strides = array<i32>} : memref<2x64xi32, #tpu.memory_space<vmem>>, vector<16xi32>,
    %shift_right_logical3A_118 = arith.constant 8 : i32
    %shift_right_logical3A_119 = vector.broadcast %shift_right_logical3A_118 : i32 to vector<16xi32>
    %shift_right_logical3A_120 = arith.shrui %get3A_117, %shift_right_logical3A_119 : vector<16xi32>
    %shift_left3A_121 = arith.constant 7 : i32
    %shift_left3A_122 = vector.broadcast %shift_left3A_121 : i32 to vector<16xi32>
    %shift_left3A_123 = arith.shli %shift_right_logical3A_120, %shift_left3A_122 : vector<16xi32>
    %and3A_124 = arith.constant 127 : i32
    %and3A_125 = vector.broadcast %and3A_124 : i32 to vector<16xi32>
    %and3A_126 = arith.andi %get3A_117, %and3A_125 : vector<16xi32>
    %or3A_127 = arith.ori %shift_left3A_123, %and3A_126 : vector<16xi32>
    %swap3A_128 = arith.constant 0 : i32
    %swap3A_129 = arith.index_cast %swap3A_128 : i32 to index
    %swap3A_130 = arith.constant 80 : index
    %swap3A_131 = tpu.vector_load %arg13[%swap3A_129, %swap3A_130] {strides = array<i32>} : memref<2x128xi32, #tpu.memory_space<vmem>>, vector<16xi32>,
    tpu.vector_store %arg13[%swap3A_129, %swap3A_130], %or3A_127 {strides = array<i32>} : memref<2x128xi32, #tpu.memory_space<vmem>>, vector<16xi32>,
    %get3A_132 = arith.constant 0 : i32
    %get3A_133 = arith.index_cast %get3A_132 : i32 to index
    %get3A_134 = arith.constant 32 : index
    %get3A_135 = tpu.vector_load %arg10[%get3A_133, %get3A_134] {strides = array<i32>} : memref<2x64xi32, #tpu.memory_space<vmem>>, vector<16xi32>,
    %shift_right_logical3A_136 = arith.constant 8 : i32
    %shift_right_logical3A_137 = vector.broadcast %shift_right_logical3A_136 : i32 to vector<16xi32>
    %shift_right_logical3A_138 = arith.shrui %get3A_135, %shift_right_logical3A_137 : vector<16xi32>
    %shift_left3A_139 = arith.constant 7 : i32
    %shift_left3A_140 = vector.broadcast %shift_left3A_139 : i32 to vector<16xi32>
    %shift_left3A_141 = arith.shli %shift_right_logical3A_138, %shift_left3A_140 : vector<16xi32>
    %and3A_142 = arith.constant 127 : i32
    %and3A_143 = vector.broadcast %and3A_142 : i32 to vector<16xi32>
    %and3A_144 = arith.andi %get3A_135, %and3A_143 : vector<16xi32>
    %or3A_145 = arith.ori %shift_left3A_141, %and3A_144 : vector<16xi32>
    %swap3A_146 = arith.constant 0 : i32
    %swap3A_147 = arith.index_cast %swap3A_146 : i32 to index
    %swap3A_148 = arith.constant 32 : index
    %swap3A_149 = tpu.vector_load %arg13[%swap3A_147, %swap3A_148] {strides = array<i32>} : memref<2x128xi32, #tpu.memory_space<vmem>>, vector<16xi32>,
    tpu.vector_store %arg13[%swap3A_147, %swap3A_148], %or3A_145 {strides = array<i32>} : memref<2x128xi32, #tpu.memory_space<vmem>>, vector<16xi32>,
    %get3A_150 = arith.constant 0 : i32
    %get3A_151 = arith.index_cast %get3A_150 : i32 to index
    %get3A_152 = arith.constant 32 : index
    %get3A_153 = tpu.vector_load %arg12[%get3A_151, %get3A_152] {strides = array<i32>} : memref<2x64xi32, #tpu.memory_space<vmem>>, vector<16xi32>,
    %shift_right_logical3A_154 = arith.constant 8 : i32
    %shift_right_logical3A_155 = vector.broadcast %shift_right_logical3A_154 : i32 to vector<16xi32>
    %shift_right_logical3A_156 = arith.shrui %get3A_153, %shift_right_logical3A_155 : vector<16xi32>
    %shift_left3A_157 = arith.constant 7 : i32
    %shift_left3A_158 = vector.broadcast %shift_left3A_157 : i32 to vector<16xi32>
    %shift_left3A_159 = arith.shli %shift_right_logical3A_156, %shift_left3A_158 : vector<16xi32>
    %and3A_160 = arith.constant 127 : i32
    %and3A_161 = vector.broadcast %and3A_160 : i32 to vector<16xi32>
    %and3A_162 = arith.andi %get3A_153, %and3A_161 : vector<16xi32>
    %or3A_163 = arith.ori %shift_left3A_159, %and3A_162 : vector<16xi32>
    %swap3A_164 = arith.constant 0 : i32
    %swap3A_165 = arith.index_cast %swap3A_164 : i32 to index
    %swap3A_166 = arith.constant 96 : index
    %swap3A_167 = tpu.vector_load %arg13[%swap3A_165, %swap3A_166] {strides = array<i32>} : memref<2x128xi32, #tpu.memory_space<vmem>>, vector<16xi32>,
    tpu.vector_store %arg13[%swap3A_165, %swap3A_166], %or3A_163 {strides = array<i32>} : memref<2x128xi32, #tpu.memory_space<vmem>>, vector<16xi32>,
    %get3A_168 = arith.constant 0 : i32
    %get3A_169 = arith.index_cast %get3A_168 : i32 to index
    %get3A_170 = arith.constant 48 : index
    %get3A_171 = tpu.vector_load %arg10[%get3A_169, %get3A_170] {strides = array<i32>} : memref<2x64xi32, #tpu.memory_space<vmem>>, vector<16xi32>,
    %shift_right_logical3A_172 = arith.constant 8 : i32
    %shift_right_logical3A_173 = vector.broadcast %shift_right_logical3A_172 : i32 to vector<16xi32>
    %shift_right_logical3A_174 = arith.shrui %get3A_171, %shift_right_logical3A_173 : vector<16xi32>
    %shift_left3A_175 = arith.constant 7 : i32
    %shift_left3A_176 = vector.broadcast %shift_left3A_175 : i32 to vector<16xi32>
    %shift_left3A_177 = arith.shli %shift_right_logical3A_174, %shift_left3A_176 : vector<16xi32>
    %and3A_178 = arith.constant 127 : i32
    %and3A_179 = vector.broadcast %and3A_178 : i32 to vector<16xi32>
    %and3A_180 = arith.andi %get3A_171, %and3A_179 : vector<16xi32>
    %or3A_181 = arith.ori %shift_left3A_177, %and3A_180 : vector<16xi32>
    %swap3A_182 = arith.constant 0 : i32
    %swap3A_183 = arith.index_cast %swap3A_182 : i32 to index
    %swap3A_184 = arith.constant 48 : index
    %swap3A_185 = tpu.vector_load %arg13[%swap3A_183, %swap3A_184] {strides = array<i32>} : memref<2x128xi32, #tpu.memory_space<vmem>>, vector<16xi32>,
    tpu.vector_store %arg13[%swap3A_183, %swap3A_184], %or3A_181 {strides = array<i32>} : memref<2x128xi32, #tpu.memory_space<vmem>>, vector<16xi32>,
    %get3A_186 = arith.constant 0 : i32
    %get3A_187 = arith.index_cast %get3A_186 : i32 to index
    %get3A_188 = arith.constant 48 : index
    %get3A_189 = tpu.vector_load %arg12[%get3A_187, %get3A_188] {strides = array<i32>} : memref<2x64xi32, #tpu.memory_space<vmem>>, vector<16xi32>,
    %shift_right_logical3A_190 = arith.constant 8 : i32
    %shift_right_logical3A_191 = vector.broadcast %shift_right_logical3A_190 : i32 to vector<16xi32>
    %shift_right_logical3A_192 = arith.shrui %get3A_189, %shift_right_logical3A_191 : vector<16xi32>
    %shift_left3A_193 = arith.constant 7 : i32
    %shift_left3A_194 = vector.broadcast %shift_left3A_193 : i32 to vector<16xi32>
    %shift_left3A_195 = arith.shli %shift_right_logical3A_192, %shift_left3A_194 : vector<16xi32>
    %and3A_196 = arith.constant 127 : i32
    %and3A_197 = vector.broadcast %and3A_196 : i32 to vector<16xi32>
    %and3A_198 = arith.andi %get3A_189, %and3A_197 : vector<16xi32>
    %or3A_199 = arith.ori %shift_left3A_195, %and3A_198 : vector<16xi32>
    %swap3A_200 = arith.constant 0 : i32
    %swap3A_201 = arith.index_cast %swap3A_200 : i32 to index
    %swap3A_202 = arith.constant 112 : index
    %swap3A_203 = tpu.vector_load %arg13[%swap3A_201, %swap3A_202] {strides = array<i32>} : memref<2x128xi32, #tpu.memory_space<vmem>>, vector<16xi32>,
    tpu.vector_store %arg13[%swap3A_201, %swap3A_202], %or3A_199 {strides = array<i32>} : memref<2x128xi32, #tpu.memory_space<vmem>>, vector<16xi32>,
    %dma_start3A_204 = arith.constant 0 : i32
    %dma_start3A_205 = arith.constant 0 : i32
    %dma_start3A_206 = arith.constant 0 : i32
    %dma_start3A_207 = arith.constant 0 : i32
    %dma_start3A_208 = tpu.memref_slice %arg14[%dma_start3A_205, %dma_start3A_206, %dma_start3A_207] : memref<2x128x128xf32, #tpu.memory_space<vmem>> -> memref<1x128x128xf32, #tpu.memory_space<vmem>>
    %dma_start3A_209 = tpu.memref_squeeze %dma_start3A_208 : memref<1x128x128xf32, #tpu.memory_space<vmem>> -> memref<128x128xf32, #tpu.memory_space<vmem>>
    %dma_start3A_210 = arith.constant 0 : i32
    %dma_start3A_211 = tpu.memref_slice %arg13[%dma_start3A_204, %dma_start3A_210] : memref<2x128xi32, #tpu.memory_space<vmem>> -> memref<1x128xi32, #tpu.memory_space<vmem>>
    %dma_start3A_212 = tpu.memref_squeeze %dma_start3A_211 : memref<1x128xi32, #tpu.memory_space<vmem>> -> memref<128xi32, #tpu.memory_space<vmem>>
    %dma_start3A_213 = arith.constant 0 : i32
    %dma_start3A_214 = arith.constant 0 : i32
    %dma_start3A_215 = tpu.memref_slice %arg5[%dma_start3A_213, %dma_start3A_214] : memref<501760x128xf32, #tpu.memory_space<hbm>> -> memref<501760x128xf32, #tpu.memory_space<hbm>>
    tpu.enqueue_indirect_dma source(%dma_start3A_215 : memref<501760x128xf32, #tpu.memory_space<hbm>>) target(%dma_start3A_209 : memref<128x128xf32, #tpu.memory_space<vmem>>) offsets(%dma_start3A_212 : memref<128xi32, #tpu.memory_space<vmem>>) semaphore(%arg20 : memref<!tpu.dma_semaphore, #tpu.memory_space<semaphore_mem>>)
    %scan3A = arith.constant 0 : i32
    %scan3A_216 = arith.constant 0 : i32
    %scan3A_217 = arith.constant 16 : i32
    %scan3A_218 = arith.addi %scan3A_216, %scan3A_217 : i32
    %scan3A_219 = arith.constant 1 : i32
    scf.for %scan3A_232 = %scan3A_216 to %scan3A_218 step %scan3A_219  : i32 {
      %and3A_233 = arith.constant 1 : i32
      %and3A_234 = arith.andi %scan3A_232, %and3A_233 : i32
      %xor3A = arith.constant 1 : i32
      %xor3A_235 = arith.xori %and3A_234, %xor3A : i32
      %add3A_236 = arith.constant 1 : i32
      %add3A_237 = arith.addi %scan3A_232, %add3A_236 : i32
      %lt3A = arith.constant 16 : i32
      %lt3A_238 = arith.cmpi slt, %add3A_237, %lt3A : i32
      %convert_element_type3A = arith.extui %lt3A_238 : i1 to i32
      %cond3A = arith.constant 0 : i32
      %cond3A_239 = arith.cmpi ne, %convert_element_type3A, %cond3A : i32
      scf.if %cond3A_239 {
        %add3A_279 = arith.constant 1 : i32
        %add3A_280 = arith.addi %scan3A_232, %add3A_279 : i32
        %mul3A_281 = arith.constant 64 : i32
        %mul3A_282 = arith.muli %add3A_280, %mul3A_281 : i32
        %add3A_283 = arith.addi %mul3A_2, %mul3A_282 : i32
        %multiple_of3A_284 = tpu.assume_multiple %add3A_283, 64 : i32
        %dma_start3A_285 = arith.constant 0 : i32
        %dma_start3A_286 = tpu.memref_slice %arg10[%xor3A_235, %dma_start3A_285] : memref<2x64xi32, #tpu.memory_space<vmem>> -> memref<1x64xi32, #tpu.memory_space<vmem>>
        %dma_start3A_287 = tpu.memref_squeeze %dma_start3A_286 : memref<1x64xi32, #tpu.memory_space<vmem>> -> memref<64xi32, #tpu.memory_space<vmem>>
        %dma_start3A_288 = tpu.memref_slice %arg2[%multiple_of3A_284] : memref<32768xi32, #tpu.memory_space<hbm>> -> memref<64xi32, #tpu.memory_space<hbm>>
        %dma_start3A_289 = arith.constant 0 : i32
        %dma_start3A_290 = tpu.memref_slice %arg10[%xor3A_235, %dma_start3A_289] : memref<2x64xi32, #tpu.memory_space<vmem>> -> memref<1x64xi32, #tpu.memory_space<vmem>>
        %dma_start3A_291 = tpu.memref_squeeze %dma_start3A_290 : memref<1x64xi32, #tpu.memory_space<vmem>> -> memref<64xi32, #tpu.memory_space<vmem>>
        %dma_start3A_292 = tpu.memref_slice %arg2[%multiple_of3A_284] : memref<32768xi32, #tpu.memory_space<hbm>> -> memref<64xi32, #tpu.memory_space<hbm>>
        tpu.enqueue_dma source(%dma_start3A_292 : memref<64xi32, #tpu.memory_space<hbm>>) target(%dma_start3A_291 : memref<64xi32, #tpu.memory_space<vmem>>) target_semaphore(%arg19 : memref<!tpu.dma_semaphore, #tpu.memory_space<semaphore_mem>>)
        %dma_start3A_293 = arith.constant 0 : i32
        %dma_start3A_294 = tpu.memref_slice %arg11[%xor3A_235, %dma_start3A_293] : memref<2x64xi32, #tpu.memory_space<vmem>> -> memref<1x64xi32, #tpu.memory_space<vmem>>
        %dma_start3A_295 = tpu.memref_squeeze %dma_start3A_294 : memref<1x64xi32, #tpu.memory_space<vmem>> -> memref<64xi32, #tpu.memory_space<vmem>>
        %dma_start3A_296 = tpu.memref_slice %arg3[%multiple_of3A_284] : memref<32768xi32, #tpu.memory_space<hbm>> -> memref<64xi32, #tpu.memory_space<hbm>>
        %dma_start3A_297 = arith.constant 0 : i32
        %dma_start3A_298 = tpu.memref_slice %arg11[%xor3A_235, %dma_start3A_297] : memref<2x64xi32, #tpu.memory_space<vmem>> -> memref<1x64xi32, #tpu.memory_space<vmem>>
        %dma_start3A_299 = tpu.memref_squeeze %dma_start3A_298 : memref<1x64xi32, #tpu.memory_space<vmem>> -> memref<64xi32, #tpu.memory_space<vmem>>
        %dma_start3A_300 = tpu.memref_slice %arg3[%multiple_of3A_284] : memref<32768xi32, #tpu.memory_space<hbm>> -> memref<64xi32, #tpu.memory_space<hbm>>
        tpu.enqueue_dma source(%dma_start3A_300 : memref<64xi32, #tpu.memory_space<hbm>>) target(%dma_start3A_299 : memref<64xi32, #tpu.memory_space<vmem>>) target_semaphore(%arg19 : memref<!tpu.dma_semaphore, #tpu.memory_space<semaphore_mem>>)
        %dma_start3A_301 = arith.constant 0 : i32
        %dma_start3A_302 = tpu.memref_slice %arg12[%xor3A_235, %dma_start3A_301] : memref<2x64xi32, #tpu.memory_space<vmem>> -> memref<1x64xi32, #tpu.memory_space<vmem>>
        %dma_start3A_303 = tpu.memref_squeeze %dma_start3A_302 : memref<1x64xi32, #tpu.memory_space<vmem>> -> memref<64xi32, #tpu.memory_space<vmem>>
        %dma_start3A_304 = tpu.memref_slice %arg4[%multiple_of3A_284] : memref<32768xi32, #tpu.memory_space<hbm>> -> memref<64xi32, #tpu.memory_space<hbm>>
        %dma_start3A_305 = arith.constant 0 : i32
        %dma_start3A_306 = tpu.memref_slice %arg12[%xor3A_235, %dma_start3A_305] : memref<2x64xi32, #tpu.memory_space<vmem>> -> memref<1x64xi32, #tpu.memory_space<vmem>>
        %dma_start3A_307 = tpu.memref_squeeze %dma_start3A_306 : memref<1x64xi32, #tpu.memory_space<vmem>> -> memref<64xi32, #tpu.memory_space<vmem>>
        %dma_start3A_308 = tpu.memref_slice %arg4[%multiple_of3A_284] : memref<32768xi32, #tpu.memory_space<hbm>> -> memref<64xi32, #tpu.memory_space<hbm>>
        tpu.enqueue_dma source(%dma_start3A_308 : memref<64xi32, #tpu.memory_space<hbm>>) target(%dma_start3A_307 : memref<64xi32, #tpu.memory_space<vmem>>) target_semaphore(%arg19 : memref<!tpu.dma_semaphore, #tpu.memory_space<semaphore_mem>>)
      } else {
      }
      %dma_wait3A_240 = arith.constant 0 : i32
      %dma_wait3A_241 = arith.constant 0 : i32
      %dma_wait3A_242 = tpu.memref_slice %arg14[%and3A_234, %dma_wait3A_240, %dma_wait3A_241] : memref<2x128x128xf32, #tpu.memory_space<vmem>> -> memref<1x128x128xf32, #tpu.memory_space<vmem>>
      %dma_wait3A_243 = tpu.memref_squeeze %dma_wait3A_242 : memref<1x128x128xf32, #tpu.memory_space<vmem>> -> memref<128x128xf32, #tpu.memory_space<vmem>>
      %dma_wait3A_244 = arith.constant 0 : i32
      %dma_wait3A_245 = tpu.memref_slice %arg13[%and3A_234, %dma_wait3A_244] : memref<2x128xi32, #tpu.memory_space<vmem>> -> memref<1x128xi32, #tpu.memory_space<vmem>>
      %dma_wait3A_246 = tpu.memref_squeeze %dma_wait3A_245 : memref<1x128xi32, #tpu.memory_space<vmem>> -> memref<128xi32, #tpu.memory_space<vmem>>
      %dma_wait3A_247 = arith.constant 0 : i32
      %dma_wait3A_248 = arith.constant 0 : i32
      %dma_wait3A_249 = tpu.memref_slice %arg5[%dma_wait3A_247, %dma_wait3A_248] : memref<501760x128xf32, #tpu.memory_space<hbm>> -> memref<501760x128xf32, #tpu.memory_space<hbm>>
      tpu.wait_indirect_dma semaphore(%arg20 : memref<!tpu.dma_semaphore, #tpu.memory_space<semaphore_mem>>) src(%dma_wait3A_249 : memref<501760x128xf32, #tpu.memory_space<hbm>>) dst(%dma_wait3A_243 : memref<128x128xf32, #tpu.memory_space<vmem>>)
      %convert_element_type3A_250 = arith.extui %lt3A_238 : i1 to i32
      %cond3A_251 = arith.constant 0 : i32
      %cond3A_252 = arith.cmpi ne, %convert_element_type3A_250, %cond3A_251 : i32
      scf.if %cond3A_252 {
        %dma_wait3A_279 = arith.constant 0 : i32
        %dma_wait3A_280 = tpu.memref_slice %arg10[%xor3A_235, %dma_wait3A_279] : memref<2x64xi32, #tpu.memory_space<vmem>> -> memref<1x64xi32, #tpu.memory_space<vmem>>
        %dma_wait3A_281 = tpu.memref_squeeze %dma_wait3A_280 : memref<1x64xi32, #tpu.memory_space<vmem>> -> memref<64xi32, #tpu.memory_space<vmem>>
        %dma_wait3A_282 = arith.constant 0 : i32
        %dma_wait3A_283 = tpu.memref_slice %arg2[%dma_wait3A_282] : memref<32768xi32, #tpu.memory_space<hbm>> -> memref<64xi32, #tpu.memory_space<hbm>>
        %dma_wait3A_284 = arith.constant 0 : i32
        %dma_wait3A_285 = tpu.memref_slice %arg10[%xor3A_235, %dma_wait3A_284] : memref<2x64xi32, #tpu.memory_space<vmem>> -> memref<1x64xi32, #tpu.memory_space<vmem>>
        %dma_wait3A_286 = tpu.memref_squeeze %dma_wait3A_285 : memref<1x64xi32, #tpu.memory_space<vmem>> -> memref<64xi32, #tpu.memory_space<vmem>>
        %dma_wait3A_287 = arith.constant 0 : i32
        %dma_wait3A_288 = tpu.memref_slice %arg2[%dma_wait3A_287] : memref<32768xi32, #tpu.memory_space<hbm>> -> memref<64xi32, #tpu.memory_space<hbm>>
        tpu.wait_dma2 semaphore(%arg19 : memref<!tpu.dma_semaphore, #tpu.memory_space<semaphore_mem>>) src(%dma_wait3A_288 : memref<64xi32, #tpu.memory_space<hbm>>) dst(%dma_wait3A_286 : memref<64xi32, #tpu.memory_space<vmem>>)
        %dma_wait3A_289 = arith.constant 0 : i32
        %dma_wait3A_290 = tpu.memref_slice %arg11[%xor3A_235, %dma_wait3A_289] : memref<2x64xi32, #tpu.memory_space<vmem>> -> memref<1x64xi32, #tpu.memory_space<vmem>>
        %dma_wait3A_291 = tpu.memref_squeeze %dma_wait3A_290 : memref<1x64xi32, #tpu.memory_space<vmem>> -> memref<64xi32, #tpu.memory_space<vmem>>
        %dma_wait3A_292 = arith.constant 0 : i32
        %dma_wait3A_293 = tpu.memref_slice %arg3[%dma_wait3A_292] : memref<32768xi32, #tpu.memory_space<hbm>> -> memref<64xi32, #tpu.memory_space<hbm>>
        %dma_wait3A_294 = arith.constant 0 : i32
        %dma_wait3A_295 = tpu.memref_slice %arg11[%xor3A_235, %dma_wait3A_294] : memref<2x64xi32, #tpu.memory_space<vmem>> -> memref<1x64xi32, #tpu.memory_space<vmem>>
        %dma_wait3A_296 = tpu.memref_squeeze %dma_wait3A_295 : memref<1x64xi32, #tpu.memory_space<vmem>> -> memref<64xi32, #tpu.memory_space<vmem>>
        %dma_wait3A_297 = arith.constant 0 : i32
        %dma_wait3A_298 = tpu.memref_slice %arg3[%dma_wait3A_297] : memref<32768xi32, #tpu.memory_space<hbm>> -> memref<64xi32, #tpu.memory_space<hbm>>
        tpu.wait_dma2 semaphore(%arg19 : memref<!tpu.dma_semaphore, #tpu.memory_space<semaphore_mem>>) src(%dma_wait3A_298 : memref<64xi32, #tpu.memory_space<hbm>>) dst(%dma_wait3A_296 : memref<64xi32, #tpu.memory_space<vmem>>)
        %dma_wait3A_299 = arith.constant 0 : i32
        %dma_wait3A_300 = tpu.memref_slice %arg12[%xor3A_235, %dma_wait3A_299] : memref<2x64xi32, #tpu.memory_space<vmem>> -> memref<1x64xi32, #tpu.memory_space<vmem>>
        %dma_wait3A_301 = tpu.memref_squeeze %dma_wait3A_300 : memref<1x64xi32, #tpu.memory_space<vmem>> -> memref<64xi32, #tpu.memory_space<vmem>>
        %dma_wait3A_302 = arith.constant 0 : i32
        %dma_wait3A_303 = tpu.memref_slice %arg4[%dma_wait3A_302] : memref<32768xi32, #tpu.memory_space<hbm>> -> memref<64xi32, #tpu.memory_space<hbm>>
        %dma_wait3A_304 = arith.constant 0 : i32
        %dma_wait3A_305 = tpu.memref_slice %arg12[%xor3A_235, %dma_wait3A_304] : memref<2x64xi32, #tpu.memory_space<vmem>> -> memref<1x64xi32, #tpu.memory_space<vmem>>
        %dma_wait3A_306 = tpu.memref_squeeze %dma_wait3A_305 : memref<1x64xi32, #tpu.memory_space<vmem>> -> memref<64xi32, #tpu.memory_space<vmem>>
        %dma_wait3A_307 = arith.constant 0 : i32
        %dma_wait3A_308 = tpu.memref_slice %arg4[%dma_wait3A_307] : memref<32768xi32, #tpu.memory_space<hbm>> -> memref<64xi32, #tpu.memory_space<hbm>>
        tpu.wait_dma2 semaphore(%arg19 : memref<!tpu.dma_semaphore, #tpu.memory_space<semaphore_mem>>) src(%dma_wait3A_308 : memref<64xi32, #tpu.memory_space<hbm>>) dst(%dma_wait3A_306 : memref<64xi32, #tpu.memory_space<vmem>>)
        %get3A_309 = arith.index_cast %xor3A_235 : i32 to index
        %get3A_310 = arith.constant 0 : index
        %get3A_311 = tpu.vector_load %arg10[%get3A_309, %get3A_310] {strides = array<i32>} : memref<2x64xi32, #tpu.memory_space<vmem>>, vector<16xi32>,
        %shift_right_logical3A_312 = arith.constant 8 : i32
        %shift_right_logical3A_313 = vector.broadcast %shift_right_logical3A_312 : i32 to vector<16xi32>
        %shift_right_logical3A_314 = arith.shrui %get3A_311, %shift_right_logical3A_313 : vector<16xi32>
        %shift_left3A_315 = arith.constant 7 : i32
        %shift_left3A_316 = vector.broadcast %shift_left3A_315 : i32 to vector<16xi32>
        %shift_left3A_317 = arith.shli %shift_right_logical3A_314, %shift_left3A_316 : vector<16xi32>
        %and3A_318 = arith.constant 127 : i32
        %and3A_319 = vector.broadcast %and3A_318 : i32 to vector<16xi32>
        %and3A_320 = arith.andi %get3A_311, %and3A_319 : vector<16xi32>
        %or3A_321 = arith.ori %shift_left3A_317, %and3A_320 : vector<16xi32>
        %swap3A_322 = arith.index_cast %xor3A_235 : i32 to index
        %swap3A_323 = arith.constant 0 : index
        %swap3A_324 = tpu.vector_load %arg13[%swap3A_322, %swap3A_323] {strides = array<i32>} : memref<2x128xi32, #tpu.memory_space<vmem>>, vector<16xi32>,
        tpu.vector_store %arg13[%swap3A_322, %swap3A_323], %or3A_321 {strides = array<i32>} : memref<2x128xi32, #tpu.memory_space<vmem>>, vector<16xi32>,
        %get3A_325 = arith.index_cast %xor3A_235 : i32 to index
        %get3A_326 = arith.constant 0 : index
        %get3A_327 = tpu.vector_load %arg12[%get3A_325, %get3A_326] {strides = array<i32>} : memref<2x64xi32, #tpu.memory_space<vmem>>, vector<16xi32>,
        %shift_right_logical3A_328 = arith.constant 8 : i32
        %shift_right_logical3A_329 = vector.broadcast %shift_right_logical3A_328 : i32 to vector<16xi32>
        %shift_right_logical3A_330 = arith.shrui %get3A_327, %shift_right_logical3A_329 : vector<16xi32>
        %shift_left3A_331 = arith.constant 7 : i32
        %shift_left3A_332 = vector.broadcast %shift_left3A_331 : i32 to vector<16xi32>
        %shift_left3A_333 = arith.shli %shift_right_logical3A_330, %shift_left3A_332 : vector<16xi32>
        %and3A_334 = arith.constant 127 : i32
        %and3A_335 = vector.broadcast %and3A_334 : i32 to vector<16xi32>
        %and3A_336 = arith.andi %get3A_327, %and3A_335 : vector<16xi32>
        %or3A_337 = arith.ori %shift_left3A_333, %and3A_336 : vector<16xi32>
        %swap3A_338 = arith.index_cast %xor3A_235 : i32 to index
        %swap3A_339 = arith.constant 64 : index
        %swap3A_340 = tpu.vector_load %arg13[%swap3A_338, %swap3A_339] {strides = array<i32>} : memref<2x128xi32, #tpu.memory_space<vmem>>, vector<16xi32>,
        tpu.vector_store %arg13[%swap3A_338, %swap3A_339], %or3A_337 {strides = array<i32>} : memref<2x128xi32, #tpu.memory_space<vmem>>, vector<16xi32>,
        %get3A_341 = arith.index_cast %xor3A_235 : i32 to index
        %get3A_342 = arith.constant 16 : index
        %get3A_343 = tpu.vector_load %arg10[%get3A_341, %get3A_342] {strides = array<i32>} : memref<2x64xi32, #tpu.memory_space<vmem>>, vector<16xi32>,
        %shift_right_logical3A_344 = arith.constant 8 : i32
        %shift_right_logical3A_345 = vector.broadcast %shift_right_logical3A_344 : i32 to vector<16xi32>
        %shift_right_logical3A_346 = arith.shrui %get3A_343, %shift_right_logical3A_345 : vector<16xi32>
        %shift_left3A_347 = arith.constant 7 : i32
        %shift_left3A_348 = vector.broadcast %shift_left3A_347 : i32 to vector<16xi32>
        %shift_left3A_349 = arith.shli %shift_right_logical3A_346, %shift_left3A_348 : vector<16xi32>
        %and3A_350 = arith.constant 127 : i32
        %and3A_351 = vector.broadcast %and3A_350 : i32 to vector<16xi32>
        %and3A_352 = arith.andi %get3A_343, %and3A_351 : vector<16xi32>
        %or3A_353 = arith.ori %shift_left3A_349, %and3A_352 : vector<16xi32>
        %swap3A_354 = arith.index_cast %xor3A_235 : i32 to index
        %swap3A_355 = arith.constant 16 : index
        %swap3A_356 = tpu.vector_load %arg13[%swap3A_354, %swap3A_355] {strides = array<i32>} : memref<2x128xi32, #tpu.memory_space<vmem>>, vector<16xi32>,
        tpu.vector_store %arg13[%swap3A_354, %swap3A_355], %or3A_353 {strides = array<i32>} : memref<2x128xi32, #tpu.memory_space<vmem>>, vector<16xi32>,
        %get3A_357 = arith.index_cast %xor3A_235 : i32 to index
        %get3A_358 = arith.constant 16 : index
        %get3A_359 = tpu.vector_load %arg12[%get3A_357, %get3A_358] {strides = array<i32>} : memref<2x64xi32, #tpu.memory_space<vmem>>, vector<16xi32>,
        %shift_right_logical3A_360 = arith.constant 8 : i32
        %shift_right_logical3A_361 = vector.broadcast %shift_right_logical3A_360 : i32 to vector<16xi32>
        %shift_right_logical3A_362 = arith.shrui %get3A_359, %shift_right_logical3A_361 : vector<16xi32>
        %shift_left3A_363 = arith.constant 7 : i32
        %shift_left3A_364 = vector.broadcast %shift_left3A_363 : i32 to vector<16xi32>
        %shift_left3A_365 = arith.shli %shift_right_logical3A_362, %shift_left3A_364 : vector<16xi32>
        %and3A_366 = arith.constant 127 : i32
        %and3A_367 = vector.broadcast %and3A_366 : i32 to vector<16xi32>
        %and3A_368 = arith.andi %get3A_359, %and3A_367 : vector<16xi32>
        %or3A_369 = arith.ori %shift_left3A_365, %and3A_368 : vector<16xi32>
        %swap3A_370 = arith.index_cast %xor3A_235 : i32 to index
        %swap3A_371 = arith.constant 80 : index
        %swap3A_372 = tpu.vector_load %arg13[%swap3A_370, %swap3A_371] {strides = array<i32>} : memref<2x128xi32, #tpu.memory_space<vmem>>, vector<16xi32>,
        tpu.vector_store %arg13[%swap3A_370, %swap3A_371], %or3A_369 {strides = array<i32>} : memref<2x128xi32, #tpu.memory_space<vmem>>, vector<16xi32>,
        %get3A_373 = arith.index_cast %xor3A_235 : i32 to index
        %get3A_374 = arith.constant 32 : index
        %get3A_375 = tpu.vector_load %arg10[%get3A_373, %get3A_374] {strides = array<i32>} : memref<2x64xi32, #tpu.memory_space<vmem>>, vector<16xi32>,
        %shift_right_logical3A_376 = arith.constant 8 : i32
        %shift_right_logical3A_377 = vector.broadcast %shift_right_logical3A_376 : i32 to vector<16xi32>
        %shift_right_logical3A_378 = arith.shrui %get3A_375, %shift_right_logical3A_377 : vector<16xi32>
        %shift_left3A_379 = arith.constant 7 : i32
        %shift_left3A_380 = vector.broadcast %shift_left3A_379 : i32 to vector<16xi32>
        %shift_left3A_381 = arith.shli %shift_right_logical3A_378, %shift_left3A_380 : vector<16xi32>
        %and3A_382 = arith.constant 127 : i32
        %and3A_383 = vector.broadcast %and3A_382 : i32 to vector<16xi32>
        %and3A_384 = arith.andi %get3A_375, %and3A_383 : vector<16xi32>
        %or3A_385 = arith.ori %shift_left3A_381, %and3A_384 : vector<16xi32>
        %swap3A_386 = arith.index_cast %xor3A_235 : i32 to index
        %swap3A_387 = arith.constant 32 : index
        %swap3A_388 = tpu.vector_load %arg13[%swap3A_386, %swap3A_387] {strides = array<i32>} : memref<2x128xi32, #tpu.memory_space<vmem>>, vector<16xi32>,
        tpu.vector_store %arg13[%swap3A_386, %swap3A_387], %or3A_385 {strides = array<i32>} : memref<2x128xi32, #tpu.memory_space<vmem>>, vector<16xi32>,
        %get3A_389 = arith.index_cast %xor3A_235 : i32 to index
        %get3A_390 = arith.constant 32 : index
        %get3A_391 = tpu.vector_load %arg12[%get3A_389, %get3A_390] {strides = array<i32>} : memref<2x64xi32, #tpu.memory_space<vmem>>, vector<16xi32>,
        %shift_right_logical3A_392 = arith.constant 8 : i32
        %shift_right_logical3A_393 = vector.broadcast %shift_right_logical3A_392 : i32 to vector<16xi32>
        %shift_right_logical3A_394 = arith.shrui %get3A_391, %shift_right_logical3A_393 : vector<16xi32>
        %shift_left3A_395 = arith.constant 7 : i32
        %shift_left3A_396 = vector.broadcast %shift_left3A_395 : i32 to vector<16xi32>
        %shift_left3A_397 = arith.shli %shift_right_logical3A_394, %shift_left3A_396 : vector<16xi32>
        %and3A_398 = arith.constant 127 : i32
        %and3A_399 = vector.broadcast %and3A_398 : i32 to vector<16xi32>
        %and3A_400 = arith.andi %get3A_391, %and3A_399 : vector<16xi32>
        %or3A_401 = arith.ori %shift_left3A_397, %and3A_400 : vector<16xi32>
        %swap3A_402 = arith.index_cast %xor3A_235 : i32 to index
        %swap3A_403 = arith.constant 96 : index
        %swap3A_404 = tpu.vector_load %arg13[%swap3A_402, %swap3A_403] {strides = array<i32>} : memref<2x128xi32, #tpu.memory_space<vmem>>, vector<16xi32>,
        tpu.vector_store %arg13[%swap3A_402, %swap3A_403], %or3A_401 {strides = array<i32>} : memref<2x128xi32, #tpu.memory_space<vmem>>, vector<16xi32>,
        %get3A_405 = arith.index_cast %xor3A_235 : i32 to index
        %get3A_406 = arith.constant 48 : index
        %get3A_407 = tpu.vector_load %arg10[%get3A_405, %get3A_406] {strides = array<i32>} : memref<2x64xi32, #tpu.memory_space<vmem>>, vector<16xi32>,
        %shift_right_logical3A_408 = arith.constant 8 : i32
        %shift_right_logical3A_409 = vector.broadcast %shift_right_logical3A_408 : i32 to vector<16xi32>
        %shift_right_logical3A_410 = arith.shrui %get3A_407, %shift_right_logical3A_409 : vector<16xi32>
        %shift_left3A_411 = arith.constant 7 : i32
        %shift_left3A_412 = vector.broadcast %shift_left3A_411 : i32 to vector<16xi32>
        %shift_left3A_413 = arith.shli %shift_right_logical3A_410, %shift_left3A_412 : vector<16xi32>
        %and3A_414 = arith.constant 127 : i32
        %and3A_415 = vector.broadcast %and3A_414 : i32 to vector<16xi32>
        %and3A_416 = arith.andi %get3A_407, %and3A_415 : vector<16xi32>
        %or3A_417 = arith.ori %shift_left3A_413, %and3A_416 : vector<16xi32>
        %swap3A_418 = arith.index_cast %xor3A_235 : i32 to index
        %swap3A_419 = arith.constant 48 : index
        %swap3A_420 = tpu.vector_load %arg13[%swap3A_418, %swap3A_419] {strides = array<i32>} : memref<2x128xi32, #tpu.memory_space<vmem>>, vector<16xi32>,
        tpu.vector_store %arg13[%swap3A_418, %swap3A_419], %or3A_417 {strides = array<i32>} : memref<2x128xi32, #tpu.memory_space<vmem>>, vector<16xi32>,
        %get3A_421 = arith.index_cast %xor3A_235 : i32 to index
        %get3A_422 = arith.constant 48 : index
        %get3A_423 = tpu.vector_load %arg12[%get3A_421, %get3A_422] {strides = array<i32>} : memref<2x64xi32, #tpu.memory_space<vmem>>, vector<16xi32>,
        %shift_right_logical3A_424 = arith.constant 8 : i32
        %shift_right_logical3A_425 = vector.broadcast %shift_right_logical3A_424 : i32 to vector<16xi32>
        %shift_right_logical3A_426 = arith.shrui %get3A_423, %shift_right_logical3A_425 : vector<16xi32>
        %shift_left3A_427 = arith.constant 7 : i32
        %shift_left3A_428 = vector.broadcast %shift_left3A_427 : i32 to vector<16xi32>
        %shift_left3A_429 = arith.shli %shift_right_logical3A_426, %shift_left3A_428 : vector<16xi32>
        %and3A_430 = arith.constant 127 : i32
        %and3A_431 = vector.broadcast %and3A_430 : i32 to vector<16xi32>
        %and3A_432 = arith.andi %get3A_423, %and3A_431 : vector<16xi32>
        %or3A_433 = arith.ori %shift_left3A_429, %and3A_432 : vector<16xi32>
        %swap3A_434 = arith.index_cast %xor3A_235 : i32 to index
        %swap3A_435 = arith.constant 112 : index
        %swap3A_436 = tpu.vector_load %arg13[%swap3A_434, %swap3A_435] {strides = array<i32>} : memref<2x128xi32, #tpu.memory_space<vmem>>, vector<16xi32>,
        tpu.vector_store %arg13[%swap3A_434, %swap3A_435], %or3A_433 {strides = array<i32>} : memref<2x128xi32, #tpu.memory_space<vmem>>, vector<16xi32>,
        %dma_start3A_437 = arith.constant 0 : i32
        %dma_start3A_438 = arith.constant 0 : i32
        %dma_start3A_439 = tpu.memref_slice %arg14[%xor3A_235, %dma_start3A_437, %dma_start3A_438] : memref<2x128x128xf32, #tpu.memory_space<vmem>> -> memref<1x128x128xf32, #tpu.memory_space<vmem>>
        %dma_start3A_440 = tpu.memref_squeeze %dma_start3A_439 : memref<1x128x128xf32, #tpu.memory_space<vmem>> -> memref<128x128xf32, #tpu.memory_space<vmem>>
        %dma_start3A_441 = arith.constant 0 : i32
        %dma_start3A_442 = tpu.memref_slice %arg13[%xor3A_235, %dma_start3A_441] : memref<2x128xi32, #tpu.memory_space<vmem>> -> memref<1x128xi32, #tpu.memory_space<vmem>>
        %dma_start3A_443 = tpu.memref_squeeze %dma_start3A_442 : memref<1x128xi32, #tpu.memory_space<vmem>> -> memref<128xi32, #tpu.memory_space<vmem>>
        %dma_start3A_444 = arith.constant 0 : i32
        %dma_start3A_445 = arith.constant 0 : i32
        %dma_start3A_446 = tpu.memref_slice %arg5[%dma_start3A_444, %dma_start3A_445] : memref<501760x128xf32, #tpu.memory_space<hbm>> -> memref<501760x128xf32, #tpu.memory_space<hbm>>
        tpu.enqueue_indirect_dma source(%dma_start3A_446 : memref<501760x128xf32, #tpu.memory_space<hbm>>) target(%dma_start3A_440 : memref<128x128xf32, #tpu.memory_space<vmem>>) offsets(%dma_start3A_443 : memref<128xi32, #tpu.memory_space<vmem>>) semaphore(%arg20 : memref<!tpu.dma_semaphore, #tpu.memory_space<semaphore_mem>>)
      } else {
      }
      %gt3A = arith.constant 0 : i32
      %gt3A_253 = arith.cmpi sgt, %scan3A_232, %gt3A : i32
      %convert_element_type3A_254 = arith.extui %gt3A_253 : i1 to i32
      %cond3A_255 = arith.constant 0 : i32
      %cond3A_256 = arith.cmpi ne, %convert_element_type3A_254, %cond3A_255 : i32
      scf.if %cond3A_256 {
        %dma_wait3A_279 = arith.constant 0 : i32
        %dma_wait3A_280 = tpu.memref_slice %arg17[%xor3A_235, %dma_wait3A_279] : memref<2x64xf32, #tpu.memory_space<vmem>> -> memref<1x64xf32, #tpu.memory_space<vmem>>
        %dma_wait3A_281 = tpu.memref_squeeze %dma_wait3A_280 : memref<1x64xf32, #tpu.memory_space<vmem>> -> memref<64xf32, #tpu.memory_space<vmem>>
        %dma_wait3A_282 = arith.constant 0 : i32
        %dma_wait3A_283 = tpu.memref_slice %arg8[%dma_wait3A_282] : memref<32768xf32, #tpu.memory_space<hbm>> -> memref<64xf32, #tpu.memory_space<hbm>>
        %dma_wait3A_284 = arith.constant 0 : i32
        %dma_wait3A_285 = tpu.memref_slice %arg8[%dma_wait3A_284] : memref<32768xf32, #tpu.memory_space<hbm>> -> memref<64xf32, #tpu.memory_space<hbm>>
        %dma_wait3A_286 = arith.constant 0 : i32
        %dma_wait3A_287 = tpu.memref_slice %arg17[%xor3A_235, %dma_wait3A_286] : memref<2x64xf32, #tpu.memory_space<vmem>> -> memref<1x64xf32, #tpu.memory_space<vmem>>
        %dma_wait3A_288 = tpu.memref_squeeze %dma_wait3A_287 : memref<1x64xf32, #tpu.memory_space<vmem>> -> memref<64xf32, #tpu.memory_space<vmem>>
        tpu.wait_dma2 semaphore(%arg21 : memref<!tpu.dma_semaphore, #tpu.memory_space<semaphore_mem>>) src(%dma_wait3A_288 : memref<64xf32, #tpu.memory_space<vmem>>) dst(%dma_wait3A_285 : memref<64xf32, #tpu.memory_space<hbm>>)
      } else {
      }
      %get3A_257 = arith.constant 0 : index
      %get3A_258 = tpu.vector_load %arg18[%get3A_257] {strides = array<i32>} : memref<16xf32, #tpu.memory_space<vmem>>, vector<16xf32>,
      %scan3A_259 = arith.constant 0 : i32
      %scan3A_260 = arith.constant 4 : i32
      %scan3A_261 = arith.addi %scan3A_259, %scan3A_260 : i32
      %scan3A_262 = arith.constant 1 : i32
      %scan3A_263 = scf.for %scan3A_279 = %scan3A_259 to %scan3A_261 step %scan3A_262 iter_args(%scan3A_280 = %get3A_258) -> (vector<16xf32>)  : i32 {
        %mul3A_281 = arith.constant 16 : i32
        %mul3A_282 = arith.muli %scan3A_279, %mul3A_281 : i32
        %iota3A = tpu.iota {dimensions = array<i32: 0>} : vector<16xi32>
        %mul3A_283 = arith.constant 16 : i32
        %mul3A_284 = arith.muli %scan3A_279, %mul3A_283 : i32
        %add3A_285 = vector.broadcast %mul3A_284 : i32 to vector<16xi32>
        %add3A_286 = arith.addi %iota3A, %add3A_285 : vector<16xi32>
        %get3A_287 = arith.index_cast %and3A_234 : i32 to index
        %get3A_288 = arith.index_cast %mul3A_282 : i32 to index
        %get3A_289 = tpu.vector_load %arg10[%get3A_287, %get3A_288] {strides = array<i32>} : memref<2x64xi32, #tpu.memory_space<vmem>>, vector<16xi32>,
        %shift_right_logical3A_290 = arith.constant 7 : i32
        %shift_right_logical3A_291 = vector.broadcast %shift_right_logical3A_290 : i32 to vector<16xi32>
        %shift_right_logical3A_292 = arith.shrui %get3A_289, %shift_right_logical3A_291 : vector<16xi32>
        %and3A_293 = arith.constant 1 : i32
        %and3A_294 = vector.broadcast %and3A_293 : i32 to vector<16xi32>
        %and3A_295 = arith.andi %shift_right_logical3A_292, %and3A_294 : vector<16xi32>
        %mul3A_296 = arith.constant 64 : i32
        %mul3A_297 = vector.broadcast %mul3A_296 : i32 to vector<16xi32>
        %mul3A_298 = arith.muli %and3A_295, %mul3A_297 : vector<16xi32>
        %get3A_299 = arith.index_cast %and3A_234 : i32 to index
        %get3A_300 = arith.index_cast %mul3A_282 : i32 to index
        %get3A_301 = tpu.vector_load %arg12[%get3A_299, %get3A_300] {strides = array<i32>} : memref<2x64xi32, #tpu.memory_space<vmem>>, vector<16xi32>,
        %shift_right_logical3A_302 = arith.constant 7 : i32
        %shift_right_logical3A_303 = vector.broadcast %shift_right_logical3A_302 : i32 to vector<16xi32>
        %shift_right_logical3A_304 = arith.shrui %get3A_301, %shift_right_logical3A_303 : vector<16xi32>
        %and3A_305 = arith.constant 1 : i32
        %and3A_306 = vector.broadcast %and3A_305 : i32 to vector<16xi32>
        %and3A_307 = arith.andi %shift_right_logical3A_304, %and3A_306 : vector<16xi32>
        %mul3A_308 = arith.constant 64 : i32
        %mul3A_309 = vector.broadcast %mul3A_308 : i32 to vector<16xi32>
        %mul3A_310 = arith.muli %and3A_307, %mul3A_309 : vector<16xi32>
        %get3A_311 = arith.index_cast %and3A_234 : i32 to index
        %get3A_312 = arith.index_cast %mul3A_282 : i32 to index
        %get3A_313 = tpu.vector_load %arg11[%get3A_311, %get3A_312] {strides = array<i32>} : memref<2x64xi32, #tpu.memory_space<vmem>>, vector<16xi32>,
        %broadcast_in_dim3A_314 = arith.constant 0.000000e+00 : f32
        %broadcast_in_dim3A_315 = vector.broadcast %broadcast_in_dim3A_314 : f32 to vector<16xf32>
        %add3A_316 = arith.constant 64 : i32
        %add3A_317 = vector.broadcast %add3A_316 : i32 to vector<16xi32>
        %add3A_318 = arith.addi %add3A_286, %add3A_317 : vector<16xi32>
        %broadcast_in_dim3A_319 = arith.constant 0 : i32
        %broadcast_in_dim3A_320 = vector.broadcast %broadcast_in_dim3A_319 : i32 to vector<16xi32>
        %add3A_321 = arith.constant 0 : i32
        %add3A_322 = vector.broadcast %add3A_321 : i32 to vector<16xi32>
        %add3A_323 = arith.addi %mul3A_298, %add3A_322 : vector<16xi32>
        %gather3A = arith.constant 0 : i32
        %gather3A_324 = arith.constant 0 : i32
        %gather3A_325 = tpu.memref_slice %arg14[%and3A_234, %gather3A, %gather3A_324] : memref<2x128x128xf32, #tpu.memory_space<vmem>> -> memref<1x128x128xf32, #tpu.memory_space<vmem>>
        %gather3A_326 = tpu.memref_squeeze %gather3A_325 : memref<1x128x128xf32, #tpu.memory_space<vmem>> -> memref<128x128xf32, #tpu.memory_space<vmem>>
        %gather3A_327 = tpu.vector_load_idx %gather3A_326[%add3A_286, %add3A_323] : memref<128x128xf32, #tpu.memory_space<vmem>>[vector<16xi32>, vector<16xi32>], vector<16xf32>,
        %add3A_328 = arith.constant 32 : i32
        %add3A_329 = vector.broadcast %add3A_328 : i32 to vector<16xi32>
        %add3A_330 = arith.addi %mul3A_298, %add3A_329 : vector<16xi32>
        %gather3A_331 = arith.constant 0 : i32
        %gather3A_332 = arith.constant 0 : i32
        %gather3A_333 = tpu.memref_slice %arg14[%and3A_234, %gather3A_331, %gather3A_332] : memref<2x128x128xf32, #tpu.memory_space<vmem>> -> memref<1x128x128xf32, #tpu.memory_space<vmem>>
        %gather3A_334 = tpu.memref_squeeze %gather3A_333 : memref<1x128x128xf32, #tpu.memory_space<vmem>> -> memref<128x128xf32, #tpu.memory_space<vmem>>
        %gather3A_335 = tpu.vector_load_idx %gather3A_334[%add3A_286, %add3A_330] : memref<128x128xf32, #tpu.memory_space<vmem>>[vector<16xi32>, vector<16xi32>], vector<16xf32>,
        %add3A_336 = arith.constant 0 : i32
        %add3A_337 = vector.broadcast %add3A_336 : i32 to vector<16xi32>
        %add3A_338 = arith.addi %mul3A_310, %add3A_337 : vector<16xi32>
        %gather3A_339 = arith.constant 0 : i32
        %gather3A_340 = arith.constant 0 : i32
        %gather3A_341 = tpu.memref_slice %arg14[%and3A_234, %gather3A_339, %gather3A_340] : memref<2x128x128xf32, #tpu.memory_space<vmem>> -> memref<1x128x128xf32, #tpu.memory_space<vmem>>
        %gather3A_342 = tpu.memref_squeeze %gather3A_341 : memref<1x128x128xf32, #tpu.memory_space<vmem>> -> memref<128x128xf32, #tpu.memory_space<vmem>>
        %gather3A_343 = tpu.vector_load_idx %gather3A_342[%add3A_318, %add3A_338] : memref<128x128xf32, #tpu.memory_space<vmem>>[vector<16xi32>, vector<16xi32>], vector<16xf32>,
        %add3A_344 = arith.constant 32 : i32
        %add3A_345 = vector.broadcast %add3A_344 : i32 to vector<16xi32>
        %add3A_346 = arith.addi %mul3A_310, %add3A_345 : vector<16xi32>
        %gather3A_347 = arith.constant 0 : i32
        %gather3A_348 = arith.constant 0 : i32
        %gather3A_349 = tpu.memref_slice %arg14[%and3A_234, %gather3A_347, %gather3A_348] : memref<2x128x128xf32, #tpu.memory_space<vmem>> -> memref<1x128x128xf32, #tpu.memory_space<vmem>>
        %gather3A_350 = tpu.memref_squeeze %gather3A_349 : memref<1x128x128xf32, #tpu.memory_space<vmem>> -> memref<128x128xf32, #tpu.memory_space<vmem>>
        %gather3A_351 = tpu.vector_load_idx %gather3A_350[%add3A_318, %add3A_346] : memref<128x128xf32, #tpu.memory_space<vmem>>[vector<16xi32>, vector<16xi32>], vector<16xf32>,
        %gather3A_352 = tpu.vector_load_idx %arg15[%broadcast_in_dim3A_320, %get3A_313] : memref<32x1000xf32, #tpu.memory_space<vmem>>[vector<16xi32>, vector<16xi32>], vector<16xf32>,
        %gather3A_353 = tpu.vector_load_idx %arg16[%broadcast_in_dim3A_320, %get3A_313] : memref<32x1000xf32, #tpu.memory_space<vmem>>[vector<16xi32>, vector<16xi32>], vector<16xf32>,
        %mul3A_354 = arith.mulf %gather3A_327, %gather3A_343 : vector<16xf32>
        %mul3A_355 = arith.mulf %gather3A_335, %gather3A_351 : vector<16xf32>
        %add3A_356 = arith.addf %mul3A_354, %mul3A_355 : vector<16xf32>
        %mul3A_357 = arith.mulf %gather3A_352, %add3A_356 : vector<16xf32>
        %mul3A_358 = arith.mulf %gather3A_327, %gather3A_351 : vector<16xf32>
        %mul3A_359 = arith.mulf %gather3A_335, %gather3A_343 : vector<16xf32>
        %sub3A = arith.subf %mul3A_358, %mul3A_359 : vector<16xf32>
        %mul3A_360 = arith.mulf %gather3A_353, %sub3A : vector<16xf32>
        %add3A_361 = arith.addf %mul3A_357, %mul3A_360 : vector<16xf32>
        %add3A_362 = arith.addf %broadcast_in_dim3A_315, %add3A_361 : vector<16xf32>
        %mul3A_363 = arith.mulf %gather3A_327, %gather3A_327 : vector<16xf32>
        %mul3A_364 = arith.mulf %gather3A_335, %gather3A_335 : vector<16xf32>
        %add3A_365 = arith.addf %mul3A_363, %mul3A_364 : vector<16xf32>
        %mul3A_366 = arith.mulf %gather3A_343, %gather3A_343 : vector<16xf32>
        %add3A_367 = arith.addf %add3A_365, %mul3A_366 : vector<16xf32>
        %mul3A_368 = arith.mulf %gather3A_351, %gather3A_351 : vector<16xf32>
        %add3A_369 = arith.addf %add3A_367, %mul3A_368 : vector<16xf32>
        %mul3A_370 = arith.mulf %gather3A_352, %gather3A_352 : vector<16xf32>
        %add3A_371 = arith.addf %add3A_369, %mul3A_370 : vector<16xf32>
        %mul3A_372 = arith.mulf %gather3A_353, %gather3A_353 : vector<16xf32>
        %add3A_373 = arith.addf %add3A_371, %mul3A_372 : vector<16xf32>
        %add3A_374 = arith.addf %scan3A_280, %add3A_373 : vector<16xf32>
        %broadcast_in_dim3A_375 = arith.constant 1 : i32
        %broadcast_in_dim3A_376 = vector.broadcast %broadcast_in_dim3A_375 : i32 to vector<16xi32>
        %add3A_377 = arith.constant 1 : i32
        %add3A_378 = vector.broadcast %add3A_377 : i32 to vector<16xi32>
        %add3A_379 = arith.addi %mul3A_298, %add3A_378 : vector<16xi32>
        %gather3A_380 = arith.constant 0 : i32
        %gather3A_381 = arith.constant 0 : i32
        %gather3A_382 = tpu.memref_slice %arg14[%and3A_234, %gather3A_380, %gather3A_381] : memref<2x128x128xf32, #tpu.memory_space<vmem>> -> memref<1x128x128xf32, #tpu.memory_space<vmem>>
        %gather3A_383 = tpu.memref_squeeze %gather3A_382 : memref<1x128x128xf32, #tpu.memory_space<vmem>> -> memref<128x128xf32, #tpu.memory_space<vmem>>
        %gather3A_384 = tpu.vector_load_idx %gather3A_383[%add3A_286, %add3A_379] : memref<128x128xf32, #tpu.memory_space<vmem>>[vector<16xi32>, vector<16xi32>], vector<16xf32>,
        %add3A_385 = arith.constant 33 : i32
        %add3A_386 = vector.broadcast %add3A_385 : i32 to vector<16xi32>
        %add3A_387 = arith.addi %mul3A_298, %add3A_386 : vector<16xi32>
        %gather3A_388 = arith.constant 0 : i32
        %gather3A_389 = arith.constant 0 : i32
        %gather3A_390 = tpu.memref_slice %arg14[%and3A_234, %gather3A_388, %gather3A_389] : memref<2x128x128xf32, #tpu.memory_space<vmem>> -> memref<1x128x128xf32, #tpu.memory_space<vmem>>
        %gather3A_391 = tpu.memref_squeeze %gather3A_390 : memref<1x128x128xf32, #tpu.memory_space<vmem>> -> memref<128x128xf32, #tpu.memory_space<vmem>>
        %gather3A_392 = tpu.vector_load_idx %gather3A_391[%add3A_286, %add3A_387] : memref<128x128xf32, #tpu.memory_space<vmem>>[vector<16xi32>, vector<16xi32>], vector<16xf32>,
        %add3A_393 = arith.constant 1 : i32
        %add3A_394 = vector.broadcast %add3A_393 : i32 to vector<16xi32>
        %add3A_395 = arith.addi %mul3A_310, %add3A_394 : vector<16xi32>
        %gather3A_396 = arith.constant 0 : i32
        %gather3A_397 = arith.constant 0 : i32
        %gather3A_398 = tpu.memref_slice %arg14[%and3A_234, %gather3A_396, %gather3A_397] : memref<2x128x128xf32, #tpu.memory_space<vmem>> -> memref<1x128x128xf32, #tpu.memory_space<vmem>>
        %gather3A_399 = tpu.memref_squeeze %gather3A_398 : memref<1x128x128xf32, #tpu.memory_space<vmem>> -> memref<128x128xf32, #tpu.memory_space<vmem>>
        %gather3A_400 = tpu.vector_load_idx %gather3A_399[%add3A_318, %add3A_395] : memref<128x128xf32, #tpu.memory_space<vmem>>[vector<16xi32>, vector<16xi32>], vector<16xf32>,
        %add3A_401 = arith.constant 33 : i32
        %add3A_402 = vector.broadcast %add3A_401 : i32 to vector<16xi32>
        %add3A_403 = arith.addi %mul3A_310, %add3A_402 : vector<16xi32>
        %gather3A_404 = arith.constant 0 : i32
        %gather3A_405 = arith.constant 0 : i32
        %gather3A_406 = tpu.memref_slice %arg14[%and3A_234, %gather3A_404, %gather3A_405] : memref<2x128x128xf32, #tpu.memory_space<vmem>> -> memref<1x128x128xf32, #tpu.memory_space<vmem>>
        %gather3A_407 = tpu.memref_squeeze %gather3A_406 : memref<1x128x128xf32, #tpu.memory_space<vmem>> -> memref<128x128xf32, #tpu.memory_space<vmem>>
        %gather3A_408 = tpu.vector_load_idx %gather3A_407[%add3A_318, %add3A_403] : memref<128x128xf32, #tpu.memory_space<vmem>>[vector<16xi32>, vector<16xi32>], vector<16xf32>,
        %gather3A_409 = tpu.vector_load_idx %arg15[%broadcast_in_dim3A_376, %get3A_313] : memref<32x1000xf32, #tpu.memory_space<vmem>>[vector<16xi32>, vector<16xi32>], vector<16xf32>,
        %gather3A_410 = tpu.vector_load_idx %arg16[%broadcast_in_dim3A_376, %get3A_313] : memref<32x1000xf32, #tpu.memory_space<vmem>>[vector<16xi32>, vector<16xi32>], vector<16xf32>,
        %mul3A_411 = arith.mulf %gather3A_384, %gather3A_400 : vector<16xf32>
        %mul3A_412 = arith.mulf %gather3A_392, %gather3A_408 : vector<16xf32>
        %add3A_413 = arith.addf %mul3A_411, %mul3A_412 : vector<16xf32>
        %mul3A_414 = arith.mulf %gather3A_409, %add3A_413 : vector<16xf32>
        %mul3A_415 = arith.mulf %gather3A_384, %gather3A_408 : vector<16xf32>
        %mul3A_416 = arith.mulf %gather3A_392, %gather3A_400 : vector<16xf32>
        %sub3A_417 = arith.subf %mul3A_415, %mul3A_416 : vector<16xf32>
        %mul3A_418 = arith.mulf %gather3A_410, %sub3A_417 : vector<16xf32>
        %add3A_419 = arith.addf %mul3A_414, %mul3A_418 : vector<16xf32>
        %add3A_420 = arith.addf %add3A_362, %add3A_419 : vector<16xf32>
        %mul3A_421 = arith.mulf %gather3A_384, %gather3A_384 : vector<16xf32>
        %mul3A_422 = arith.mulf %gather3A_392, %gather3A_392 : vector<16xf32>
        %add3A_423 = arith.addf %mul3A_421, %mul3A_422 : vector<16xf32>
        %mul3A_424 = arith.mulf %gather3A_400, %gather3A_400 : vector<16xf32>
        %add3A_425 = arith.addf %add3A_423, %mul3A_424 : vector<16xf32>
        %mul3A_426 = arith.mulf %gather3A_408, %gather3A_408 : vector<16xf32>
        %add3A_427 = arith.addf %add3A_425, %mul3A_426 : vector<16xf32>
        %mul3A_428 = arith.mulf %gather3A_409, %gather3A_409 : vector<16xf32>
        %add3A_429 = arith.addf %add3A_427, %mul3A_428 : vector<16xf32>
        %mul3A_430 = arith.mulf %gather3A_410, %gather3A_410 : vector<16xf32>
        %add3A_431 = arith.addf %add3A_429, %mul3A_430 : vector<16xf32>
        %add3A_432 = arith.addf %add3A_374, %add3A_431 : vector<16xf32>
        %broadcast_in_dim3A_433 = arith.constant 2 : i32
        %broadcast_in_dim3A_434 = vector.broadcast %broadcast_in_dim3A_433 : i32 to vector<16xi32>
        %add3A_435 = arith.constant 2 : i32
        %add3A_436 = vector.broadcast %add3A_435 : i32 to vector<16xi32>
        %add3A_437 = arith.addi %mul3A_298, %add3A_436 : vector<16xi32>
        %gather3A_438 = arith.constant 0 : i32
        %gather3A_439 = arith.constant 0 : i32
        %gather3A_440 = tpu.memref_slice %arg14[%and3A_234, %gather3A_438, %gather3A_439] : memref<2x128x128xf32, #tpu.memory_space<vmem>> -> memref<1x128x128xf32, #tpu.memory_space<vmem>>
        %gather3A_441 = tpu.memref_squeeze %gather3A_440 : memref<1x128x128xf32, #tpu.memory_space<vmem>> -> memref<128x128xf32, #tpu.memory_space<vmem>>
        %gather3A_442 = tpu.vector_load_idx %gather3A_441[%add3A_286, %add3A_437] : memref<128x128xf32, #tpu.memory_space<vmem>>[vector<16xi32>, vector<16xi32>], vector<16xf32>,
        %add3A_443 = arith.constant 34 : i32
        %add3A_444 = vector.broadcast %add3A_443 : i32 to vector<16xi32>
        %add3A_445 = arith.addi %mul3A_298, %add3A_444 : vector<16xi32>
        %gather3A_446 = arith.constant 0 : i32
        %gather3A_447 = arith.constant 0 : i32
        %gather3A_448 = tpu.memref_slice %arg14[%and3A_234, %gather3A_446, %gather3A_447] : memref<2x128x128xf32, #tpu.memory_space<vmem>> -> memref<1x128x128xf32, #tpu.memory_space<vmem>>
        %gather3A_449 = tpu.memref_squeeze %gather3A_448 : memref<1x128x128xf32, #tpu.memory_space<vmem>> -> memref<128x128xf32, #tpu.memory_space<vmem>>
        %gather3A_450 = tpu.vector_load_idx %gather3A_449[%add3A_286, %add3A_445] : memref<128x128xf32, #tpu.memory_space<vmem>>[vector<16xi32>, vector<16xi32>], vector<16xf32>,
        %add3A_451 = arith.constant 2 : i32
        %add3A_452 = vector.broadcast %add3A_451 : i32 to vector<16xi32>
        %add3A_453 = arith.addi %mul3A_310, %add3A_452 : vector<16xi32>
        %gather3A_454 = arith.constant 0 : i32
        %gather3A_455 = arith.constant 0 : i32
        %gather3A_456 = tpu.memref_slice %arg14[%and3A_234, %gather3A_454, %gather3A_455] : memref<2x128x128xf32, #tpu.memory_space<vmem>> -> memref<1x128x128xf32, #tpu.memory_space<vmem>>
        %gather3A_457 = tpu.memref_squeeze %gather3A_456 : memref<1x128x128xf32, #tpu.memory_space<vmem>> -> memref<128x128xf32, #tpu.memory_space<vmem>>
        %gather3A_458 = tpu.vector_load_idx %gather3A_457[%add3A_318, %add3A_453] : memref<128x128xf32, #tpu.memory_space<vmem>>[vector<16xi32>, vector<16xi32>], vector<16xf32>,
        %add3A_459 = arith.constant 34 : i32
        %add3A_460 = vector.broadcast %add3A_459 : i32 to vector<16xi32>
        %add3A_461 = arith.addi %mul3A_310, %add3A_460 : vector<16xi32>
        %gather3A_462 = arith.constant 0 : i32
        %gather3A_463 = arith.constant 0 : i32
        %gather3A_464 = tpu.memref_slice %arg14[%and3A_234, %gather3A_462, %gather3A_463] : memref<2x128x128xf32, #tpu.memory_space<vmem>> -> memref<1x128x128xf32, #tpu.memory_space<vmem>>
        %gather3A_465 = tpu.memref_squeeze %gather3A_464 : memref<1x128x128xf32, #tpu.memory_space<vmem>> -> memref<128x128xf32, #tpu.memory_space<vmem>>
        %gather3A_466 = tpu.vector_load_idx %gather3A_465[%add3A_318, %add3A_461] : memref<128x128xf32, #tpu.memory_space<vmem>>[vector<16xi32>, vector<16xi32>], vector<16xf32>,
        %gather3A_467 = tpu.vector_load_idx %arg15[%broadcast_in_dim3A_434, %get3A_313] : memref<32x1000xf32, #tpu.memory_space<vmem>>[vector<16xi32>, vector<16xi32>], vector<16xf32>,
        %gather3A_468 = tpu.vector_load_idx %arg16[%broadcast_in_dim3A_434, %get3A_313] : memref<32x1000xf32, #tpu.memory_space<vmem>>[vector<16xi32>, vector<16xi32>], vector<16xf32>,
        %mul3A_469 = arith.mulf %gather3A_442, %gather3A_458 : vector<16xf32>
        %mul3A_470 = arith.mulf %gather3A_450, %gather3A_466 : vector<16xf32>
        %add3A_471 = arith.addf %mul3A_469, %mul3A_470 : vector<16xf32>
        %mul3A_472 = arith.mulf %gather3A_467, %add3A_471 : vector<16xf32>
        %mul3A_473 = arith.mulf %gather3A_442, %gather3A_466 : vector<16xf32>
        %mul3A_474 = arith.mulf %gather3A_450, %gather3A_458 : vector<16xf32>
        %sub3A_475 = arith.subf %mul3A_473, %mul3A_474 : vector<16xf32>
        %mul3A_476 = arith.mulf %gather3A_468, %sub3A_475 : vector<16xf32>
        %add3A_477 = arith.addf %mul3A_472, %mul3A_476 : vector<16xf32>
        %add3A_478 = arith.addf %add3A_420, %add3A_477 : vector<16xf32>
        %mul3A_479 = arith.mulf %gather3A_442, %gather3A_442 : vector<16xf32>
        %mul3A_480 = arith.mulf %gather3A_450, %gather3A_450 : vector<16xf32>
        %add3A_481 = arith.addf %mul3A_479, %mul3A_480 : vector<16xf32>
        %mul3A_482 = arith.mulf %gather3A_458, %gather3A_458 : vector<16xf32>
        %add3A_483 = arith.addf %add3A_481, %mul3A_482 : vector<16xf32>
        %mul3A_484 = arith.mulf %gather3A_466, %gather3A_466 : vector<16xf32>
        %add3A_485 = arith.addf %add3A_483, %mul3A_484 : vector<16xf32>
        %mul3A_486 = arith.mulf %gather3A_467, %gather3A_467 : vector<16xf32>
        %add3A_487 = arith.addf %add3A_485, %mul3A_486 : vector<16xf32>
        %mul3A_488 = arith.mulf %gather3A_468, %gather3A_468 : vector<16xf32>
        %add3A_489 = arith.addf %add3A_487, %mul3A_488 : vector<16xf32>
        %add3A_490 = arith.addf %add3A_432, %add3A_489 : vector<16xf32>
        %broadcast_in_dim3A_491 = arith.constant 3 : i32
        %broadcast_in_dim3A_492 = vector.broadcast %broadcast_in_dim3A_491 : i32 to vector<16xi32>
        %add3A_493 = arith.constant 3 : i32
        %add3A_494 = vector.broadcast %add3A_493 : i32 to vector<16xi32>
        %add3A_495 = arith.addi %mul3A_298, %add3A_494 : vector<16xi32>
        %gather3A_496 = arith.constant 0 : i32
        %gather3A_497 = arith.constant 0 : i32
        %gather3A_498 = tpu.memref_slice %arg14[%and3A_234, %gather3A_496, %gather3A_497] : memref<2x128x128xf32, #tpu.memory_space<vmem>> -> memref<1x128x128xf32, #tpu.memory_space<vmem>>
        %gather3A_499 = tpu.memref_squeeze %gather3A_498 : memref<1x128x128xf32, #tpu.memory_space<vmem>> -> memref<128x128xf32, #tpu.memory_space<vmem>>
        %gather3A_500 = tpu.vector_load_idx %gather3A_499[%add3A_286, %add3A_495] : memref<128x128xf32, #tpu.memory_space<vmem>>[vector<16xi32>, vector<16xi32>], vector<16xf32>,
        %add3A_501 = arith.constant 35 : i32
        %add3A_502 = vector.broadcast %add3A_501 : i32 to vector<16xi32>
        %add3A_503 = arith.addi %mul3A_298, %add3A_502 : vector<16xi32>
        %gather3A_504 = arith.constant 0 : i32
        %gather3A_505 = arith.constant 0 : i32
        %gather3A_506 = tpu.memref_slice %arg14[%and3A_234, %gather3A_504, %gather3A_505] : memref<2x128x128xf32, #tpu.memory_space<vmem>> -> memref<1x128x128xf32, #tpu.memory_space<vmem>>
        %gather3A_507 = tpu.memref_squeeze %gather3A_506 : memref<1x128x128xf32, #tpu.memory_space<vmem>> -> memref<128x128xf32, #tpu.memory_space<vmem>>
        %gather3A_508 = tpu.vector_load_idx %gather3A_507[%add3A_286, %add3A_503] : memref<128x128xf32, #tpu.memory_space<vmem>>[vector<16xi32>, vector<16xi32>], vector<16xf32>,
        %add3A_509 = arith.constant 3 : i32
        %add3A_510 = vector.broadcast %add3A_509 : i32 to vector<16xi32>
        %add3A_511 = arith.addi %mul3A_310, %add3A_510 : vector<16xi32>
        %gather3A_512 = arith.constant 0 : i32
        %gather3A_513 = arith.constant 0 : i32
        %gather3A_514 = tpu.memref_slice %arg14[%and3A_234, %gather3A_512, %gather3A_513] : memref<2x128x128xf32, #tpu.memory_space<vmem>> -> memref<1x128x128xf32, #tpu.memory_space<vmem>>
        %gather3A_515 = tpu.memref_squeeze %gather3A_514 : memref<1x128x128xf32, #tpu.memory_space<vmem>> -> memref<128x128xf32, #tpu.memory_space<vmem>>
        %gather3A_516 = tpu.vector_load_idx %gather3A_515[%add3A_318, %add3A_511] : memref<128x128xf32, #tpu.memory_space<vmem>>[vector<16xi32>, vector<16xi32>], vector<16xf32>,
        %add3A_517 = arith.constant 35 : i32
        %add3A_518 = vector.broadcast %add3A_517 : i32 to vector<16xi32>
        %add3A_519 = arith.addi %mul3A_310, %add3A_518 : vector<16xi32>
        %gather3A_520 = arith.constant 0 : i32
        %gather3A_521 = arith.constant 0 : i32
        %gather3A_522 = tpu.memref_slice %arg14[%and3A_234, %gather3A_520, %gather3A_521] : memref<2x128x128xf32, #tpu.memory_space<vmem>> -> memref<1x128x128xf32, #tpu.memory_space<vmem>>
        %gather3A_523 = tpu.memref_squeeze %gather3A_522 : memref<1x128x128xf32, #tpu.memory_space<vmem>> -> memref<128x128xf32, #tpu.memory_space<vmem>>
        %gather3A_524 = tpu.vector_load_idx %gather3A_523[%add3A_318, %add3A_519] : memref<128x128xf32, #tpu.memory_space<vmem>>[vector<16xi32>, vector<16xi32>], vector<16xf32>,
        %gather3A_525 = tpu.vector_load_idx %arg15[%broadcast_in_dim3A_492, %get3A_313] : memref<32x1000xf32, #tpu.memory_space<vmem>>[vector<16xi32>, vector<16xi32>], vector<16xf32>,
        %gather3A_526 = tpu.vector_load_idx %arg16[%broadcast_in_dim3A_492, %get3A_313] : memref<32x1000xf32, #tpu.memory_space<vmem>>[vector<16xi32>, vector<16xi32>], vector<16xf32>,
        %mul3A_527 = arith.mulf %gather3A_500, %gather3A_516 : vector<16xf32>
        %mul3A_528 = arith.mulf %gather3A_508, %gather3A_524 : vector<16xf32>
        %add3A_529 = arith.addf %mul3A_527, %mul3A_528 : vector<16xf32>
        %mul3A_530 = arith.mulf %gather3A_525, %add3A_529 : vector<16xf32>
        %mul3A_531 = arith.mulf %gather3A_500, %gather3A_524 : vector<16xf32>
        %mul3A_532 = arith.mulf %gather3A_508, %gather3A_516 : vector<16xf32>
        %sub3A_533 = arith.subf %mul3A_531, %mul3A_532 : vector<16xf32>
        %mul3A_534 = arith.mulf %gather3A_526, %sub3A_533 : vector<16xf32>
        %add3A_535 = arith.addf %mul3A_530, %mul3A_534 : vector<16xf32>
        %add3A_536 = arith.addf %add3A_478, %add3A_535 : vector<16xf32>
        %mul3A_537 = arith.mulf %gather3A_500, %gather3A_500 : vector<16xf32>
        %mul3A_538 = arith.mulf %gather3A_508, %gather3A_508 : vector<16xf32>
        %add3A_539 = arith.addf %mul3A_537, %mul3A_538 : vector<16xf32>
        %mul3A_540 = arith.mulf %gather3A_516, %gather3A_516 : vector<16xf32>
        %add3A_541 = arith.addf %add3A_539, %mul3A_540 : vector<16xf32>
        %mul3A_542 = arith.mulf %gather3A_524, %gather3A_524 : vector<16xf32>
        %add3A_543 = arith.addf %add3A_541, %mul3A_542 : vector<16xf32>
        %mul3A_544 = arith.mulf %gather3A_525, %gather3A_525 : vector<16xf32>
        %add3A_545 = arith.addf %add3A_543, %mul3A_544 : vector<16xf32>
        %mul3A_546 = arith.mulf %gather3A_526, %gather3A_526 : vector<16xf32>
        %add3A_547 = arith.addf %add3A_545, %mul3A_546 : vector<16xf32>
        %add3A_548 = arith.addf %add3A_490, %add3A_547 : vector<16xf32>
        %broadcast_in_dim3A_549 = arith.constant 4 : i32
        %broadcast_in_dim3A_550 = vector.broadcast %broadcast_in_dim3A_549 : i32 to vector<16xi32>
        %add3A_551 = arith.constant 4 : i32
        %add3A_552 = vector.broadcast %add3A_551 : i32 to vector<16xi32>
        %add3A_553 = arith.addi %mul3A_298, %add3A_552 : vector<16xi32>
        %gather3A_554 = arith.constant 0 : i32
        %gather3A_555 = arith.constant 0 : i32
        %gather3A_556 = tpu.memref_slice %arg14[%and3A_234, %gather3A_554, %gather3A_555] : memref<2x128x128xf32, #tpu.memory_space<vmem>> -> memref<1x128x128xf32, #tpu.memory_space<vmem>>
        %gather3A_557 = tpu.memref_squeeze %gather3A_556 : memref<1x128x128xf32, #tpu.memory_space<vmem>> -> memref<128x128xf32, #tpu.memory_space<vmem>>
        %gather3A_558 = tpu.vector_load_idx %gather3A_557[%add3A_286, %add3A_553] : memref<128x128xf32, #tpu.memory_space<vmem>>[vector<16xi32>, vector<16xi32>], vector<16xf32>,
        %add3A_559 = arith.constant 36 : i32
        %add3A_560 = vector.broadcast %add3A_559 : i32 to vector<16xi32>
        %add3A_561 = arith.addi %mul3A_298, %add3A_560 : vector<16xi32>
        %gather3A_562 = arith.constant 0 : i32
        %gather3A_563 = arith.constant 0 : i32
        %gather3A_564 = tpu.memref_slice %arg14[%and3A_234, %gather3A_562, %gather3A_563] : memref<2x128x128xf32, #tpu.memory_space<vmem>> -> memref<1x128x128xf32, #tpu.memory_space<vmem>>
        %gather3A_565 = tpu.memref_squeeze %gather3A_564 : memref<1x128x128xf32, #tpu.memory_space<vmem>> -> memref<128x128xf32, #tpu.memory_space<vmem>>
        %gather3A_566 = tpu.vector_load_idx %gather3A_565[%add3A_286, %add3A_561] : memref<128x128xf32, #tpu.memory_space<vmem>>[vector<16xi32>, vector<16xi32>], vector<16xf32>,
        %add3A_567 = arith.constant 4 : i32
        %add3A_568 = vector.broadcast %add3A_567 : i32 to vector<16xi32>
        %add3A_569 = arith.addi %mul3A_310, %add3A_568 : vector<16xi32>
        %gather3A_570 = arith.constant 0 : i32
        %gather3A_571 = arith.constant 0 : i32
        %gather3A_572 = tpu.memref_slice %arg14[%and3A_234, %gather3A_570, %gather3A_571] : memref<2x128x128xf32, #tpu.memory_space<vmem>> -> memref<1x128x128xf32, #tpu.memory_space<vmem>>
        %gather3A_573 = tpu.memref_squeeze %gather3A_572 : memref<1x128x128xf32, #tpu.memory_space<vmem>> -> memref<128x128xf32, #tpu.memory_space<vmem>>
        %gather3A_574 = tpu.vector_load_idx %gather3A_573[%add3A_318, %add3A_569] : memref<128x128xf32, #tpu.memory_space<vmem>>[vector<16xi32>, vector<16xi32>], vector<16xf32>,
        %add3A_575 = arith.constant 36 : i32
        %add3A_576 = vector.broadcast %add3A_575 : i32 to vector<16xi32>
        %add3A_577 = arith.addi %mul3A_310, %add3A_576 : vector<16xi32>
        %gather3A_578 = arith.constant 0 : i32
        %gather3A_579 = arith.constant 0 : i32
        %gather3A_580 = tpu.memref_slice %arg14[%and3A_234, %gather3A_578, %gather3A_579] : memref<2x128x128xf32, #tpu.memory_space<vmem>> -> memref<1x128x128xf32, #tpu.memory_space<vmem>>
        %gather3A_581 = tpu.memref_squeeze %gather3A_580 : memref<1x128x128xf32, #tpu.memory_space<vmem>> -> memref<128x128xf32, #tpu.memory_space<vmem>>
        %gather3A_582 = tpu.vector_load_idx %gather3A_581[%add3A_318, %add3A_577] : memref<128x128xf32, #tpu.memory_space<vmem>>[vector<16xi32>, vector<16xi32>], vector<16xf32>,
        %gather3A_583 = tpu.vector_load_idx %arg15[%broadcast_in_dim3A_550, %get3A_313] : memref<32x1000xf32, #tpu.memory_space<vmem>>[vector<16xi32>, vector<16xi32>], vector<16xf32>,
        %gather3A_584 = tpu.vector_load_idx %arg16[%broadcast_in_dim3A_550, %get3A_313] : memref<32x1000xf32, #tpu.memory_space<vmem>>[vector<16xi32>, vector<16xi32>], vector<16xf32>,
        %mul3A_585 = arith.mulf %gather3A_558, %gather3A_574 : vector<16xf32>
        %mul3A_586 = arith.mulf %gather3A_566, %gather3A_582 : vector<16xf32>
        %add3A_587 = arith.addf %mul3A_585, %mul3A_586 : vector<16xf32>
        %mul3A_588 = arith.mulf %gather3A_583, %add3A_587 : vector<16xf32>
        %mul3A_589 = arith.mulf %gather3A_558, %gather3A_582 : vector<16xf32>
        %mul3A_590 = arith.mulf %gather3A_566, %gather3A_574 : vector<16xf32>
        %sub3A_591 = arith.subf %mul3A_589, %mul3A_590 : vector<16xf32>
        %mul3A_592 = arith.mulf %gather3A_584, %sub3A_591 : vector<16xf32>
        %add3A_593 = arith.addf %mul3A_588, %mul3A_592 : vector<16xf32>
        %add3A_594 = arith.addf %add3A_536, %add3A_593 : vector<16xf32>
        %mul3A_595 = arith.mulf %gather3A_558, %gather3A_558 : vector<16xf32>
        %mul3A_596 = arith.mulf %gather3A_566, %gather3A_566 : vector<16xf32>
        %add3A_597 = arith.addf %mul3A_595, %mul3A_596 : vector<16xf32>
        %mul3A_598 = arith.mulf %gather3A_574, %gather3A_574 : vector<16xf32>
        %add3A_599 = arith.addf %add3A_597, %mul3A_598 : vector<16xf32>
        %mul3A_600 = arith.mulf %gather3A_582, %gather3A_582 : vector<16xf32>
        %add3A_601 = arith.addf %add3A_599, %mul3A_600 : vector<16xf32>
        %mul3A_602 = arith.mulf %gather3A_583, %gather3A_583 : vector<16xf32>
        %add3A_603 = arith.addf %add3A_601, %mul3A_602 : vector<16xf32>
        %mul3A_604 = arith.mulf %gather3A_584, %gather3A_584 : vector<16xf32>
        %add3A_605 = arith.addf %add3A_603, %mul3A_604 : vector<16xf32>
        %add3A_606 = arith.addf %add3A_548, %add3A_605 : vector<16xf32>
        %broadcast_in_dim3A_607 = arith.constant 5 : i32
        %broadcast_in_dim3A_608 = vector.broadcast %broadcast_in_dim3A_607 : i32 to vector<16xi32>
        %add3A_609 = arith.constant 5 : i32
        %add3A_610 = vector.broadcast %add3A_609 : i32 to vector<16xi32>
        %add3A_611 = arith.addi %mul3A_298, %add3A_610 : vector<16xi32>
        %gather3A_612 = arith.constant 0 : i32
        %gather3A_613 = arith.constant 0 : i32
        %gather3A_614 = tpu.memref_slice %arg14[%and3A_234, %gather3A_612, %gather3A_613] : memref<2x128x128xf32, #tpu.memory_space<vmem>> -> memref<1x128x128xf32, #tpu.memory_space<vmem>>
        %gather3A_615 = tpu.memref_squeeze %gather3A_614 : memref<1x128x128xf32, #tpu.memory_space<vmem>> -> memref<128x128xf32, #tpu.memory_space<vmem>>
        %gather3A_616 = tpu.vector_load_idx %gather3A_615[%add3A_286, %add3A_611] : memref<128x128xf32, #tpu.memory_space<vmem>>[vector<16xi32>, vector<16xi32>], vector<16xf32>,
        %add3A_617 = arith.constant 37 : i32
        %add3A_618 = vector.broadcast %add3A_617 : i32 to vector<16xi32>
        %add3A_619 = arith.addi %mul3A_298, %add3A_618 : vector<16xi32>
        %gather3A_620 = arith.constant 0 : i32
        %gather3A_621 = arith.constant 0 : i32
        %gather3A_622 = tpu.memref_slice %arg14[%and3A_234, %gather3A_620, %gather3A_621] : memref<2x128x128xf32, #tpu.memory_space<vmem>> -> memref<1x128x128xf32, #tpu.memory_space<vmem>>
        %gather3A_623 = tpu.memref_squeeze %gather3A_622 : memref<1x128x128xf32, #tpu.memory_space<vmem>> -> memref<128x128xf32, #tpu.memory_space<vmem>>
        %gather3A_624 = tpu.vector_load_idx %gather3A_623[%add3A_286, %add3A_619] : memref<128x128xf32, #tpu.memory_space<vmem>>[vector<16xi32>, vector<16xi32>], vector<16xf32>,
        %add3A_625 = arith.constant 5 : i32
        %add3A_626 = vector.broadcast %add3A_625 : i32 to vector<16xi32>
        %add3A_627 = arith.addi %mul3A_310, %add3A_626 : vector<16xi32>
        %gather3A_628 = arith.constant 0 : i32
        %gather3A_629 = arith.constant 0 : i32
        %gather3A_630 = tpu.memref_slice %arg14[%and3A_234, %gather3A_628, %gather3A_629] : memref<2x128x128xf32, #tpu.memory_space<vmem>> -> memref<1x128x128xf32, #tpu.memory_space<vmem>>
        %gather3A_631 = tpu.memref_squeeze %gather3A_630 : memref<1x128x128xf32, #tpu.memory_space<vmem>> -> memref<128x128xf32, #tpu.memory_space<vmem>>
        %gather3A_632 = tpu.vector_load_idx %gather3A_631[%add3A_318, %add3A_627] : memref<128x128xf32, #tpu.memory_space<vmem>>[vector<16xi32>, vector<16xi32>], vector<16xf32>,
        %add3A_633 = arith.constant 37 : i32
        %add3A_634 = vector.broadcast %add3A_633 : i32 to vector<16xi32>
        %add3A_635 = arith.addi %mul3A_310, %add3A_634 : vector<16xi32>
        %gather3A_636 = arith.constant 0 : i32
        %gather3A_637 = arith.constant 0 : i32
        %gather3A_638 = tpu.memref_slice %arg14[%and3A_234, %gather3A_636, %gather3A_637] : memref<2x128x128xf32, #tpu.memory_space<vmem>> -> memref<1x128x128xf32, #tpu.memory_space<vmem>>
        %gather3A_639 = tpu.memref_squeeze %gather3A_638 : memref<1x128x128xf32, #tpu.memory_space<vmem>> -> memref<128x128xf32, #tpu.memory_space<vmem>>
        %gather3A_640 = tpu.vector_load_idx %gather3A_639[%add3A_318, %add3A_635] : memref<128x128xf32, #tpu.memory_space<vmem>>[vector<16xi32>, vector<16xi32>], vector<16xf32>,
        %gather3A_641 = tpu.vector_load_idx %arg15[%broadcast_in_dim3A_608, %get3A_313] : memref<32x1000xf32, #tpu.memory_space<vmem>>[vector<16xi32>, vector<16xi32>], vector<16xf32>,
        %gather3A_642 = tpu.vector_load_idx %arg16[%broadcast_in_dim3A_608, %get3A_313] : memref<32x1000xf32, #tpu.memory_space<vmem>>[vector<16xi32>, vector<16xi32>], vector<16xf32>,
        %mul3A_643 = arith.mulf %gather3A_616, %gather3A_632 : vector<16xf32>
        %mul3A_644 = arith.mulf %gather3A_624, %gather3A_640 : vector<16xf32>
        %add3A_645 = arith.addf %mul3A_643, %mul3A_644 : vector<16xf32>
        %mul3A_646 = arith.mulf %gather3A_641, %add3A_645 : vector<16xf32>
        %mul3A_647 = arith.mulf %gather3A_616, %gather3A_640 : vector<16xf32>
        %mul3A_648 = arith.mulf %gather3A_624, %gather3A_632 : vector<16xf32>
        %sub3A_649 = arith.subf %mul3A_647, %mul3A_648 : vector<16xf32>
        %mul3A_650 = arith.mulf %gather3A_642, %sub3A_649 : vector<16xf32>
        %add3A_651 = arith.addf %mul3A_646, %mul3A_650 : vector<16xf32>
        %add3A_652 = arith.addf %add3A_594, %add3A_651 : vector<16xf32>
        %mul3A_653 = arith.mulf %gather3A_616, %gather3A_616 : vector<16xf32>
        %mul3A_654 = arith.mulf %gather3A_624, %gather3A_624 : vector<16xf32>
        %add3A_655 = arith.addf %mul3A_653, %mul3A_654 : vector<16xf32>
        %mul3A_656 = arith.mulf %gather3A_632, %gather3A_632 : vector<16xf32>
        %add3A_657 = arith.addf %add3A_655, %mul3A_656 : vector<16xf32>
        %mul3A_658 = arith.mulf %gather3A_640, %gather3A_640 : vector<16xf32>
        %add3A_659 = arith.addf %add3A_657, %mul3A_658 : vector<16xf32>
        %mul3A_660 = arith.mulf %gather3A_641, %gather3A_641 : vector<16xf32>
        %add3A_661 = arith.addf %add3A_659, %mul3A_660 : vector<16xf32>
        %mul3A_662 = arith.mulf %gather3A_642, %gather3A_642 : vector<16xf32>
        %add3A_663 = arith.addf %add3A_661, %mul3A_662 : vector<16xf32>
        %add3A_664 = arith.addf %add3A_606, %add3A_663 : vector<16xf32>
        %broadcast_in_dim3A_665 = arith.constant 6 : i32
        %broadcast_in_dim3A_666 = vector.broadcast %broadcast_in_dim3A_665 : i32 to vector<16xi32>
        %add3A_667 = arith.constant 6 : i32
        %add3A_668 = vector.broadcast %add3A_667 : i32 to vector<16xi32>
        %add3A_669 = arith.addi %mul3A_298, %add3A_668 : vector<16xi32>
        %gather3A_670 = arith.constant 0 : i32
        %gather3A_671 = arith.constant 0 : i32
        %gather3A_672 = tpu.memref_slice %arg14[%and3A_234, %gather3A_670, %gather3A_671] : memref<2x128x128xf32, #tpu.memory_space<vmem>> -> memref<1x128x128xf32, #tpu.memory_space<vmem>>
        %gather3A_673 = tpu.memref_squeeze %gather3A_672 : memref<1x128x128xf32, #tpu.memory_space<vmem>> -> memref<128x128xf32, #tpu.memory_space<vmem>>
        %gather3A_674 = tpu.vector_load_idx %gather3A_673[%add3A_286, %add3A_669] : memref<128x128xf32, #tpu.memory_space<vmem>>[vector<16xi32>, vector<16xi32>], vector<16xf32>,
        %add3A_675 = arith.constant 38 : i32
        %add3A_676 = vector.broadcast %add3A_675 : i32 to vector<16xi32>
        %add3A_677 = arith.addi %mul3A_298, %add3A_676 : vector<16xi32>
        %gather3A_678 = arith.constant 0 : i32
        %gather3A_679 = arith.constant 0 : i32
        %gather3A_680 = tpu.memref_slice %arg14[%and3A_234, %gather3A_678, %gather3A_679] : memref<2x128x128xf32, #tpu.memory_space<vmem>> -> memref<1x128x128xf32, #tpu.memory_space<vmem>>
        %gather3A_681 = tpu.memref_squeeze %gather3A_680 : memref<1x128x128xf32, #tpu.memory_space<vmem>> -> memref<128x128xf32, #tpu.memory_space<vmem>>
        %gather3A_682 = tpu.vector_load_idx %gather3A_681[%add3A_286, %add3A_677] : memref<128x128xf32, #tpu.memory_space<vmem>>[vector<16xi32>, vector<16xi32>], vector<16xf32>,
        %add3A_683 = arith.constant 6 : i32
        %add3A_684 = vector.broadcast %add3A_683 : i32 to vector<16xi32>
        %add3A_685 = arith.addi %mul3A_310, %add3A_684 : vector<16xi32>
        %gather3A_686 = arith.constant 0 : i32
        %gather3A_687 = arith.constant 0 : i32
        %gather3A_688 = tpu.memref_slice %arg14[%and3A_234, %gather3A_686, %gather3A_687] : memref<2x128x128xf32, #tpu.memory_space<vmem>> -> memref<1x128x128xf32, #tpu.memory_space<vmem>>
        %gather3A_689 = tpu.memref_squeeze %gather3A_688 : memref<1x128x128xf32, #tpu.memory_space<vmem>> -> memref<128x128xf32, #tpu.memory_space<vmem>>
        %gather3A_690 = tpu.vector_load_idx %gather3A_689[%add3A_318, %add3A_685] : memref<128x128xf32, #tpu.memory_space<vmem>>[vector<16xi32>, vector<16xi32>], vector<16xf32>,
        %add3A_691 = arith.constant 38 : i32
        %add3A_692 = vector.broadcast %add3A_691 : i32 to vector<16xi32>
        %add3A_693 = arith.addi %mul3A_310, %add3A_692 : vector<16xi32>
        %gather3A_694 = arith.constant 0 : i32
        %gather3A_695 = arith.constant 0 : i32
        %gather3A_696 = tpu.memref_slice %arg14[%and3A_234, %gather3A_694, %gather3A_695] : memref<2x128x128xf32, #tpu.memory_space<vmem>> -> memref<1x128x128xf32, #tpu.memory_space<vmem>>
        %gather3A_697 = tpu.memref_squeeze %gather3A_696 : memref<1x128x128xf32, #tpu.memory_space<vmem>> -> memref<128x128xf32, #tpu.memory_space<vmem>>
        %gather3A_698 = tpu.vector_load_idx %gather3A_697[%add3A_318, %add3A_693] : memref<128x128xf32, #tpu.memory_space<vmem>>[vector<16xi32>, vector<16xi32>], vector<16xf32>,
        %gather3A_699 = tpu.vector_load_idx %arg15[%broadcast_in_dim3A_666, %get3A_313] : memref<32x1000xf32, #tpu.memory_space<vmem>>[vector<16xi32>, vector<16xi32>], vector<16xf32>,
        %gather3A_700 = tpu.vector_load_idx %arg16[%broadcast_in_dim3A_666, %get3A_313] : memref<32x1000xf32, #tpu.memory_space<vmem>>[vector<16xi32>, vector<16xi32>], vector<16xf32>,
        %mul3A_701 = arith.mulf %gather3A_674, %gather3A_690 : vector<16xf32>
        %mul3A_702 = arith.mulf %gather3A_682, %gather3A_698 : vector<16xf32>
        %add3A_703 = arith.addf %mul3A_701, %mul3A_702 : vector<16xf32>
        %mul3A_704 = arith.mulf %gather3A_699, %add3A_703 : vector<16xf32>
        %mul3A_705 = arith.mulf %gather3A_674, %gather3A_698 : vector<16xf32>
        %mul3A_706 = arith.mulf %gather3A_682, %gather3A_690 : vector<16xf32>
        %sub3A_707 = arith.subf %mul3A_705, %mul3A_706 : vector<16xf32>
        %mul3A_708 = arith.mulf %gather3A_700, %sub3A_707 : vector<16xf32>
        %add3A_709 = arith.addf %mul3A_704, %mul3A_708 : vector<16xf32>
        %add3A_710 = arith.addf %add3A_652, %add3A_709 : vector<16xf32>
        %mul3A_711 = arith.mulf %gather3A_674, %gather3A_674 : vector<16xf32>
        %mul3A_712 = arith.mulf %gather3A_682, %gather3A_682 : vector<16xf32>
        %add3A_713 = arith.addf %mul3A_711, %mul3A_712 : vector<16xf32>
        %mul3A_714 = arith.mulf %gather3A_690, %gather3A_690 : vector<16xf32>
        %add3A_715 = arith.addf %add3A_713, %mul3A_714 : vector<16xf32>
        %mul3A_716 = arith.mulf %gather3A_698, %gather3A_698 : vector<16xf32>
        %add3A_717 = arith.addf %add3A_715, %mul3A_716 : vector<16xf32>
        %mul3A_718 = arith.mulf %gather3A_699, %gather3A_699 : vector<16xf32>
        %add3A_719 = arith.addf %add3A_717, %mul3A_718 : vector<16xf32>
        %mul3A_720 = arith.mulf %gather3A_700, %gather3A_700 : vector<16xf32>
        %add3A_721 = arith.addf %add3A_719, %mul3A_720 : vector<16xf32>
        %add3A_722 = arith.addf %add3A_664, %add3A_721 : vector<16xf32>
        %broadcast_in_dim3A_723 = arith.constant 7 : i32
        %broadcast_in_dim3A_724 = vector.broadcast %broadcast_in_dim3A_723 : i32 to vector<16xi32>
        %add3A_725 = arith.constant 7 : i32
        %add3A_726 = vector.broadcast %add3A_725 : i32 to vector<16xi32>
        %add3A_727 = arith.addi %mul3A_298, %add3A_726 : vector<16xi32>
        %gather3A_728 = arith.constant 0 : i32
        %gather3A_729 = arith.constant 0 : i32
        %gather3A_730 = tpu.memref_slice %arg14[%and3A_234, %gather3A_728, %gather3A_729] : memref<2x128x128xf32, #tpu.memory_space<vmem>> -> memref<1x128x128xf32, #tpu.memory_space<vmem>>
        %gather3A_731 = tpu.memref_squeeze %gather3A_730 : memref<1x128x128xf32, #tpu.memory_space<vmem>> -> memref<128x128xf32, #tpu.memory_space<vmem>>
        %gather3A_732 = tpu.vector_load_idx %gather3A_731[%add3A_286, %add3A_727] : memref<128x128xf32, #tpu.memory_space<vmem>>[vector<16xi32>, vector<16xi32>], vector<16xf32>,
        %add3A_733 = arith.constant 39 : i32
        %add3A_734 = vector.broadcast %add3A_733 : i32 to vector<16xi32>
        %add3A_735 = arith.addi %mul3A_298, %add3A_734 : vector<16xi32>
        %gather3A_736 = arith.constant 0 : i32
        %gather3A_737 = arith.constant 0 : i32
        %gather3A_738 = tpu.memref_slice %arg14[%and3A_234, %gather3A_736, %gather3A_737] : memref<2x128x128xf32, #tpu.memory_space<vmem>> -> memref<1x128x128xf32, #tpu.memory_space<vmem>>
        %gather3A_739 = tpu.memref_squeeze %gather3A_738 : memref<1x128x128xf32, #tpu.memory_space<vmem>> -> memref<128x128xf32, #tpu.memory_space<vmem>>
        %gather3A_740 = tpu.vector_load_idx %gather3A_739[%add3A_286, %add3A_735] : memref<128x128xf32, #tpu.memory_space<vmem>>[vector<16xi32>, vector<16xi32>], vector<16xf32>,
        %add3A_741 = arith.constant 7 : i32
        %add3A_742 = vector.broadcast %add3A_741 : i32 to vector<16xi32>
        %add3A_743 = arith.addi %mul3A_310, %add3A_742 : vector<16xi32>
        %gather3A_744 = arith.constant 0 : i32
        %gather3A_745 = arith.constant 0 : i32
        %gather3A_746 = tpu.memref_slice %arg14[%and3A_234, %gather3A_744, %gather3A_745] : memref<2x128x128xf32, #tpu.memory_space<vmem>> -> memref<1x128x128xf32, #tpu.memory_space<vmem>>
        %gather3A_747 = tpu.memref_squeeze %gather3A_746 : memref<1x128x128xf32, #tpu.memory_space<vmem>> -> memref<128x128xf32, #tpu.memory_space<vmem>>
        %gather3A_748 = tpu.vector_load_idx %gather3A_747[%add3A_318, %add3A_743] : memref<128x128xf32, #tpu.memory_space<vmem>>[vector<16xi32>, vector<16xi32>], vector<16xf32>,
        %add3A_749 = arith.constant 39 : i32
        %add3A_750 = vector.broadcast %add3A_749 : i32 to vector<16xi32>
        %add3A_751 = arith.addi %mul3A_310, %add3A_750 : vector<16xi32>
        %gather3A_752 = arith.constant 0 : i32
        %gather3A_753 = arith.constant 0 : i32
        %gather3A_754 = tpu.memref_slice %arg14[%and3A_234, %gather3A_752, %gather3A_753] : memref<2x128x128xf32, #tpu.memory_space<vmem>> -> memref<1x128x128xf32, #tpu.memory_space<vmem>>
        %gather3A_755 = tpu.memref_squeeze %gather3A_754 : memref<1x128x128xf32, #tpu.memory_space<vmem>> -> memref<128x128xf32, #tpu.memory_space<vmem>>
        %gather3A_756 = tpu.vector_load_idx %gather3A_755[%add3A_318, %add3A_751] : memref<128x128xf32, #tpu.memory_space<vmem>>[vector<16xi32>, vector<16xi32>], vector<16xf32>,
        %gather3A_757 = tpu.vector_load_idx %arg15[%broadcast_in_dim3A_724, %get3A_313] : memref<32x1000xf32, #tpu.memory_space<vmem>>[vector<16xi32>, vector<16xi32>], vector<16xf32>,
        %gather3A_758 = tpu.vector_load_idx %arg16[%broadcast_in_dim3A_724, %get3A_313] : memref<32x1000xf32, #tpu.memory_space<vmem>>[vector<16xi32>, vector<16xi32>], vector<16xf32>,
        %mul3A_759 = arith.mulf %gather3A_732, %gather3A_748 : vector<16xf32>
        %mul3A_760 = arith.mulf %gather3A_740, %gather3A_756 : vector<16xf32>
        %add3A_761 = arith.addf %mul3A_759, %mul3A_760 : vector<16xf32>
        %mul3A_762 = arith.mulf %gather3A_757, %add3A_761 : vector<16xf32>
        %mul3A_763 = arith.mulf %gather3A_732, %gather3A_756 : vector<16xf32>
        %mul3A_764 = arith.mulf %gather3A_740, %gather3A_748 : vector<16xf32>
        %sub3A_765 = arith.subf %mul3A_763, %mul3A_764 : vector<16xf32>
        %mul3A_766 = arith.mulf %gather3A_758, %sub3A_765 : vector<16xf32>
        %add3A_767 = arith.addf %mul3A_762, %mul3A_766 : vector<16xf32>
        %add3A_768 = arith.addf %add3A_710, %add3A_767 : vector<16xf32>
        %mul3A_769 = arith.mulf %gather3A_732, %gather3A_732 : vector<16xf32>
        %mul3A_770 = arith.mulf %gather3A_740, %gather3A_740 : vector<16xf32>
        %add3A_771 = arith.addf %mul3A_769, %mul3A_770 : vector<16xf32>
        %mul3A_772 = arith.mulf %gather3A_748, %gather3A_748 : vector<16xf32>
        %add3A_773 = arith.addf %add3A_771, %mul3A_772 : vector<16xf32>
        %mul3A_774 = arith.mulf %gather3A_756, %gather3A_756 : vector<16xf32>
        %add3A_775 = arith.addf %add3A_773, %mul3A_774 : vector<16xf32>
        %mul3A_776 = arith.mulf %gather3A_757, %gather3A_757 : vector<16xf32>
        %add3A_777 = arith.addf %add3A_775, %mul3A_776 : vector<16xf32>
        %mul3A_778 = arith.mulf %gather3A_758, %gather3A_758 : vector<16xf32>
        %add3A_779 = arith.addf %add3A_777, %mul3A_778 : vector<16xf32>
        %add3A_780 = arith.addf %add3A_722, %add3A_779 : vector<16xf32>
        %broadcast_in_dim3A_781 = arith.constant 8 : i32
        %broadcast_in_dim3A_782 = vector.broadcast %broadcast_in_dim3A_781 : i32 to vector<16xi32>
        %add3A_783 = arith.constant 8 : i32
        %add3A_784 = vector.broadcast %add3A_783 : i32 to vector<16xi32>
        %add3A_785 = arith.addi %mul3A_298, %add3A_784 : vector<16xi32>
        %gather3A_786 = arith.constant 0 : i32
        %gather3A_787 = arith.constant 0 : i32
        %gather3A_788 = tpu.memref_slice %arg14[%and3A_234, %gather3A_786, %gather3A_787] : memref<2x128x128xf32, #tpu.memory_space<vmem>> -> memref<1x128x128xf32, #tpu.memory_space<vmem>>
        %gather3A_789 = tpu.memref_squeeze %gather3A_788 : memref<1x128x128xf32, #tpu.memory_space<vmem>> -> memref<128x128xf32, #tpu.memory_space<vmem>>
        %gather3A_790 = tpu.vector_load_idx %gather3A_789[%add3A_286, %add3A_785] : memref<128x128xf32, #tpu.memory_space<vmem>>[vector<16xi32>, vector<16xi32>], vector<16xf32>,
        %add3A_791 = arith.constant 40 : i32
        %add3A_792 = vector.broadcast %add3A_791 : i32 to vector<16xi32>
        %add3A_793 = arith.addi %mul3A_298, %add3A_792 : vector<16xi32>
        %gather3A_794 = arith.constant 0 : i32
        %gather3A_795 = arith.constant 0 : i32
        %gather3A_796 = tpu.memref_slice %arg14[%and3A_234, %gather3A_794, %gather3A_795] : memref<2x128x128xf32, #tpu.memory_space<vmem>> -> memref<1x128x128xf32, #tpu.memory_space<vmem>>
        %gather3A_797 = tpu.memref_squeeze %gather3A_796 : memref<1x128x128xf32, #tpu.memory_space<vmem>> -> memref<128x128xf32, #tpu.memory_space<vmem>>
        %gather3A_798 = tpu.vector_load_idx %gather3A_797[%add3A_286, %add3A_793] : memref<128x128xf32, #tpu.memory_space<vmem>>[vector<16xi32>, vector<16xi32>], vector<16xf32>,
        %add3A_799 = arith.constant 8 : i32
        %add3A_800 = vector.broadcast %add3A_799 : i32 to vector<16xi32>
        %add3A_801 = arith.addi %mul3A_310, %add3A_800 : vector<16xi32>
        %gather3A_802 = arith.constant 0 : i32
        %gather3A_803 = arith.constant 0 : i32
        %gather3A_804 = tpu.memref_slice %arg14[%and3A_234, %gather3A_802, %gather3A_803] : memref<2x128x128xf32, #tpu.memory_space<vmem>> -> memref<1x128x128xf32, #tpu.memory_space<vmem>>
        %gather3A_805 = tpu.memref_squeeze %gather3A_804 : memref<1x128x128xf32, #tpu.memory_space<vmem>> -> memref<128x128xf32, #tpu.memory_space<vmem>>
        %gather3A_806 = tpu.vector_load_idx %gather3A_805[%add3A_318, %add3A_801] : memref<128x128xf32, #tpu.memory_space<vmem>>[vector<16xi32>, vector<16xi32>], vector<16xf32>,
        %add3A_807 = arith.constant 40 : i32
        %add3A_808 = vector.broadcast %add3A_807 : i32 to vector<16xi32>
        %add3A_809 = arith.addi %mul3A_310, %add3A_808 : vector<16xi32>
        %gather3A_810 = arith.constant 0 : i32
        %gather3A_811 = arith.constant 0 : i32
        %gather3A_812 = tpu.memref_slice %arg14[%and3A_234, %gather3A_810, %gather3A_811] : memref<2x128x128xf32, #tpu.memory_space<vmem>> -> memref<1x128x128xf32, #tpu.memory_space<vmem>>
        %gather3A_813 = tpu.memref_squeeze %gather3A_812 : memref<1x128x128xf32, #tpu.memory_space<vmem>> -> memref<128x128xf32, #tpu.memory_space<vmem>>
        %gather3A_814 = tpu.vector_load_idx %gather3A_813[%add3A_318, %add3A_809] : memref<128x128xf32, #tpu.memory_space<vmem>>[vector<16xi32>, vector<16xi32>], vector<16xf32>,
        %gather3A_815 = tpu.vector_load_idx %arg15[%broadcast_in_dim3A_782, %get3A_313] : memref<32x1000xf32, #tpu.memory_space<vmem>>[vector<16xi32>, vector<16xi32>], vector<16xf32>,
        %gather3A_816 = tpu.vector_load_idx %arg16[%broadcast_in_dim3A_782, %get3A_313] : memref<32x1000xf32, #tpu.memory_space<vmem>>[vector<16xi32>, vector<16xi32>], vector<16xf32>,
        %mul3A_817 = arith.mulf %gather3A_790, %gather3A_806 : vector<16xf32>
        %mul3A_818 = arith.mulf %gather3A_798, %gather3A_814 : vector<16xf32>
        %add3A_819 = arith.addf %mul3A_817, %mul3A_818 : vector<16xf32>
        %mul3A_820 = arith.mulf %gather3A_815, %add3A_819 : vector<16xf32>
        %mul3A_821 = arith.mulf %gather3A_790, %gather3A_814 : vector<16xf32>
        %mul3A_822 = arith.mulf %gather3A_798, %gather3A_806 : vector<16xf32>
        %sub3A_823 = arith.subf %mul3A_821, %mul3A_822 : vector<16xf32>
        %mul3A_824 = arith.mulf %gather3A_816, %sub3A_823 : vector<16xf32>
        %add3A_825 = arith.addf %mul3A_820, %mul3A_824 : vector<16xf32>
        %add3A_826 = arith.addf %add3A_768, %add3A_825 : vector<16xf32>
        %mul3A_827 = arith.mulf %gather3A_790, %gather3A_790 : vector<16xf32>
        %mul3A_828 = arith.mulf %gather3A_798, %gather3A_798 : vector<16xf32>
        %add3A_829 = arith.addf %mul3A_827, %mul3A_828 : vector<16xf32>
        %mul3A_830 = arith.mulf %gather3A_806, %gather3A_806 : vector<16xf32>
        %add3A_831 = arith.addf %add3A_829, %mul3A_830 : vector<16xf32>
        %mul3A_832 = arith.mulf %gather3A_814, %gather3A_814 : vector<16xf32>
        %add3A_833 = arith.addf %add3A_831, %mul3A_832 : vector<16xf32>
        %mul3A_834 = arith.mulf %gather3A_815, %gather3A_815 : vector<16xf32>
        %add3A_835 = arith.addf %add3A_833, %mul3A_834 : vector<16xf32>
        %mul3A_836 = arith.mulf %gather3A_816, %gather3A_816 : vector<16xf32>
        %add3A_837 = arith.addf %add3A_835, %mul3A_836 : vector<16xf32>
        %add3A_838 = arith.addf %add3A_780, %add3A_837 : vector<16xf32>
        %broadcast_in_dim3A_839 = arith.constant 9 : i32
        %broadcast_in_dim3A_840 = vector.broadcast %broadcast_in_dim3A_839 : i32 to vector<16xi32>
        %add3A_841 = arith.constant 9 : i32
        %add3A_842 = vector.broadcast %add3A_841 : i32 to vector<16xi32>
        %add3A_843 = arith.addi %mul3A_298, %add3A_842 : vector<16xi32>
        %gather3A_844 = arith.constant 0 : i32
        %gather3A_845 = arith.constant 0 : i32
        %gather3A_846 = tpu.memref_slice %arg14[%and3A_234, %gather3A_844, %gather3A_845] : memref<2x128x128xf32, #tpu.memory_space<vmem>> -> memref<1x128x128xf32, #tpu.memory_space<vmem>>
        %gather3A_847 = tpu.memref_squeeze %gather3A_846 : memref<1x128x128xf32, #tpu.memory_space<vmem>> -> memref<128x128xf32, #tpu.memory_space<vmem>>
        %gather3A_848 = tpu.vector_load_idx %gather3A_847[%add3A_286, %add3A_843] : memref<128x128xf32, #tpu.memory_space<vmem>>[vector<16xi32>, vector<16xi32>], vector<16xf32>,
        %add3A_849 = arith.constant 41 : i32
        %add3A_850 = vector.broadcast %add3A_849 : i32 to vector<16xi32>
        %add3A_851 = arith.addi %mul3A_298, %add3A_850 : vector<16xi32>
        %gather3A_852 = arith.constant 0 : i32
        %gather3A_853 = arith.constant 0 : i32
        %gather3A_854 = tpu.memref_slice %arg14[%and3A_234, %gather3A_852, %gather3A_853] : memref<2x128x128xf32, #tpu.memory_space<vmem>> -> memref<1x128x128xf32, #tpu.memory_space<vmem>>
        %gather3A_855 = tpu.memref_squeeze %gather3A_854 : memref<1x128x128xf32, #tpu.memory_space<vmem>> -> memref<128x128xf32, #tpu.memory_space<vmem>>
        %gather3A_856 = tpu.vector_load_idx %gather3A_855[%add3A_286, %add3A_851] : memref<128x128xf32, #tpu.memory_space<vmem>>[vector<16xi32>, vector<16xi32>], vector<16xf32>,
        %add3A_857 = arith.constant 9 : i32
        %add3A_858 = vector.broadcast %add3A_857 : i32 to vector<16xi32>
        %add3A_859 = arith.addi %mul3A_310, %add3A_858 : vector<16xi32>
        %gather3A_860 = arith.constant 0 : i32
        %gather3A_861 = arith.constant 0 : i32
        %gather3A_862 = tpu.memref_slice %arg14[%and3A_234, %gather3A_860, %gather3A_861] : memref<2x128x128xf32, #tpu.memory_space<vmem>> -> memref<1x128x128xf32, #tpu.memory_space<vmem>>
        %gather3A_863 = tpu.memref_squeeze %gather3A_862 : memref<1x128x128xf32, #tpu.memory_space<vmem>> -> memref<128x128xf32, #tpu.memory_space<vmem>>
        %gather3A_864 = tpu.vector_load_idx %gather3A_863[%add3A_318, %add3A_859] : memref<128x128xf32, #tpu.memory_space<vmem>>[vector<16xi32>, vector<16xi32>], vector<16xf32>,
        %add3A_865 = arith.constant 41 : i32
        %add3A_866 = vector.broadcast %add3A_865 : i32 to vector<16xi32>
        %add3A_867 = arith.addi %mul3A_310, %add3A_866 : vector<16xi32>
        %gather3A_868 = arith.constant 0 : i32
        %gather3A_869 = arith.constant 0 : i32
        %gather3A_870 = tpu.memref_slice %arg14[%and3A_234, %gather3A_868, %gather3A_869] : memref<2x128x128xf32, #tpu.memory_space<vmem>> -> memref<1x128x128xf32, #tpu.memory_space<vmem>>
        %gather3A_871 = tpu.memref_squeeze %gather3A_870 : memref<1x128x128xf32, #tpu.memory_space<vmem>> -> memref<128x128xf32, #tpu.memory_space<vmem>>
        %gather3A_872 = tpu.vector_load_idx %gather3A_871[%add3A_318, %add3A_867] : memref<128x128xf32, #tpu.memory_space<vmem>>[vector<16xi32>, vector<16xi32>], vector<16xf32>,
        %gather3A_873 = tpu.vector_load_idx %arg15[%broadcast_in_dim3A_840, %get3A_313] : memref<32x1000xf32, #tpu.memory_space<vmem>>[vector<16xi32>, vector<16xi32>], vector<16xf32>,
        %gather3A_874 = tpu.vector_load_idx %arg16[%broadcast_in_dim3A_840, %get3A_313] : memref<32x1000xf32, #tpu.memory_space<vmem>>[vector<16xi32>, vector<16xi32>], vector<16xf32>,
        %mul3A_875 = arith.mulf %gather3A_848, %gather3A_864 : vector<16xf32>
        %mul3A_876 = arith.mulf %gather3A_856, %gather3A_872 : vector<16xf32>
        %add3A_877 = arith.addf %mul3A_875, %mul3A_876 : vector<16xf32>
        %mul3A_878 = arith.mulf %gather3A_873, %add3A_877 : vector<16xf32>
        %mul3A_879 = arith.mulf %gather3A_848, %gather3A_872 : vector<16xf32>
        %mul3A_880 = arith.mulf %gather3A_856, %gather3A_864 : vector<16xf32>
        %sub3A_881 = arith.subf %mul3A_879, %mul3A_880 : vector<16xf32>
        %mul3A_882 = arith.mulf %gather3A_874, %sub3A_881 : vector<16xf32>
        %add3A_883 = arith.addf %mul3A_878, %mul3A_882 : vector<16xf32>
        %add3A_884 = arith.addf %add3A_826, %add3A_883 : vector<16xf32>
        %mul3A_885 = arith.mulf %gather3A_848, %gather3A_848 : vector<16xf32>
        %mul3A_886 = arith.mulf %gather3A_856, %gather3A_856 : vector<16xf32>
        %add3A_887 = arith.addf %mul3A_885, %mul3A_886 : vector<16xf32>
        %mul3A_888 = arith.mulf %gather3A_864, %gather3A_864 : vector<16xf32>
        %add3A_889 = arith.addf %add3A_887, %mul3A_888 : vector<16xf32>
        %mul3A_890 = arith.mulf %gather3A_872, %gather3A_872 : vector<16xf32>
        %add3A_891 = arith.addf %add3A_889, %mul3A_890 : vector<16xf32>
        %mul3A_892 = arith.mulf %gather3A_873, %gather3A_873 : vector<16xf32>
        %add3A_893 = arith.addf %add3A_891, %mul3A_892 : vector<16xf32>
        %mul3A_894 = arith.mulf %gather3A_874, %gather3A_874 : vector<16xf32>
        %add3A_895 = arith.addf %add3A_893, %mul3A_894 : vector<16xf32>
        %add3A_896 = arith.addf %add3A_838, %add3A_895 : vector<16xf32>
        %broadcast_in_dim3A_897 = arith.constant 10 : i32
        %broadcast_in_dim3A_898 = vector.broadcast %broadcast_in_dim3A_897 : i32 to vector<16xi32>
        %add3A_899 = arith.constant 10 : i32
        %add3A_900 = vector.broadcast %add3A_899 : i32 to vector<16xi32>
        %add3A_901 = arith.addi %mul3A_298, %add3A_900 : vector<16xi32>
        %gather3A_902 = arith.constant 0 : i32
        %gather3A_903 = arith.constant 0 : i32
        %gather3A_904 = tpu.memref_slice %arg14[%and3A_234, %gather3A_902, %gather3A_903] : memref<2x128x128xf32, #tpu.memory_space<vmem>> -> memref<1x128x128xf32, #tpu.memory_space<vmem>>
        %gather3A_905 = tpu.memref_squeeze %gather3A_904 : memref<1x128x128xf32, #tpu.memory_space<vmem>> -> memref<128x128xf32, #tpu.memory_space<vmem>>
        %gather3A_906 = tpu.vector_load_idx %gather3A_905[%add3A_286, %add3A_901] : memref<128x128xf32, #tpu.memory_space<vmem>>[vector<16xi32>, vector<16xi32>], vector<16xf32>,
        %add3A_907 = arith.constant 42 : i32
        %add3A_908 = vector.broadcast %add3A_907 : i32 to vector<16xi32>
        %add3A_909 = arith.addi %mul3A_298, %add3A_908 : vector<16xi32>
        %gather3A_910 = arith.constant 0 : i32
        %gather3A_911 = arith.constant 0 : i32
        %gather3A_912 = tpu.memref_slice %arg14[%and3A_234, %gather3A_910, %gather3A_911] : memref<2x128x128xf32, #tpu.memory_space<vmem>> -> memref<1x128x128xf32, #tpu.memory_space<vmem>>
        %gather3A_913 = tpu.memref_squeeze %gather3A_912 : memref<1x128x128xf32, #tpu.memory_space<vmem>> -> memref<128x128xf32, #tpu.memory_space<vmem>>
        %gather3A_914 = tpu.vector_load_idx %gather3A_913[%add3A_286, %add3A_909] : memref<128x128xf32, #tpu.memory_space<vmem>>[vector<16xi32>, vector<16xi32>], vector<16xf32>,
        %add3A_915 = arith.constant 10 : i32
        %add3A_916 = vector.broadcast %add3A_915 : i32 to vector<16xi32>
        %add3A_917 = arith.addi %mul3A_310, %add3A_916 : vector<16xi32>
        %gather3A_918 = arith.constant 0 : i32
        %gather3A_919 = arith.constant 0 : i32
        %gather3A_920 = tpu.memref_slice %arg14[%and3A_234, %gather3A_918, %gather3A_919] : memref<2x128x128xf32, #tpu.memory_space<vmem>> -> memref<1x128x128xf32, #tpu.memory_space<vmem>>
        %gather3A_921 = tpu.memref_squeeze %gather3A_920 : memref<1x128x128xf32, #tpu.memory_space<vmem>> -> memref<128x128xf32, #tpu.memory_space<vmem>>
        %gather3A_922 = tpu.vector_load_idx %gather3A_921[%add3A_318, %add3A_917] : memref<128x128xf32, #tpu.memory_space<vmem>>[vector<16xi32>, vector<16xi32>], vector<16xf32>,
        %add3A_923 = arith.constant 42 : i32
        %add3A_924 = vector.broadcast %add3A_923 : i32 to vector<16xi32>
        %add3A_925 = arith.addi %mul3A_310, %add3A_924 : vector<16xi32>
        %gather3A_926 = arith.constant 0 : i32
        %gather3A_927 = arith.constant 0 : i32
        %gather3A_928 = tpu.memref_slice %arg14[%and3A_234, %gather3A_926, %gather3A_927] : memref<2x128x128xf32, #tpu.memory_space<vmem>> -> memref<1x128x128xf32, #tpu.memory_space<vmem>>
        %gather3A_929 = tpu.memref_squeeze %gather3A_928 : memref<1x128x128xf32, #tpu.memory_space<vmem>> -> memref<128x128xf32, #tpu.memory_space<vmem>>
        %gather3A_930 = tpu.vector_load_idx %gather3A_929[%add3A_318, %add3A_925] : memref<128x128xf32, #tpu.memory_space<vmem>>[vector<16xi32>, vector<16xi32>], vector<16xf32>,
        %gather3A_931 = tpu.vector_load_idx %arg15[%broadcast_in_dim3A_898, %get3A_313] : memref<32x1000xf32, #tpu.memory_space<vmem>>[vector<16xi32>, vector<16xi32>], vector<16xf32>,
        %gather3A_932 = tpu.vector_load_idx %arg16[%broadcast_in_dim3A_898, %get3A_313] : memref<32x1000xf32, #tpu.memory_space<vmem>>[vector<16xi32>, vector<16xi32>], vector<16xf32>,
        %mul3A_933 = arith.mulf %gather3A_906, %gather3A_922 : vector<16xf32>
        %mul3A_934 = arith.mulf %gather3A_914, %gather3A_930 : vector<16xf32>
        %add3A_935 = arith.addf %mul3A_933, %mul3A_934 : vector<16xf32>
        %mul3A_936 = arith.mulf %gather3A_931, %add3A_935 : vector<16xf32>
        %mul3A_937 = arith.mulf %gather3A_906, %gather3A_930 : vector<16xf32>
        %mul3A_938 = arith.mulf %gather3A_914, %gather3A_922 : vector<16xf32>
        %sub3A_939 = arith.subf %mul3A_937, %mul3A_938 : vector<16xf32>
        %mul3A_940 = arith.mulf %gather3A_932, %sub3A_939 : vector<16xf32>
        %add3A_941 = arith.addf %mul3A_936, %mul3A_940 : vector<16xf32>
        %add3A_942 = arith.addf %add3A_884, %add3A_941 : vector<16xf32>
        %mul3A_943 = arith.mulf %gather3A_906, %gather3A_906 : vector<16xf32>
        %mul3A_944 = arith.mulf %gather3A_914, %gather3A_914 : vector<16xf32>
        %add3A_945 = arith.addf %mul3A_943, %mul3A_944 : vector<16xf32>
        %mul3A_946 = arith.mulf %gather3A_922, %gather3A_922 : vector<16xf32>
        %add3A_947 = arith.addf %add3A_945, %mul3A_946 : vector<16xf32>
        %mul3A_948 = arith.mulf %gather3A_930, %gather3A_930 : vector<16xf32>
        %add3A_949 = arith.addf %add3A_947, %mul3A_948 : vector<16xf32>
        %mul3A_950 = arith.mulf %gather3A_931, %gather3A_931 : vector<16xf32>
        %add3A_951 = arith.addf %add3A_949, %mul3A_950 : vector<16xf32>
        %mul3A_952 = arith.mulf %gather3A_932, %gather3A_932 : vector<16xf32>
        %add3A_953 = arith.addf %add3A_951, %mul3A_952 : vector<16xf32>
        %add3A_954 = arith.addf %add3A_896, %add3A_953 : vector<16xf32>
        %broadcast_in_dim3A_955 = arith.constant 11 : i32
        %broadcast_in_dim3A_956 = vector.broadcast %broadcast_in_dim3A_955 : i32 to vector<16xi32>
        %add3A_957 = arith.constant 11 : i32
        %add3A_958 = vector.broadcast %add3A_957 : i32 to vector<16xi32>
        %add3A_959 = arith.addi %mul3A_298, %add3A_958 : vector<16xi32>
        %gather3A_960 = arith.constant 0 : i32
        %gather3A_961 = arith.constant 0 : i32
        %gather3A_962 = tpu.memref_slice %arg14[%and3A_234, %gather3A_960, %gather3A_961] : memref<2x128x128xf32, #tpu.memory_space<vmem>> -> memref<1x128x128xf32, #tpu.memory_space<vmem>>
        %gather3A_963 = tpu.memref_squeeze %gather3A_962 : memref<1x128x128xf32, #tpu.memory_space<vmem>> -> memref<128x128xf32, #tpu.memory_space<vmem>>
        %gather3A_964 = tpu.vector_load_idx %gather3A_963[%add3A_286, %add3A_959] : memref<128x128xf32, #tpu.memory_space<vmem>>[vector<16xi32>, vector<16xi32>], vector<16xf32>,
        %add3A_965 = arith.constant 43 : i32
        %add3A_966 = vector.broadcast %add3A_965 : i32 to vector<16xi32>
        %add3A_967 = arith.addi %mul3A_298, %add3A_966 : vector<16xi32>
        %gather3A_968 = arith.constant 0 : i32
        %gather3A_969 = arith.constant 0 : i32
        %gather3A_970 = tpu.memref_slice %arg14[%and3A_234, %gather3A_968, %gather3A_969] : memref<2x128x128xf32, #tpu.memory_space<vmem>> -> memref<1x128x128xf32, #tpu.memory_space<vmem>>
        %gather3A_971 = tpu.memref_squeeze %gather3A_970 : memref<1x128x128xf32, #tpu.memory_space<vmem>> -> memref<128x128xf32, #tpu.memory_space<vmem>>
        %gather3A_972 = tpu.vector_load_idx %gather3A_971[%add3A_286, %add3A_967] : memref<128x128xf32, #tpu.memory_space<vmem>>[vector<16xi32>, vector<16xi32>], vector<16xf32>,
        %add3A_973 = arith.constant 11 : i32
        %add3A_974 = vector.broadcast %add3A_973 : i32 to vector<16xi32>
        %add3A_975 = arith.addi %mul3A_310, %add3A_974 : vector<16xi32>
        %gather3A_976 = arith.constant 0 : i32
        %gather3A_977 = arith.constant 0 : i32
        %gather3A_978 = tpu.memref_slice %arg14[%and3A_234, %gather3A_976, %gather3A_977] : memref<2x128x128xf32, #tpu.memory_space<vmem>> -> memref<1x128x128xf32, #tpu.memory_space<vmem>>
        %gather3A_979 = tpu.memref_squeeze %gather3A_978 : memref<1x128x128xf32, #tpu.memory_space<vmem>> -> memref<128x128xf32, #tpu.memory_space<vmem>>
        %gather3A_980 = tpu.vector_load_idx %gather3A_979[%add3A_318, %add3A_975] : memref<128x128xf32, #tpu.memory_space<vmem>>[vector<16xi32>, vector<16xi32>], vector<16xf32>,
        %add3A_981 = arith.constant 43 : i32
        %add3A_982 = vector.broadcast %add3A_981 : i32 to vector<16xi32>
        %add3A_983 = arith.addi %mul3A_310, %add3A_982 : vector<16xi32>
        %gather3A_984 = arith.constant 0 : i32
        %gather3A_985 = arith.constant 0 : i32
        %gather3A_986 = tpu.memref_slice %arg14[%and3A_234, %gather3A_984, %gather3A_985] : memref<2x128x128xf32, #tpu.memory_space<vmem>> -> memref<1x128x128xf32, #tpu.memory_space<vmem>>
        %gather3A_987 = tpu.memref_squeeze %gather3A_986 : memref<1x128x128xf32, #tpu.memory_space<vmem>> -> memref<128x128xf32, #tpu.memory_space<vmem>>
        %gather3A_988 = tpu.vector_load_idx %gather3A_987[%add3A_318, %add3A_983] : memref<128x128xf32, #tpu.memory_space<vmem>>[vector<16xi32>, vector<16xi32>], vector<16xf32>,
        %gather3A_989 = tpu.vector_load_idx %arg15[%broadcast_in_dim3A_956, %get3A_313] : memref<32x1000xf32, #tpu.memory_space<vmem>>[vector<16xi32>, vector<16xi32>], vector<16xf32>,
        %gather3A_990 = tpu.vector_load_idx %arg16[%broadcast_in_dim3A_956, %get3A_313] : memref<32x1000xf32, #tpu.memory_space<vmem>>[vector<16xi32>, vector<16xi32>], vector<16xf32>,
        %mul3A_991 = arith.mulf %gather3A_964, %gather3A_980 : vector<16xf32>
        %mul3A_992 = arith.mulf %gather3A_972, %gather3A_988 : vector<16xf32>
        %add3A_993 = arith.addf %mul3A_991, %mul3A_992 : vector<16xf32>
        %mul3A_994 = arith.mulf %gather3A_989, %add3A_993 : vector<16xf32>
        %mul3A_995 = arith.mulf %gather3A_964, %gather3A_988 : vector<16xf32>
        %mul3A_996 = arith.mulf %gather3A_972, %gather3A_980 : vector<16xf32>
        %sub3A_997 = arith.subf %mul3A_995, %mul3A_996 : vector<16xf32>
        %mul3A_998 = arith.mulf %gather3A_990, %sub3A_997 : vector<16xf32>
        %add3A_999 = arith.addf %mul3A_994, %mul3A_998 : vector<16xf32>
        %add3A_1000 = arith.addf %add3A_942, %add3A_999 : vector<16xf32>
        %mul3A_1001 = arith.mulf %gather3A_964, %gather3A_964 : vector<16xf32>
        %mul3A_1002 = arith.mulf %gather3A_972, %gather3A_972 : vector<16xf32>
        %add3A_1003 = arith.addf %mul3A_1001, %mul3A_1002 : vector<16xf32>
        %mul3A_1004 = arith.mulf %gather3A_980, %gather3A_980 : vector<16xf32>
        %add3A_1005 = arith.addf %add3A_1003, %mul3A_1004 : vector<16xf32>
        %mul3A_1006 = arith.mulf %gather3A_988, %gather3A_988 : vector<16xf32>
        %add3A_1007 = arith.addf %add3A_1005, %mul3A_1006 : vector<16xf32>
        %mul3A_1008 = arith.mulf %gather3A_989, %gather3A_989 : vector<16xf32>
        %add3A_1009 = arith.addf %add3A_1007, %mul3A_1008 : vector<16xf32>
        %mul3A_1010 = arith.mulf %gather3A_990, %gather3A_990 : vector<16xf32>
        %add3A_1011 = arith.addf %add3A_1009, %mul3A_1010 : vector<16xf32>
        %add3A_1012 = arith.addf %add3A_954, %add3A_1011 : vector<16xf32>
        %broadcast_in_dim3A_1013 = arith.constant 12 : i32
        %broadcast_in_dim3A_1014 = vector.broadcast %broadcast_in_dim3A_1013 : i32 to vector<16xi32>
        %add3A_1015 = arith.constant 12 : i32
        %add3A_1016 = vector.broadcast %add3A_1015 : i32 to vector<16xi32>
        %add3A_1017 = arith.addi %mul3A_298, %add3A_1016 : vector<16xi32>
        %gather3A_1018 = arith.constant 0 : i32
        %gather3A_1019 = arith.constant 0 : i32
        %gather3A_1020 = tpu.memref_slice %arg14[%and3A_234, %gather3A_1018, %gather3A_1019] : memref<2x128x128xf32, #tpu.memory_space<vmem>> -> memref<1x128x128xf32, #tpu.memory_space<vmem>>
        %gather3A_1021 = tpu.memref_squeeze %gather3A_1020 : memref<1x128x128xf32, #tpu.memory_space<vmem>> -> memref<128x128xf32, #tpu.memory_space<vmem>>
        %gather3A_1022 = tpu.vector_load_idx %gather3A_1021[%add3A_286, %add3A_1017] : memref<128x128xf32, #tpu.memory_space<vmem>>[vector<16xi32>, vector<16xi32>], vector<16xf32>,
        %add3A_1023 = arith.constant 44 : i32
        %add3A_1024 = vector.broadcast %add3A_1023 : i32 to vector<16xi32>
        %add3A_1025 = arith.addi %mul3A_298, %add3A_1024 : vector<16xi32>
        %gather3A_1026 = arith.constant 0 : i32
        %gather3A_1027 = arith.constant 0 : i32
        %gather3A_1028 = tpu.memref_slice %arg14[%and3A_234, %gather3A_1026, %gather3A_1027] : memref<2x128x128xf32, #tpu.memory_space<vmem>> -> memref<1x128x128xf32, #tpu.memory_space<vmem>>
        %gather3A_1029 = tpu.memref_squeeze %gather3A_1028 : memref<1x128x128xf32, #tpu.memory_space<vmem>> -> memref<128x128xf32, #tpu.memory_space<vmem>>
        %gather3A_1030 = tpu.vector_load_idx %gather3A_1029[%add3A_286, %add3A_1025] : memref<128x128xf32, #tpu.memory_space<vmem>>[vector<16xi32>, vector<16xi32>], vector<16xf32>,
        %add3A_1031 = arith.constant 12 : i32
        %add3A_1032 = vector.broadcast %add3A_1031 : i32 to vector<16xi32>
        %add3A_1033 = arith.addi %mul3A_310, %add3A_1032 : vector<16xi32>
        %gather3A_1034 = arith.constant 0 : i32
        %gather3A_1035 = arith.constant 0 : i32
        %gather3A_1036 = tpu.memref_slice %arg14[%and3A_234, %gather3A_1034, %gather3A_1035] : memref<2x128x128xf32, #tpu.memory_space<vmem>> -> memref<1x128x128xf32, #tpu.memory_space<vmem>>
        %gather3A_1037 = tpu.memref_squeeze %gather3A_1036 : memref<1x128x128xf32, #tpu.memory_space<vmem>> -> memref<128x128xf32, #tpu.memory_space<vmem>>
        %gather3A_1038 = tpu.vector_load_idx %gather3A_1037[%add3A_318, %add3A_1033] : memref<128x128xf32, #tpu.memory_space<vmem>>[vector<16xi32>, vector<16xi32>], vector<16xf32>,
        %add3A_1039 = arith.constant 44 : i32
        %add3A_1040 = vector.broadcast %add3A_1039 : i32 to vector<16xi32>
        %add3A_1041 = arith.addi %mul3A_310, %add3A_1040 : vector<16xi32>
        %gather3A_1042 = arith.constant 0 : i32
        %gather3A_1043 = arith.constant 0 : i32
        %gather3A_1044 = tpu.memref_slice %arg14[%and3A_234, %gather3A_1042, %gather3A_1043] : memref<2x128x128xf32, #tpu.memory_space<vmem>> -> memref<1x128x128xf32, #tpu.memory_space<vmem>>
        %gather3A_1045 = tpu.memref_squeeze %gather3A_1044 : memref<1x128x128xf32, #tpu.memory_space<vmem>> -> memref<128x128xf32, #tpu.memory_space<vmem>>
        %gather3A_1046 = tpu.vector_load_idx %gather3A_1045[%add3A_318, %add3A_1041] : memref<128x128xf32, #tpu.memory_space<vmem>>[vector<16xi32>, vector<16xi32>], vector<16xf32>,
        %gather3A_1047 = tpu.vector_load_idx %arg15[%broadcast_in_dim3A_1014, %get3A_313] : memref<32x1000xf32, #tpu.memory_space<vmem>>[vector<16xi32>, vector<16xi32>], vector<16xf32>,
        %gather3A_1048 = tpu.vector_load_idx %arg16[%broadcast_in_dim3A_1014, %get3A_313] : memref<32x1000xf32, #tpu.memory_space<vmem>>[vector<16xi32>, vector<16xi32>], vector<16xf32>,
        %mul3A_1049 = arith.mulf %gather3A_1022, %gather3A_1038 : vector<16xf32>
        %mul3A_1050 = arith.mulf %gather3A_1030, %gather3A_1046 : vector<16xf32>
        %add3A_1051 = arith.addf %mul3A_1049, %mul3A_1050 : vector<16xf32>
        %mul3A_1052 = arith.mulf %gather3A_1047, %add3A_1051 : vector<16xf32>
        %mul3A_1053 = arith.mulf %gather3A_1022, %gather3A_1046 : vector<16xf32>
        %mul3A_1054 = arith.mulf %gather3A_1030, %gather3A_1038 : vector<16xf32>
        %sub3A_1055 = arith.subf %mul3A_1053, %mul3A_1054 : vector<16xf32>
        %mul3A_1056 = arith.mulf %gather3A_1048, %sub3A_1055 : vector<16xf32>
        %add3A_1057 = arith.addf %mul3A_1052, %mul3A_1056 : vector<16xf32>
        %add3A_1058 = arith.addf %add3A_1000, %add3A_1057 : vector<16xf32>
        %mul3A_1059 = arith.mulf %gather3A_1022, %gather3A_1022 : vector<16xf32>
        %mul3A_1060 = arith.mulf %gather3A_1030, %gather3A_1030 : vector<16xf32>
        %add3A_1061 = arith.addf %mul3A_1059, %mul3A_1060 : vector<16xf32>
        %mul3A_1062 = arith.mulf %gather3A_1038, %gather3A_1038 : vector<16xf32>
        %add3A_1063 = arith.addf %add3A_1061, %mul3A_1062 : vector<16xf32>
        %mul3A_1064 = arith.mulf %gather3A_1046, %gather3A_1046 : vector<16xf32>
        %add3A_1065 = arith.addf %add3A_1063, %mul3A_1064 : vector<16xf32>
        %mul3A_1066 = arith.mulf %gather3A_1047, %gather3A_1047 : vector<16xf32>
        %add3A_1067 = arith.addf %add3A_1065, %mul3A_1066 : vector<16xf32>
        %mul3A_1068 = arith.mulf %gather3A_1048, %gather3A_1048 : vector<16xf32>
        %add3A_1069 = arith.addf %add3A_1067, %mul3A_1068 : vector<16xf32>
        %add3A_1070 = arith.addf %add3A_1012, %add3A_1069 : vector<16xf32>
        %broadcast_in_dim3A_1071 = arith.constant 13 : i32
        %broadcast_in_dim3A_1072 = vector.broadcast %broadcast_in_dim3A_1071 : i32 to vector<16xi32>
        %add3A_1073 = arith.constant 13 : i32
        %add3A_1074 = vector.broadcast %add3A_1073 : i32 to vector<16xi32>
        %add3A_1075 = arith.addi %mul3A_298, %add3A_1074 : vector<16xi32>
        %gather3A_1076 = arith.constant 0 : i32
        %gather3A_1077 = arith.constant 0 : i32
        %gather3A_1078 = tpu.memref_slice %arg14[%and3A_234, %gather3A_1076, %gather3A_1077] : memref<2x128x128xf32, #tpu.memory_space<vmem>> -> memref<1x128x128xf32, #tpu.memory_space<vmem>>
        %gather3A_1079 = tpu.memref_squeeze %gather3A_1078 : memref<1x128x128xf32, #tpu.memory_space<vmem>> -> memref<128x128xf32, #tpu.memory_space<vmem>>
        %gather3A_1080 = tpu.vector_load_idx %gather3A_1079[%add3A_286, %add3A_1075] : memref<128x128xf32, #tpu.memory_space<vmem>>[vector<16xi32>, vector<16xi32>], vector<16xf32>,
        %add3A_1081 = arith.constant 45 : i32
        %add3A_1082 = vector.broadcast %add3A_1081 : i32 to vector<16xi32>
        %add3A_1083 = arith.addi %mul3A_298, %add3A_1082 : vector<16xi32>
        %gather3A_1084 = arith.constant 0 : i32
        %gather3A_1085 = arith.constant 0 : i32
        %gather3A_1086 = tpu.memref_slice %arg14[%and3A_234, %gather3A_1084, %gather3A_1085] : memref<2x128x128xf32, #tpu.memory_space<vmem>> -> memref<1x128x128xf32, #tpu.memory_space<vmem>>
        %gather3A_1087 = tpu.memref_squeeze %gather3A_1086 : memref<1x128x128xf32, #tpu.memory_space<vmem>> -> memref<128x128xf32, #tpu.memory_space<vmem>>
        %gather3A_1088 = tpu.vector_load_idx %gather3A_1087[%add3A_286, %add3A_1083] : memref<128x128xf32, #tpu.memory_space<vmem>>[vector<16xi32>, vector<16xi32>], vector<16xf32>,
        %add3A_1089 = arith.constant 13 : i32
        %add3A_1090 = vector.broadcast %add3A_1089 : i32 to vector<16xi32>
        %add3A_1091 = arith.addi %mul3A_310, %add3A_1090 : vector<16xi32>
        %gather3A_1092 = arith.constant 0 : i32
        %gather3A_1093 = arith.constant 0 : i32
        %gather3A_1094 = tpu.memref_slice %arg14[%and3A_234, %gather3A_1092, %gather3A_1093] : memref<2x128x128xf32, #tpu.memory_space<vmem>> -> memref<1x128x128xf32, #tpu.memory_space<vmem>>
        %gather3A_1095 = tpu.memref_squeeze %gather3A_1094 : memref<1x128x128xf32, #tpu.memory_space<vmem>> -> memref<128x128xf32, #tpu.memory_space<vmem>>
        %gather3A_1096 = tpu.vector_load_idx %gather3A_1095[%add3A_318, %add3A_1091] : memref<128x128xf32, #tpu.memory_space<vmem>>[vector<16xi32>, vector<16xi32>], vector<16xf32>,
        %add3A_1097 = arith.constant 45 : i32
        %add3A_1098 = vector.broadcast %add3A_1097 : i32 to vector<16xi32>
        %add3A_1099 = arith.addi %mul3A_310, %add3A_1098 : vector<16xi32>
        %gather3A_1100 = arith.constant 0 : i32
        %gather3A_1101 = arith.constant 0 : i32
        %gather3A_1102 = tpu.memref_slice %arg14[%and3A_234, %gather3A_1100, %gather3A_1101] : memref<2x128x128xf32, #tpu.memory_space<vmem>> -> memref<1x128x128xf32, #tpu.memory_space<vmem>>
        %gather3A_1103 = tpu.memref_squeeze %gather3A_1102 : memref<1x128x128xf32, #tpu.memory_space<vmem>> -> memref<128x128xf32, #tpu.memory_space<vmem>>
        %gather3A_1104 = tpu.vector_load_idx %gather3A_1103[%add3A_318, %add3A_1099] : memref<128x128xf32, #tpu.memory_space<vmem>>[vector<16xi32>, vector<16xi32>], vector<16xf32>,
        %gather3A_1105 = tpu.vector_load_idx %arg15[%broadcast_in_dim3A_1072, %get3A_313] : memref<32x1000xf32, #tpu.memory_space<vmem>>[vector<16xi32>, vector<16xi32>], vector<16xf32>,
        %gather3A_1106 = tpu.vector_load_idx %arg16[%broadcast_in_dim3A_1072, %get3A_313] : memref<32x1000xf32, #tpu.memory_space<vmem>>[vector<16xi32>, vector<16xi32>], vector<16xf32>,
        %mul3A_1107 = arith.mulf %gather3A_1080, %gather3A_1096 : vector<16xf32>
        %mul3A_1108 = arith.mulf %gather3A_1088, %gather3A_1104 : vector<16xf32>
        %add3A_1109 = arith.addf %mul3A_1107, %mul3A_1108 : vector<16xf32>
        %mul3A_1110 = arith.mulf %gather3A_1105, %add3A_1109 : vector<16xf32>
        %mul3A_1111 = arith.mulf %gather3A_1080, %gather3A_1104 : vector<16xf32>
        %mul3A_1112 = arith.mulf %gather3A_1088, %gather3A_1096 : vector<16xf32>
        %sub3A_1113 = arith.subf %mul3A_1111, %mul3A_1112 : vector<16xf32>
        %mul3A_1114 = arith.mulf %gather3A_1106, %sub3A_1113 : vector<16xf32>
        %add3A_1115 = arith.addf %mul3A_1110, %mul3A_1114 : vector<16xf32>
        %add3A_1116 = arith.addf %add3A_1058, %add3A_1115 : vector<16xf32>
        %mul3A_1117 = arith.mulf %gather3A_1080, %gather3A_1080 : vector<16xf32>
        %mul3A_1118 = arith.mulf %gather3A_1088, %gather3A_1088 : vector<16xf32>
        %add3A_1119 = arith.addf %mul3A_1117, %mul3A_1118 : vector<16xf32>
        %mul3A_1120 = arith.mulf %gather3A_1096, %gather3A_1096 : vector<16xf32>
        %add3A_1121 = arith.addf %add3A_1119, %mul3A_1120 : vector<16xf32>
        %mul3A_1122 = arith.mulf %gather3A_1104, %gather3A_1104 : vector<16xf32>
        %add3A_1123 = arith.addf %add3A_1121, %mul3A_1122 : vector<16xf32>
        %mul3A_1124 = arith.mulf %gather3A_1105, %gather3A_1105 : vector<16xf32>
        %add3A_1125 = arith.addf %add3A_1123, %mul3A_1124 : vector<16xf32>
        %mul3A_1126 = arith.mulf %gather3A_1106, %gather3A_1106 : vector<16xf32>
        %add3A_1127 = arith.addf %add3A_1125, %mul3A_1126 : vector<16xf32>
        %add3A_1128 = arith.addf %add3A_1070, %add3A_1127 : vector<16xf32>
        %broadcast_in_dim3A_1129 = arith.constant 14 : i32
        %broadcast_in_dim3A_1130 = vector.broadcast %broadcast_in_dim3A_1129 : i32 to vector<16xi32>
        %add3A_1131 = arith.constant 14 : i32
        %add3A_1132 = vector.broadcast %add3A_1131 : i32 to vector<16xi32>
        %add3A_1133 = arith.addi %mul3A_298, %add3A_1132 : vector<16xi32>
        %gather3A_1134 = arith.constant 0 : i32
        %gather3A_1135 = arith.constant 0 : i32
        %gather3A_1136 = tpu.memref_slice %arg14[%and3A_234, %gather3A_1134, %gather3A_1135] : memref<2x128x128xf32, #tpu.memory_space<vmem>> -> memref<1x128x128xf32, #tpu.memory_space<vmem>>
        %gather3A_1137 = tpu.memref_squeeze %gather3A_1136 : memref<1x128x128xf32, #tpu.memory_space<vmem>> -> memref<128x128xf32, #tpu.memory_space<vmem>>
        %gather3A_1138 = tpu.vector_load_idx %gather3A_1137[%add3A_286, %add3A_1133] : memref<128x128xf32, #tpu.memory_space<vmem>>[vector<16xi32>, vector<16xi32>], vector<16xf32>,
        %add3A_1139 = arith.constant 46 : i32
        %add3A_1140 = vector.broadcast %add3A_1139 : i32 to vector<16xi32>
        %add3A_1141 = arith.addi %mul3A_298, %add3A_1140 : vector<16xi32>
        %gather3A_1142 = arith.constant 0 : i32
        %gather3A_1143 = arith.constant 0 : i32
        %gather3A_1144 = tpu.memref_slice %arg14[%and3A_234, %gather3A_1142, %gather3A_1143] : memref<2x128x128xf32, #tpu.memory_space<vmem>> -> memref<1x128x128xf32, #tpu.memory_space<vmem>>
        %gather3A_1145 = tpu.memref_squeeze %gather3A_1144 : memref<1x128x128xf32, #tpu.memory_space<vmem>> -> memref<128x128xf32, #tpu.memory_space<vmem>>
        %gather3A_1146 = tpu.vector_load_idx %gather3A_1145[%add3A_286, %add3A_1141] : memref<128x128xf32, #tpu.memory_space<vmem>>[vector<16xi32>, vector<16xi32>], vector<16xf32>,
        %add3A_1147 = arith.constant 14 : i32
        %add3A_1148 = vector.broadcast %add3A_1147 : i32 to vector<16xi32>
        %add3A_1149 = arith.addi %mul3A_310, %add3A_1148 : vector<16xi32>
        %gather3A_1150 = arith.constant 0 : i32
        %gather3A_1151 = arith.constant 0 : i32
        %gather3A_1152 = tpu.memref_slice %arg14[%and3A_234, %gather3A_1150, %gather3A_1151] : memref<2x128x128xf32, #tpu.memory_space<vmem>> -> memref<1x128x128xf32, #tpu.memory_space<vmem>>
        %gather3A_1153 = tpu.memref_squeeze %gather3A_1152 : memref<1x128x128xf32, #tpu.memory_space<vmem>> -> memref<128x128xf32, #tpu.memory_space<vmem>>
        %gather3A_1154 = tpu.vector_load_idx %gather3A_1153[%add3A_318, %add3A_1149] : memref<128x128xf32, #tpu.memory_space<vmem>>[vector<16xi32>, vector<16xi32>], vector<16xf32>,
        %add3A_1155 = arith.constant 46 : i32
        %add3A_1156 = vector.broadcast %add3A_1155 : i32 to vector<16xi32>
        %add3A_1157 = arith.addi %mul3A_310, %add3A_1156 : vector<16xi32>
        %gather3A_1158 = arith.constant 0 : i32
        %gather3A_1159 = arith.constant 0 : i32
        %gather3A_1160 = tpu.memref_slice %arg14[%and3A_234, %gather3A_1158, %gather3A_1159] : memref<2x128x128xf32, #tpu.memory_space<vmem>> -> memref<1x128x128xf32, #tpu.memory_space<vmem>>
        %gather3A_1161 = tpu.memref_squeeze %gather3A_1160 : memref<1x128x128xf32, #tpu.memory_space<vmem>> -> memref<128x128xf32, #tpu.memory_space<vmem>>
        %gather3A_1162 = tpu.vector_load_idx %gather3A_1161[%add3A_318, %add3A_1157] : memref<128x128xf32, #tpu.memory_space<vmem>>[vector<16xi32>, vector<16xi32>], vector<16xf32>,
        %gather3A_1163 = tpu.vector_load_idx %arg15[%broadcast_in_dim3A_1130, %get3A_313] : memref<32x1000xf32, #tpu.memory_space<vmem>>[vector<16xi32>, vector<16xi32>], vector<16xf32>,
        %gather3A_1164 = tpu.vector_load_idx %arg16[%broadcast_in_dim3A_1130, %get3A_313] : memref<32x1000xf32, #tpu.memory_space<vmem>>[vector<16xi32>, vector<16xi32>], vector<16xf32>,
        %mul3A_1165 = arith.mulf %gather3A_1138, %gather3A_1154 : vector<16xf32>
        %mul3A_1166 = arith.mulf %gather3A_1146, %gather3A_1162 : vector<16xf32>
        %add3A_1167 = arith.addf %mul3A_1165, %mul3A_1166 : vector<16xf32>
        %mul3A_1168 = arith.mulf %gather3A_1163, %add3A_1167 : vector<16xf32>
        %mul3A_1169 = arith.mulf %gather3A_1138, %gather3A_1162 : vector<16xf32>
        %mul3A_1170 = arith.mulf %gather3A_1146, %gather3A_1154 : vector<16xf32>
        %sub3A_1171 = arith.subf %mul3A_1169, %mul3A_1170 : vector<16xf32>
        %mul3A_1172 = arith.mulf %gather3A_1164, %sub3A_1171 : vector<16xf32>
        %add3A_1173 = arith.addf %mul3A_1168, %mul3A_1172 : vector<16xf32>
        %add3A_1174 = arith.addf %add3A_1116, %add3A_1173 : vector<16xf32>
        %mul3A_1175 = arith.mulf %gather3A_1138, %gather3A_1138 : vector<16xf32>
        %mul3A_1176 = arith.mulf %gather3A_1146, %gather3A_1146 : vector<16xf32>
        %add3A_1177 = arith.addf %mul3A_1175, %mul3A_1176 : vector<16xf32>
        %mul3A_1178 = arith.mulf %gather3A_1154, %gather3A_1154 : vector<16xf32>
        %add3A_1179 = arith.addf %add3A_1177, %mul3A_1178 : vector<16xf32>
        %mul3A_1180 = arith.mulf %gather3A_1162, %gather3A_1162 : vector<16xf32>
        %add3A_1181 = arith.addf %add3A_1179, %mul3A_1180 : vector<16xf32>
        %mul3A_1182 = arith.mulf %gather3A_1163, %gather3A_1163 : vector<16xf32>
        %add3A_1183 = arith.addf %add3A_1181, %mul3A_1182 : vector<16xf32>
        %mul3A_1184 = arith.mulf %gather3A_1164, %gather3A_1164 : vector<16xf32>
        %add3A_1185 = arith.addf %add3A_1183, %mul3A_1184 : vector<16xf32>
        %add3A_1186 = arith.addf %add3A_1128, %add3A_1185 : vector<16xf32>
        %broadcast_in_dim3A_1187 = arith.constant 15 : i32
        %broadcast_in_dim3A_1188 = vector.broadcast %broadcast_in_dim3A_1187 : i32 to vector<16xi32>
        %add3A_1189 = arith.constant 15 : i32
        %add3A_1190 = vector.broadcast %add3A_1189 : i32 to vector<16xi32>
        %add3A_1191 = arith.addi %mul3A_298, %add3A_1190 : vector<16xi32>
        %gather3A_1192 = arith.constant 0 : i32
        %gather3A_1193 = arith.constant 0 : i32
        %gather3A_1194 = tpu.memref_slice %arg14[%and3A_234, %gather3A_1192, %gather3A_1193] : memref<2x128x128xf32, #tpu.memory_space<vmem>> -> memref<1x128x128xf32, #tpu.memory_space<vmem>>
        %gather3A_1195 = tpu.memref_squeeze %gather3A_1194 : memref<1x128x128xf32, #tpu.memory_space<vmem>> -> memref<128x128xf32, #tpu.memory_space<vmem>>
        %gather3A_1196 = tpu.vector_load_idx %gather3A_1195[%add3A_286, %add3A_1191] : memref<128x128xf32, #tpu.memory_space<vmem>>[vector<16xi32>, vector<16xi32>], vector<16xf32>,
        %add3A_1197 = arith.constant 47 : i32
        %add3A_1198 = vector.broadcast %add3A_1197 : i32 to vector<16xi32>
        %add3A_1199 = arith.addi %mul3A_298, %add3A_1198 : vector<16xi32>
        %gather3A_1200 = arith.constant 0 : i32
        %gather3A_1201 = arith.constant 0 : i32
        %gather3A_1202 = tpu.memref_slice %arg14[%and3A_234, %gather3A_1200, %gather3A_1201] : memref<2x128x128xf32, #tpu.memory_space<vmem>> -> memref<1x128x128xf32, #tpu.memory_space<vmem>>
        %gather3A_1203 = tpu.memref_squeeze %gather3A_1202 : memref<1x128x128xf32, #tpu.memory_space<vmem>> -> memref<128x128xf32, #tpu.memory_space<vmem>>
        %gather3A_1204 = tpu.vector_load_idx %gather3A_1203[%add3A_286, %add3A_1199] : memref<128x128xf32, #tpu.memory_space<vmem>>[vector<16xi32>, vector<16xi32>], vector<16xf32>,
        %add3A_1205 = arith.constant 15 : i32
        %add3A_1206 = vector.broadcast %add3A_1205 : i32 to vector<16xi32>
        %add3A_1207 = arith.addi %mul3A_310, %add3A_1206 : vector<16xi32>
        %gather3A_1208 = arith.constant 0 : i32
        %gather3A_1209 = arith.constant 0 : i32
        %gather3A_1210 = tpu.memref_slice %arg14[%and3A_234, %gather3A_1208, %gather3A_1209] : memref<2x128x128xf32, #tpu.memory_space<vmem>> -> memref<1x128x128xf32, #tpu.memory_space<vmem>>
        %gather3A_1211 = tpu.memref_squeeze %gather3A_1210 : memref<1x128x128xf32, #tpu.memory_space<vmem>> -> memref<128x128xf32, #tpu.memory_space<vmem>>
        %gather3A_1212 = tpu.vector_load_idx %gather3A_1211[%add3A_318, %add3A_1207] : memref<128x128xf32, #tpu.memory_space<vmem>>[vector<16xi32>, vector<16xi32>], vector<16xf32>,
        %add3A_1213 = arith.constant 47 : i32
        %add3A_1214 = vector.broadcast %add3A_1213 : i32 to vector<16xi32>
        %add3A_1215 = arith.addi %mul3A_310, %add3A_1214 : vector<16xi32>
        %gather3A_1216 = arith.constant 0 : i32
        %gather3A_1217 = arith.constant 0 : i32
        %gather3A_1218 = tpu.memref_slice %arg14[%and3A_234, %gather3A_1216, %gather3A_1217] : memref<2x128x128xf32, #tpu.memory_space<vmem>> -> memref<1x128x128xf32, #tpu.memory_space<vmem>>
        %gather3A_1219 = tpu.memref_squeeze %gather3A_1218 : memref<1x128x128xf32, #tpu.memory_space<vmem>> -> memref<128x128xf32, #tpu.memory_space<vmem>>
        %gather3A_1220 = tpu.vector_load_idx %gather3A_1219[%add3A_318, %add3A_1215] : memref<128x128xf32, #tpu.memory_space<vmem>>[vector<16xi32>, vector<16xi32>], vector<16xf32>,
        %gather3A_1221 = tpu.vector_load_idx %arg15[%broadcast_in_dim3A_1188, %get3A_313] : memref<32x1000xf32, #tpu.memory_space<vmem>>[vector<16xi32>, vector<16xi32>], vector<16xf32>,
        %gather3A_1222 = tpu.vector_load_idx %arg16[%broadcast_in_dim3A_1188, %get3A_313] : memref<32x1000xf32, #tpu.memory_space<vmem>>[vector<16xi32>, vector<16xi32>], vector<16xf32>,
        %mul3A_1223 = arith.mulf %gather3A_1196, %gather3A_1212 : vector<16xf32>
        %mul3A_1224 = arith.mulf %gather3A_1204, %gather3A_1220 : vector<16xf32>
        %add3A_1225 = arith.addf %mul3A_1223, %mul3A_1224 : vector<16xf32>
        %mul3A_1226 = arith.mulf %gather3A_1221, %add3A_1225 : vector<16xf32>
        %mul3A_1227 = arith.mulf %gather3A_1196, %gather3A_1220 : vector<16xf32>
        %mul3A_1228 = arith.mulf %gather3A_1204, %gather3A_1212 : vector<16xf32>
        %sub3A_1229 = arith.subf %mul3A_1227, %mul3A_1228 : vector<16xf32>
        %mul3A_1230 = arith.mulf %gather3A_1222, %sub3A_1229 : vector<16xf32>
        %add3A_1231 = arith.addf %mul3A_1226, %mul3A_1230 : vector<16xf32>
        %add3A_1232 = arith.addf %add3A_1174, %add3A_1231 : vector<16xf32>
        %mul3A_1233 = arith.mulf %gather3A_1196, %gather3A_1196 : vector<16xf32>
        %mul3A_1234 = arith.mulf %gather3A_1204, %gather3A_1204 : vector<16xf32>
        %add3A_1235 = arith.addf %mul3A_1233, %mul3A_1234 : vector<16xf32>
        %mul3A_1236 = arith.mulf %gather3A_1212, %gather3A_1212 : vector<16xf32>
        %add3A_1237 = arith.addf %add3A_1235, %mul3A_1236 : vector<16xf32>
        %mul3A_1238 = arith.mulf %gather3A_1220, %gather3A_1220 : vector<16xf32>
        %add3A_1239 = arith.addf %add3A_1237, %mul3A_1238 : vector<16xf32>
        %mul3A_1240 = arith.mulf %gather3A_1221, %gather3A_1221 : vector<16xf32>
        %add3A_1241 = arith.addf %add3A_1239, %mul3A_1240 : vector<16xf32>
        %mul3A_1242 = arith.mulf %gather3A_1222, %gather3A_1222 : vector<16xf32>
        %add3A_1243 = arith.addf %add3A_1241, %mul3A_1242 : vector<16xf32>
        %add3A_1244 = arith.addf %add3A_1186, %add3A_1243 : vector<16xf32>
        %broadcast_in_dim3A_1245 = arith.constant 16 : i32
        %broadcast_in_dim3A_1246 = vector.broadcast %broadcast_in_dim3A_1245 : i32 to vector<16xi32>
        %add3A_1247 = arith.constant 16 : i32
        %add3A_1248 = vector.broadcast %add3A_1247 : i32 to vector<16xi32>
        %add3A_1249 = arith.addi %mul3A_298, %add3A_1248 : vector<16xi32>
        %gather3A_1250 = arith.constant 0 : i32
        %gather3A_1251 = arith.constant 0 : i32
        %gather3A_1252 = tpu.memref_slice %arg14[%and3A_234, %gather3A_1250, %gather3A_1251] : memref<2x128x128xf32, #tpu.memory_space<vmem>> -> memref<1x128x128xf32, #tpu.memory_space<vmem>>
        %gather3A_1253 = tpu.memref_squeeze %gather3A_1252 : memref<1x128x128xf32, #tpu.memory_space<vmem>> -> memref<128x128xf32, #tpu.memory_space<vmem>>
        %gather3A_1254 = tpu.vector_load_idx %gather3A_1253[%add3A_286, %add3A_1249] : memref<128x128xf32, #tpu.memory_space<vmem>>[vector<16xi32>, vector<16xi32>], vector<16xf32>,
        %add3A_1255 = arith.constant 48 : i32
        %add3A_1256 = vector.broadcast %add3A_1255 : i32 to vector<16xi32>
        %add3A_1257 = arith.addi %mul3A_298, %add3A_1256 : vector<16xi32>
        %gather3A_1258 = arith.constant 0 : i32
        %gather3A_1259 = arith.constant 0 : i32
        %gather3A_1260 = tpu.memref_slice %arg14[%and3A_234, %gather3A_1258, %gather3A_1259] : memref<2x128x128xf32, #tpu.memory_space<vmem>> -> memref<1x128x128xf32, #tpu.memory_space<vmem>>
        %gather3A_1261 = tpu.memref_squeeze %gather3A_1260 : memref<1x128x128xf32, #tpu.memory_space<vmem>> -> memref<128x128xf32, #tpu.memory_space<vmem>>
        %gather3A_1262 = tpu.vector_load_idx %gather3A_1261[%add3A_286, %add3A_1257] : memref<128x128xf32, #tpu.memory_space<vmem>>[vector<16xi32>, vector<16xi32>], vector<16xf32>,
        %add3A_1263 = arith.constant 16 : i32
        %add3A_1264 = vector.broadcast %add3A_1263 : i32 to vector<16xi32>
        %add3A_1265 = arith.addi %mul3A_310, %add3A_1264 : vector<16xi32>
        %gather3A_1266 = arith.constant 0 : i32
        %gather3A_1267 = arith.constant 0 : i32
        %gather3A_1268 = tpu.memref_slice %arg14[%and3A_234, %gather3A_1266, %gather3A_1267] : memref<2x128x128xf32, #tpu.memory_space<vmem>> -> memref<1x128x128xf32, #tpu.memory_space<vmem>>
        %gather3A_1269 = tpu.memref_squeeze %gather3A_1268 : memref<1x128x128xf32, #tpu.memory_space<vmem>> -> memref<128x128xf32, #tpu.memory_space<vmem>>
        %gather3A_1270 = tpu.vector_load_idx %gather3A_1269[%add3A_318, %add3A_1265] : memref<128x128xf32, #tpu.memory_space<vmem>>[vector<16xi32>, vector<16xi32>], vector<16xf32>,
        %add3A_1271 = arith.constant 48 : i32
        %add3A_1272 = vector.broadcast %add3A_1271 : i32 to vector<16xi32>
        %add3A_1273 = arith.addi %mul3A_310, %add3A_1272 : vector<16xi32>
        %gather3A_1274 = arith.constant 0 : i32
        %gather3A_1275 = arith.constant 0 : i32
        %gather3A_1276 = tpu.memref_slice %arg14[%and3A_234, %gather3A_1274, %gather3A_1275] : memref<2x128x128xf32, #tpu.memory_space<vmem>> -> memref<1x128x128xf32, #tpu.memory_space<vmem>>
        %gather3A_1277 = tpu.memref_squeeze %gather3A_1276 : memref<1x128x128xf32, #tpu.memory_space<vmem>> -> memref<128x128xf32, #tpu.memory_space<vmem>>
        %gather3A_1278 = tpu.vector_load_idx %gather3A_1277[%add3A_318, %add3A_1273] : memref<128x128xf32, #tpu.memory_space<vmem>>[vector<16xi32>, vector<16xi32>], vector<16xf32>,
        %gather3A_1279 = tpu.vector_load_idx %arg15[%broadcast_in_dim3A_1246, %get3A_313] : memref<32x1000xf32, #tpu.memory_space<vmem>>[vector<16xi32>, vector<16xi32>], vector<16xf32>,
        %gather3A_1280 = tpu.vector_load_idx %arg16[%broadcast_in_dim3A_1246, %get3A_313] : memref<32x1000xf32, #tpu.memory_space<vmem>>[vector<16xi32>, vector<16xi32>], vector<16xf32>,
        %mul3A_1281 = arith.mulf %gather3A_1254, %gather3A_1270 : vector<16xf32>
        %mul3A_1282 = arith.mulf %gather3A_1262, %gather3A_1278 : vector<16xf32>
        %add3A_1283 = arith.addf %mul3A_1281, %mul3A_1282 : vector<16xf32>
        %mul3A_1284 = arith.mulf %gather3A_1279, %add3A_1283 : vector<16xf32>
        %mul3A_1285 = arith.mulf %gather3A_1254, %gather3A_1278 : vector<16xf32>
        %mul3A_1286 = arith.mulf %gather3A_1262, %gather3A_1270 : vector<16xf32>
        %sub3A_1287 = arith.subf %mul3A_1285, %mul3A_1286 : vector<16xf32>
        %mul3A_1288 = arith.mulf %gather3A_1280, %sub3A_1287 : vector<16xf32>
        %add3A_1289 = arith.addf %mul3A_1284, %mul3A_1288 : vector<16xf32>
        %add3A_1290 = arith.addf %add3A_1232, %add3A_1289 : vector<16xf32>
        %mul3A_1291 = arith.mulf %gather3A_1254, %gather3A_1254 : vector<16xf32>
        %mul3A_1292 = arith.mulf %gather3A_1262, %gather3A_1262 : vector<16xf32>
        %add3A_1293 = arith.addf %mul3A_1291, %mul3A_1292 : vector<16xf32>
        %mul3A_1294 = arith.mulf %gather3A_1270, %gather3A_1270 : vector<16xf32>
        %add3A_1295 = arith.addf %add3A_1293, %mul3A_1294 : vector<16xf32>
        %mul3A_1296 = arith.mulf %gather3A_1278, %gather3A_1278 : vector<16xf32>
        %add3A_1297 = arith.addf %add3A_1295, %mul3A_1296 : vector<16xf32>
        %mul3A_1298 = arith.mulf %gather3A_1279, %gather3A_1279 : vector<16xf32>
        %add3A_1299 = arith.addf %add3A_1297, %mul3A_1298 : vector<16xf32>
        %mul3A_1300 = arith.mulf %gather3A_1280, %gather3A_1280 : vector<16xf32>
        %add3A_1301 = arith.addf %add3A_1299, %mul3A_1300 : vector<16xf32>
        %add3A_1302 = arith.addf %add3A_1244, %add3A_1301 : vector<16xf32>
        %broadcast_in_dim3A_1303 = arith.constant 17 : i32
        %broadcast_in_dim3A_1304 = vector.broadcast %broadcast_in_dim3A_1303 : i32 to vector<16xi32>
        %add3A_1305 = arith.constant 17 : i32
        %add3A_1306 = vector.broadcast %add3A_1305 : i32 to vector<16xi32>
        %add3A_1307 = arith.addi %mul3A_298, %add3A_1306 : vector<16xi32>
        %gather3A_1308 = arith.constant 0 : i32
        %gather3A_1309 = arith.constant 0 : i32
        %gather3A_1310 = tpu.memref_slice %arg14[%and3A_234, %gather3A_1308, %gather3A_1309] : memref<2x128x128xf32, #tpu.memory_space<vmem>> -> memref<1x128x128xf32, #tpu.memory_space<vmem>>
        %gather3A_1311 = tpu.memref_squeeze %gather3A_1310 : memref<1x128x128xf32, #tpu.memory_space<vmem>> -> memref<128x128xf32, #tpu.memory_space<vmem>>
        %gather3A_1312 = tpu.vector_load_idx %gather3A_1311[%add3A_286, %add3A_1307] : memref<128x128xf32, #tpu.memory_space<vmem>>[vector<16xi32>, vector<16xi32>], vector<16xf32>,
        %add3A_1313 = arith.constant 49 : i32
        %add3A_1314 = vector.broadcast %add3A_1313 : i32 to vector<16xi32>
        %add3A_1315 = arith.addi %mul3A_298, %add3A_1314 : vector<16xi32>
        %gather3A_1316 = arith.constant 0 : i32
        %gather3A_1317 = arith.constant 0 : i32
        %gather3A_1318 = tpu.memref_slice %arg14[%and3A_234, %gather3A_1316, %gather3A_1317] : memref<2x128x128xf32, #tpu.memory_space<vmem>> -> memref<1x128x128xf32, #tpu.memory_space<vmem>>
        %gather3A_1319 = tpu.memref_squeeze %gather3A_1318 : memref<1x128x128xf32, #tpu.memory_space<vmem>> -> memref<128x128xf32, #tpu.memory_space<vmem>>
        %gather3A_1320 = tpu.vector_load_idx %gather3A_1319[%add3A_286, %add3A_1315] : memref<128x128xf32, #tpu.memory_space<vmem>>[vector<16xi32>, vector<16xi32>], vector<16xf32>,
        %add3A_1321 = arith.constant 17 : i32
        %add3A_1322 = vector.broadcast %add3A_1321 : i32 to vector<16xi32>
        %add3A_1323 = arith.addi %mul3A_310, %add3A_1322 : vector<16xi32>
        %gather3A_1324 = arith.constant 0 : i32
        %gather3A_1325 = arith.constant 0 : i32
        %gather3A_1326 = tpu.memref_slice %arg14[%and3A_234, %gather3A_1324, %gather3A_1325] : memref<2x128x128xf32, #tpu.memory_space<vmem>> -> memref<1x128x128xf32, #tpu.memory_space<vmem>>
        %gather3A_1327 = tpu.memref_squeeze %gather3A_1326 : memref<1x128x128xf32, #tpu.memory_space<vmem>> -> memref<128x128xf32, #tpu.memory_space<vmem>>
        %gather3A_1328 = tpu.vector_load_idx %gather3A_1327[%add3A_318, %add3A_1323] : memref<128x128xf32, #tpu.memory_space<vmem>>[vector<16xi32>, vector<16xi32>], vector<16xf32>,
        %add3A_1329 = arith.constant 49 : i32
        %add3A_1330 = vector.broadcast %add3A_1329 : i32 to vector<16xi32>
        %add3A_1331 = arith.addi %mul3A_310, %add3A_1330 : vector<16xi32>
        %gather3A_1332 = arith.constant 0 : i32
        %gather3A_1333 = arith.constant 0 : i32
        %gather3A_1334 = tpu.memref_slice %arg14[%and3A_234, %gather3A_1332, %gather3A_1333] : memref<2x128x128xf32, #tpu.memory_space<vmem>> -> memref<1x128x128xf32, #tpu.memory_space<vmem>>
        %gather3A_1335 = tpu.memref_squeeze %gather3A_1334 : memref<1x128x128xf32, #tpu.memory_space<vmem>> -> memref<128x128xf32, #tpu.memory_space<vmem>>
        %gather3A_1336 = tpu.vector_load_idx %gather3A_1335[%add3A_318, %add3A_1331] : memref<128x128xf32, #tpu.memory_space<vmem>>[vector<16xi32>, vector<16xi32>], vector<16xf32>,
        %gather3A_1337 = tpu.vector_load_idx %arg15[%broadcast_in_dim3A_1304, %get3A_313] : memref<32x1000xf32, #tpu.memory_space<vmem>>[vector<16xi32>, vector<16xi32>], vector<16xf32>,
        %gather3A_1338 = tpu.vector_load_idx %arg16[%broadcast_in_dim3A_1304, %get3A_313] : memref<32x1000xf32, #tpu.memory_space<vmem>>[vector<16xi32>, vector<16xi32>], vector<16xf32>,
        %mul3A_1339 = arith.mulf %gather3A_1312, %gather3A_1328 : vector<16xf32>
        %mul3A_1340 = arith.mulf %gather3A_1320, %gather3A_1336 : vector<16xf32>
        %add3A_1341 = arith.addf %mul3A_1339, %mul3A_1340 : vector<16xf32>
        %mul3A_1342 = arith.mulf %gather3A_1337, %add3A_1341 : vector<16xf32>
        %mul3A_1343 = arith.mulf %gather3A_1312, %gather3A_1336 : vector<16xf32>
        %mul3A_1344 = arith.mulf %gather3A_1320, %gather3A_1328 : vector<16xf32>
        %sub3A_1345 = arith.subf %mul3A_1343, %mul3A_1344 : vector<16xf32>
        %mul3A_1346 = arith.mulf %gather3A_1338, %sub3A_1345 : vector<16xf32>
        %add3A_1347 = arith.addf %mul3A_1342, %mul3A_1346 : vector<16xf32>
        %add3A_1348 = arith.addf %add3A_1290, %add3A_1347 : vector<16xf32>
        %mul3A_1349 = arith.mulf %gather3A_1312, %gather3A_1312 : vector<16xf32>
        %mul3A_1350 = arith.mulf %gather3A_1320, %gather3A_1320 : vector<16xf32>
        %add3A_1351 = arith.addf %mul3A_1349, %mul3A_1350 : vector<16xf32>
        %mul3A_1352 = arith.mulf %gather3A_1328, %gather3A_1328 : vector<16xf32>
        %add3A_1353 = arith.addf %add3A_1351, %mul3A_1352 : vector<16xf32>
        %mul3A_1354 = arith.mulf %gather3A_1336, %gather3A_1336 : vector<16xf32>
        %add3A_1355 = arith.addf %add3A_1353, %mul3A_1354 : vector<16xf32>
        %mul3A_1356 = arith.mulf %gather3A_1337, %gather3A_1337 : vector<16xf32>
        %add3A_1357 = arith.addf %add3A_1355, %mul3A_1356 : vector<16xf32>
        %mul3A_1358 = arith.mulf %gather3A_1338, %gather3A_1338 : vector<16xf32>
        %add3A_1359 = arith.addf %add3A_1357, %mul3A_1358 : vector<16xf32>
        %add3A_1360 = arith.addf %add3A_1302, %add3A_1359 : vector<16xf32>
        %broadcast_in_dim3A_1361 = arith.constant 18 : i32
        %broadcast_in_dim3A_1362 = vector.broadcast %broadcast_in_dim3A_1361 : i32 to vector<16xi32>
        %add3A_1363 = arith.constant 18 : i32
        %add3A_1364 = vector.broadcast %add3A_1363 : i32 to vector<16xi32>
        %add3A_1365 = arith.addi %mul3A_298, %add3A_1364 : vector<16xi32>
        %gather3A_1366 = arith.constant 0 : i32
        %gather3A_1367 = arith.constant 0 : i32
        %gather3A_1368 = tpu.memref_slice %arg14[%and3A_234, %gather3A_1366, %gather3A_1367] : memref<2x128x128xf32, #tpu.memory_space<vmem>> -> memref<1x128x128xf32, #tpu.memory_space<vmem>>
        %gather3A_1369 = tpu.memref_squeeze %gather3A_1368 : memref<1x128x128xf32, #tpu.memory_space<vmem>> -> memref<128x128xf32, #tpu.memory_space<vmem>>
        %gather3A_1370 = tpu.vector_load_idx %gather3A_1369[%add3A_286, %add3A_1365] : memref<128x128xf32, #tpu.memory_space<vmem>>[vector<16xi32>, vector<16xi32>], vector<16xf32>,
        %add3A_1371 = arith.constant 50 : i32
        %add3A_1372 = vector.broadcast %add3A_1371 : i32 to vector<16xi32>
        %add3A_1373 = arith.addi %mul3A_298, %add3A_1372 : vector<16xi32>
        %gather3A_1374 = arith.constant 0 : i32
        %gather3A_1375 = arith.constant 0 : i32
        %gather3A_1376 = tpu.memref_slice %arg14[%and3A_234, %gather3A_1374, %gather3A_1375] : memref<2x128x128xf32, #tpu.memory_space<vmem>> -> memref<1x128x128xf32, #tpu.memory_space<vmem>>
        %gather3A_1377 = tpu.memref_squeeze %gather3A_1376 : memref<1x128x128xf32, #tpu.memory_space<vmem>> -> memref<128x128xf32, #tpu.memory_space<vmem>>
        %gather3A_1378 = tpu.vector_load_idx %gather3A_1377[%add3A_286, %add3A_1373] : memref<128x128xf32, #tpu.memory_space<vmem>>[vector<16xi32>, vector<16xi32>], vector<16xf32>,
        %add3A_1379 = arith.constant 18 : i32
        %add3A_1380 = vector.broadcast %add3A_1379 : i32 to vector<16xi32>
        %add3A_1381 = arith.addi %mul3A_310, %add3A_1380 : vector<16xi32>
        %gather3A_1382 = arith.constant 0 : i32
        %gather3A_1383 = arith.constant 0 : i32
        %gather3A_1384 = tpu.memref_slice %arg14[%and3A_234, %gather3A_1382, %gather3A_1383] : memref<2x128x128xf32, #tpu.memory_space<vmem>> -> memref<1x128x128xf32, #tpu.memory_space<vmem>>
        %gather3A_1385 = tpu.memref_squeeze %gather3A_1384 : memref<1x128x128xf32, #tpu.memory_space<vmem>> -> memref<128x128xf32, #tpu.memory_space<vmem>>
        %gather3A_1386 = tpu.vector_load_idx %gather3A_1385[%add3A_318, %add3A_1381] : memref<128x128xf32, #tpu.memory_space<vmem>>[vector<16xi32>, vector<16xi32>], vector<16xf32>,
        %add3A_1387 = arith.constant 50 : i32
        %add3A_1388 = vector.broadcast %add3A_1387 : i32 to vector<16xi32>
        %add3A_1389 = arith.addi %mul3A_310, %add3A_1388 : vector<16xi32>
        %gather3A_1390 = arith.constant 0 : i32
        %gather3A_1391 = arith.constant 0 : i32
        %gather3A_1392 = tpu.memref_slice %arg14[%and3A_234, %gather3A_1390, %gather3A_1391] : memref<2x128x128xf32, #tpu.memory_space<vmem>> -> memref<1x128x128xf32, #tpu.memory_space<vmem>>
        %gather3A_1393 = tpu.memref_squeeze %gather3A_1392 : memref<1x128x128xf32, #tpu.memory_space<vmem>> -> memref<128x128xf32, #tpu.memory_space<vmem>>
        %gather3A_1394 = tpu.vector_load_idx %gather3A_1393[%add3A_318, %add3A_1389] : memref<128x128xf32, #tpu.memory_space<vmem>>[vector<16xi32>, vector<16xi32>], vector<16xf32>,
        %gather3A_1395 = tpu.vector_load_idx %arg15[%broadcast_in_dim3A_1362, %get3A_313] : memref<32x1000xf32, #tpu.memory_space<vmem>>[vector<16xi32>, vector<16xi32>], vector<16xf32>,
        %gather3A_1396 = tpu.vector_load_idx %arg16[%broadcast_in_dim3A_1362, %get3A_313] : memref<32x1000xf32, #tpu.memory_space<vmem>>[vector<16xi32>, vector<16xi32>], vector<16xf32>,
        %mul3A_1397 = arith.mulf %gather3A_1370, %gather3A_1386 : vector<16xf32>
        %mul3A_1398 = arith.mulf %gather3A_1378, %gather3A_1394 : vector<16xf32>
        %add3A_1399 = arith.addf %mul3A_1397, %mul3A_1398 : vector<16xf32>
        %mul3A_1400 = arith.mulf %gather3A_1395, %add3A_1399 : vector<16xf32>
        %mul3A_1401 = arith.mulf %gather3A_1370, %gather3A_1394 : vector<16xf32>
        %mul3A_1402 = arith.mulf %gather3A_1378, %gather3A_1386 : vector<16xf32>
        %sub3A_1403 = arith.subf %mul3A_1401, %mul3A_1402 : vector<16xf32>
        %mul3A_1404 = arith.mulf %gather3A_1396, %sub3A_1403 : vector<16xf32>
        %add3A_1405 = arith.addf %mul3A_1400, %mul3A_1404 : vector<16xf32>
        %add3A_1406 = arith.addf %add3A_1348, %add3A_1405 : vector<16xf32>
        %mul3A_1407 = arith.mulf %gather3A_1370, %gather3A_1370 : vector<16xf32>
        %mul3A_1408 = arith.mulf %gather3A_1378, %gather3A_1378 : vector<16xf32>
        %add3A_1409 = arith.addf %mul3A_1407, %mul3A_1408 : vector<16xf32>
        %mul3A_1410 = arith.mulf %gather3A_1386, %gather3A_1386 : vector<16xf32>
        %add3A_1411 = arith.addf %add3A_1409, %mul3A_1410 : vector<16xf32>
        %mul3A_1412 = arith.mulf %gather3A_1394, %gather3A_1394 : vector<16xf32>
        %add3A_1413 = arith.addf %add3A_1411, %mul3A_1412 : vector<16xf32>
        %mul3A_1414 = arith.mulf %gather3A_1395, %gather3A_1395 : vector<16xf32>
        %add3A_1415 = arith.addf %add3A_1413, %mul3A_1414 : vector<16xf32>
        %mul3A_1416 = arith.mulf %gather3A_1396, %gather3A_1396 : vector<16xf32>
        %add3A_1417 = arith.addf %add3A_1415, %mul3A_1416 : vector<16xf32>
        %add3A_1418 = arith.addf %add3A_1360, %add3A_1417 : vector<16xf32>
        %broadcast_in_dim3A_1419 = arith.constant 19 : i32
        %broadcast_in_dim3A_1420 = vector.broadcast %broadcast_in_dim3A_1419 : i32 to vector<16xi32>
        %add3A_1421 = arith.constant 19 : i32
        %add3A_1422 = vector.broadcast %add3A_1421 : i32 to vector<16xi32>
        %add3A_1423 = arith.addi %mul3A_298, %add3A_1422 : vector<16xi32>
        %gather3A_1424 = arith.constant 0 : i32
        %gather3A_1425 = arith.constant 0 : i32
        %gather3A_1426 = tpu.memref_slice %arg14[%and3A_234, %gather3A_1424, %gather3A_1425] : memref<2x128x128xf32, #tpu.memory_space<vmem>> -> memref<1x128x128xf32, #tpu.memory_space<vmem>>
        %gather3A_1427 = tpu.memref_squeeze %gather3A_1426 : memref<1x128x128xf32, #tpu.memory_space<vmem>> -> memref<128x128xf32, #tpu.memory_space<vmem>>
        %gather3A_1428 = tpu.vector_load_idx %gather3A_1427[%add3A_286, %add3A_1423] : memref<128x128xf32, #tpu.memory_space<vmem>>[vector<16xi32>, vector<16xi32>], vector<16xf32>,
        %add3A_1429 = arith.constant 51 : i32
        %add3A_1430 = vector.broadcast %add3A_1429 : i32 to vector<16xi32>
        %add3A_1431 = arith.addi %mul3A_298, %add3A_1430 : vector<16xi32>
        %gather3A_1432 = arith.constant 0 : i32
        %gather3A_1433 = arith.constant 0 : i32
        %gather3A_1434 = tpu.memref_slice %arg14[%and3A_234, %gather3A_1432, %gather3A_1433] : memref<2x128x128xf32, #tpu.memory_space<vmem>> -> memref<1x128x128xf32, #tpu.memory_space<vmem>>
        %gather3A_1435 = tpu.memref_squeeze %gather3A_1434 : memref<1x128x128xf32, #tpu.memory_space<vmem>> -> memref<128x128xf32, #tpu.memory_space<vmem>>
        %gather3A_1436 = tpu.vector_load_idx %gather3A_1435[%add3A_286, %add3A_1431] : memref<128x128xf32, #tpu.memory_space<vmem>>[vector<16xi32>, vector<16xi32>], vector<16xf32>,
        %add3A_1437 = arith.constant 19 : i32
        %add3A_1438 = vector.broadcast %add3A_1437 : i32 to vector<16xi32>
        %add3A_1439 = arith.addi %mul3A_310, %add3A_1438 : vector<16xi32>
        %gather3A_1440 = arith.constant 0 : i32
        %gather3A_1441 = arith.constant 0 : i32
        %gather3A_1442 = tpu.memref_slice %arg14[%and3A_234, %gather3A_1440, %gather3A_1441] : memref<2x128x128xf32, #tpu.memory_space<vmem>> -> memref<1x128x128xf32, #tpu.memory_space<vmem>>
        %gather3A_1443 = tpu.memref_squeeze %gather3A_1442 : memref<1x128x128xf32, #tpu.memory_space<vmem>> -> memref<128x128xf32, #tpu.memory_space<vmem>>
        %gather3A_1444 = tpu.vector_load_idx %gather3A_1443[%add3A_318, %add3A_1439] : memref<128x128xf32, #tpu.memory_space<vmem>>[vector<16xi32>, vector<16xi32>], vector<16xf32>,
        %add3A_1445 = arith.constant 51 : i32
        %add3A_1446 = vector.broadcast %add3A_1445 : i32 to vector<16xi32>
        %add3A_1447 = arith.addi %mul3A_310, %add3A_1446 : vector<16xi32>
        %gather3A_1448 = arith.constant 0 : i32
        %gather3A_1449 = arith.constant 0 : i32
        %gather3A_1450 = tpu.memref_slice %arg14[%and3A_234, %gather3A_1448, %gather3A_1449] : memref<2x128x128xf32, #tpu.memory_space<vmem>> -> memref<1x128x128xf32, #tpu.memory_space<vmem>>
        %gather3A_1451 = tpu.memref_squeeze %gather3A_1450 : memref<1x128x128xf32, #tpu.memory_space<vmem>> -> memref<128x128xf32, #tpu.memory_space<vmem>>
        %gather3A_1452 = tpu.vector_load_idx %gather3A_1451[%add3A_318, %add3A_1447] : memref<128x128xf32, #tpu.memory_space<vmem>>[vector<16xi32>, vector<16xi32>], vector<16xf32>,
        %gather3A_1453 = tpu.vector_load_idx %arg15[%broadcast_in_dim3A_1420, %get3A_313] : memref<32x1000xf32, #tpu.memory_space<vmem>>[vector<16xi32>, vector<16xi32>], vector<16xf32>,
        %gather3A_1454 = tpu.vector_load_idx %arg16[%broadcast_in_dim3A_1420, %get3A_313] : memref<32x1000xf32, #tpu.memory_space<vmem>>[vector<16xi32>, vector<16xi32>], vector<16xf32>,
        %mul3A_1455 = arith.mulf %gather3A_1428, %gather3A_1444 : vector<16xf32>
        %mul3A_1456 = arith.mulf %gather3A_1436, %gather3A_1452 : vector<16xf32>
        %add3A_1457 = arith.addf %mul3A_1455, %mul3A_1456 : vector<16xf32>
        %mul3A_1458 = arith.mulf %gather3A_1453, %add3A_1457 : vector<16xf32>
        %mul3A_1459 = arith.mulf %gather3A_1428, %gather3A_1452 : vector<16xf32>
        %mul3A_1460 = arith.mulf %gather3A_1436, %gather3A_1444 : vector<16xf32>
        %sub3A_1461 = arith.subf %mul3A_1459, %mul3A_1460 : vector<16xf32>
        %mul3A_1462 = arith.mulf %gather3A_1454, %sub3A_1461 : vector<16xf32>
        %add3A_1463 = arith.addf %mul3A_1458, %mul3A_1462 : vector<16xf32>
        %add3A_1464 = arith.addf %add3A_1406, %add3A_1463 : vector<16xf32>
        %mul3A_1465 = arith.mulf %gather3A_1428, %gather3A_1428 : vector<16xf32>
        %mul3A_1466 = arith.mulf %gather3A_1436, %gather3A_1436 : vector<16xf32>
        %add3A_1467 = arith.addf %mul3A_1465, %mul3A_1466 : vector<16xf32>
        %mul3A_1468 = arith.mulf %gather3A_1444, %gather3A_1444 : vector<16xf32>
        %add3A_1469 = arith.addf %add3A_1467, %mul3A_1468 : vector<16xf32>
        %mul3A_1470 = arith.mulf %gather3A_1452, %gather3A_1452 : vector<16xf32>
        %add3A_1471 = arith.addf %add3A_1469, %mul3A_1470 : vector<16xf32>
        %mul3A_1472 = arith.mulf %gather3A_1453, %gather3A_1453 : vector<16xf32>
        %add3A_1473 = arith.addf %add3A_1471, %mul3A_1472 : vector<16xf32>
        %mul3A_1474 = arith.mulf %gather3A_1454, %gather3A_1454 : vector<16xf32>
        %add3A_1475 = arith.addf %add3A_1473, %mul3A_1474 : vector<16xf32>
        %add3A_1476 = arith.addf %add3A_1418, %add3A_1475 : vector<16xf32>
        %broadcast_in_dim3A_1477 = arith.constant 20 : i32
        %broadcast_in_dim3A_1478 = vector.broadcast %broadcast_in_dim3A_1477 : i32 to vector<16xi32>
        %add3A_1479 = arith.constant 20 : i32
        %add3A_1480 = vector.broadcast %add3A_1479 : i32 to vector<16xi32>
        %add3A_1481 = arith.addi %mul3A_298, %add3A_1480 : vector<16xi32>
        %gather3A_1482 = arith.constant 0 : i32
        %gather3A_1483 = arith.constant 0 : i32
        %gather3A_1484 = tpu.memref_slice %arg14[%and3A_234, %gather3A_1482, %gather3A_1483] : memref<2x128x128xf32, #tpu.memory_space<vmem>> -> memref<1x128x128xf32, #tpu.memory_space<vmem>>
        %gather3A_1485 = tpu.memref_squeeze %gather3A_1484 : memref<1x128x128xf32, #tpu.memory_space<vmem>> -> memref<128x128xf32, #tpu.memory_space<vmem>>
        %gather3A_1486 = tpu.vector_load_idx %gather3A_1485[%add3A_286, %add3A_1481] : memref<128x128xf32, #tpu.memory_space<vmem>>[vector<16xi32>, vector<16xi32>], vector<16xf32>,
        %add3A_1487 = arith.constant 52 : i32
        %add3A_1488 = vector.broadcast %add3A_1487 : i32 to vector<16xi32>
        %add3A_1489 = arith.addi %mul3A_298, %add3A_1488 : vector<16xi32>
        %gather3A_1490 = arith.constant 0 : i32
        %gather3A_1491 = arith.constant 0 : i32
        %gather3A_1492 = tpu.memref_slice %arg14[%and3A_234, %gather3A_1490, %gather3A_1491] : memref<2x128x128xf32, #tpu.memory_space<vmem>> -> memref<1x128x128xf32, #tpu.memory_space<vmem>>
        %gather3A_1493 = tpu.memref_squeeze %gather3A_1492 : memref<1x128x128xf32, #tpu.memory_space<vmem>> -> memref<128x128xf32, #tpu.memory_space<vmem>>
        %gather3A_1494 = tpu.vector_load_idx %gather3A_1493[%add3A_286, %add3A_1489] : memref<128x128xf32, #tpu.memory_space<vmem>>[vector<16xi32>, vector<16xi32>], vector<16xf32>,
        %add3A_1495 = arith.constant 20 : i32
        %add3A_1496 = vector.broadcast %add3A_1495 : i32 to vector<16xi32>
        %add3A_1497 = arith.addi %mul3A_310, %add3A_1496 : vector<16xi32>
        %gather3A_1498 = arith.constant 0 : i32
        %gather3A_1499 = arith.constant 0 : i32
        %gather3A_1500 = tpu.memref_slice %arg14[%and3A_234, %gather3A_1498, %gather3A_1499] : memref<2x128x128xf32, #tpu.memory_space<vmem>> -> memref<1x128x128xf32, #tpu.memory_space<vmem>>
        %gather3A_1501 = tpu.memref_squeeze %gather3A_1500 : memref<1x128x128xf32, #tpu.memory_space<vmem>> -> memref<128x128xf32, #tpu.memory_space<vmem>>
        %gather3A_1502 = tpu.vector_load_idx %gather3A_1501[%add3A_318, %add3A_1497] : memref<128x128xf32, #tpu.memory_space<vmem>>[vector<16xi32>, vector<16xi32>], vector<16xf32>,
        %add3A_1503 = arith.constant 52 : i32
        %add3A_1504 = vector.broadcast %add3A_1503 : i32 to vector<16xi32>
        %add3A_1505 = arith.addi %mul3A_310, %add3A_1504 : vector<16xi32>
        %gather3A_1506 = arith.constant 0 : i32
        %gather3A_1507 = arith.constant 0 : i32
        %gather3A_1508 = tpu.memref_slice %arg14[%and3A_234, %gather3A_1506, %gather3A_1507] : memref<2x128x128xf32, #tpu.memory_space<vmem>> -> memref<1x128x128xf32, #tpu.memory_space<vmem>>
        %gather3A_1509 = tpu.memref_squeeze %gather3A_1508 : memref<1x128x128xf32, #tpu.memory_space<vmem>> -> memref<128x128xf32, #tpu.memory_space<vmem>>
        %gather3A_1510 = tpu.vector_load_idx %gather3A_1509[%add3A_318, %add3A_1505] : memref<128x128xf32, #tpu.memory_space<vmem>>[vector<16xi32>, vector<16xi32>], vector<16xf32>,
        %gather3A_1511 = tpu.vector_load_idx %arg15[%broadcast_in_dim3A_1478, %get3A_313] : memref<32x1000xf32, #tpu.memory_space<vmem>>[vector<16xi32>, vector<16xi32>], vector<16xf32>,
        %gather3A_1512 = tpu.vector_load_idx %arg16[%broadcast_in_dim3A_1478, %get3A_313] : memref<32x1000xf32, #tpu.memory_space<vmem>>[vector<16xi32>, vector<16xi32>], vector<16xf32>,
        %mul3A_1513 = arith.mulf %gather3A_1486, %gather3A_1502 : vector<16xf32>
        %mul3A_1514 = arith.mulf %gather3A_1494, %gather3A_1510 : vector<16xf32>
        %add3A_1515 = arith.addf %mul3A_1513, %mul3A_1514 : vector<16xf32>
        %mul3A_1516 = arith.mulf %gather3A_1511, %add3A_1515 : vector<16xf32>
        %mul3A_1517 = arith.mulf %gather3A_1486, %gather3A_1510 : vector<16xf32>
        %mul3A_1518 = arith.mulf %gather3A_1494, %gather3A_1502 : vector<16xf32>
        %sub3A_1519 = arith.subf %mul3A_1517, %mul3A_1518 : vector<16xf32>
        %mul3A_1520 = arith.mulf %gather3A_1512, %sub3A_1519 : vector<16xf32>
        %add3A_1521 = arith.addf %mul3A_1516, %mul3A_1520 : vector<16xf32>
        %add3A_1522 = arith.addf %add3A_1464, %add3A_1521 : vector<16xf32>
        %mul3A_1523 = arith.mulf %gather3A_1486, %gather3A_1486 : vector<16xf32>
        %mul3A_1524 = arith.mulf %gather3A_1494, %gather3A_1494 : vector<16xf32>
        %add3A_1525 = arith.addf %mul3A_1523, %mul3A_1524 : vector<16xf32>
        %mul3A_1526 = arith.mulf %gather3A_1502, %gather3A_1502 : vector<16xf32>
        %add3A_1527 = arith.addf %add3A_1525, %mul3A_1526 : vector<16xf32>
        %mul3A_1528 = arith.mulf %gather3A_1510, %gather3A_1510 : vector<16xf32>
        %add3A_1529 = arith.addf %add3A_1527, %mul3A_1528 : vector<16xf32>
        %mul3A_1530 = arith.mulf %gather3A_1511, %gather3A_1511 : vector<16xf32>
        %add3A_1531 = arith.addf %add3A_1529, %mul3A_1530 : vector<16xf32>
        %mul3A_1532 = arith.mulf %gather3A_1512, %gather3A_1512 : vector<16xf32>
        %add3A_1533 = arith.addf %add3A_1531, %mul3A_1532 : vector<16xf32>
        %add3A_1534 = arith.addf %add3A_1476, %add3A_1533 : vector<16xf32>
        %broadcast_in_dim3A_1535 = arith.constant 21 : i32
        %broadcast_in_dim3A_1536 = vector.broadcast %broadcast_in_dim3A_1535 : i32 to vector<16xi32>
        %add3A_1537 = arith.constant 21 : i32
        %add3A_1538 = vector.broadcast %add3A_1537 : i32 to vector<16xi32>
        %add3A_1539 = arith.addi %mul3A_298, %add3A_1538 : vector<16xi32>
        %gather3A_1540 = arith.constant 0 : i32
        %gather3A_1541 = arith.constant 0 : i32
        %gather3A_1542 = tpu.memref_slice %arg14[%and3A_234, %gather3A_1540, %gather3A_1541] : memref<2x128x128xf32, #tpu.memory_space<vmem>> -> memref<1x128x128xf32, #tpu.memory_space<vmem>>
        %gather3A_1543 = tpu.memref_squeeze %gather3A_1542 : memref<1x128x128xf32, #tpu.memory_space<vmem>> -> memref<128x128xf32, #tpu.memory_space<vmem>>
        %gather3A_1544 = tpu.vector_load_idx %gather3A_1543[%add3A_286, %add3A_1539] : memref<128x128xf32, #tpu.memory_space<vmem>>[vector<16xi32>, vector<16xi32>], vector<16xf32>,
        %add3A_1545 = arith.constant 53 : i32
        %add3A_1546 = vector.broadcast %add3A_1545 : i32 to vector<16xi32>
        %add3A_1547 = arith.addi %mul3A_298, %add3A_1546 : vector<16xi32>
        %gather3A_1548 = arith.constant 0 : i32
        %gather3A_1549 = arith.constant 0 : i32
        %gather3A_1550 = tpu.memref_slice %arg14[%and3A_234, %gather3A_1548, %gather3A_1549] : memref<2x128x128xf32, #tpu.memory_space<vmem>> -> memref<1x128x128xf32, #tpu.memory_space<vmem>>
        %gather3A_1551 = tpu.memref_squeeze %gather3A_1550 : memref<1x128x128xf32, #tpu.memory_space<vmem>> -> memref<128x128xf32, #tpu.memory_space<vmem>>
        %gather3A_1552 = tpu.vector_load_idx %gather3A_1551[%add3A_286, %add3A_1547] : memref<128x128xf32, #tpu.memory_space<vmem>>[vector<16xi32>, vector<16xi32>], vector<16xf32>,
        %add3A_1553 = arith.constant 21 : i32
        %add3A_1554 = vector.broadcast %add3A_1553 : i32 to vector<16xi32>
        %add3A_1555 = arith.addi %mul3A_310, %add3A_1554 : vector<16xi32>
        %gather3A_1556 = arith.constant 0 : i32
        %gather3A_1557 = arith.constant 0 : i32
        %gather3A_1558 = tpu.memref_slice %arg14[%and3A_234, %gather3A_1556, %gather3A_1557] : memref<2x128x128xf32, #tpu.memory_space<vmem>> -> memref<1x128x128xf32, #tpu.memory_space<vmem>>
        %gather3A_1559 = tpu.memref_squeeze %gather3A_1558 : memref<1x128x128xf32, #tpu.memory_space<vmem>> -> memref<128x128xf32, #tpu.memory_space<vmem>>
        %gather3A_1560 = tpu.vector_load_idx %gather3A_1559[%add3A_318, %add3A_1555] : memref<128x128xf32, #tpu.memory_space<vmem>>[vector<16xi32>, vector<16xi32>], vector<16xf32>,
        %add3A_1561 = arith.constant 53 : i32
        %add3A_1562 = vector.broadcast %add3A_1561 : i32 to vector<16xi32>
        %add3A_1563 = arith.addi %mul3A_310, %add3A_1562 : vector<16xi32>
        %gather3A_1564 = arith.constant 0 : i32
        %gather3A_1565 = arith.constant 0 : i32
        %gather3A_1566 = tpu.memref_slice %arg14[%and3A_234, %gather3A_1564, %gather3A_1565] : memref<2x128x128xf32, #tpu.memory_space<vmem>> -> memref<1x128x128xf32, #tpu.memory_space<vmem>>
        %gather3A_1567 = tpu.memref_squeeze %gather3A_1566 : memref<1x128x128xf32, #tpu.memory_space<vmem>> -> memref<128x128xf32, #tpu.memory_space<vmem>>
        %gather3A_1568 = tpu.vector_load_idx %gather3A_1567[%add3A_318, %add3A_1563] : memref<128x128xf32, #tpu.memory_space<vmem>>[vector<16xi32>, vector<16xi32>], vector<16xf32>,
        %gather3A_1569 = tpu.vector_load_idx %arg15[%broadcast_in_dim3A_1536, %get3A_313] : memref<32x1000xf32, #tpu.memory_space<vmem>>[vector<16xi32>, vector<16xi32>], vector<16xf32>,
        %gather3A_1570 = tpu.vector_load_idx %arg16[%broadcast_in_dim3A_1536, %get3A_313] : memref<32x1000xf32, #tpu.memory_space<vmem>>[vector<16xi32>, vector<16xi32>], vector<16xf32>,
        %mul3A_1571 = arith.mulf %gather3A_1544, %gather3A_1560 : vector<16xf32>
        %mul3A_1572 = arith.mulf %gather3A_1552, %gather3A_1568 : vector<16xf32>
        %add3A_1573 = arith.addf %mul3A_1571, %mul3A_1572 : vector<16xf32>
        %mul3A_1574 = arith.mulf %gather3A_1569, %add3A_1573 : vector<16xf32>
        %mul3A_1575 = arith.mulf %gather3A_1544, %gather3A_1568 : vector<16xf32>
        %mul3A_1576 = arith.mulf %gather3A_1552, %gather3A_1560 : vector<16xf32>
        %sub3A_1577 = arith.subf %mul3A_1575, %mul3A_1576 : vector<16xf32>
        %mul3A_1578 = arith.mulf %gather3A_1570, %sub3A_1577 : vector<16xf32>
        %add3A_1579 = arith.addf %mul3A_1574, %mul3A_1578 : vector<16xf32>
        %add3A_1580 = arith.addf %add3A_1522, %add3A_1579 : vector<16xf32>
        %mul3A_1581 = arith.mulf %gather3A_1544, %gather3A_1544 : vector<16xf32>
        %mul3A_1582 = arith.mulf %gather3A_1552, %gather3A_1552 : vector<16xf32>
        %add3A_1583 = arith.addf %mul3A_1581, %mul3A_1582 : vector<16xf32>
        %mul3A_1584 = arith.mulf %gather3A_1560, %gather3A_1560 : vector<16xf32>
        %add3A_1585 = arith.addf %add3A_1583, %mul3A_1584 : vector<16xf32>
        %mul3A_1586 = arith.mulf %gather3A_1568, %gather3A_1568 : vector<16xf32>
        %add3A_1587 = arith.addf %add3A_1585, %mul3A_1586 : vector<16xf32>
        %mul3A_1588 = arith.mulf %gather3A_1569, %gather3A_1569 : vector<16xf32>
        %add3A_1589 = arith.addf %add3A_1587, %mul3A_1588 : vector<16xf32>
        %mul3A_1590 = arith.mulf %gather3A_1570, %gather3A_1570 : vector<16xf32>
        %add3A_1591 = arith.addf %add3A_1589, %mul3A_1590 : vector<16xf32>
        %add3A_1592 = arith.addf %add3A_1534, %add3A_1591 : vector<16xf32>
        %broadcast_in_dim3A_1593 = arith.constant 22 : i32
        %broadcast_in_dim3A_1594 = vector.broadcast %broadcast_in_dim3A_1593 : i32 to vector<16xi32>
        %add3A_1595 = arith.constant 22 : i32
        %add3A_1596 = vector.broadcast %add3A_1595 : i32 to vector<16xi32>
        %add3A_1597 = arith.addi %mul3A_298, %add3A_1596 : vector<16xi32>
        %gather3A_1598 = arith.constant 0 : i32
        %gather3A_1599 = arith.constant 0 : i32
        %gather3A_1600 = tpu.memref_slice %arg14[%and3A_234, %gather3A_1598, %gather3A_1599] : memref<2x128x128xf32, #tpu.memory_space<vmem>> -> memref<1x128x128xf32, #tpu.memory_space<vmem>>
        %gather3A_1601 = tpu.memref_squeeze %gather3A_1600 : memref<1x128x128xf32, #tpu.memory_space<vmem>> -> memref<128x128xf32, #tpu.memory_space<vmem>>
        %gather3A_1602 = tpu.vector_load_idx %gather3A_1601[%add3A_286, %add3A_1597] : memref<128x128xf32, #tpu.memory_space<vmem>>[vector<16xi32>, vector<16xi32>], vector<16xf32>,
        %add3A_1603 = arith.constant 54 : i32
        %add3A_1604 = vector.broadcast %add3A_1603 : i32 to vector<16xi32>
        %add3A_1605 = arith.addi %mul3A_298, %add3A_1604 : vector<16xi32>
        %gather3A_1606 = arith.constant 0 : i32
        %gather3A_1607 = arith.constant 0 : i32
        %gather3A_1608 = tpu.memref_slice %arg14[%and3A_234, %gather3A_1606, %gather3A_1607] : memref<2x128x128xf32, #tpu.memory_space<vmem>> -> memref<1x128x128xf32, #tpu.memory_space<vmem>>
        %gather3A_1609 = tpu.memref_squeeze %gather3A_1608 : memref<1x128x128xf32, #tpu.memory_space<vmem>> -> memref<128x128xf32, #tpu.memory_space<vmem>>
        %gather3A_1610 = tpu.vector_load_idx %gather3A_1609[%add3A_286, %add3A_1605] : memref<128x128xf32, #tpu.memory_space<vmem>>[vector<16xi32>, vector<16xi32>], vector<16xf32>,
        %add3A_1611 = arith.constant 22 : i32
        %add3A_1612 = vector.broadcast %add3A_1611 : i32 to vector<16xi32>
        %add3A_1613 = arith.addi %mul3A_310, %add3A_1612 : vector<16xi32>
        %gather3A_1614 = arith.constant 0 : i32
        %gather3A_1615 = arith.constant 0 : i32
        %gather3A_1616 = tpu.memref_slice %arg14[%and3A_234, %gather3A_1614, %gather3A_1615] : memref<2x128x128xf32, #tpu.memory_space<vmem>> -> memref<1x128x128xf32, #tpu.memory_space<vmem>>
        %gather3A_1617 = tpu.memref_squeeze %gather3A_1616 : memref<1x128x128xf32, #tpu.memory_space<vmem>> -> memref<128x128xf32, #tpu.memory_space<vmem>>
        %gather3A_1618 = tpu.vector_load_idx %gather3A_1617[%add3A_318, %add3A_1613] : memref<128x128xf32, #tpu.memory_space<vmem>>[vector<16xi32>, vector<16xi32>], vector<16xf32>,
        %add3A_1619 = arith.constant 54 : i32
        %add3A_1620 = vector.broadcast %add3A_1619 : i32 to vector<16xi32>
        %add3A_1621 = arith.addi %mul3A_310, %add3A_1620 : vector<16xi32>
        %gather3A_1622 = arith.constant 0 : i32
        %gather3A_1623 = arith.constant 0 : i32
        %gather3A_1624 = tpu.memref_slice %arg14[%and3A_234, %gather3A_1622, %gather3A_1623] : memref<2x128x128xf32, #tpu.memory_space<vmem>> -> memref<1x128x128xf32, #tpu.memory_space<vmem>>
        %gather3A_1625 = tpu.memref_squeeze %gather3A_1624 : memref<1x128x128xf32, #tpu.memory_space<vmem>> -> memref<128x128xf32, #tpu.memory_space<vmem>>
        %gather3A_1626 = tpu.vector_load_idx %gather3A_1625[%add3A_318, %add3A_1621] : memref<128x128xf32, #tpu.memory_space<vmem>>[vector<16xi32>, vector<16xi32>], vector<16xf32>,
        %gather3A_1627 = tpu.vector_load_idx %arg15[%broadcast_in_dim3A_1594, %get3A_313] : memref<32x1000xf32, #tpu.memory_space<vmem>>[vector<16xi32>, vector<16xi32>], vector<16xf32>,
        %gather3A_1628 = tpu.vector_load_idx %arg16[%broadcast_in_dim3A_1594, %get3A_313] : memref<32x1000xf32, #tpu.memory_space<vmem>>[vector<16xi32>, vector<16xi32>], vector<16xf32>,
        %mul3A_1629 = arith.mulf %gather3A_1602, %gather3A_1618 : vector<16xf32>
        %mul3A_1630 = arith.mulf %gather3A_1610, %gather3A_1626 : vector<16xf32>
        %add3A_1631 = arith.addf %mul3A_1629, %mul3A_1630 : vector<16xf32>
        %mul3A_1632 = arith.mulf %gather3A_1627, %add3A_1631 : vector<16xf32>
        %mul3A_1633 = arith.mulf %gather3A_1602, %gather3A_1626 : vector<16xf32>
        %mul3A_1634 = arith.mulf %gather3A_1610, %gather3A_1618 : vector<16xf32>
        %sub3A_1635 = arith.subf %mul3A_1633, %mul3A_1634 : vector<16xf32>
        %mul3A_1636 = arith.mulf %gather3A_1628, %sub3A_1635 : vector<16xf32>
        %add3A_1637 = arith.addf %mul3A_1632, %mul3A_1636 : vector<16xf32>
        %add3A_1638 = arith.addf %add3A_1580, %add3A_1637 : vector<16xf32>
        %mul3A_1639 = arith.mulf %gather3A_1602, %gather3A_1602 : vector<16xf32>
        %mul3A_1640 = arith.mulf %gather3A_1610, %gather3A_1610 : vector<16xf32>
        %add3A_1641 = arith.addf %mul3A_1639, %mul3A_1640 : vector<16xf32>
        %mul3A_1642 = arith.mulf %gather3A_1618, %gather3A_1618 : vector<16xf32>
        %add3A_1643 = arith.addf %add3A_1641, %mul3A_1642 : vector<16xf32>
        %mul3A_1644 = arith.mulf %gather3A_1626, %gather3A_1626 : vector<16xf32>
        %add3A_1645 = arith.addf %add3A_1643, %mul3A_1644 : vector<16xf32>
        %mul3A_1646 = arith.mulf %gather3A_1627, %gather3A_1627 : vector<16xf32>
        %add3A_1647 = arith.addf %add3A_1645, %mul3A_1646 : vector<16xf32>
        %mul3A_1648 = arith.mulf %gather3A_1628, %gather3A_1628 : vector<16xf32>
        %add3A_1649 = arith.addf %add3A_1647, %mul3A_1648 : vector<16xf32>
        %add3A_1650 = arith.addf %add3A_1592, %add3A_1649 : vector<16xf32>
        %broadcast_in_dim3A_1651 = arith.constant 23 : i32
        %broadcast_in_dim3A_1652 = vector.broadcast %broadcast_in_dim3A_1651 : i32 to vector<16xi32>
        %add3A_1653 = arith.constant 23 : i32
        %add3A_1654 = vector.broadcast %add3A_1653 : i32 to vector<16xi32>
        %add3A_1655 = arith.addi %mul3A_298, %add3A_1654 : vector<16xi32>
        %gather3A_1656 = arith.constant 0 : i32
        %gather3A_1657 = arith.constant 0 : i32
        %gather3A_1658 = tpu.memref_slice %arg14[%and3A_234, %gather3A_1656, %gather3A_1657] : memref<2x128x128xf32, #tpu.memory_space<vmem>> -> memref<1x128x128xf32, #tpu.memory_space<vmem>>
        %gather3A_1659 = tpu.memref_squeeze %gather3A_1658 : memref<1x128x128xf32, #tpu.memory_space<vmem>> -> memref<128x128xf32, #tpu.memory_space<vmem>>
        %gather3A_1660 = tpu.vector_load_idx %gather3A_1659[%add3A_286, %add3A_1655] : memref<128x128xf32, #tpu.memory_space<vmem>>[vector<16xi32>, vector<16xi32>], vector<16xf32>,
        %add3A_1661 = arith.constant 55 : i32
        %add3A_1662 = vector.broadcast %add3A_1661 : i32 to vector<16xi32>
        %add3A_1663 = arith.addi %mul3A_298, %add3A_1662 : vector<16xi32>
        %gather3A_1664 = arith.constant 0 : i32
        %gather3A_1665 = arith.constant 0 : i32
        %gather3A_1666 = tpu.memref_slice %arg14[%and3A_234, %gather3A_1664, %gather3A_1665] : memref<2x128x128xf32, #tpu.memory_space<vmem>> -> memref<1x128x128xf32, #tpu.memory_space<vmem>>
        %gather3A_1667 = tpu.memref_squeeze %gather3A_1666 : memref<1x128x128xf32, #tpu.memory_space<vmem>> -> memref<128x128xf32, #tpu.memory_space<vmem>>
        %gather3A_1668 = tpu.vector_load_idx %gather3A_1667[%add3A_286, %add3A_1663] : memref<128x128xf32, #tpu.memory_space<vmem>>[vector<16xi32>, vector<16xi32>], vector<16xf32>,
        %add3A_1669 = arith.constant 23 : i32
        %add3A_1670 = vector.broadcast %add3A_1669 : i32 to vector<16xi32>
        %add3A_1671 = arith.addi %mul3A_310, %add3A_1670 : vector<16xi32>
        %gather3A_1672 = arith.constant 0 : i32
        %gather3A_1673 = arith.constant 0 : i32
        %gather3A_1674 = tpu.memref_slice %arg14[%and3A_234, %gather3A_1672, %gather3A_1673] : memref<2x128x128xf32, #tpu.memory_space<vmem>> -> memref<1x128x128xf32, #tpu.memory_space<vmem>>
        %gather3A_1675 = tpu.memref_squeeze %gather3A_1674 : memref<1x128x128xf32, #tpu.memory_space<vmem>> -> memref<128x128xf32, #tpu.memory_space<vmem>>
        %gather3A_1676 = tpu.vector_load_idx %gather3A_1675[%add3A_318, %add3A_1671] : memref<128x128xf32, #tpu.memory_space<vmem>>[vector<16xi32>, vector<16xi32>], vector<16xf32>,
        %add3A_1677 = arith.constant 55 : i32
        %add3A_1678 = vector.broadcast %add3A_1677 : i32 to vector<16xi32>
        %add3A_1679 = arith.addi %mul3A_310, %add3A_1678 : vector<16xi32>
        %gather3A_1680 = arith.constant 0 : i32
        %gather3A_1681 = arith.constant 0 : i32
        %gather3A_1682 = tpu.memref_slice %arg14[%and3A_234, %gather3A_1680, %gather3A_1681] : memref<2x128x128xf32, #tpu.memory_space<vmem>> -> memref<1x128x128xf32, #tpu.memory_space<vmem>>
        %gather3A_1683 = tpu.memref_squeeze %gather3A_1682 : memref<1x128x128xf32, #tpu.memory_space<vmem>> -> memref<128x128xf32, #tpu.memory_space<vmem>>
        %gather3A_1684 = tpu.vector_load_idx %gather3A_1683[%add3A_318, %add3A_1679] : memref<128x128xf32, #tpu.memory_space<vmem>>[vector<16xi32>, vector<16xi32>], vector<16xf32>,
        %gather3A_1685 = tpu.vector_load_idx %arg15[%broadcast_in_dim3A_1652, %get3A_313] : memref<32x1000xf32, #tpu.memory_space<vmem>>[vector<16xi32>, vector<16xi32>], vector<16xf32>,
        %gather3A_1686 = tpu.vector_load_idx %arg16[%broadcast_in_dim3A_1652, %get3A_313] : memref<32x1000xf32, #tpu.memory_space<vmem>>[vector<16xi32>, vector<16xi32>], vector<16xf32>,
        %mul3A_1687 = arith.mulf %gather3A_1660, %gather3A_1676 : vector<16xf32>
        %mul3A_1688 = arith.mulf %gather3A_1668, %gather3A_1684 : vector<16xf32>
        %add3A_1689 = arith.addf %mul3A_1687, %mul3A_1688 : vector<16xf32>
        %mul3A_1690 = arith.mulf %gather3A_1685, %add3A_1689 : vector<16xf32>
        %mul3A_1691 = arith.mulf %gather3A_1660, %gather3A_1684 : vector<16xf32>
        %mul3A_1692 = arith.mulf %gather3A_1668, %gather3A_1676 : vector<16xf32>
        %sub3A_1693 = arith.subf %mul3A_1691, %mul3A_1692 : vector<16xf32>
        %mul3A_1694 = arith.mulf %gather3A_1686, %sub3A_1693 : vector<16xf32>
        %add3A_1695 = arith.addf %mul3A_1690, %mul3A_1694 : vector<16xf32>
        %add3A_1696 = arith.addf %add3A_1638, %add3A_1695 : vector<16xf32>
        %mul3A_1697 = arith.mulf %gather3A_1660, %gather3A_1660 : vector<16xf32>
        %mul3A_1698 = arith.mulf %gather3A_1668, %gather3A_1668 : vector<16xf32>
        %add3A_1699 = arith.addf %mul3A_1697, %mul3A_1698 : vector<16xf32>
        %mul3A_1700 = arith.mulf %gather3A_1676, %gather3A_1676 : vector<16xf32>
        %add3A_1701 = arith.addf %add3A_1699, %mul3A_1700 : vector<16xf32>
        %mul3A_1702 = arith.mulf %gather3A_1684, %gather3A_1684 : vector<16xf32>
        %add3A_1703 = arith.addf %add3A_1701, %mul3A_1702 : vector<16xf32>
        %mul3A_1704 = arith.mulf %gather3A_1685, %gather3A_1685 : vector<16xf32>
        %add3A_1705 = arith.addf %add3A_1703, %mul3A_1704 : vector<16xf32>
        %mul3A_1706 = arith.mulf %gather3A_1686, %gather3A_1686 : vector<16xf32>
        %add3A_1707 = arith.addf %add3A_1705, %mul3A_1706 : vector<16xf32>
        %add3A_1708 = arith.addf %add3A_1650, %add3A_1707 : vector<16xf32>
        %broadcast_in_dim3A_1709 = arith.constant 24 : i32
        %broadcast_in_dim3A_1710 = vector.broadcast %broadcast_in_dim3A_1709 : i32 to vector<16xi32>
        %add3A_1711 = arith.constant 24 : i32
        %add3A_1712 = vector.broadcast %add3A_1711 : i32 to vector<16xi32>
        %add3A_1713 = arith.addi %mul3A_298, %add3A_1712 : vector<16xi32>
        %gather3A_1714 = arith.constant 0 : i32
        %gather3A_1715 = arith.constant 0 : i32
        %gather3A_1716 = tpu.memref_slice %arg14[%and3A_234, %gather3A_1714, %gather3A_1715] : memref<2x128x128xf32, #tpu.memory_space<vmem>> -> memref<1x128x128xf32, #tpu.memory_space<vmem>>
        %gather3A_1717 = tpu.memref_squeeze %gather3A_1716 : memref<1x128x128xf32, #tpu.memory_space<vmem>> -> memref<128x128xf32, #tpu.memory_space<vmem>>
        %gather3A_1718 = tpu.vector_load_idx %gather3A_1717[%add3A_286, %add3A_1713] : memref<128x128xf32, #tpu.memory_space<vmem>>[vector<16xi32>, vector<16xi32>], vector<16xf32>,
        %add3A_1719 = arith.constant 56 : i32
        %add3A_1720 = vector.broadcast %add3A_1719 : i32 to vector<16xi32>
        %add3A_1721 = arith.addi %mul3A_298, %add3A_1720 : vector<16xi32>
        %gather3A_1722 = arith.constant 0 : i32
        %gather3A_1723 = arith.constant 0 : i32
        %gather3A_1724 = tpu.memref_slice %arg14[%and3A_234, %gather3A_1722, %gather3A_1723] : memref<2x128x128xf32, #tpu.memory_space<vmem>> -> memref<1x128x128xf32, #tpu.memory_space<vmem>>
        %gather3A_1725 = tpu.memref_squeeze %gather3A_1724 : memref<1x128x128xf32, #tpu.memory_space<vmem>> -> memref<128x128xf32, #tpu.memory_space<vmem>>
        %gather3A_1726 = tpu.vector_load_idx %gather3A_1725[%add3A_286, %add3A_1721] : memref<128x128xf32, #tpu.memory_space<vmem>>[vector<16xi32>, vector<16xi32>], vector<16xf32>,
        %add3A_1727 = arith.constant 24 : i32
        %add3A_1728 = vector.broadcast %add3A_1727 : i32 to vector<16xi32>
        %add3A_1729 = arith.addi %mul3A_310, %add3A_1728 : vector<16xi32>
        %gather3A_1730 = arith.constant 0 : i32
        %gather3A_1731 = arith.constant 0 : i32
        %gather3A_1732 = tpu.memref_slice %arg14[%and3A_234, %gather3A_1730, %gather3A_1731] : memref<2x128x128xf32, #tpu.memory_space<vmem>> -> memref<1x128x128xf32, #tpu.memory_space<vmem>>
        %gather3A_1733 = tpu.memref_squeeze %gather3A_1732 : memref<1x128x128xf32, #tpu.memory_space<vmem>> -> memref<128x128xf32, #tpu.memory_space<vmem>>
        %gather3A_1734 = tpu.vector_load_idx %gather3A_1733[%add3A_318, %add3A_1729] : memref<128x128xf32, #tpu.memory_space<vmem>>[vector<16xi32>, vector<16xi32>], vector<16xf32>,
        %add3A_1735 = arith.constant 56 : i32
        %add3A_1736 = vector.broadcast %add3A_1735 : i32 to vector<16xi32>
        %add3A_1737 = arith.addi %mul3A_310, %add3A_1736 : vector<16xi32>
        %gather3A_1738 = arith.constant 0 : i32
        %gather3A_1739 = arith.constant 0 : i32
        %gather3A_1740 = tpu.memref_slice %arg14[%and3A_234, %gather3A_1738, %gather3A_1739] : memref<2x128x128xf32, #tpu.memory_space<vmem>> -> memref<1x128x128xf32, #tpu.memory_space<vmem>>
        %gather3A_1741 = tpu.memref_squeeze %gather3A_1740 : memref<1x128x128xf32, #tpu.memory_space<vmem>> -> memref<128x128xf32, #tpu.memory_space<vmem>>
        %gather3A_1742 = tpu.vector_load_idx %gather3A_1741[%add3A_318, %add3A_1737] : memref<128x128xf32, #tpu.memory_space<vmem>>[vector<16xi32>, vector<16xi32>], vector<16xf32>,
        %gather3A_1743 = tpu.vector_load_idx %arg15[%broadcast_in_dim3A_1710, %get3A_313] : memref<32x1000xf32, #tpu.memory_space<vmem>>[vector<16xi32>, vector<16xi32>], vector<16xf32>,
        %gather3A_1744 = tpu.vector_load_idx %arg16[%broadcast_in_dim3A_1710, %get3A_313] : memref<32x1000xf32, #tpu.memory_space<vmem>>[vector<16xi32>, vector<16xi32>], vector<16xf32>,
        %mul3A_1745 = arith.mulf %gather3A_1718, %gather3A_1734 : vector<16xf32>
        %mul3A_1746 = arith.mulf %gather3A_1726, %gather3A_1742 : vector<16xf32>
        %add3A_1747 = arith.addf %mul3A_1745, %mul3A_1746 : vector<16xf32>
        %mul3A_1748 = arith.mulf %gather3A_1743, %add3A_1747 : vector<16xf32>
        %mul3A_1749 = arith.mulf %gather3A_1718, %gather3A_1742 : vector<16xf32>
        %mul3A_1750 = arith.mulf %gather3A_1726, %gather3A_1734 : vector<16xf32>
        %sub3A_1751 = arith.subf %mul3A_1749, %mul3A_1750 : vector<16xf32>
        %mul3A_1752 = arith.mulf %gather3A_1744, %sub3A_1751 : vector<16xf32>
        %add3A_1753 = arith.addf %mul3A_1748, %mul3A_1752 : vector<16xf32>
        %add3A_1754 = arith.addf %add3A_1696, %add3A_1753 : vector<16xf32>
        %mul3A_1755 = arith.mulf %gather3A_1718, %gather3A_1718 : vector<16xf32>
        %mul3A_1756 = arith.mulf %gather3A_1726, %gather3A_1726 : vector<16xf32>
        %add3A_1757 = arith.addf %mul3A_1755, %mul3A_1756 : vector<16xf32>
        %mul3A_1758 = arith.mulf %gather3A_1734, %gather3A_1734 : vector<16xf32>
        %add3A_1759 = arith.addf %add3A_1757, %mul3A_1758 : vector<16xf32>
        %mul3A_1760 = arith.mulf %gather3A_1742, %gather3A_1742 : vector<16xf32>
        %add3A_1761 = arith.addf %add3A_1759, %mul3A_1760 : vector<16xf32>
        %mul3A_1762 = arith.mulf %gather3A_1743, %gather3A_1743 : vector<16xf32>
        %add3A_1763 = arith.addf %add3A_1761, %mul3A_1762 : vector<16xf32>
        %mul3A_1764 = arith.mulf %gather3A_1744, %gather3A_1744 : vector<16xf32>
        %add3A_1765 = arith.addf %add3A_1763, %mul3A_1764 : vector<16xf32>
        %add3A_1766 = arith.addf %add3A_1708, %add3A_1765 : vector<16xf32>
        %broadcast_in_dim3A_1767 = arith.constant 25 : i32
        %broadcast_in_dim3A_1768 = vector.broadcast %broadcast_in_dim3A_1767 : i32 to vector<16xi32>
        %add3A_1769 = arith.constant 25 : i32
        %add3A_1770 = vector.broadcast %add3A_1769 : i32 to vector<16xi32>
        %add3A_1771 = arith.addi %mul3A_298, %add3A_1770 : vector<16xi32>
        %gather3A_1772 = arith.constant 0 : i32
        %gather3A_1773 = arith.constant 0 : i32
        %gather3A_1774 = tpu.memref_slice %arg14[%and3A_234, %gather3A_1772, %gather3A_1773] : memref<2x128x128xf32, #tpu.memory_space<vmem>> -> memref<1x128x128xf32, #tpu.memory_space<vmem>>
        %gather3A_1775 = tpu.memref_squeeze %gather3A_1774 : memref<1x128x128xf32, #tpu.memory_space<vmem>> -> memref<128x128xf32, #tpu.memory_space<vmem>>
        %gather3A_1776 = tpu.vector_load_idx %gather3A_1775[%add3A_286, %add3A_1771] : memref<128x128xf32, #tpu.memory_space<vmem>>[vector<16xi32>, vector<16xi32>], vector<16xf32>,
        %add3A_1777 = arith.constant 57 : i32
        %add3A_1778 = vector.broadcast %add3A_1777 : i32 to vector<16xi32>
        %add3A_1779 = arith.addi %mul3A_298, %add3A_1778 : vector<16xi32>
        %gather3A_1780 = arith.constant 0 : i32
        %gather3A_1781 = arith.constant 0 : i32
        %gather3A_1782 = tpu.memref_slice %arg14[%and3A_234, %gather3A_1780, %gather3A_1781] : memref<2x128x128xf32, #tpu.memory_space<vmem>> -> memref<1x128x128xf32, #tpu.memory_space<vmem>>
        %gather3A_1783 = tpu.memref_squeeze %gather3A_1782 : memref<1x128x128xf32, #tpu.memory_space<vmem>> -> memref<128x128xf32, #tpu.memory_space<vmem>>
        %gather3A_1784 = tpu.vector_load_idx %gather3A_1783[%add3A_286, %add3A_1779] : memref<128x128xf32, #tpu.memory_space<vmem>>[vector<16xi32>, vector<16xi32>], vector<16xf32>,
        %add3A_1785 = arith.constant 25 : i32
        %add3A_1786 = vector.broadcast %add3A_1785 : i32 to vector<16xi32>
        %add3A_1787 = arith.addi %mul3A_310, %add3A_1786 : vector<16xi32>
        %gather3A_1788 = arith.constant 0 : i32
        %gather3A_1789 = arith.constant 0 : i32
        %gather3A_1790 = tpu.memref_slice %arg14[%and3A_234, %gather3A_1788, %gather3A_1789] : memref<2x128x128xf32, #tpu.memory_space<vmem>> -> memref<1x128x128xf32, #tpu.memory_space<vmem>>
        %gather3A_1791 = tpu.memref_squeeze %gather3A_1790 : memref<1x128x128xf32, #tpu.memory_space<vmem>> -> memref<128x128xf32, #tpu.memory_space<vmem>>
        %gather3A_1792 = tpu.vector_load_idx %gather3A_1791[%add3A_318, %add3A_1787] : memref<128x128xf32, #tpu.memory_space<vmem>>[vector<16xi32>, vector<16xi32>], vector<16xf32>,
        %add3A_1793 = arith.constant 57 : i32
        %add3A_1794 = vector.broadcast %add3A_1793 : i32 to vector<16xi32>
        %add3A_1795 = arith.addi %mul3A_310, %add3A_1794 : vector<16xi32>
        %gather3A_1796 = arith.constant 0 : i32
        %gather3A_1797 = arith.constant 0 : i32
        %gather3A_1798 = tpu.memref_slice %arg14[%and3A_234, %gather3A_1796, %gather3A_1797] : memref<2x128x128xf32, #tpu.memory_space<vmem>> -> memref<1x128x128xf32, #tpu.memory_space<vmem>>
        %gather3A_1799 = tpu.memref_squeeze %gather3A_1798 : memref<1x128x128xf32, #tpu.memory_space<vmem>> -> memref<128x128xf32, #tpu.memory_space<vmem>>
        %gather3A_1800 = tpu.vector_load_idx %gather3A_1799[%add3A_318, %add3A_1795] : memref<128x128xf32, #tpu.memory_space<vmem>>[vector<16xi32>, vector<16xi32>], vector<16xf32>,
        %gather3A_1801 = tpu.vector_load_idx %arg15[%broadcast_in_dim3A_1768, %get3A_313] : memref<32x1000xf32, #tpu.memory_space<vmem>>[vector<16xi32>, vector<16xi32>], vector<16xf32>,
        %gather3A_1802 = tpu.vector_load_idx %arg16[%broadcast_in_dim3A_1768, %get3A_313] : memref<32x1000xf32, #tpu.memory_space<vmem>>[vector<16xi32>, vector<16xi32>], vector<16xf32>,
        %mul3A_1803 = arith.mulf %gather3A_1776, %gather3A_1792 : vector<16xf32>
        %mul3A_1804 = arith.mulf %gather3A_1784, %gather3A_1800 : vector<16xf32>
        %add3A_1805 = arith.addf %mul3A_1803, %mul3A_1804 : vector<16xf32>
        %mul3A_1806 = arith.mulf %gather3A_1801, %add3A_1805 : vector<16xf32>
        %mul3A_1807 = arith.mulf %gather3A_1776, %gather3A_1800 : vector<16xf32>
        %mul3A_1808 = arith.mulf %gather3A_1784, %gather3A_1792 : vector<16xf32>
        %sub3A_1809 = arith.subf %mul3A_1807, %mul3A_1808 : vector<16xf32>
        %mul3A_1810 = arith.mulf %gather3A_1802, %sub3A_1809 : vector<16xf32>
        %add3A_1811 = arith.addf %mul3A_1806, %mul3A_1810 : vector<16xf32>
        %add3A_1812 = arith.addf %add3A_1754, %add3A_1811 : vector<16xf32>
        %mul3A_1813 = arith.mulf %gather3A_1776, %gather3A_1776 : vector<16xf32>
        %mul3A_1814 = arith.mulf %gather3A_1784, %gather3A_1784 : vector<16xf32>
        %add3A_1815 = arith.addf %mul3A_1813, %mul3A_1814 : vector<16xf32>
        %mul3A_1816 = arith.mulf %gather3A_1792, %gather3A_1792 : vector<16xf32>
        %add3A_1817 = arith.addf %add3A_1815, %mul3A_1816 : vector<16xf32>
        %mul3A_1818 = arith.mulf %gather3A_1800, %gather3A_1800 : vector<16xf32>
        %add3A_1819 = arith.addf %add3A_1817, %mul3A_1818 : vector<16xf32>
        %mul3A_1820 = arith.mulf %gather3A_1801, %gather3A_1801 : vector<16xf32>
        %add3A_1821 = arith.addf %add3A_1819, %mul3A_1820 : vector<16xf32>
        %mul3A_1822 = arith.mulf %gather3A_1802, %gather3A_1802 : vector<16xf32>
        %add3A_1823 = arith.addf %add3A_1821, %mul3A_1822 : vector<16xf32>
        %add3A_1824 = arith.addf %add3A_1766, %add3A_1823 : vector<16xf32>
        %broadcast_in_dim3A_1825 = arith.constant 26 : i32
        %broadcast_in_dim3A_1826 = vector.broadcast %broadcast_in_dim3A_1825 : i32 to vector<16xi32>
        %add3A_1827 = arith.constant 26 : i32
        %add3A_1828 = vector.broadcast %add3A_1827 : i32 to vector<16xi32>
        %add3A_1829 = arith.addi %mul3A_298, %add3A_1828 : vector<16xi32>
        %gather3A_1830 = arith.constant 0 : i32
        %gather3A_1831 = arith.constant 0 : i32
        %gather3A_1832 = tpu.memref_slice %arg14[%and3A_234, %gather3A_1830, %gather3A_1831] : memref<2x128x128xf32, #tpu.memory_space<vmem>> -> memref<1x128x128xf32, #tpu.memory_space<vmem>>
        %gather3A_1833 = tpu.memref_squeeze %gather3A_1832 : memref<1x128x128xf32, #tpu.memory_space<vmem>> -> memref<128x128xf32, #tpu.memory_space<vmem>>
        %gather3A_1834 = tpu.vector_load_idx %gather3A_1833[%add3A_286, %add3A_1829] : memref<128x128xf32, #tpu.memory_space<vmem>>[vector<16xi32>, vector<16xi32>], vector<16xf32>,
        %add3A_1835 = arith.constant 58 : i32
        %add3A_1836 = vector.broadcast %add3A_1835 : i32 to vector<16xi32>
        %add3A_1837 = arith.addi %mul3A_298, %add3A_1836 : vector<16xi32>
        %gather3A_1838 = arith.constant 0 : i32
        %gather3A_1839 = arith.constant 0 : i32
        %gather3A_1840 = tpu.memref_slice %arg14[%and3A_234, %gather3A_1838, %gather3A_1839] : memref<2x128x128xf32, #tpu.memory_space<vmem>> -> memref<1x128x128xf32, #tpu.memory_space<vmem>>
        %gather3A_1841 = tpu.memref_squeeze %gather3A_1840 : memref<1x128x128xf32, #tpu.memory_space<vmem>> -> memref<128x128xf32, #tpu.memory_space<vmem>>
        %gather3A_1842 = tpu.vector_load_idx %gather3A_1841[%add3A_286, %add3A_1837] : memref<128x128xf32, #tpu.memory_space<vmem>>[vector<16xi32>, vector<16xi32>], vector<16xf32>,
        %add3A_1843 = arith.constant 26 : i32
        %add3A_1844 = vector.broadcast %add3A_1843 : i32 to vector<16xi32>
        %add3A_1845 = arith.addi %mul3A_310, %add3A_1844 : vector<16xi32>
        %gather3A_1846 = arith.constant 0 : i32
        %gather3A_1847 = arith.constant 0 : i32
        %gather3A_1848 = tpu.memref_slice %arg14[%and3A_234, %gather3A_1846, %gather3A_1847] : memref<2x128x128xf32, #tpu.memory_space<vmem>> -> memref<1x128x128xf32, #tpu.memory_space<vmem>>
        %gather3A_1849 = tpu.memref_squeeze %gather3A_1848 : memref<1x128x128xf32, #tpu.memory_space<vmem>> -> memref<128x128xf32, #tpu.memory_space<vmem>>
        %gather3A_1850 = tpu.vector_load_idx %gather3A_1849[%add3A_318, %add3A_1845] : memref<128x128xf32, #tpu.memory_space<vmem>>[vector<16xi32>, vector<16xi32>], vector<16xf32>,
        %add3A_1851 = arith.constant 58 : i32
        %add3A_1852 = vector.broadcast %add3A_1851 : i32 to vector<16xi32>
        %add3A_1853 = arith.addi %mul3A_310, %add3A_1852 : vector<16xi32>
        %gather3A_1854 = arith.constant 0 : i32
        %gather3A_1855 = arith.constant 0 : i32
        %gather3A_1856 = tpu.memref_slice %arg14[%and3A_234, %gather3A_1854, %gather3A_1855] : memref<2x128x128xf32, #tpu.memory_space<vmem>> -> memref<1x128x128xf32, #tpu.memory_space<vmem>>
        %gather3A_1857 = tpu.memref_squeeze %gather3A_1856 : memref<1x128x128xf32, #tpu.memory_space<vmem>> -> memref<128x128xf32, #tpu.memory_space<vmem>>
        %gather3A_1858 = tpu.vector_load_idx %gather3A_1857[%add3A_318, %add3A_1853] : memref<128x128xf32, #tpu.memory_space<vmem>>[vector<16xi32>, vector<16xi32>], vector<16xf32>,
        %gather3A_1859 = tpu.vector_load_idx %arg15[%broadcast_in_dim3A_1826, %get3A_313] : memref<32x1000xf32, #tpu.memory_space<vmem>>[vector<16xi32>, vector<16xi32>], vector<16xf32>,
        %gather3A_1860 = tpu.vector_load_idx %arg16[%broadcast_in_dim3A_1826, %get3A_313] : memref<32x1000xf32, #tpu.memory_space<vmem>>[vector<16xi32>, vector<16xi32>], vector<16xf32>,
        %mul3A_1861 = arith.mulf %gather3A_1834, %gather3A_1850 : vector<16xf32>
        %mul3A_1862 = arith.mulf %gather3A_1842, %gather3A_1858 : vector<16xf32>
        %add3A_1863 = arith.addf %mul3A_1861, %mul3A_1862 : vector<16xf32>
        %mul3A_1864 = arith.mulf %gather3A_1859, %add3A_1863 : vector<16xf32>
        %mul3A_1865 = arith.mulf %gather3A_1834, %gather3A_1858 : vector<16xf32>
        %mul3A_1866 = arith.mulf %gather3A_1842, %gather3A_1850 : vector<16xf32>
        %sub3A_1867 = arith.subf %mul3A_1865, %mul3A_1866 : vector<16xf32>
        %mul3A_1868 = arith.mulf %gather3A_1860, %sub3A_1867 : vector<16xf32>
        %add3A_1869 = arith.addf %mul3A_1864, %mul3A_1868 : vector<16xf32>
        %add3A_1870 = arith.addf %add3A_1812, %add3A_1869 : vector<16xf32>
        %mul3A_1871 = arith.mulf %gather3A_1834, %gather3A_1834 : vector<16xf32>
        %mul3A_1872 = arith.mulf %gather3A_1842, %gather3A_1842 : vector<16xf32>
        %add3A_1873 = arith.addf %mul3A_1871, %mul3A_1872 : vector<16xf32>
        %mul3A_1874 = arith.mulf %gather3A_1850, %gather3A_1850 : vector<16xf32>
        %add3A_1875 = arith.addf %add3A_1873, %mul3A_1874 : vector<16xf32>
        %mul3A_1876 = arith.mulf %gather3A_1858, %gather3A_1858 : vector<16xf32>
        %add3A_1877 = arith.addf %add3A_1875, %mul3A_1876 : vector<16xf32>
        %mul3A_1878 = arith.mulf %gather3A_1859, %gather3A_1859 : vector<16xf32>
        %add3A_1879 = arith.addf %add3A_1877, %mul3A_1878 : vector<16xf32>
        %mul3A_1880 = arith.mulf %gather3A_1860, %gather3A_1860 : vector<16xf32>
        %add3A_1881 = arith.addf %add3A_1879, %mul3A_1880 : vector<16xf32>
        %add3A_1882 = arith.addf %add3A_1824, %add3A_1881 : vector<16xf32>
        %broadcast_in_dim3A_1883 = arith.constant 27 : i32
        %broadcast_in_dim3A_1884 = vector.broadcast %broadcast_in_dim3A_1883 : i32 to vector<16xi32>
        %add3A_1885 = arith.constant 27 : i32
        %add3A_1886 = vector.broadcast %add3A_1885 : i32 to vector<16xi32>
        %add3A_1887 = arith.addi %mul3A_298, %add3A_1886 : vector<16xi32>
        %gather3A_1888 = arith.constant 0 : i32
        %gather3A_1889 = arith.constant 0 : i32
        %gather3A_1890 = tpu.memref_slice %arg14[%and3A_234, %gather3A_1888, %gather3A_1889] : memref<2x128x128xf32, #tpu.memory_space<vmem>> -> memref<1x128x128xf32, #tpu.memory_space<vmem>>
        %gather3A_1891 = tpu.memref_squeeze %gather3A_1890 : memref<1x128x128xf32, #tpu.memory_space<vmem>> -> memref<128x128xf32, #tpu.memory_space<vmem>>
        %gather3A_1892 = tpu.vector_load_idx %gather3A_1891[%add3A_286, %add3A_1887] : memref<128x128xf32, #tpu.memory_space<vmem>>[vector<16xi32>, vector<16xi32>], vector<16xf32>,
        %add3A_1893 = arith.constant 59 : i32
        %add3A_1894 = vector.broadcast %add3A_1893 : i32 to vector<16xi32>
        %add3A_1895 = arith.addi %mul3A_298, %add3A_1894 : vector<16xi32>
        %gather3A_1896 = arith.constant 0 : i32
        %gather3A_1897 = arith.constant 0 : i32
        %gather3A_1898 = tpu.memref_slice %arg14[%and3A_234, %gather3A_1896, %gather3A_1897] : memref<2x128x128xf32, #tpu.memory_space<vmem>> -> memref<1x128x128xf32, #tpu.memory_space<vmem>>
        %gather3A_1899 = tpu.memref_squeeze %gather3A_1898 : memref<1x128x128xf32, #tpu.memory_space<vmem>> -> memref<128x128xf32, #tpu.memory_space<vmem>>
        %gather3A_1900 = tpu.vector_load_idx %gather3A_1899[%add3A_286, %add3A_1895] : memref<128x128xf32, #tpu.memory_space<vmem>>[vector<16xi32>, vector<16xi32>], vector<16xf32>,
        %add3A_1901 = arith.constant 27 : i32
        %add3A_1902 = vector.broadcast %add3A_1901 : i32 to vector<16xi32>
        %add3A_1903 = arith.addi %mul3A_310, %add3A_1902 : vector<16xi32>
        %gather3A_1904 = arith.constant 0 : i32
        %gather3A_1905 = arith.constant 0 : i32
        %gather3A_1906 = tpu.memref_slice %arg14[%and3A_234, %gather3A_1904, %gather3A_1905] : memref<2x128x128xf32, #tpu.memory_space<vmem>> -> memref<1x128x128xf32, #tpu.memory_space<vmem>>
        %gather3A_1907 = tpu.memref_squeeze %gather3A_1906 : memref<1x128x128xf32, #tpu.memory_space<vmem>> -> memref<128x128xf32, #tpu.memory_space<vmem>>
        %gather3A_1908 = tpu.vector_load_idx %gather3A_1907[%add3A_318, %add3A_1903] : memref<128x128xf32, #tpu.memory_space<vmem>>[vector<16xi32>, vector<16xi32>], vector<16xf32>,
        %add3A_1909 = arith.constant 59 : i32
        %add3A_1910 = vector.broadcast %add3A_1909 : i32 to vector<16xi32>
        %add3A_1911 = arith.addi %mul3A_310, %add3A_1910 : vector<16xi32>
        %gather3A_1912 = arith.constant 0 : i32
        %gather3A_1913 = arith.constant 0 : i32
        %gather3A_1914 = tpu.memref_slice %arg14[%and3A_234, %gather3A_1912, %gather3A_1913] : memref<2x128x128xf32, #tpu.memory_space<vmem>> -> memref<1x128x128xf32, #tpu.memory_space<vmem>>
        %gather3A_1915 = tpu.memref_squeeze %gather3A_1914 : memref<1x128x128xf32, #tpu.memory_space<vmem>> -> memref<128x128xf32, #tpu.memory_space<vmem>>
        %gather3A_1916 = tpu.vector_load_idx %gather3A_1915[%add3A_318, %add3A_1911] : memref<128x128xf32, #tpu.memory_space<vmem>>[vector<16xi32>, vector<16xi32>], vector<16xf32>,
        %gather3A_1917 = tpu.vector_load_idx %arg15[%broadcast_in_dim3A_1884, %get3A_313] : memref<32x1000xf32, #tpu.memory_space<vmem>>[vector<16xi32>, vector<16xi32>], vector<16xf32>,
        %gather3A_1918 = tpu.vector_load_idx %arg16[%broadcast_in_dim3A_1884, %get3A_313] : memref<32x1000xf32, #tpu.memory_space<vmem>>[vector<16xi32>, vector<16xi32>], vector<16xf32>,
        %mul3A_1919 = arith.mulf %gather3A_1892, %gather3A_1908 : vector<16xf32>
        %mul3A_1920 = arith.mulf %gather3A_1900, %gather3A_1916 : vector<16xf32>
        %add3A_1921 = arith.addf %mul3A_1919, %mul3A_1920 : vector<16xf32>
        %mul3A_1922 = arith.mulf %gather3A_1917, %add3A_1921 : vector<16xf32>
        %mul3A_1923 = arith.mulf %gather3A_1892, %gather3A_1916 : vector<16xf32>
        %mul3A_1924 = arith.mulf %gather3A_1900, %gather3A_1908 : vector<16xf32>
        %sub3A_1925 = arith.subf %mul3A_1923, %mul3A_1924 : vector<16xf32>
        %mul3A_1926 = arith.mulf %gather3A_1918, %sub3A_1925 : vector<16xf32>
        %add3A_1927 = arith.addf %mul3A_1922, %mul3A_1926 : vector<16xf32>
        %add3A_1928 = arith.addf %add3A_1870, %add3A_1927 : vector<16xf32>
        %mul3A_1929 = arith.mulf %gather3A_1892, %gather3A_1892 : vector<16xf32>
        %mul3A_1930 = arith.mulf %gather3A_1900, %gather3A_1900 : vector<16xf32>
        %add3A_1931 = arith.addf %mul3A_1929, %mul3A_1930 : vector<16xf32>
        %mul3A_1932 = arith.mulf %gather3A_1908, %gather3A_1908 : vector<16xf32>
        %add3A_1933 = arith.addf %add3A_1931, %mul3A_1932 : vector<16xf32>
        %mul3A_1934 = arith.mulf %gather3A_1916, %gather3A_1916 : vector<16xf32>
        %add3A_1935 = arith.addf %add3A_1933, %mul3A_1934 : vector<16xf32>
        %mul3A_1936 = arith.mulf %gather3A_1917, %gather3A_1917 : vector<16xf32>
        %add3A_1937 = arith.addf %add3A_1935, %mul3A_1936 : vector<16xf32>
        %mul3A_1938 = arith.mulf %gather3A_1918, %gather3A_1918 : vector<16xf32>
        %add3A_1939 = arith.addf %add3A_1937, %mul3A_1938 : vector<16xf32>
        %add3A_1940 = arith.addf %add3A_1882, %add3A_1939 : vector<16xf32>
        %broadcast_in_dim3A_1941 = arith.constant 28 : i32
        %broadcast_in_dim3A_1942 = vector.broadcast %broadcast_in_dim3A_1941 : i32 to vector<16xi32>
        %add3A_1943 = arith.constant 28 : i32
        %add3A_1944 = vector.broadcast %add3A_1943 : i32 to vector<16xi32>
        %add3A_1945 = arith.addi %mul3A_298, %add3A_1944 : vector<16xi32>
        %gather3A_1946 = arith.constant 0 : i32
        %gather3A_1947 = arith.constant 0 : i32
        %gather3A_1948 = tpu.memref_slice %arg14[%and3A_234, %gather3A_1946, %gather3A_1947] : memref<2x128x128xf32, #tpu.memory_space<vmem>> -> memref<1x128x128xf32, #tpu.memory_space<vmem>>
        %gather3A_1949 = tpu.memref_squeeze %gather3A_1948 : memref<1x128x128xf32, #tpu.memory_space<vmem>> -> memref<128x128xf32, #tpu.memory_space<vmem>>
        %gather3A_1950 = tpu.vector_load_idx %gather3A_1949[%add3A_286, %add3A_1945] : memref<128x128xf32, #tpu.memory_space<vmem>>[vector<16xi32>, vector<16xi32>], vector<16xf32>,
        %add3A_1951 = arith.constant 60 : i32
        %add3A_1952 = vector.broadcast %add3A_1951 : i32 to vector<16xi32>
        %add3A_1953 = arith.addi %mul3A_298, %add3A_1952 : vector<16xi32>
        %gather3A_1954 = arith.constant 0 : i32
        %gather3A_1955 = arith.constant 0 : i32
        %gather3A_1956 = tpu.memref_slice %arg14[%and3A_234, %gather3A_1954, %gather3A_1955] : memref<2x128x128xf32, #tpu.memory_space<vmem>> -> memref<1x128x128xf32, #tpu.memory_space<vmem>>
        %gather3A_1957 = tpu.memref_squeeze %gather3A_1956 : memref<1x128x128xf32, #tpu.memory_space<vmem>> -> memref<128x128xf32, #tpu.memory_space<vmem>>
        %gather3A_1958 = tpu.vector_load_idx %gather3A_1957[%add3A_286, %add3A_1953] : memref<128x128xf32, #tpu.memory_space<vmem>>[vector<16xi32>, vector<16xi32>], vector<16xf32>,
        %add3A_1959 = arith.constant 28 : i32
        %add3A_1960 = vector.broadcast %add3A_1959 : i32 to vector<16xi32>
        %add3A_1961 = arith.addi %mul3A_310, %add3A_1960 : vector<16xi32>
        %gather3A_1962 = arith.constant 0 : i32
        %gather3A_1963 = arith.constant 0 : i32
        %gather3A_1964 = tpu.memref_slice %arg14[%and3A_234, %gather3A_1962, %gather3A_1963] : memref<2x128x128xf32, #tpu.memory_space<vmem>> -> memref<1x128x128xf32, #tpu.memory_space<vmem>>
        %gather3A_1965 = tpu.memref_squeeze %gather3A_1964 : memref<1x128x128xf32, #tpu.memory_space<vmem>> -> memref<128x128xf32, #tpu.memory_space<vmem>>
        %gather3A_1966 = tpu.vector_load_idx %gather3A_1965[%add3A_318, %add3A_1961] : memref<128x128xf32, #tpu.memory_space<vmem>>[vector<16xi32>, vector<16xi32>], vector<16xf32>,
        %add3A_1967 = arith.constant 60 : i32
        %add3A_1968 = vector.broadcast %add3A_1967 : i32 to vector<16xi32>
        %add3A_1969 = arith.addi %mul3A_310, %add3A_1968 : vector<16xi32>
        %gather3A_1970 = arith.constant 0 : i32
        %gather3A_1971 = arith.constant 0 : i32
        %gather3A_1972 = tpu.memref_slice %arg14[%and3A_234, %gather3A_1970, %gather3A_1971] : memref<2x128x128xf32, #tpu.memory_space<vmem>> -> memref<1x128x128xf32, #tpu.memory_space<vmem>>
        %gather3A_1973 = tpu.memref_squeeze %gather3A_1972 : memref<1x128x128xf32, #tpu.memory_space<vmem>> -> memref<128x128xf32, #tpu.memory_space<vmem>>
        %gather3A_1974 = tpu.vector_load_idx %gather3A_1973[%add3A_318, %add3A_1969] : memref<128x128xf32, #tpu.memory_space<vmem>>[vector<16xi32>, vector<16xi32>], vector<16xf32>,
        %gather3A_1975 = tpu.vector_load_idx %arg15[%broadcast_in_dim3A_1942, %get3A_313] : memref<32x1000xf32, #tpu.memory_space<vmem>>[vector<16xi32>, vector<16xi32>], vector<16xf32>,
        %gather3A_1976 = tpu.vector_load_idx %arg16[%broadcast_in_dim3A_1942, %get3A_313] : memref<32x1000xf32, #tpu.memory_space<vmem>>[vector<16xi32>, vector<16xi32>], vector<16xf32>,
        %mul3A_1977 = arith.mulf %gather3A_1950, %gather3A_1966 : vector<16xf32>
        %mul3A_1978 = arith.mulf %gather3A_1958, %gather3A_1974 : vector<16xf32>
        %add3A_1979 = arith.addf %mul3A_1977, %mul3A_1978 : vector<16xf32>
        %mul3A_1980 = arith.mulf %gather3A_1975, %add3A_1979 : vector<16xf32>
        %mul3A_1981 = arith.mulf %gather3A_1950, %gather3A_1974 : vector<16xf32>
        %mul3A_1982 = arith.mulf %gather3A_1958, %gather3A_1966 : vector<16xf32>
        %sub3A_1983 = arith.subf %mul3A_1981, %mul3A_1982 : vector<16xf32>
        %mul3A_1984 = arith.mulf %gather3A_1976, %sub3A_1983 : vector<16xf32>
        %add3A_1985 = arith.addf %mul3A_1980, %mul3A_1984 : vector<16xf32>
        %add3A_1986 = arith.addf %add3A_1928, %add3A_1985 : vector<16xf32>
        %mul3A_1987 = arith.mulf %gather3A_1950, %gather3A_1950 : vector<16xf32>
        %mul3A_1988 = arith.mulf %gather3A_1958, %gather3A_1958 : vector<16xf32>
        %add3A_1989 = arith.addf %mul3A_1987, %mul3A_1988 : vector<16xf32>
        %mul3A_1990 = arith.mulf %gather3A_1966, %gather3A_1966 : vector<16xf32>
        %add3A_1991 = arith.addf %add3A_1989, %mul3A_1990 : vector<16xf32>
        %mul3A_1992 = arith.mulf %gather3A_1974, %gather3A_1974 : vector<16xf32>
        %add3A_1993 = arith.addf %add3A_1991, %mul3A_1992 : vector<16xf32>
        %mul3A_1994 = arith.mulf %gather3A_1975, %gather3A_1975 : vector<16xf32>
        %add3A_1995 = arith.addf %add3A_1993, %mul3A_1994 : vector<16xf32>
        %mul3A_1996 = arith.mulf %gather3A_1976, %gather3A_1976 : vector<16xf32>
        %add3A_1997 = arith.addf %add3A_1995, %mul3A_1996 : vector<16xf32>
        %add3A_1998 = arith.addf %add3A_1940, %add3A_1997 : vector<16xf32>
        %broadcast_in_dim3A_1999 = arith.constant 29 : i32
        %broadcast_in_dim3A_2000 = vector.broadcast %broadcast_in_dim3A_1999 : i32 to vector<16xi32>
        %add3A_2001 = arith.constant 29 : i32
        %add3A_2002 = vector.broadcast %add3A_2001 : i32 to vector<16xi32>
        %add3A_2003 = arith.addi %mul3A_298, %add3A_2002 : vector<16xi32>
        %gather3A_2004 = arith.constant 0 : i32
        %gather3A_2005 = arith.constant 0 : i32
        %gather3A_2006 = tpu.memref_slice %arg14[%and3A_234, %gather3A_2004, %gather3A_2005] : memref<2x128x128xf32, #tpu.memory_space<vmem>> -> memref<1x128x128xf32, #tpu.memory_space<vmem>>
        %gather3A_2007 = tpu.memref_squeeze %gather3A_2006 : memref<1x128x128xf32, #tpu.memory_space<vmem>> -> memref<128x128xf32, #tpu.memory_space<vmem>>
        %gather3A_2008 = tpu.vector_load_idx %gather3A_2007[%add3A_286, %add3A_2003] : memref<128x128xf32, #tpu.memory_space<vmem>>[vector<16xi32>, vector<16xi32>], vector<16xf32>,
        %add3A_2009 = arith.constant 61 : i32
        %add3A_2010 = vector.broadcast %add3A_2009 : i32 to vector<16xi32>
        %add3A_2011 = arith.addi %mul3A_298, %add3A_2010 : vector<16xi32>
        %gather3A_2012 = arith.constant 0 : i32
        %gather3A_2013 = arith.constant 0 : i32
        %gather3A_2014 = tpu.memref_slice %arg14[%and3A_234, %gather3A_2012, %gather3A_2013] : memref<2x128x128xf32, #tpu.memory_space<vmem>> -> memref<1x128x128xf32, #tpu.memory_space<vmem>>
        %gather3A_2015 = tpu.memref_squeeze %gather3A_2014 : memref<1x128x128xf32, #tpu.memory_space<vmem>> -> memref<128x128xf32, #tpu.memory_space<vmem>>
        %gather3A_2016 = tpu.vector_load_idx %gather3A_2015[%add3A_286, %add3A_2011] : memref<128x128xf32, #tpu.memory_space<vmem>>[vector<16xi32>, vector<16xi32>], vector<16xf32>,
        %add3A_2017 = arith.constant 29 : i32
        %add3A_2018 = vector.broadcast %add3A_2017 : i32 to vector<16xi32>
        %add3A_2019 = arith.addi %mul3A_310, %add3A_2018 : vector<16xi32>
        %gather3A_2020 = arith.constant 0 : i32
        %gather3A_2021 = arith.constant 0 : i32
        %gather3A_2022 = tpu.memref_slice %arg14[%and3A_234, %gather3A_2020, %gather3A_2021] : memref<2x128x128xf32, #tpu.memory_space<vmem>> -> memref<1x128x128xf32, #tpu.memory_space<vmem>>
        %gather3A_2023 = tpu.memref_squeeze %gather3A_2022 : memref<1x128x128xf32, #tpu.memory_space<vmem>> -> memref<128x128xf32, #tpu.memory_space<vmem>>
        %gather3A_2024 = tpu.vector_load_idx %gather3A_2023[%add3A_318, %add3A_2019] : memref<128x128xf32, #tpu.memory_space<vmem>>[vector<16xi32>, vector<16xi32>], vector<16xf32>,
        %add3A_2025 = arith.constant 61 : i32
        %add3A_2026 = vector.broadcast %add3A_2025 : i32 to vector<16xi32>
        %add3A_2027 = arith.addi %mul3A_310, %add3A_2026 : vector<16xi32>
        %gather3A_2028 = arith.constant 0 : i32
        %gather3A_2029 = arith.constant 0 : i32
        %gather3A_2030 = tpu.memref_slice %arg14[%and3A_234, %gather3A_2028, %gather3A_2029] : memref<2x128x128xf32, #tpu.memory_space<vmem>> -> memref<1x128x128xf32, #tpu.memory_space<vmem>>
        %gather3A_2031 = tpu.memref_squeeze %gather3A_2030 : memref<1x128x128xf32, #tpu.memory_space<vmem>> -> memref<128x128xf32, #tpu.memory_space<vmem>>
        %gather3A_2032 = tpu.vector_load_idx %gather3A_2031[%add3A_318, %add3A_2027] : memref<128x128xf32, #tpu.memory_space<vmem>>[vector<16xi32>, vector<16xi32>], vector<16xf32>,
        %gather3A_2033 = tpu.vector_load_idx %arg15[%broadcast_in_dim3A_2000, %get3A_313] : memref<32x1000xf32, #tpu.memory_space<vmem>>[vector<16xi32>, vector<16xi32>], vector<16xf32>,
        %gather3A_2034 = tpu.vector_load_idx %arg16[%broadcast_in_dim3A_2000, %get3A_313] : memref<32x1000xf32, #tpu.memory_space<vmem>>[vector<16xi32>, vector<16xi32>], vector<16xf32>,
        %mul3A_2035 = arith.mulf %gather3A_2008, %gather3A_2024 : vector<16xf32>
        %mul3A_2036 = arith.mulf %gather3A_2016, %gather3A_2032 : vector<16xf32>
        %add3A_2037 = arith.addf %mul3A_2035, %mul3A_2036 : vector<16xf32>
        %mul3A_2038 = arith.mulf %gather3A_2033, %add3A_2037 : vector<16xf32>
        %mul3A_2039 = arith.mulf %gather3A_2008, %gather3A_2032 : vector<16xf32>
        %mul3A_2040 = arith.mulf %gather3A_2016, %gather3A_2024 : vector<16xf32>
        %sub3A_2041 = arith.subf %mul3A_2039, %mul3A_2040 : vector<16xf32>
        %mul3A_2042 = arith.mulf %gather3A_2034, %sub3A_2041 : vector<16xf32>
        %add3A_2043 = arith.addf %mul3A_2038, %mul3A_2042 : vector<16xf32>
        %add3A_2044 = arith.addf %add3A_1986, %add3A_2043 : vector<16xf32>
        %mul3A_2045 = arith.mulf %gather3A_2008, %gather3A_2008 : vector<16xf32>
        %mul3A_2046 = arith.mulf %gather3A_2016, %gather3A_2016 : vector<16xf32>
        %add3A_2047 = arith.addf %mul3A_2045, %mul3A_2046 : vector<16xf32>
        %mul3A_2048 = arith.mulf %gather3A_2024, %gather3A_2024 : vector<16xf32>
        %add3A_2049 = arith.addf %add3A_2047, %mul3A_2048 : vector<16xf32>
        %mul3A_2050 = arith.mulf %gather3A_2032, %gather3A_2032 : vector<16xf32>
        %add3A_2051 = arith.addf %add3A_2049, %mul3A_2050 : vector<16xf32>
        %mul3A_2052 = arith.mulf %gather3A_2033, %gather3A_2033 : vector<16xf32>
        %add3A_2053 = arith.addf %add3A_2051, %mul3A_2052 : vector<16xf32>
        %mul3A_2054 = arith.mulf %gather3A_2034, %gather3A_2034 : vector<16xf32>
        %add3A_2055 = arith.addf %add3A_2053, %mul3A_2054 : vector<16xf32>
        %add3A_2056 = arith.addf %add3A_1998, %add3A_2055 : vector<16xf32>
        %broadcast_in_dim3A_2057 = arith.constant 30 : i32
        %broadcast_in_dim3A_2058 = vector.broadcast %broadcast_in_dim3A_2057 : i32 to vector<16xi32>
        %add3A_2059 = arith.constant 30 : i32
        %add3A_2060 = vector.broadcast %add3A_2059 : i32 to vector<16xi32>
        %add3A_2061 = arith.addi %mul3A_298, %add3A_2060 : vector<16xi32>
        %gather3A_2062 = arith.constant 0 : i32
        %gather3A_2063 = arith.constant 0 : i32
        %gather3A_2064 = tpu.memref_slice %arg14[%and3A_234, %gather3A_2062, %gather3A_2063] : memref<2x128x128xf32, #tpu.memory_space<vmem>> -> memref<1x128x128xf32, #tpu.memory_space<vmem>>
        %gather3A_2065 = tpu.memref_squeeze %gather3A_2064 : memref<1x128x128xf32, #tpu.memory_space<vmem>> -> memref<128x128xf32, #tpu.memory_space<vmem>>
        %gather3A_2066 = tpu.vector_load_idx %gather3A_2065[%add3A_286, %add3A_2061] : memref<128x128xf32, #tpu.memory_space<vmem>>[vector<16xi32>, vector<16xi32>], vector<16xf32>,
        %add3A_2067 = arith.constant 62 : i32
        %add3A_2068 = vector.broadcast %add3A_2067 : i32 to vector<16xi32>
        %add3A_2069 = arith.addi %mul3A_298, %add3A_2068 : vector<16xi32>
        %gather3A_2070 = arith.constant 0 : i32
        %gather3A_2071 = arith.constant 0 : i32
        %gather3A_2072 = tpu.memref_slice %arg14[%and3A_234, %gather3A_2070, %gather3A_2071] : memref<2x128x128xf32, #tpu.memory_space<vmem>> -> memref<1x128x128xf32, #tpu.memory_space<vmem>>
        %gather3A_2073 = tpu.memref_squeeze %gather3A_2072 : memref<1x128x128xf32, #tpu.memory_space<vmem>> -> memref<128x128xf32, #tpu.memory_space<vmem>>
        %gather3A_2074 = tpu.vector_load_idx %gather3A_2073[%add3A_286, %add3A_2069] : memref<128x128xf32, #tpu.memory_space<vmem>>[vector<16xi32>, vector<16xi32>], vector<16xf32>,
        %add3A_2075 = arith.constant 30 : i32
        %add3A_2076 = vector.broadcast %add3A_2075 : i32 to vector<16xi32>
        %add3A_2077 = arith.addi %mul3A_310, %add3A_2076 : vector<16xi32>
        %gather3A_2078 = arith.constant 0 : i32
        %gather3A_2079 = arith.constant 0 : i32
        %gather3A_2080 = tpu.memref_slice %arg14[%and3A_234, %gather3A_2078, %gather3A_2079] : memref<2x128x128xf32, #tpu.memory_space<vmem>> -> memref<1x128x128xf32, #tpu.memory_space<vmem>>
        %gather3A_2081 = tpu.memref_squeeze %gather3A_2080 : memref<1x128x128xf32, #tpu.memory_space<vmem>> -> memref<128x128xf32, #tpu.memory_space<vmem>>
        %gather3A_2082 = tpu.vector_load_idx %gather3A_2081[%add3A_318, %add3A_2077] : memref<128x128xf32, #tpu.memory_space<vmem>>[vector<16xi32>, vector<16xi32>], vector<16xf32>,
        %add3A_2083 = arith.constant 62 : i32
        %add3A_2084 = vector.broadcast %add3A_2083 : i32 to vector<16xi32>
        %add3A_2085 = arith.addi %mul3A_310, %add3A_2084 : vector<16xi32>
        %gather3A_2086 = arith.constant 0 : i32
        %gather3A_2087 = arith.constant 0 : i32
        %gather3A_2088 = tpu.memref_slice %arg14[%and3A_234, %gather3A_2086, %gather3A_2087] : memref<2x128x128xf32, #tpu.memory_space<vmem>> -> memref<1x128x128xf32, #tpu.memory_space<vmem>>
        %gather3A_2089 = tpu.memref_squeeze %gather3A_2088 : memref<1x128x128xf32, #tpu.memory_space<vmem>> -> memref<128x128xf32, #tpu.memory_space<vmem>>
        %gather3A_2090 = tpu.vector_load_idx %gather3A_2089[%add3A_318, %add3A_2085] : memref<128x128xf32, #tpu.memory_space<vmem>>[vector<16xi32>, vector<16xi32>], vector<16xf32>,
        %gather3A_2091 = tpu.vector_load_idx %arg15[%broadcast_in_dim3A_2058, %get3A_313] : memref<32x1000xf32, #tpu.memory_space<vmem>>[vector<16xi32>, vector<16xi32>], vector<16xf32>,
        %gather3A_2092 = tpu.vector_load_idx %arg16[%broadcast_in_dim3A_2058, %get3A_313] : memref<32x1000xf32, #tpu.memory_space<vmem>>[vector<16xi32>, vector<16xi32>], vector<16xf32>,
        %mul3A_2093 = arith.mulf %gather3A_2066, %gather3A_2082 : vector<16xf32>
        %mul3A_2094 = arith.mulf %gather3A_2074, %gather3A_2090 : vector<16xf32>
        %add3A_2095 = arith.addf %mul3A_2093, %mul3A_2094 : vector<16xf32>
        %mul3A_2096 = arith.mulf %gather3A_2091, %add3A_2095 : vector<16xf32>
        %mul3A_2097 = arith.mulf %gather3A_2066, %gather3A_2090 : vector<16xf32>
        %mul3A_2098 = arith.mulf %gather3A_2074, %gather3A_2082 : vector<16xf32>
        %sub3A_2099 = arith.subf %mul3A_2097, %mul3A_2098 : vector<16xf32>
        %mul3A_2100 = arith.mulf %gather3A_2092, %sub3A_2099 : vector<16xf32>
        %add3A_2101 = arith.addf %mul3A_2096, %mul3A_2100 : vector<16xf32>
        %add3A_2102 = arith.addf %add3A_2044, %add3A_2101 : vector<16xf32>
        %mul3A_2103 = arith.mulf %gather3A_2066, %gather3A_2066 : vector<16xf32>
        %mul3A_2104 = arith.mulf %gather3A_2074, %gather3A_2074 : vector<16xf32>
        %add3A_2105 = arith.addf %mul3A_2103, %mul3A_2104 : vector<16xf32>
        %mul3A_2106 = arith.mulf %gather3A_2082, %gather3A_2082 : vector<16xf32>
        %add3A_2107 = arith.addf %add3A_2105, %mul3A_2106 : vector<16xf32>
        %mul3A_2108 = arith.mulf %gather3A_2090, %gather3A_2090 : vector<16xf32>
        %add3A_2109 = arith.addf %add3A_2107, %mul3A_2108 : vector<16xf32>
        %mul3A_2110 = arith.mulf %gather3A_2091, %gather3A_2091 : vector<16xf32>
        %add3A_2111 = arith.addf %add3A_2109, %mul3A_2110 : vector<16xf32>
        %mul3A_2112 = arith.mulf %gather3A_2092, %gather3A_2092 : vector<16xf32>
        %add3A_2113 = arith.addf %add3A_2111, %mul3A_2112 : vector<16xf32>
        %add3A_2114 = arith.addf %add3A_2056, %add3A_2113 : vector<16xf32>
        %broadcast_in_dim3A_2115 = arith.constant 31 : i32
        %broadcast_in_dim3A_2116 = vector.broadcast %broadcast_in_dim3A_2115 : i32 to vector<16xi32>
        %add3A_2117 = arith.constant 31 : i32
        %add3A_2118 = vector.broadcast %add3A_2117 : i32 to vector<16xi32>
        %add3A_2119 = arith.addi %mul3A_298, %add3A_2118 : vector<16xi32>
        %gather3A_2120 = arith.constant 0 : i32
        %gather3A_2121 = arith.constant 0 : i32
        %gather3A_2122 = tpu.memref_slice %arg14[%and3A_234, %gather3A_2120, %gather3A_2121] : memref<2x128x128xf32, #tpu.memory_space<vmem>> -> memref<1x128x128xf32, #tpu.memory_space<vmem>>
        %gather3A_2123 = tpu.memref_squeeze %gather3A_2122 : memref<1x128x128xf32, #tpu.memory_space<vmem>> -> memref<128x128xf32, #tpu.memory_space<vmem>>
        %gather3A_2124 = tpu.vector_load_idx %gather3A_2123[%add3A_286, %add3A_2119] : memref<128x128xf32, #tpu.memory_space<vmem>>[vector<16xi32>, vector<16xi32>], vector<16xf32>,
        %add3A_2125 = arith.constant 63 : i32
        %add3A_2126 = vector.broadcast %add3A_2125 : i32 to vector<16xi32>
        %add3A_2127 = arith.addi %mul3A_298, %add3A_2126 : vector<16xi32>
        %gather3A_2128 = arith.constant 0 : i32
        %gather3A_2129 = arith.constant 0 : i32
        %gather3A_2130 = tpu.memref_slice %arg14[%and3A_234, %gather3A_2128, %gather3A_2129] : memref<2x128x128xf32, #tpu.memory_space<vmem>> -> memref<1x128x128xf32, #tpu.memory_space<vmem>>
        %gather3A_2131 = tpu.memref_squeeze %gather3A_2130 : memref<1x128x128xf32, #tpu.memory_space<vmem>> -> memref<128x128xf32, #tpu.memory_space<vmem>>
        %gather3A_2132 = tpu.vector_load_idx %gather3A_2131[%add3A_286, %add3A_2127] : memref<128x128xf32, #tpu.memory_space<vmem>>[vector<16xi32>, vector<16xi32>], vector<16xf32>,
        %add3A_2133 = arith.constant 31 : i32
        %add3A_2134 = vector.broadcast %add3A_2133 : i32 to vector<16xi32>
        %add3A_2135 = arith.addi %mul3A_310, %add3A_2134 : vector<16xi32>
        %gather3A_2136 = arith.constant 0 : i32
        %gather3A_2137 = arith.constant 0 : i32
        %gather3A_2138 = tpu.memref_slice %arg14[%and3A_234, %gather3A_2136, %gather3A_2137] : memref<2x128x128xf32, #tpu.memory_space<vmem>> -> memref<1x128x128xf32, #tpu.memory_space<vmem>>
        %gather3A_2139 = tpu.memref_squeeze %gather3A_2138 : memref<1x128x128xf32, #tpu.memory_space<vmem>> -> memref<128x128xf32, #tpu.memory_space<vmem>>
        %gather3A_2140 = tpu.vector_load_idx %gather3A_2139[%add3A_318, %add3A_2135] : memref<128x128xf32, #tpu.memory_space<vmem>>[vector<16xi32>, vector<16xi32>], vector<16xf32>,
        %add3A_2141 = arith.constant 63 : i32
        %add3A_2142 = vector.broadcast %add3A_2141 : i32 to vector<16xi32>
        %add3A_2143 = arith.addi %mul3A_310, %add3A_2142 : vector<16xi32>
        %gather3A_2144 = arith.constant 0 : i32
        %gather3A_2145 = arith.constant 0 : i32
        %gather3A_2146 = tpu.memref_slice %arg14[%and3A_234, %gather3A_2144, %gather3A_2145] : memref<2x128x128xf32, #tpu.memory_space<vmem>> -> memref<1x128x128xf32, #tpu.memory_space<vmem>>
        %gather3A_2147 = tpu.memref_squeeze %gather3A_2146 : memref<1x128x128xf32, #tpu.memory_space<vmem>> -> memref<128x128xf32, #tpu.memory_space<vmem>>
        %gather3A_2148 = tpu.vector_load_idx %gather3A_2147[%add3A_318, %add3A_2143] : memref<128x128xf32, #tpu.memory_space<vmem>>[vector<16xi32>, vector<16xi32>], vector<16xf32>,
        %gather3A_2149 = tpu.vector_load_idx %arg15[%broadcast_in_dim3A_2116, %get3A_313] : memref<32x1000xf32, #tpu.memory_space<vmem>>[vector<16xi32>, vector<16xi32>], vector<16xf32>,
        %gather3A_2150 = tpu.vector_load_idx %arg16[%broadcast_in_dim3A_2116, %get3A_313] : memref<32x1000xf32, #tpu.memory_space<vmem>>[vector<16xi32>, vector<16xi32>], vector<16xf32>,
        %mul3A_2151 = arith.mulf %gather3A_2124, %gather3A_2140 : vector<16xf32>
        %mul3A_2152 = arith.mulf %gather3A_2132, %gather3A_2148 : vector<16xf32>
        %add3A_2153 = arith.addf %mul3A_2151, %mul3A_2152 : vector<16xf32>
        %mul3A_2154 = arith.mulf %gather3A_2149, %add3A_2153 : vector<16xf32>
        %mul3A_2155 = arith.mulf %gather3A_2124, %gather3A_2148 : vector<16xf32>
        %mul3A_2156 = arith.mulf %gather3A_2132, %gather3A_2140 : vector<16xf32>
        %sub3A_2157 = arith.subf %mul3A_2155, %mul3A_2156 : vector<16xf32>
        %mul3A_2158 = arith.mulf %gather3A_2150, %sub3A_2157 : vector<16xf32>
        %add3A_2159 = arith.addf %mul3A_2154, %mul3A_2158 : vector<16xf32>
        %add3A_2160 = arith.addf %add3A_2102, %add3A_2159 : vector<16xf32>
        %mul3A_2161 = arith.mulf %gather3A_2124, %gather3A_2124 : vector<16xf32>
        %mul3A_2162 = arith.mulf %gather3A_2132, %gather3A_2132 : vector<16xf32>
        %add3A_2163 = arith.addf %mul3A_2161, %mul3A_2162 : vector<16xf32>
        %mul3A_2164 = arith.mulf %gather3A_2140, %gather3A_2140 : vector<16xf32>
        %add3A_2165 = arith.addf %add3A_2163, %mul3A_2164 : vector<16xf32>
        %mul3A_2166 = arith.mulf %gather3A_2148, %gather3A_2148 : vector<16xf32>
        %add3A_2167 = arith.addf %add3A_2165, %mul3A_2166 : vector<16xf32>
        %mul3A_2168 = arith.mulf %gather3A_2149, %gather3A_2149 : vector<16xf32>
        %add3A_2169 = arith.addf %add3A_2167, %mul3A_2168 : vector<16xf32>
        %mul3A_2170 = arith.mulf %gather3A_2150, %gather3A_2150 : vector<16xf32>
        %add3A_2171 = arith.addf %add3A_2169, %mul3A_2170 : vector<16xf32>
        %add3A_2172 = arith.addf %add3A_2114, %add3A_2171 : vector<16xf32>
        %swap3A_2173 = arith.index_cast %and3A_234 : i32 to index
        %swap3A_2174 = arith.index_cast %mul3A_282 : i32 to index
        %swap3A_2175 = tpu.vector_load %arg17[%swap3A_2173, %swap3A_2174] {strides = array<i32>} : memref<2x64xf32, #tpu.memory_space<vmem>>, vector<16xf32>,
        tpu.vector_store %arg17[%swap3A_2173, %swap3A_2174], %add3A_2160 {strides = array<i32>} : memref<2x64xf32, #tpu.memory_space<vmem>>, vector<16xf32>,
        scf.yield %add3A_2172 : vector<16xf32>
      }
      %scan3A_264 = arith.constant 4 : i32
      %swap3A_265 = arith.constant 0 : index
      %swap3A_266 = tpu.vector_load %arg18[%swap3A_265] {strides = array<i32>} : memref<16xf32, #tpu.memory_space<vmem>>, vector<16xf32>,
      tpu.vector_store %arg18[%swap3A_265], %scan3A_263 {strides = array<i32>} : memref<16xf32, #tpu.memory_space<vmem>>, vector<16xf32>,
      %mul3A_267 = arith.constant 64 : i32
      %mul3A_268 = arith.muli %scan3A_232, %mul3A_267 : i32
      %add3A_269 = arith.addi %mul3A_2, %mul3A_268 : i32
      %multiple_of3A_270 = tpu.assume_multiple %add3A_269, 64 : i32
      %dma_start3A_271 = arith.constant 0 : i32
      %dma_start3A_272 = tpu.memref_slice %arg17[%and3A_234, %dma_start3A_271] : memref<2x64xf32, #tpu.memory_space<vmem>> -> memref<1x64xf32, #tpu.memory_space<vmem>>
      %dma_start3A_273 = tpu.memref_squeeze %dma_start3A_272 : memref<1x64xf32, #tpu.memory_space<vmem>> -> memref<64xf32, #tpu.memory_space<vmem>>
      %dma_start3A_274 = tpu.memref_slice %arg8[%multiple_of3A_270] : memref<32768xf32, #tpu.memory_space<hbm>> -> memref<64xf32, #tpu.memory_space<hbm>>
      %dma_start3A_275 = tpu.memref_slice %arg8[%multiple_of3A_270] : memref<32768xf32, #tpu.memory_space<hbm>> -> memref<64xf32, #tpu.memory_space<hbm>>
      %dma_start3A_276 = arith.constant 0 : i32
      %dma_start3A_277 = tpu.memref_slice %arg17[%and3A_234, %dma_start3A_276] : memref<2x64xf32, #tpu.memory_space<vmem>> -> memref<1x64xf32, #tpu.memory_space<vmem>>
      %dma_start3A_278 = tpu.memref_squeeze %dma_start3A_277 : memref<1x64xf32, #tpu.memory_space<vmem>> -> memref<64xf32, #tpu.memory_space<vmem>>
      tpu.enqueue_dma source(%dma_start3A_278 : memref<64xf32, #tpu.memory_space<vmem>>) target(%dma_start3A_275 : memref<64xf32, #tpu.memory_space<hbm>>) target_semaphore(%arg21 : memref<!tpu.dma_semaphore, #tpu.memory_space<semaphore_mem>>)
    }
    %scan3A_220 = arith.constant 16 : i32
    %dma_wait3A_221 = arith.constant 1 : i32
    %dma_wait3A_222 = arith.constant 0 : i32
    %dma_wait3A_223 = tpu.memref_slice %arg17[%dma_wait3A_221, %dma_wait3A_222] : memref<2x64xf32, #tpu.memory_space<vmem>> -> memref<1x64xf32, #tpu.memory_space<vmem>>
    %dma_wait3A_224 = tpu.memref_squeeze %dma_wait3A_223 : memref<1x64xf32, #tpu.memory_space<vmem>> -> memref<64xf32, #tpu.memory_space<vmem>>
    %dma_wait3A_225 = arith.constant 0 : i32
    %dma_wait3A_226 = tpu.memref_slice %arg8[%dma_wait3A_225] : memref<32768xf32, #tpu.memory_space<hbm>> -> memref<64xf32, #tpu.memory_space<hbm>>
    %dma_wait3A_227 = arith.constant 0 : i32
    %dma_wait3A_228 = tpu.memref_slice %arg8[%dma_wait3A_227] : memref<32768xf32, #tpu.memory_space<hbm>> -> memref<64xf32, #tpu.memory_space<hbm>>
    %dma_wait3A_229 = arith.constant 0 : i32
    %dma_wait3A_230 = tpu.memref_slice %arg17[%dma_wait3A_221, %dma_wait3A_229] : memref<2x64xf32, #tpu.memory_space<vmem>> -> memref<1x64xf32, #tpu.memory_space<vmem>>
    %dma_wait3A_231 = tpu.memref_squeeze %dma_wait3A_230 : memref<1x64xf32, #tpu.memory_space<vmem>> -> memref<64xf32, #tpu.memory_space<vmem>>
    tpu.wait_dma2 semaphore(%arg21 : memref<!tpu.dma_semaphore, #tpu.memory_space<semaphore_mem>>) src(%dma_wait3A_231 : memref<64xf32, #tpu.memory_space<vmem>>) dst(%dma_wait3A_228 : memref<64xf32, #tpu.memory_space<hbm>>)
    "tpu.region"() ({
      %run_scoped3A = tpu.sem_alloc : memref<!tpu.dma_semaphore, #tpu.memory_space<semaphore_mem>>
      %dma_start3A_232 = arith.constant 0 : i32
      %dma_start3A_233 = tpu.memref_slice %arg9[%add3A, %dma_start3A_232] : memref<32x16xf32, #tpu.memory_space<hbm>> -> memref<1x16xf32, #tpu.memory_space<hbm>>
      %dma_start3A_234 = tpu.memref_squeeze %dma_start3A_233 : memref<1x16xf32, #tpu.memory_space<hbm>> -> memref<16xf32, #tpu.memory_space<hbm>>
      %dma_start3A_235 = arith.constant 0 : i32
      %dma_start3A_236 = tpu.memref_slice %arg9[%add3A, %dma_start3A_235] : memref<32x16xf32, #tpu.memory_space<hbm>> -> memref<1x16xf32, #tpu.memory_space<hbm>>
      %dma_start3A_237 = tpu.memref_squeeze %dma_start3A_236 : memref<1x16xf32, #tpu.memory_space<hbm>> -> memref<16xf32, #tpu.memory_space<hbm>>
      tpu.enqueue_dma source(%arg18 : memref<16xf32, #tpu.memory_space<vmem>>) target(%dma_start3A_237 : memref<16xf32, #tpu.memory_space<hbm>>) target_semaphore(%run_scoped3A : memref<!tpu.dma_semaphore, #tpu.memory_space<semaphore_mem>>)
      %dma_wait3A_238 = arith.constant 0 : i32
      %dma_wait3A_239 = tpu.memref_slice %arg9[%add3A, %dma_wait3A_238] : memref<32x16xf32, #tpu.memory_space<hbm>> -> memref<1x16xf32, #tpu.memory_space<hbm>>
      %dma_wait3A_240 = tpu.memref_squeeze %dma_wait3A_239 : memref<1x16xf32, #tpu.memory_space<hbm>> -> memref<16xf32, #tpu.memory_space<hbm>>
      %dma_wait3A_241 = arith.constant 0 : i32
      %dma_wait3A_242 = tpu.memref_slice %arg9[%add3A, %dma_wait3A_241] : memref<32x16xf32, #tpu.memory_space<hbm>> -> memref<1x16xf32, #tpu.memory_space<hbm>>
      %dma_wait3A_243 = tpu.memref_squeeze %dma_wait3A_242 : memref<1x16xf32, #tpu.memory_space<hbm>> -> memref<16xf32, #tpu.memory_space<hbm>>
      tpu.wait_dma2 semaphore(%run_scoped3A : memref<!tpu.dma_semaphore, #tpu.memory_space<semaphore_mem>>) src(%arg18 : memref<16xf32, #tpu.memory_space<vmem>>) dst(%dma_wait3A_243 : memref<16xf32, #tpu.memory_space<hbm>>)
      tpu.yield
    }) : () -> ()
    return
  }
}

module attributes {stable_mosaic.version = 14 : i64} {
  func.func @body(%arg0: i32, %arg1: memref<32x4096xf32, #tpu.memory_space<vmem>>, %arg2: memref<32x4096xf32, #tpu.memory_space<vmem>>, %arg3: memref<2048x128xf32, #tpu.memory_space<vmem>>) attributes {dimension_semantics = [#tpu.dimension_semantics<arbitrary>], iteration_bounds = array<i64: 245>, scalar_prefetch = 0 : i64, scratch_operands = 0 : i64, tpu.core_type = #tpu.core_type<tc>, window_params = [{transform_indices = @transform_0, window_bounds = array<i64: 32, 4096>}, {transform_indices = @transform_1, window_bounds = array<i64: 32, 4096>}, {transform_indices = @transform_2, window_bounds = array<i64: 2048, 128>}]} {
    %get3A = arith.constant 0 : index
    %get3A_0 = arith.constant 0 : index
    %get3A_1 = vector.load %arg1[%get3A, %get3A_0] : memref<32x4096xf32, #tpu.memory_space<vmem>>, vector<32x128xf32>
    %get3A_2 = arith.constant 0 : index
    %get3A_3 = arith.constant 0 : index
    %get3A_4 = vector.load %arg2[%get3A_2, %get3A_3] : memref<32x4096xf32, #tpu.memory_space<vmem>>, vector<32x128xf32>
    %get3A_5 = arith.constant 0 : index
    %get3A_6 = arith.constant 128 : index
    %get3A_7 = vector.load %arg1[%get3A_5, %get3A_6] : memref<32x4096xf32, #tpu.memory_space<vmem>>, vector<32x128xf32>
    %get3A_8 = arith.constant 0 : index
    %get3A_9 = arith.constant 128 : index
    %get3A_10 = vector.load %arg2[%get3A_8, %get3A_9] : memref<32x4096xf32, #tpu.memory_space<vmem>>, vector<32x128xf32>
    %concatenate3A = tpu.concatenate %get3A_1, %get3A_4, %get3A_7, %get3A_10 in 0 : vector<32x128xf32>, vector<32x128xf32>, vector<32x128xf32>, vector<32x128xf32> -> vector<128x128xf32>
    %transpose3A = tpu.transpose %concatenate3A, [1, 0] : vector<128x128xf32> -> vector<128x128xf32>
    %swap3A = arith.constant 0 : index
    %swap3A_11 = arith.constant 0 : index
    %swap3A_12 = vector.load %arg3[%swap3A, %swap3A_11] : memref<2048x128xf32, #tpu.memory_space<vmem>>, vector<128x128xf32>
    tpu.vector_store %arg3[%swap3A, %swap3A_11], %transpose3A {strides = array<i32>} : memref<2048x128xf32, #tpu.memory_space<vmem>>, vector<128x128xf32>,
    %get3A_13 = arith.constant 0 : index
    %get3A_14 = arith.constant 256 : index
    %get3A_15 = vector.load %arg1[%get3A_13, %get3A_14] : memref<32x4096xf32, #tpu.memory_space<vmem>>, vector<32x128xf32>
    %get3A_16 = arith.constant 0 : index
    %get3A_17 = arith.constant 256 : index
    %get3A_18 = vector.load %arg2[%get3A_16, %get3A_17] : memref<32x4096xf32, #tpu.memory_space<vmem>>, vector<32x128xf32>
    %get3A_19 = arith.constant 0 : index
    %get3A_20 = arith.constant 384 : index
    %get3A_21 = vector.load %arg1[%get3A_19, %get3A_20] : memref<32x4096xf32, #tpu.memory_space<vmem>>, vector<32x128xf32>
    %get3A_22 = arith.constant 0 : index
    %get3A_23 = arith.constant 384 : index
    %get3A_24 = vector.load %arg2[%get3A_22, %get3A_23] : memref<32x4096xf32, #tpu.memory_space<vmem>>, vector<32x128xf32>
    %concatenate3A_25 = tpu.concatenate %get3A_15, %get3A_18, %get3A_21, %get3A_24 in 0 : vector<32x128xf32>, vector<32x128xf32>, vector<32x128xf32>, vector<32x128xf32> -> vector<128x128xf32>
    %transpose3A_26 = tpu.transpose %concatenate3A_25, [1, 0] : vector<128x128xf32> -> vector<128x128xf32>
    %swap3A_27 = arith.constant 128 : index
    %swap3A_28 = arith.constant 0 : index
    %swap3A_29 = vector.load %arg3[%swap3A_27, %swap3A_28] : memref<2048x128xf32, #tpu.memory_space<vmem>>, vector<128x128xf32>
    tpu.vector_store %arg3[%swap3A_27, %swap3A_28], %transpose3A_26 {strides = array<i32>} : memref<2048x128xf32, #tpu.memory_space<vmem>>, vector<128x128xf32>,
    %get3A_30 = arith.constant 0 : index
    %get3A_31 = arith.constant 512 : index
    %get3A_32 = vector.load %arg1[%get3A_30, %get3A_31] : memref<32x4096xf32, #tpu.memory_space<vmem>>, vector<32x128xf32>
    %get3A_33 = arith.constant 0 : index
    %get3A_34 = arith.constant 512 : index
    %get3A_35 = vector.load %arg2[%get3A_33, %get3A_34] : memref<32x4096xf32, #tpu.memory_space<vmem>>, vector<32x128xf32>
    %get3A_36 = arith.constant 0 : index
    %get3A_37 = arith.constant 640 : index
    %get3A_38 = vector.load %arg1[%get3A_36, %get3A_37] : memref<32x4096xf32, #tpu.memory_space<vmem>>, vector<32x128xf32>
    %get3A_39 = arith.constant 0 : index
    %get3A_40 = arith.constant 640 : index
    %get3A_41 = vector.load %arg2[%get3A_39, %get3A_40] : memref<32x4096xf32, #tpu.memory_space<vmem>>, vector<32x128xf32>
    %concatenate3A_42 = tpu.concatenate %get3A_32, %get3A_35, %get3A_38, %get3A_41 in 0 : vector<32x128xf32>, vector<32x128xf32>, vector<32x128xf32>, vector<32x128xf32> -> vector<128x128xf32>
    %transpose3A_43 = tpu.transpose %concatenate3A_42, [1, 0] : vector<128x128xf32> -> vector<128x128xf32>
    %swap3A_44 = arith.constant 256 : index
    %swap3A_45 = arith.constant 0 : index
    %swap3A_46 = vector.load %arg3[%swap3A_44, %swap3A_45] : memref<2048x128xf32, #tpu.memory_space<vmem>>, vector<128x128xf32>
    tpu.vector_store %arg3[%swap3A_44, %swap3A_45], %transpose3A_43 {strides = array<i32>} : memref<2048x128xf32, #tpu.memory_space<vmem>>, vector<128x128xf32>,
    %get3A_47 = arith.constant 0 : index
    %get3A_48 = arith.constant 768 : index
    %get3A_49 = vector.load %arg1[%get3A_47, %get3A_48] : memref<32x4096xf32, #tpu.memory_space<vmem>>, vector<32x128xf32>
    %get3A_50 = arith.constant 0 : index
    %get3A_51 = arith.constant 768 : index
    %get3A_52 = vector.load %arg2[%get3A_50, %get3A_51] : memref<32x4096xf32, #tpu.memory_space<vmem>>, vector<32x128xf32>
    %get3A_53 = arith.constant 0 : index
    %get3A_54 = arith.constant 896 : index
    %get3A_55 = vector.load %arg1[%get3A_53, %get3A_54] : memref<32x4096xf32, #tpu.memory_space<vmem>>, vector<32x128xf32>
    %get3A_56 = arith.constant 0 : index
    %get3A_57 = arith.constant 896 : index
    %get3A_58 = vector.load %arg2[%get3A_56, %get3A_57] : memref<32x4096xf32, #tpu.memory_space<vmem>>, vector<32x128xf32>
    %concatenate3A_59 = tpu.concatenate %get3A_49, %get3A_52, %get3A_55, %get3A_58 in 0 : vector<32x128xf32>, vector<32x128xf32>, vector<32x128xf32>, vector<32x128xf32> -> vector<128x128xf32>
    %transpose3A_60 = tpu.transpose %concatenate3A_59, [1, 0] : vector<128x128xf32> -> vector<128x128xf32>
    %swap3A_61 = arith.constant 384 : index
    %swap3A_62 = arith.constant 0 : index
    %swap3A_63 = vector.load %arg3[%swap3A_61, %swap3A_62] : memref<2048x128xf32, #tpu.memory_space<vmem>>, vector<128x128xf32>
    tpu.vector_store %arg3[%swap3A_61, %swap3A_62], %transpose3A_60 {strides = array<i32>} : memref<2048x128xf32, #tpu.memory_space<vmem>>, vector<128x128xf32>,
    %get3A_64 = arith.constant 0 : index
    %get3A_65 = arith.constant 1024 : index
    %get3A_66 = vector.load %arg1[%get3A_64, %get3A_65] : memref<32x4096xf32, #tpu.memory_space<vmem>>, vector<32x128xf32>
    %get3A_67 = arith.constant 0 : index
    %get3A_68 = arith.constant 1024 : index
    %get3A_69 = vector.load %arg2[%get3A_67, %get3A_68] : memref<32x4096xf32, #tpu.memory_space<vmem>>, vector<32x128xf32>
    %get3A_70 = arith.constant 0 : index
    %get3A_71 = arith.constant 1152 : index
    %get3A_72 = vector.load %arg1[%get3A_70, %get3A_71] : memref<32x4096xf32, #tpu.memory_space<vmem>>, vector<32x128xf32>
    %get3A_73 = arith.constant 0 : index
    %get3A_74 = arith.constant 1152 : index
    %get3A_75 = vector.load %arg2[%get3A_73, %get3A_74] : memref<32x4096xf32, #tpu.memory_space<vmem>>, vector<32x128xf32>
    %concatenate3A_76 = tpu.concatenate %get3A_66, %get3A_69, %get3A_72, %get3A_75 in 0 : vector<32x128xf32>, vector<32x128xf32>, vector<32x128xf32>, vector<32x128xf32> -> vector<128x128xf32>
    %transpose3A_77 = tpu.transpose %concatenate3A_76, [1, 0] : vector<128x128xf32> -> vector<128x128xf32>
    %swap3A_78 = arith.constant 512 : index
    %swap3A_79 = arith.constant 0 : index
    %swap3A_80 = vector.load %arg3[%swap3A_78, %swap3A_79] : memref<2048x128xf32, #tpu.memory_space<vmem>>, vector<128x128xf32>
    tpu.vector_store %arg3[%swap3A_78, %swap3A_79], %transpose3A_77 {strides = array<i32>} : memref<2048x128xf32, #tpu.memory_space<vmem>>, vector<128x128xf32>,
    %get3A_81 = arith.constant 0 : index
    %get3A_82 = arith.constant 1280 : index
    %get3A_83 = vector.load %arg1[%get3A_81, %get3A_82] : memref<32x4096xf32, #tpu.memory_space<vmem>>, vector<32x128xf32>
    %get3A_84 = arith.constant 0 : index
    %get3A_85 = arith.constant 1280 : index
    %get3A_86 = vector.load %arg2[%get3A_84, %get3A_85] : memref<32x4096xf32, #tpu.memory_space<vmem>>, vector<32x128xf32>
    %get3A_87 = arith.constant 0 : index
    %get3A_88 = arith.constant 1408 : index
    %get3A_89 = vector.load %arg1[%get3A_87, %get3A_88] : memref<32x4096xf32, #tpu.memory_space<vmem>>, vector<32x128xf32>
    %get3A_90 = arith.constant 0 : index
    %get3A_91 = arith.constant 1408 : index
    %get3A_92 = vector.load %arg2[%get3A_90, %get3A_91] : memref<32x4096xf32, #tpu.memory_space<vmem>>, vector<32x128xf32>
    %concatenate3A_93 = tpu.concatenate %get3A_83, %get3A_86, %get3A_89, %get3A_92 in 0 : vector<32x128xf32>, vector<32x128xf32>, vector<32x128xf32>, vector<32x128xf32> -> vector<128x128xf32>
    %transpose3A_94 = tpu.transpose %concatenate3A_93, [1, 0] : vector<128x128xf32> -> vector<128x128xf32>
    %swap3A_95 = arith.constant 640 : index
    %swap3A_96 = arith.constant 0 : index
    %swap3A_97 = vector.load %arg3[%swap3A_95, %swap3A_96] : memref<2048x128xf32, #tpu.memory_space<vmem>>, vector<128x128xf32>
    tpu.vector_store %arg3[%swap3A_95, %swap3A_96], %transpose3A_94 {strides = array<i32>} : memref<2048x128xf32, #tpu.memory_space<vmem>>, vector<128x128xf32>,
    %get3A_98 = arith.constant 0 : index
    %get3A_99 = arith.constant 1536 : index
    %get3A_100 = vector.load %arg1[%get3A_98, %get3A_99] : memref<32x4096xf32, #tpu.memory_space<vmem>>, vector<32x128xf32>
    %get3A_101 = arith.constant 0 : index
    %get3A_102 = arith.constant 1536 : index
    %get3A_103 = vector.load %arg2[%get3A_101, %get3A_102] : memref<32x4096xf32, #tpu.memory_space<vmem>>, vector<32x128xf32>
    %get3A_104 = arith.constant 0 : index
    %get3A_105 = arith.constant 1664 : index
    %get3A_106 = vector.load %arg1[%get3A_104, %get3A_105] : memref<32x4096xf32, #tpu.memory_space<vmem>>, vector<32x128xf32>
    %get3A_107 = arith.constant 0 : index
    %get3A_108 = arith.constant 1664 : index
    %get3A_109 = vector.load %arg2[%get3A_107, %get3A_108] : memref<32x4096xf32, #tpu.memory_space<vmem>>, vector<32x128xf32>
    %concatenate3A_110 = tpu.concatenate %get3A_100, %get3A_103, %get3A_106, %get3A_109 in 0 : vector<32x128xf32>, vector<32x128xf32>, vector<32x128xf32>, vector<32x128xf32> -> vector<128x128xf32>
    %transpose3A_111 = tpu.transpose %concatenate3A_110, [1, 0] : vector<128x128xf32> -> vector<128x128xf32>
    %swap3A_112 = arith.constant 768 : index
    %swap3A_113 = arith.constant 0 : index
    %swap3A_114 = vector.load %arg3[%swap3A_112, %swap3A_113] : memref<2048x128xf32, #tpu.memory_space<vmem>>, vector<128x128xf32>
    tpu.vector_store %arg3[%swap3A_112, %swap3A_113], %transpose3A_111 {strides = array<i32>} : memref<2048x128xf32, #tpu.memory_space<vmem>>, vector<128x128xf32>,
    %get3A_115 = arith.constant 0 : index
    %get3A_116 = arith.constant 1792 : index
    %get3A_117 = vector.load %arg1[%get3A_115, %get3A_116] : memref<32x4096xf32, #tpu.memory_space<vmem>>, vector<32x128xf32>
    %get3A_118 = arith.constant 0 : index
    %get3A_119 = arith.constant 1792 : index
    %get3A_120 = vector.load %arg2[%get3A_118, %get3A_119] : memref<32x4096xf32, #tpu.memory_space<vmem>>, vector<32x128xf32>
    %get3A_121 = arith.constant 0 : index
    %get3A_122 = arith.constant 1920 : index
    %get3A_123 = vector.load %arg1[%get3A_121, %get3A_122] : memref<32x4096xf32, #tpu.memory_space<vmem>>, vector<32x128xf32>
    %get3A_124 = arith.constant 0 : index
    %get3A_125 = arith.constant 1920 : index
    %get3A_126 = vector.load %arg2[%get3A_124, %get3A_125] : memref<32x4096xf32, #tpu.memory_space<vmem>>, vector<32x128xf32>
    %concatenate3A_127 = tpu.concatenate %get3A_117, %get3A_120, %get3A_123, %get3A_126 in 0 : vector<32x128xf32>, vector<32x128xf32>, vector<32x128xf32>, vector<32x128xf32> -> vector<128x128xf32>
    %transpose3A_128 = tpu.transpose %concatenate3A_127, [1, 0] : vector<128x128xf32> -> vector<128x128xf32>
    %swap3A_129 = arith.constant 896 : index
    %swap3A_130 = arith.constant 0 : index
    %swap3A_131 = vector.load %arg3[%swap3A_129, %swap3A_130] : memref<2048x128xf32, #tpu.memory_space<vmem>>, vector<128x128xf32>
    tpu.vector_store %arg3[%swap3A_129, %swap3A_130], %transpose3A_128 {strides = array<i32>} : memref<2048x128xf32, #tpu.memory_space<vmem>>, vector<128x128xf32>,
    %get3A_132 = arith.constant 0 : index
    %get3A_133 = arith.constant 2048 : index
    %get3A_134 = vector.load %arg1[%get3A_132, %get3A_133] : memref<32x4096xf32, #tpu.memory_space<vmem>>, vector<32x128xf32>
    %get3A_135 = arith.constant 0 : index
    %get3A_136 = arith.constant 2048 : index
    %get3A_137 = vector.load %arg2[%get3A_135, %get3A_136] : memref<32x4096xf32, #tpu.memory_space<vmem>>, vector<32x128xf32>
    %get3A_138 = arith.constant 0 : index
    %get3A_139 = arith.constant 2176 : index
    %get3A_140 = vector.load %arg1[%get3A_138, %get3A_139] : memref<32x4096xf32, #tpu.memory_space<vmem>>, vector<32x128xf32>
    %get3A_141 = arith.constant 0 : index
    %get3A_142 = arith.constant 2176 : index
    %get3A_143 = vector.load %arg2[%get3A_141, %get3A_142] : memref<32x4096xf32, #tpu.memory_space<vmem>>, vector<32x128xf32>
    %concatenate3A_144 = tpu.concatenate %get3A_134, %get3A_137, %get3A_140, %get3A_143 in 0 : vector<32x128xf32>, vector<32x128xf32>, vector<32x128xf32>, vector<32x128xf32> -> vector<128x128xf32>
    %transpose3A_145 = tpu.transpose %concatenate3A_144, [1, 0] : vector<128x128xf32> -> vector<128x128xf32>
    %swap3A_146 = arith.constant 1024 : index
    %swap3A_147 = arith.constant 0 : index
    %swap3A_148 = vector.load %arg3[%swap3A_146, %swap3A_147] : memref<2048x128xf32, #tpu.memory_space<vmem>>, vector<128x128xf32>
    tpu.vector_store %arg3[%swap3A_146, %swap3A_147], %transpose3A_145 {strides = array<i32>} : memref<2048x128xf32, #tpu.memory_space<vmem>>, vector<128x128xf32>,
    %get3A_149 = arith.constant 0 : index
    %get3A_150 = arith.constant 2304 : index
    %get3A_151 = vector.load %arg1[%get3A_149, %get3A_150] : memref<32x4096xf32, #tpu.memory_space<vmem>>, vector<32x128xf32>
    %get3A_152 = arith.constant 0 : index
    %get3A_153 = arith.constant 2304 : index
    %get3A_154 = vector.load %arg2[%get3A_152, %get3A_153] : memref<32x4096xf32, #tpu.memory_space<vmem>>, vector<32x128xf32>
    %get3A_155 = arith.constant 0 : index
    %get3A_156 = arith.constant 2432 : index
    %get3A_157 = vector.load %arg1[%get3A_155, %get3A_156] : memref<32x4096xf32, #tpu.memory_space<vmem>>, vector<32x128xf32>
    %get3A_158 = arith.constant 0 : index
    %get3A_159 = arith.constant 2432 : index
    %get3A_160 = vector.load %arg2[%get3A_158, %get3A_159] : memref<32x4096xf32, #tpu.memory_space<vmem>>, vector<32x128xf32>
    %concatenate3A_161 = tpu.concatenate %get3A_151, %get3A_154, %get3A_157, %get3A_160 in 0 : vector<32x128xf32>, vector<32x128xf32>, vector<32x128xf32>, vector<32x128xf32> -> vector<128x128xf32>
    %transpose3A_162 = tpu.transpose %concatenate3A_161, [1, 0] : vector<128x128xf32> -> vector<128x128xf32>
    %swap3A_163 = arith.constant 1152 : index
    %swap3A_164 = arith.constant 0 : index
    %swap3A_165 = vector.load %arg3[%swap3A_163, %swap3A_164] : memref<2048x128xf32, #tpu.memory_space<vmem>>, vector<128x128xf32>
    tpu.vector_store %arg3[%swap3A_163, %swap3A_164], %transpose3A_162 {strides = array<i32>} : memref<2048x128xf32, #tpu.memory_space<vmem>>, vector<128x128xf32>,
    %get3A_166 = arith.constant 0 : index
    %get3A_167 = arith.constant 2560 : index
    %get3A_168 = vector.load %arg1[%get3A_166, %get3A_167] : memref<32x4096xf32, #tpu.memory_space<vmem>>, vector<32x128xf32>
    %get3A_169 = arith.constant 0 : index
    %get3A_170 = arith.constant 2560 : index
    %get3A_171 = vector.load %arg2[%get3A_169, %get3A_170] : memref<32x4096xf32, #tpu.memory_space<vmem>>, vector<32x128xf32>
    %get3A_172 = arith.constant 0 : index
    %get3A_173 = arith.constant 2688 : index
    %get3A_174 = vector.load %arg1[%get3A_172, %get3A_173] : memref<32x4096xf32, #tpu.memory_space<vmem>>, vector<32x128xf32>
    %get3A_175 = arith.constant 0 : index
    %get3A_176 = arith.constant 2688 : index
    %get3A_177 = vector.load %arg2[%get3A_175, %get3A_176] : memref<32x4096xf32, #tpu.memory_space<vmem>>, vector<32x128xf32>
    %concatenate3A_178 = tpu.concatenate %get3A_168, %get3A_171, %get3A_174, %get3A_177 in 0 : vector<32x128xf32>, vector<32x128xf32>, vector<32x128xf32>, vector<32x128xf32> -> vector<128x128xf32>
    %transpose3A_179 = tpu.transpose %concatenate3A_178, [1, 0] : vector<128x128xf32> -> vector<128x128xf32>
    %swap3A_180 = arith.constant 1280 : index
    %swap3A_181 = arith.constant 0 : index
    %swap3A_182 = vector.load %arg3[%swap3A_180, %swap3A_181] : memref<2048x128xf32, #tpu.memory_space<vmem>>, vector<128x128xf32>
    tpu.vector_store %arg3[%swap3A_180, %swap3A_181], %transpose3A_179 {strides = array<i32>} : memref<2048x128xf32, #tpu.memory_space<vmem>>, vector<128x128xf32>,
    %get3A_183 = arith.constant 0 : index
    %get3A_184 = arith.constant 2816 : index
    %get3A_185 = vector.load %arg1[%get3A_183, %get3A_184] : memref<32x4096xf32, #tpu.memory_space<vmem>>, vector<32x128xf32>
    %get3A_186 = arith.constant 0 : index
    %get3A_187 = arith.constant 2816 : index
    %get3A_188 = vector.load %arg2[%get3A_186, %get3A_187] : memref<32x4096xf32, #tpu.memory_space<vmem>>, vector<32x128xf32>
    %get3A_189 = arith.constant 0 : index
    %get3A_190 = arith.constant 2944 : index
    %get3A_191 = vector.load %arg1[%get3A_189, %get3A_190] : memref<32x4096xf32, #tpu.memory_space<vmem>>, vector<32x128xf32>
    %get3A_192 = arith.constant 0 : index
    %get3A_193 = arith.constant 2944 : index
    %get3A_194 = vector.load %arg2[%get3A_192, %get3A_193] : memref<32x4096xf32, #tpu.memory_space<vmem>>, vector<32x128xf32>
    %concatenate3A_195 = tpu.concatenate %get3A_185, %get3A_188, %get3A_191, %get3A_194 in 0 : vector<32x128xf32>, vector<32x128xf32>, vector<32x128xf32>, vector<32x128xf32> -> vector<128x128xf32>
    %transpose3A_196 = tpu.transpose %concatenate3A_195, [1, 0] : vector<128x128xf32> -> vector<128x128xf32>
    %swap3A_197 = arith.constant 1408 : index
    %swap3A_198 = arith.constant 0 : index
    %swap3A_199 = vector.load %arg3[%swap3A_197, %swap3A_198] : memref<2048x128xf32, #tpu.memory_space<vmem>>, vector<128x128xf32>
    tpu.vector_store %arg3[%swap3A_197, %swap3A_198], %transpose3A_196 {strides = array<i32>} : memref<2048x128xf32, #tpu.memory_space<vmem>>, vector<128x128xf32>,
    %get3A_200 = arith.constant 0 : index
    %get3A_201 = arith.constant 3072 : index
    %get3A_202 = vector.load %arg1[%get3A_200, %get3A_201] : memref<32x4096xf32, #tpu.memory_space<vmem>>, vector<32x128xf32>
    %get3A_203 = arith.constant 0 : index
    %get3A_204 = arith.constant 3072 : index
    %get3A_205 = vector.load %arg2[%get3A_203, %get3A_204] : memref<32x4096xf32, #tpu.memory_space<vmem>>, vector<32x128xf32>
    %get3A_206 = arith.constant 0 : index
    %get3A_207 = arith.constant 3200 : index
    %get3A_208 = vector.load %arg1[%get3A_206, %get3A_207] : memref<32x4096xf32, #tpu.memory_space<vmem>>, vector<32x128xf32>
    %get3A_209 = arith.constant 0 : index
    %get3A_210 = arith.constant 3200 : index
    %get3A_211 = vector.load %arg2[%get3A_209, %get3A_210] : memref<32x4096xf32, #tpu.memory_space<vmem>>, vector<32x128xf32>
    %concatenate3A_212 = tpu.concatenate %get3A_202, %get3A_205, %get3A_208, %get3A_211 in 0 : vector<32x128xf32>, vector<32x128xf32>, vector<32x128xf32>, vector<32x128xf32> -> vector<128x128xf32>
    %transpose3A_213 = tpu.transpose %concatenate3A_212, [1, 0] : vector<128x128xf32> -> vector<128x128xf32>
    %swap3A_214 = arith.constant 1536 : index
    %swap3A_215 = arith.constant 0 : index
    %swap3A_216 = vector.load %arg3[%swap3A_214, %swap3A_215] : memref<2048x128xf32, #tpu.memory_space<vmem>>, vector<128x128xf32>
    tpu.vector_store %arg3[%swap3A_214, %swap3A_215], %transpose3A_213 {strides = array<i32>} : memref<2048x128xf32, #tpu.memory_space<vmem>>, vector<128x128xf32>,
    %get3A_217 = arith.constant 0 : index
    %get3A_218 = arith.constant 3328 : index
    %get3A_219 = vector.load %arg1[%get3A_217, %get3A_218] : memref<32x4096xf32, #tpu.memory_space<vmem>>, vector<32x128xf32>
    %get3A_220 = arith.constant 0 : index
    %get3A_221 = arith.constant 3328 : index
    %get3A_222 = vector.load %arg2[%get3A_220, %get3A_221] : memref<32x4096xf32, #tpu.memory_space<vmem>>, vector<32x128xf32>
    %get3A_223 = arith.constant 0 : index
    %get3A_224 = arith.constant 3456 : index
    %get3A_225 = vector.load %arg1[%get3A_223, %get3A_224] : memref<32x4096xf32, #tpu.memory_space<vmem>>, vector<32x128xf32>
    %get3A_226 = arith.constant 0 : index
    %get3A_227 = arith.constant 3456 : index
    %get3A_228 = vector.load %arg2[%get3A_226, %get3A_227] : memref<32x4096xf32, #tpu.memory_space<vmem>>, vector<32x128xf32>
    %concatenate3A_229 = tpu.concatenate %get3A_219, %get3A_222, %get3A_225, %get3A_228 in 0 : vector<32x128xf32>, vector<32x128xf32>, vector<32x128xf32>, vector<32x128xf32> -> vector<128x128xf32>
    %transpose3A_230 = tpu.transpose %concatenate3A_229, [1, 0] : vector<128x128xf32> -> vector<128x128xf32>
    %swap3A_231 = arith.constant 1664 : index
    %swap3A_232 = arith.constant 0 : index
    %swap3A_233 = vector.load %arg3[%swap3A_231, %swap3A_232] : memref<2048x128xf32, #tpu.memory_space<vmem>>, vector<128x128xf32>
    tpu.vector_store %arg3[%swap3A_231, %swap3A_232], %transpose3A_230 {strides = array<i32>} : memref<2048x128xf32, #tpu.memory_space<vmem>>, vector<128x128xf32>,
    %get3A_234 = arith.constant 0 : index
    %get3A_235 = arith.constant 3584 : index
    %get3A_236 = vector.load %arg1[%get3A_234, %get3A_235] : memref<32x4096xf32, #tpu.memory_space<vmem>>, vector<32x128xf32>
    %get3A_237 = arith.constant 0 : index
    %get3A_238 = arith.constant 3584 : index
    %get3A_239 = vector.load %arg2[%get3A_237, %get3A_238] : memref<32x4096xf32, #tpu.memory_space<vmem>>, vector<32x128xf32>
    %get3A_240 = arith.constant 0 : index
    %get3A_241 = arith.constant 3712 : index
    %get3A_242 = vector.load %arg1[%get3A_240, %get3A_241] : memref<32x4096xf32, #tpu.memory_space<vmem>>, vector<32x128xf32>
    %get3A_243 = arith.constant 0 : index
    %get3A_244 = arith.constant 3712 : index
    %get3A_245 = vector.load %arg2[%get3A_243, %get3A_244] : memref<32x4096xf32, #tpu.memory_space<vmem>>, vector<32x128xf32>
    %concatenate3A_246 = tpu.concatenate %get3A_236, %get3A_239, %get3A_242, %get3A_245 in 0 : vector<32x128xf32>, vector<32x128xf32>, vector<32x128xf32>, vector<32x128xf32> -> vector<128x128xf32>
    %transpose3A_247 = tpu.transpose %concatenate3A_246, [1, 0] : vector<128x128xf32> -> vector<128x128xf32>
    %swap3A_248 = arith.constant 1792 : index
    %swap3A_249 = arith.constant 0 : index
    %swap3A_250 = vector.load %arg3[%swap3A_248, %swap3A_249] : memref<2048x128xf32, #tpu.memory_space<vmem>>, vector<128x128xf32>
    tpu.vector_store %arg3[%swap3A_248, %swap3A_249], %transpose3A_247 {strides = array<i32>} : memref<2048x128xf32, #tpu.memory_space<vmem>>, vector<128x128xf32>,
    %get3A_251 = arith.constant 0 : index
    %get3A_252 = arith.constant 3840 : index
    %get3A_253 = vector.load %arg1[%get3A_251, %get3A_252] : memref<32x4096xf32, #tpu.memory_space<vmem>>, vector<32x128xf32>
    %get3A_254 = arith.constant 0 : index
    %get3A_255 = arith.constant 3840 : index
    %get3A_256 = vector.load %arg2[%get3A_254, %get3A_255] : memref<32x4096xf32, #tpu.memory_space<vmem>>, vector<32x128xf32>
    %get3A_257 = arith.constant 0 : index
    %get3A_258 = arith.constant 3968 : index
    %get3A_259 = vector.load %arg1[%get3A_257, %get3A_258] : memref<32x4096xf32, #tpu.memory_space<vmem>>, vector<32x128xf32>
    %get3A_260 = arith.constant 0 : index
    %get3A_261 = arith.constant 3968 : index
    %get3A_262 = vector.load %arg2[%get3A_260, %get3A_261] : memref<32x4096xf32, #tpu.memory_space<vmem>>, vector<32x128xf32>
    %concatenate3A_263 = tpu.concatenate %get3A_253, %get3A_256, %get3A_259, %get3A_262 in 0 : vector<32x128xf32>, vector<32x128xf32>, vector<32x128xf32>, vector<32x128xf32> -> vector<128x128xf32>
    %transpose3A_264 = tpu.transpose %concatenate3A_263, [1, 0] : vector<128x128xf32> -> vector<128x128xf32>
    %swap3A_265 = arith.constant 1920 : index
    %swap3A_266 = arith.constant 0 : index
    %swap3A_267 = vector.load %arg3[%swap3A_265, %swap3A_266] : memref<2048x128xf32, #tpu.memory_space<vmem>>, vector<128x128xf32>
    tpu.vector_store %arg3[%swap3A_265, %swap3A_266], %transpose3A_264 {strides = array<i32>} : memref<2048x128xf32, #tpu.memory_space<vmem>>, vector<128x128xf32>,
    return
  }
  func.func @transform_0(%arg0: i32) -> (i32, i32) {
    %c0_i32 = arith.constant 0 : i32
    %c0_i32_0 = arith.constant 0 : i32
    return %c0_i32, %arg0 : i32, i32
  }
  func.func @transform_1(%arg0: i32) -> (i32, i32) {
    %c0_i32 = arith.constant 0 : i32
    %c0_i32_0 = arith.constant 0 : i32
    return %c0_i32, %arg0 : i32, i32
  }
  func.func @transform_2(%arg0: i32) -> (i32, i32) {
    %c0_i32 = arith.constant 0 : i32
    %c0_i32_0 = arith.constant 0 : i32
    return %arg0, %c0_i32 : i32, i32
  }
}

module attributes {stable_mosaic.version = 14 : i64} {
  func.func @body(%arg0: memref<256x128xf32, #tpu.memory_space<vmem>>, %arg1: memref<32x16xf32, #tpu.memory_space<vmem>>, %arg2: memref<1x1xf32, #tpu.memory_space<smem>>) attributes {dimension_semantics = [], scalar_prefetch = 0 : i64, scratch_operands = 0 : i64, tpu.core_type = #tpu.core_type<tc>} {
    %get3A = arith.constant 0 : index
    %get3A_0 = arith.constant 0 : index
    %get3A_1 = vector.load %arg0[%get3A, %get3A_0] : memref<256x128xf32, #tpu.memory_space<vmem>>, vector<256x128xf32>
    %max3A = arith.constant 0.000000e+00 : f32
    %max3A_2 = vector.broadcast %max3A : f32 to vector<256x128xf32>
    %max3A_3 = arith.maximumf %get3A_1, %max3A_2 : vector<256x128xf32>
    %abs3A = math.absf %get3A_1 : vector<256x128xf32>
    %neg3A = arith.constant 0.000000e+00 : f32
    %neg3A_4 = vector.broadcast %neg3A : f32 to vector<256x128xf32>
    %neg3A_5 = arith.subf %neg3A_4, %abs3A : vector<256x128xf32>
    %exp3A = math.exp %neg3A_5 : vector<256x128xf32>
    %add3A = arith.constant 1.000000e+00 : f32
    %add3A_6 = vector.broadcast %add3A : f32 to vector<256x128xf32>
    %add3A_7 = arith.addf %add3A_6, %exp3A : vector<256x128xf32>
    %log3A = math.log %add3A_7 : vector<256x128xf32>
    %add3A_8 = arith.addf %max3A_3, %log3A : vector<256x128xf32>
    %reduce_sum3A = vector.shape_cast %add3A_8 : vector<256x128xf32> to vector<1x256x128xf32>
    %reduce_sum3A_9 = arith.constant dense<0.000000e+00> : vector<1xf32>
    %reduce_sum3A_10 = vector.multi_reduction <add>, %reduce_sum3A, %reduce_sum3A_9 [1, 2] : vector<1x256x128xf32> to vector<1xf32>
    %reduce_sum3A_11 = vector.shape_cast %reduce_sum3A_10 : vector<1xf32> to vector<1x1x1xf32>
    %reduce_sum3A_12 = vector.extract %reduce_sum3A_11[0, 0, 0] : f32 from vector<1x1x1xf32>
    %mul3A = arith.constant 3.05175781E-5 : f32
    %mul3A_13 = arith.mulf %reduce_sum3A_12, %mul3A : f32
    %get3A_14 = arith.constant 0 : index
    %get3A_15 = arith.constant 0 : index
    %get3A_16 = vector.load %arg1[%get3A_14, %get3A_15] : memref<32x16xf32, #tpu.memory_space<vmem>>, vector<32x16xf32>
    %reduce_sum3A_17 = vector.shape_cast %get3A_16 : vector<32x16xf32> to vector<1x32x16xf32>
    %reduce_sum3A_18 = arith.constant dense<0.000000e+00> : vector<1xf32>
    %reduce_sum3A_19 = vector.multi_reduction <add>, %reduce_sum3A_17, %reduce_sum3A_18 [1, 2] : vector<1x32x16xf32> to vector<1xf32>
    %reduce_sum3A_20 = vector.shape_cast %reduce_sum3A_19 : vector<1xf32> to vector<1x1x1xf32>
    %reduce_sum3A_21 = vector.extract %reduce_sum3A_20[0, 0, 0] : f32 from vector<1x1x1xf32>
    %mul3A_22 = arith.constant 9.53674316E-7 : f32
    %mul3A_23 = arith.mulf %reduce_sum3A_21, %mul3A_22 : f32
    %mul3A_24 = arith.constant 0.00999999977 : f32
    %mul3A_25 = arith.mulf %mul3A_24, %mul3A_23 : f32
    %add3A_26 = arith.addf %mul3A_13, %mul3A_25 : f32
    %swap3A = arith.constant 0 : index
    %swap3A_27 = arith.constant 0 : index
    %swap3A_28 = memref.load %arg2[%swap3A, %swap3A_27] : memref<1x1xf32, #tpu.memory_space<smem>>
    memref.store %add3A_26, %arg2[%swap3A, %swap3A_27] : memref<1x1xf32, #tpu.memory_space<smem>>
    return
  }
}

</mosaic_0001>

<sc_bundles>
// kernel: kernel.5.cloned.1.call-start
scs
__scs_entry_jumppad:
0x0: {  	(pc) =	sbr.rel $0x88, $3  }
0x1: {  	(tag) =	ssettag $0x0;
	lr =	simm.s32 $0x1  }
0x2: {  	[smem:$0x3F97] =	sst lr;
	_ =	strace $0xD0000000  }
0x3: {  	_ = 	snop  }
0x4: {  	_ = 	snop  }
0x5: {  	_ = 	snop  }
0x6: {  	_ = 	snop  }
0x7: {  	_ = 	snop  }
__scs_overlays_trampoline_lowered:
0x8: {  	[smem:$0x3FA6] =	sst s0  }
0x9: {  	[smem:$0x3FA7] =	sst s1  }
0xa: {  	[smem:$0x3FA8] =	sst s2  }
0xb: {  	[smem:$0x3FA9] =	sst s3  }
0xc: {  	[smem:$0x3FAA] =	sst s4  }
0xd: {  	[smem:$0x3FAB] =	sst s5  }
0xe: {  	[smem:$0x3FAC] =	sst s6  }
0xf: {  	[smem:$0x3FAD] =	sst s7  }
0x10: {  	[smem:$0x3FAE] =	sst s8  }
0x11: {  	[smem:$0x3FAF] =	sst s9;
	s0 =	simm.s32 @!p0 $0x0  }
0x12: {  	s1 =	sld [smem:$0x3F95];
	s0 =	simm.s32 @p0 $0x1  }
0x13: {  	[smem:$0x3FB0] =	sst s0;
	s0 =	simm.s32 @!p1 $0x0  }
0x14: {  	s2 =	sld [smem:$0x3F94];
	s0 =	simm.s32 @p1 $0x1  }
0x15: {  	[smem:$0x3FB1] =	sst s0;
	s0 =	simm.s32 @!p2 $0x0  }
0x16: {  	s3 =	sld [smem:$0x3FDB];
	s0 =	simm.s32 @p2 $0x1  }
0x17: {  	s4 =	simm.s32 $0x1BF5;
	[smem:$0x3FB3] =	sst s0  }
0x18: {  	s0 =	sld [smem:$0x3F96];
	_ =	swait.ge [sflag:s4], $0x0  }
0x19: {  	s7 =	sld [smem:$0x3F97]  }
0x1a: {  	s8 =	sadd.s32 $0xFFFFE003, lr  }
0x1b: {  	s9 =	sadd.s32 $0xFFFFFEF7, lr;
	s5 =	simm.s32 $0xFFFFFFFF;
	p2 =	slt.u32 s8, $0xFFFFF086  }
0x1c: {  	p1 =	slt.u32 s9, $0xF7A;
	s5 =	simm.s32 @!p2 $0x0  }
0x1d: {  	s5 =	simm.s32 @p1 $0x1;
	p0 =	seq.s32 s7, s2  }
0x1e: {  	s7 =	smul.u32 @!p0 $0xF7A, s2;
	p2 =	seq.s32 @!p0 s5, $0x0  }
0x1f: {  	s9 =	smul.u32 $0xF7A, s1;
	s8 =	simm.s32 @!p0 $0x1BF5;
	p2 =	por !p2, p0  }
0x20: {  	[sflag:s8] =	ssyncset.s32 @!p0 $0xFFFFF086;
	s6 =	sadd.s32 @!p0 s3, s7;
	s7 =	simm.s32 @!p0 $0x108  }
0x21: {  	s3 =	sadd.s32 s3, s9;
	s6 =	sadd.s32 @!p0 $0x88, s6;
	s7 =	simm.s32 @p2 $0x1082  }
0x22: {  	[simem:s7], [sflag:s8] =	dma.local @!p0 [hbm:s6], $0xF7A  }
0x23: {  	s9 =	sor.u32 $0xD0000000, s2;
	s6 =	simm.s32 $0x108;
	_ =	swait.ge @!p0 [sflag:s8], $0x0  }
0x24: {  	s3 =	sadd.s32 $0x88, s3;
	s6 =	simm.s32 @!p1 $0x1082;
	[sflag:s4] =	ssyncset.s32 $0xFFFFF086  }
0x25: {  	[simem:s6], [sflag:s4] =	dma.local [hbm:s3], $0xF7A  }
0x26: {  	[smem:$0x3F97] =	sst s1;
	(tag) =	ssettag s2;
	_ =	strace s9  }
0x27: {  	s1 =	sld [smem:$0x3FA7]  }
0x28: {  	s2 =	sld [smem:$0x3FA8]  }
0x29: {  	s4 =	sld [smem:$0x3FAA]  }
0x2a: {  	p0 =	seq.s32 s5, $0x0;
	s5 =	sld [smem:$0x3FAB]  }
0x2b: {  	s6 =	sld [smem:$0x3FAC]  }
0x2c: {  	s7 =	sld [smem:$0x3FAD]  }
0x2d: {  	s3 =	simm.s32 $0x108;
	s8 =	sld [smem:$0x3FAE]  }
0x2e: {  	s3 =	simm.s32 @!p0 $0x1082;
	s9 =	sld [smem:$0x3FAF]  }
0x2f: {  	lr =	sadd.s32 s0, s3;
	s0 =	sld [smem:$0x3FA6]  }
0x30: {  	s3 =	sld [smem:$0x3FA9]  }
0x31: {  	[smem:$0x3FB2] =	sst s10  }
0x32: {  	s10 =	sld [smem:$0x3FB0];
	_ =	sdelay $0x3  }
0x33: {  	p0 =	seq.s32 s10, $0x1;
	s10 =	sld [smem:$0x3FB2];
	_ =	sdelay $0x3  }
0x34: {  	[smem:$0x3FB2] =	sst s10  }
0x35: {  	s10 =	sld [smem:$0x3FB1];
	_ =	sdelay $0x3  }
0x36: {  	p1 =	seq.s32 s10, $0x1;
	s10 =	sld [smem:$0x3FB2];
	_ =	sdelay $0x3  }
0x37: {  	[smem:$0x3FB2] =	sst s10  }
0x38: {  	s10 =	sld [smem:$0x3FB3]  }
0x39: {  	_ = 	snop;
	(pc) =	sbr.ind lr, $3  }
0x3a: {  	_ = 	snop  }
0x3b: {  	_ = 	snop  }
0x3c: {  	p2 =	seq.s32 s10, $0x1;
	s10 =	sld [smem:$0x3FB2]  }
0x3d: {  	_ =	shalt  }
0x3e: {  	_ =	shalt  }
0x3f: {  	_ =	shalt  }
0x40: {  	_ =	shalt  }
0x41: {  	_ =	shalt  }
0x42: {  	_ =	shalt  }
0x43: {  	_ =	shalt  }
0x44: {  	_ =	shalt  }
0x45: {  	_ =	shalt  }
0x46: {  	_ =	shalt  }
0x47: {  	_ =	shalt  }
0x48: {  	_ =	shalt  }
0x49: {  	_ =	shalt  }
0x4a: {  	_ =	shalt  }
0x4b: {  	_ =	shalt  }
0x4c: {  	_ =	shalt  }
0x4d: {  	_ =	shalt  }
0x4e: {  	_ =	shalt  }
0x4f: {  	_ =	shalt  }
0x50: {  	_ =	shalt  }
0x51: {  	_ =	shalt  }
0x52: {  	_ =	shalt  }
0x53: {  	_ =	shalt  }
0x54: {  	_ =	shalt  }
0x55: {  	_ =	shalt  }
0x56: {  	_ =	shalt  }
0x57: {  	_ =	shalt  }
0x58: {  	_ =	shalt  }
0x59: {  	_ =	shalt  }
0x5a: {  	_ =	shalt  }
0x5b: {  	_ =	shalt  }
0x5c: {  	_ =	shalt  }
0x5d: {  	_ =	shalt  }
0x5e: {  	_ =	shalt  }
0x5f: {  	_ =	shalt  }
0x60: {  	_ =	shalt  }
0x61: {  	_ =	shalt  }
0x62: {  	_ =	shalt  }
0x63: {  	_ =	shalt  }
0x64: {  	_ =	shalt  }
0x65: {  	_ =	shalt  }
0x66: {  	_ =	shalt  }
0x67: {  	_ =	shalt  }
0x68: {  	_ =	shalt  }
0x69: {  	_ =	shalt  }
0x6a: {  	_ =	shalt  }
0x6b: {  	_ =	shalt  }
0x6c: {  	_ =	shalt  }
0x6d: {  	_ =	shalt  }
0x6e: {  	_ =	shalt  }
0x6f: {  	_ =	shalt  }
0x70: {  	_ =	shalt  }
0x71: {  	_ =	shalt  }
0x72: {  	_ =	shalt  }
0x73: {  	_ =	shalt  }
0x74: {  	_ =	shalt  }
0x75: {  	_ =	shalt  }
0x76: {  	_ =	shalt  }
0x77: {  	_ =	shalt  }
0x78: {  	_ =	shalt  }
0x79: {  	_ =	shalt  }
0x7a: {  	_ =	shalt  }
0x7b: {  	_ =	shalt  }
0x7c: {  	_ =	shalt  }
0x7d: {  	_ =	shalt  }
0x7e: {  	_ =	shalt  }
0x7f: {  	_ =	shalt  }
0x80: {  	_ =	shalt  }
0x81: {  	_ =	shalt  }
0x82: {  	_ =	shalt  }
0x83: {  	_ =	shalt  }
0x84: {  	_ =	shalt  }
0x85: {  	_ =	shalt  }
0x86: {  	_ =	shalt  }
0x87: {  	_ =	shalt  }
.Lfunc_end0:
.L_simem_size_0:
called_computation_lowered:
.L_overlay_start_0:
0x88: {  	s2 =	sld [smem:$0x3FD9]  }
0x89: {  	s3 =	sld [smem:$0x3FFE];
	_ =	sdelay $0x1  }
0x8a: {  	s1 =	srdreg.scid  }
0x8b: {  	s0 =	sand.u32 $0x1, s1  }
0x8c: {  	s17 =	sshll.u32 s0, $0xA;
	s2 =	sadd.s32 s3, s2  }
0x8d: {  	s2 =	sadd.s32 s2, s17  }
0x8e: {  	[smem:$0x3FBE] =	sst s2  }
0x8f: {  	_ = 	snop  }
0x90: {  	s2 =	sld [smem:$0x3FC1]  }
0x91: {  	s18 =	sld [smem:$0x3FC0];
	(tm) =	ssettm $0x1  }
0x92: {  	s4 =	sld [smem:$0x3FFB];
	_ =	sdelay $0x3  }
0x93: {  	_ =	strace s4  }
0x94: {  	s4 =	sld [smem:$0x3FFC];
	_ =	sdelay $0x3  }
0x95: {  	_ =	strace s4  }
0x96: {  	s4 =	sld [smem:$0x3FFD];
	_ =	sdelay $0x3  }
0x97: {  	_ =	strace s4  }
0x98: {  	_ =	strace $0x8FFFFFFF  }
0x99: {  	s19 =	sld [smem:$0x3FDB];
	_ =	sdelay $0x1  }
0x9a: {  	s5 =	simm.s32 $_scs_section_size  }
0x9b: {  	s6 =	simm.s32 $_size__tile_overlayer_lowered;
	s7 =	simm.s32 $_tile_overlayer_lowered  }
0x9c: {  	s22 =	simm.s32 $0x1BFF;
	s21 =	sshll.u32 s7, $0x1;
	s4 =	sadd.s32 s5, s19  }
0x9d: {  	s8 =	simm.s32 $0x0;
	s20 =	sshll.u32 s6, $0x1;
	s6 =	sadd.s32 s21, s4  }
0x9e: {  	[timem:s8], [sflag:s22] =	dma.local [hbm:s6], s20  }
0x9f: {  	_ =	swait.ge [sflag:s22], s20  }
0xa0: {  	s5 =	ssub.s32 $0x0, s20;
	[sflag:s22] =	ssyncset.done $0x0  }
0xa1: {  	[sflag:s22] =	ssyncadd.s32 s5;
	_ =	sdelay $0x1  }
0xa2: {  	s23 =	simm.s32 $0x1B8B  }
0xa3: {  	_ =	swait.ge [sflag:s23], $0x1  }
0xa4: {  	[sflag:s23] =	ssyncset.done $0x0  }
0xa5: {  	s25 =	simm.s32 $0x1B8E;
	s24 =	sld [smem:$0x3FFE];
	[sflag:s23] =	ssyncadd.s32 $0xFFFFFFFF  }
0xa6: {  	s26 =	simm.s32 $execute0_lowered;
	[smem:$0x3FD2] =	sst s25  }
0xa7: {  	s6 =	sshll.u32 s26, $0x1;
	_ =	strace $0x80000046;
	[dreg:$0x1] =	wrdreg $0xFFFFFFFF  }
0xa8: {  	s28 =	simm.s32 $_size_execute0_lowered;
	s4 =	sadd.s32 s4, s6;
	[dreg:$0x0] =	wrdreg $0x0  }
0xa9: {  	s6 =	sshll.u32 s28, $0x1;
	[dreg:$0x2] =	wrdreg s4  }
0xaa: {  	[dreg:$0x3] =	wrdreg s6  }
0xab: {  	[dreg:$0x4] =	wrdreg $0xC0  }
0xac: {  	_ =	task [dreg:s8], $0x5FFFF  }
0xad: {  	[dreg:$0x1] =	wrdreg $0xFFFFFFFF  }
0xae: {  	[dreg:$0x0] =	wrdreg $0x60  }
0xaf: {  	[dreg:$0x2] =	wrdreg s24  }
0xb0: {  	[dreg:$0x3] =	wrdreg s2  }
0xb1: {  	[dreg:$0x4] =	wrdreg s18  }
0xb2: {  	[dreg:$0x5] =	wrdreg $0x9  }
0xb3: {  	_ =	task.clear_ibuf [dreg:s8], $0x6FFFF;
	_ =	strace $0x90000046  }
0xb4: {  	s29 =	simm.s32 $0x9;
	_ =	strace $0x80000048  }
0xb5: {  	_ =	swait.ge [sflag:s29], $0x1  }
0xb6: {  	[sflag:s29] =	ssyncadd.s32 $0xFFFFFFFF  }
0xb7: {  	_ =	strace $0x90000048  }
0xb8: {  	_ =	sfence  }
0xb9: {  	s30 =	sld [smem:$0x0];
	_ =	sdelay $0x2  }
0xba: {  	s31 =	sshll.u32 s1, $0xD;
	s1 =	sshrl.u32 s1, $0x2  }
0xbb: {  	s3 =	sand.u32 $0x4000, s31;
	s1 =	sadd.s32 s1, s30  }
0xbc: {  	s0 =	sor.u32 s3, s0;
	s1 =	sshll.u32 s1, $0x11  }
0xbd: {  	s0 =	sor.u32 s1, s0  }
0xbe: {  	s0 =	sadd.s32 $0x8F2B, s0  }
0xbf: {  	[sflag:s0] =	ssyncadd.remote.s32 $0x1  }
0xc0: {  	_ =	sfence.sel $0xFFFF  }
0xc1: {  	[dreg:$0x0] =	wrdreg $0xFFFFFFFF;
	(pc) =	sbr.abs _section_cstart, $3  }
0xc2: {  	[dreg:$0x1] =	wrdreg $0xFFFFFFFF  }
0xc3: {  	_ =	task.clear_ibuf [dreg:s8], $0x2FFFF;
	_ =	strace $0x9FFFFFFF  }
0xc4: {  	(tm) =	ssettm $0x7FFFFFFF  }
0xc5: {  	_ =	shalt  }
tec
execute0_lowered:
.L_overlay_start_1:
0x0: {  	(tag) =	ssettag $0x1  }
0x1: {  	s0 =	rddreg [dreg:$0x0];
	s4 =	simm.s32 $0x0;
	s1 =	srdreg.scid  }
0x2: {  	s2 =	stileid.u32;
	s16 =	simm.s32 $0x8400;
	s17 =	simm.s32 $0x10400  }
0x3: {  	s20 =	simm.s32 $0x3;
	s21 =	simm.s32 $0x1;
	s22 =	simm.s32 $0x80  }
0x4: {  	s24 =	simm.s32 $0x400;
	s25 =	simm.s32 $0x2;
	s26 =	simm.s32 $0x18500  }
0x5: {  	s28 =	simm.s32 $0x4;
	s29 =	simm.s32 $0x0;
	[smem:$0x7FF] =	sst s4  }
0x6: {  	s5 =	sadd.s32 $0x7AA600, s0;
	s1 =	sand.u32 $0x1, s1;
	s2 =	sshll.u32 s2, $0x1  }
0x7: {  	s6 =	sadd.s32 $0x7AB600, s0;
	s7 =	sadd.s32 $0x1600, s0;
	s8 =	sadd.s32 $0x2600, s0  }
0x8: {  	s9 =	sadd.s32 $0x7AC600, s0;
	s2 =	sor.u32 s1, s2;
	s1 =	ssub.s32 $0x2, s1  }
0x9: {  	v0 =	vlaneseq.u32;
	_ =	strace $0x80000047;
	s3 =	sshll.u32 s2, $0x4;
	s31 =	sshrl.u32 s1, $0x1  }
0xa: {  	v0 =	vmul.u32 $0x80, v0;
	s10 =	sshll.u32 s2, $0xA;
	s2 =	sshll.u32 s2, $0x7;
	s0 =	sadd.s32 s3, s0  }
0xb: {  	s1 =	ssub.s32 s1, s31;
	s11 =	sadd.s32 s5, s2;
	s12 =	sadd.s32 s6, s2  }
0xc: {  	v1 =	vimm.f32 $0.0e+00;
	v2 =	vor.u32 $0x2000, v0;
	s13 =	sadd.s32 s7, s2;
	s14 =	sadd.s32 $0x7AD600, s0;
	s15 =	smax.u32 s1, $0x1  }
.LBB2_1:
0xd: {  	s0 =	rddreg [dreg:$0x1]  }
0xe: {  	[tilespmem:s16], [sflag:$0x3] =	stream.linear.gather [hbm4b:s0+s4], $0x8000, $0x38;
	[tilespmem:$0x18580] =	vst v63  }
0xf: {  	s18 =	rddreg [dreg:$0x2]  }
0x10: {  	[tilespmem:s17], [sflag:$0x3] =	stream.linear.gather [hbm4b:s18+s4], $0x8000, $0x38;
	[tilespmem:$0x18580] =	vst v63  }
0x11: {  	[tilespmem:$0x18500] =	vst v1  }
0x12: {  	[tilespmem:s4], [sflag:$0x1] =	stream.linear.gather [hbm4b:s11+s4], $0x40, $0x38;
	[tilespmem:$0x18580] =	vst v63  }
0x13: {  	s19 =	simm.s32 $0x100  }
0x14: {  	[tilespmem:s19], [sflag:$0x1] =	stream.linear.gather [hbm4b:s12+s4], $0x40, $0x38;
	[tilespmem:$0x18580] =	vst v63  }
0x15: {  	s23 =	simm.s32 $0x200  }
0x16: {  	[tilespmem:s23], [sflag:$0x1] =	stream.linear.gather [hbm4b:s13+s4], $0x40, $0x38;
	[tilespmem:$0x18580] =	vst v63  }
0x17: {  	_ =	swait.ge [sflag:s20], $0x8000  }
0x18: {  	[sflag:s20] =	ssyncset.done $0x0  }
0x19: {  	[sflag:s20] =	ssyncadd.s32 $0xFFFF8000  }
0x1a: {  	_ =	swait.ge [sflag:s20], $0x8000  }
0x1b: {  	[sflag:s20] =	ssyncset.done $0x0  }
0x1c: {  	[sflag:s20] =	ssyncadd.s32 $0xFFFF8000  }
0x1d: {  	_ =	swait.ge [sflag:s21], $0x40  }
0x1e: {  	[sflag:s21] =	ssyncset.done $0x0  }
0x1f: {  	[sflag:s21] =	ssyncadd.s32 $0xFFFFFFC0  }
0x20: {  	_ =	swait.ge [sflag:s21], $0x40  }
0x21: {  	[sflag:s21] =	ssyncset.done $0x0  }
0x22: {  	[sflag:s21] =	ssyncadd.s32 $0xFFFFFFC0  }
0x23: {  	_ =	swait.ge [sflag:s21], $0x40  }
0x24: {  	[sflag:s21] =	ssyncset.done $0x0  }
0x25: {  	[sflag:s21] =	ssyncadd.s32 $0xFFFFFFC0  }
0x26: {  	v3 =	vld [tilespmem:$0x0]  }
0x27: {  	v4 =	vld [tilespmem:$0x200]  }
0x28: {  	v5 =	vld [tilespmem:$0x10]  }
0x29: {  	v6 =	vld [tilespmem:$0x210]  }
0x2a: {  	v8 =	vld [tilespmem:$0x20]  }
0x2b: {  	v10 =	vld [tilespmem:$0x220]  }
0x2c: {  	v7 =	vshrl.u32 v3, $0x1  }
0x2d: {  	v3 =	vand.u32 $0x7F, v3;
	v9 =	vshrl.u32 v4, $0x1;
	v50 =	vshrl.u32 v5, $0x1  }
0x2e: {  	v11 =	vld [tilespmem:$0x30];
	v4 =	vand.u32 $0x7F, v4;
	v5 =	vand.u32 $0x7F, v5;
	v51 =	vshrl.u32 v6, $0x1  }
0x2f: {  	v6 =	vand.u32 $0x7F, v6;
	v53 =	vshrl.u32 v8, $0x1;
	v7 =	vand.u32 $0x7FFFFF80, v7  }
0x30: {  	v52 =	vld [tilespmem:$0x230];
	v55 =	vshrl.u32 v10, $0x1;
	v49 =	vand.u32 $0x7FFFFF80, v9;
	v3 =	vor.u32 v3, v7  }
0x31: {  	v56 =	vand.u32 $0x7F, v8;
	v9 =	vand.u32 $0x7FFFFF80, v50;
	v4 =	vor.u32 v4, v49;
	[tilespmem:$0x300] =	vst v3  }
0x32: {  	v57 =	vand.u32 $0x7F, v10;
	v5 =	vor.u32 v5, v9;
	v3 =	vand.u32 $0x7FFFFF80, v51;
	[tilespmem:$0x340] =	vst v4  }
0x33: {  	v59 =	vshrl.u32 v11, $0x1;
	v54 =	vand.u32 $0x7FFFFF80, v53;
	[tilespmem:$0x310] =	vst v5;
	v3 =	vor.u32 v6, v3  }
0x34: {  	v60 =	vand.u32 $0x7F, v11;
	v6 =	vand.u32 $0x7FFFFF80, v55;
	[tilespmem:$0x350] =	vst v3;
	v3 =	vor.u32 v56, v54  }
0x35: {  	v61 =	vshrl.u32 v52, $0x1;
	v58 =	vor.u32 v57, v6;
	[tilespmem:$0x320] =	vst v3;
	v3 =	vand.u32 $0x7FFFFF80, v59  }
0x36: {  	v63 =	vand.u32 $0x7F, v52;
	v62 =	vand.u32 $0x7FFFFF80, v61;
	[tilespmem:$0x360] =	vst v58;
	v3 =	vor.u32 v60, v3  }
0x37: {  	[tilespmem:$0x330] =	vst v3;
	v3 =	vor.u32 v63, v62  }
0x38: {  	s30 =	simm.s32 $0x300;
	p0 =	por $0x0, $0x0;
	s31 =	simm.s32 $0x0;
	[tilespmem:$0x370] =	vst v3  }
0x39: {  	[tilespmem:s24], [sflag:$0x2] =	stream.indirect.gather [hbm4b:s8+s22], $0x80, s30, s22, $0xb8;
	[tilespmem:$0x18580] =	vst v63  }
.LBB2_2:
0x3a: {  	p1 =	sne.s32 s31, $0xF  }
.Ltmp0:
0x3b: {  	_ = 	snop;
	(pc) =	sbr.rel @p1 .LBB2_4-.Ltmp0, $2  }
0x3c: {  	_ =	sdelay $0x2  }
0x3d: {  	s0 =	sand.u32 $0x1, s31;
	s30 =	sadd.s32 $0x1, s31  }
.Ltmp1:
0x3e: {  	(pc) =	sbr.rel .LBB2_5-.Ltmp1, $4  }
0x3f: {  	_ = 	snop  }
0x40: {  	_ =	swait.ge [sflag:s25], $0x4000  }
0x41: {  	[sflag:s25] =	ssyncset.done $0x0  }
0x42: {  	[sflag:s25] =	ssyncadd.s32 $0xFFFFC000  }
.LBB2_4:
0x43: {  	s1 =	sshll.u32 s30, $0x6  }
0x44: {  	s2 =	sadd.s32 s10, s1  }
0x45: {  	s1 =	sxor.u32 $0x1, s0;
	s3 =	sshrl.u32 s2, $0x3  }
0x46: {  	s2 =	sshll.u32 s1, $0x7;
	s18 =	sadd.s32 s5, s3  }
0x47: {  	[tilespmem:s2], [sflag:$0x1] =	stream.linear.gather [hbm4b:s18+s4], $0x40, $0x38;
	[tilespmem:$0x18580] =	vst v63  }
0x48: {  	s23 =	sor.u32 $0x100, s2;
	s19 =	sadd.s32 s6, s3  }
0x49: {  	[tilespmem:s23], [sflag:$0x1] =	stream.linear.gather [hbm4b:s19+s4], $0x40, $0x38;
	[tilespmem:$0x18580] =	vst v63  }
0x4a: {  	s3 =	sadd.s32 s7, s3;
	s19 =	sor.u32 $0x200, s2  }
0x4b: {  	[tilespmem:s19], [sflag:$0x1] =	stream.linear.gather [hbm4b:s3+s4], $0x40, $0x38;
	[tilespmem:$0x18580] =	vst v63  }
0x4c: {  	_ =	swait.ge [sflag:s25], $0x4000  }
0x4d: {  	[sflag:s25] =	ssyncset.done $0x0  }
0x4e: {  	[sflag:s25] =	ssyncadd.s32 $0xFFFFC000  }
0x4f: {  	_ =	swait.ge [sflag:s21], $0x40  }
0x50: {  	[sflag:s21] =	ssyncset.done $0x0  }
0x51: {  	[sflag:s21] =	ssyncadd.s32 $0xFFFFFFC0  }
0x52: {  	_ =	swait.ge [sflag:s21], $0x40  }
0x53: {  	[sflag:s21] =	ssyncset.done $0x0  }
0x54: {  	[sflag:s21] =	ssyncadd.s32 $0xFFFFFFC0  }
0x55: {  	_ =	swait.ge [sflag:s21], $0x40  }
0x56: {  	[sflag:s21] =	ssyncset.done $0x0  }
0x57: {  	[sflag:s21] =	ssyncadd.s32 $0xFFFFFFC0  }
0x58: {  	v3 =	vld [tilespmem:s2+$0x0]  }
0x59: {  	v4 =	vld [tilespmem:s2+$0x200]  }
0x5a: {  	v5 =	vld [tilespmem:s2+$0x10]  }
0x5b: {  	v6 =	vld [tilespmem:s2+$0x210]  }
0x5c: {  	v8 =	vld [tilespmem:s2+$0x20]  }
0x5d: {  	v10 =	vld [tilespmem:s2+$0x220]  }
0x5e: {  	v7 =	vshrl.u32 v3, $0x1  }
0x5f: {  	v3 =	vand.u32 $0x7F, v3;
	v9 =	vshrl.u32 v4, $0x1;
	v50 =	vshrl.u32 v5, $0x1  }
0x60: {  	v11 =	vld [tilespmem:s2+$0x30];
	v4 =	vand.u32 $0x7F, v4;
	v5 =	vand.u32 $0x7F, v5;
	v51 =	vshrl.u32 v6, $0x1  }
0x61: {  	v6 =	vand.u32 $0x7F, v6;
	v53 =	vshrl.u32 v8, $0x1;
	v7 =	vand.u32 $0x7FFFFF80, v7  }
0x62: {  	v52 =	vld [tilespmem:s2+$0x230];
	v55 =	vshrl.u32 v10, $0x1;
	v49 =	vand.u32 $0x7FFFFF80, v9;
	v3 =	vor.u32 v3, v7  }
0x63: {  	v56 =	vand.u32 $0x7F, v8;
	v9 =	vand.u32 $0x7FFFFF80, v50;
	v4 =	vor.u32 v4, v49;
	[tilespmem:s2+$0x300] =	vst v3  }
0x64: {  	v57 =	vand.u32 $0x7F, v10;
	v5 =	vor.u32 v5, v9;
	v3 =	vand.u32 $0x7FFFFF80, v51;
	[tilespmem:s2+$0x340] =	vst v4  }
0x65: {  	v59 =	vshrl.u32 v11, $0x1;
	v54 =	vand.u32 $0x7FFFFF80, v53;
	[tilespmem:s2+$0x310] =	vst v5;
	v3 =	vor.u32 v6, v3  }
0x66: {  	p1 =	seq.s32 s31, $0x0;
	v60 =	vand.u32 $0x7F, v11;
	v6 =	vand.u32 $0x7FFFFF80, v55;
	[tilespmem:s2+$0x350] =	vst v3;
	v3 =	vor.u32 v56, v54  }
.Ltmp2:
0x67: {  	v61 =	vshrl.u32 v52, $0x1;
	v58 =	vor.u32 v57, v6;
	[tilespmem:s2+$0x320] =	vst v3;
	v3 =	vand.u32 $0x7FFFFF80, v59;
	(pc) =	sbr.rel @p1 .LBB2_6-.Ltmp2, $4  }
0x68: {  	v63 =	vand.u32 $0x7F, v52;
	v62 =	vand.u32 $0x7FFFFF80, v61;
	[tilespmem:s2+$0x360] =	vst v58;
	v3 =	vor.u32 v60, v3  }
0x69: {  	s1 =	sshll.u32 s1, $0xE;
	[tilespmem:s2+$0x330] =	vst v3;
	v3 =	vor.u32 v63, v62  }
0x6a: {  	s1 =	sor.u32 $0x400, s1;
	s23 =	sor.u32 $0x300, s2;
	[tilespmem:s2+$0x370] =	vst v3  }
0x6b: {  	[tilespmem:s1], [sflag:$0x2] =	stream.indirect.gather [hbm4b:s8+s22], $0x80, s23, s22, $0xb8;
	[tilespmem:$0x18580] =	vst v63  }
.LBB2_5:
0x6c: {  	_ =	swait.ge [sflag:s20], $0x40  }
0x6d: {  	[sflag:s20] =	ssyncset.done $0x0  }
0x6e: {  	[sflag:s20] =	ssyncadd.s32 $0xFFFFFFC0  }
.LBB2_6:
0x6f: {  	s1 =	simm.s32 $0x1  }
0x70: {  	s19 =	sshll.u32 s0, $0xE;
	s1 =	simm.s32 @!p0 $0x0  }
0x71: {  	s23 =	simm.s32 $0x0;
	s19 =	sor.u32 $0x400, s19;
	s3 =	sshll.u32 s1, $0x7  }
0x72: {  	v6 =	vld [tilespmem:$0x18500];
	s1 =	sor.u32 $0x18400, s3;
	s2 =	sor.u32 $0x100, s3;
	s18 =	sor.u32 $0x200, s3  }
.LBB2_7:
0x73: {  	v3 =	vld [tilespmem:s3+$0x0];
	_ =	sdelay $0x1  }
0x74: {  	v4 =	vld [tilespmem:s18+$0x0];
	_ =	sdelay $0x1  }
0x75: {  	v5 =	vmov s23  }
0x76: {  	v7 =	vshll.u32 v5, $0x7;
	v3 =	vshrl.u32 v3, $0x1  }
0x77: {  	v5 =	vor.u32 v0, v7;
	v3 =	vand.u32 $0x40, v3  }
0x78: {  	v4 =	vshrl.u32 v4, $0x1;
	v5 =	vor.u32 v5, v3  }
0x79: {  	v3 =	vand.u32 $0x40, v4;
	v4 =	vor.u32 v2, v7;
	v9 =	vor.u32 $0x20, v5  }
0x7a: {  	v4 =	vor.u32 v4, v3  }
0x7b: {  	v14 =	vor.u32 $0x21, v5  }
0x7c: {  	v8 =	vld [tilespmem:s2+$0x0];
	v43 =	vor.u32 $0x2, v5  }
0x7d: {  	v3 =	vor.u32 $0x20, v4;
	v7 =	vld.idx.msk [tilespmem:v5+s19+$0x0], $0xffff  }
0x7e: {  	v18 =	vor.u32 $0x1, v4;
	v9 =	vld.idx.msk [tilespmem:v9+s19+$0x0], $0xffff  }
0x7f: {  	v20 =	vor.u32 $0x21, v4;
	v11 =	vld.idx.msk [tilespmem:v4+s19+$0x0], $0xffff  }
0x80: {  	v47 =	vor.u32 $0x2, v4;
	v40 =	vld.idx.msk [tilespmem:v14+s19+$0x0], $0xffff  }
0x81: {  	v49 =	vor.u32 $0x22, v4;
	v51 =	vld.idx.msk [tilespmem:v43+s19+$0x0], $0xffff  }
0x82: {  	v57 =	vor.u32 $0x3, v5;
	v12 =	vld.idx.msk [tilespmem:v3+s19+$0x0], $0xffff  }
0x83: {  	v10 =	vshll.u32 v8, $0x3;
	v23 =	vor.u32 $0x23, v4;
	v42 =	vld.idx.msk [tilespmem:v18+s19+$0x0], $0xffff  }
0x84: {  	v8 =	vand.u32 $0x7F, v8;
	v10 =	vand.u32 $0xFFFFFC00, v10;
	v44 =	vld.idx.msk [tilespmem:v20+s19+$0x0], $0xffff  }
0x85: {  	v3 =	vor.u32 v8, v10;
	v18 =	vld.idx.msk [tilespmem:v47+s19+$0x0], $0xffff;
	v35 =	vmul.f32 v7, v7;
	v13 =	vmul.f32 v9, v9  }
0x86: {  	v45 =	vor.u32 $0x22, v5;
	v55 =	vld.idx.msk [tilespmem:v49+s19+$0x0], $0xffff;
	v16 =	vmul.f32 v11, v7;
	v36 =	vmul.f32 v11, v11  }
0x87: {  	v8 =	vor.u32 $0x1, v5;
	v20 =	vld.idx.msk [tilespmem:v57+s19+$0x0], $0xffff;
	v21 =	vmul.f32 v40, v40;
	v17 =	vmul.f32 v12, v9  }
0x88: {  	v29 =	vld.idx.msk [tilespmem:v23+s19+$0x0], $0xffff;
	v38 =	vor.u32 $0x80, v3;
	v7 =	vmul.f32 v12, v7;
	v9 =	vmul.f32 v11, v9  }
0x89: {  	v58 =	vor.u32 $0x23, v5;
	v37 =	vmul.f32 v12, v12;
	v53 =	vmul.f32 v44, v40  }
0x8a: {  	v22 =	vor.u32 $0x100, v3;
	v15 =	vld.idx.msk [tilespmem:v3+s16+$0x0], $0xffff;
	v14 =	vmul.f32 v42, v42;
	v62 =	vmul.f32 v18, v51  }
0x8b: {  	v33 =	vor.u32 $0x4, v5;
	v19 =	vld.idx.msk [tilespmem:v3+s17+$0x0], $0xffff;
	v63 =	vmul.f32 v55, v51;
	v12 =	vmul.f32 v51, v51  }
0x8c: {  	v30 =	vor.u32 $0x180, v3;
	v8 =	vld.idx.msk [tilespmem:v8+s19+$0x0], $0xffff;
	v28 =	vmul.f32 v18, v18;
	v32 =	vmul.f32 v55, v55  }
0x8d: {  	v43 =	vmul.f32 v29, v20;
	v47 =	vmul.f32 v29, v29;
	v10 =	vadd.f32 v13, v35;
	v48 =	vld.idx.msk [tilespmem:v38+s16+$0x0], $0xffff  }
0x8e: {  	v50 =	vld.idx.msk [tilespmem:v38+s17+$0x0], $0xffff;
	v39 =	vadd.f32 v17, v16;
	v7 =	vsub.f32 v7, v9;
	v9 =	vmul.f32 v42, v40  }
0x8f: {  	v59 =	vor.u32 $0x3, v4;
	v60 =	vld.idx.msk [tilespmem:v22+s16+$0x0], $0xffff;
	v40 =	vmul.f32 v20, v20;
	v41 =	vmul.f32 v15, v15  }
0x90: {  	v61 =	vld.idx.msk [tilespmem:v22+s17+$0x0], $0xffff;
	v10 =	vadd.f32 v36, v10;
	v13 =	vmul.f32 v39, v15;
	v7 =	vmul.f32 v7, v19  }
0x91: {  	v35 =	vor.u32 $0x24, v5;
	v17 =	vld.idx.msk [tilespmem:v45+s19+$0x0], $0xffff;
	v46 =	vmul.f32 v19, v19;
	v52 =	vmul.f32 v42, v8  }
0x92: {  	v22 =	vld.idx.msk [tilespmem:v30+s17+$0x0], $0xffff;
	v10 =	vadd.f32 v37, v10;
	v54 =	vmul.f32 v8, v8;
	v8 =	vmul.f32 v44, v8  }
0x93: {  	v15 =	vmul.f32 v44, v44;
	v39 =	vor.u32 $0x4, v4;
	v42 =	vor.u32 $0x24, v4  }
0x94: {  	v11 =	vmul.f32 v50, v50;
	v34 =	vmul.f32 v60, v60;
	v10 =	vadd.f32 v41, v10  }
0x95: {  	v19 =	vld.idx.msk [tilespmem:v59+s19+$0x0], $0xffff;
	v7 =	vadd.f32 v7, v13;
	v56 =	vadd.f32 v21, v54;
	v13 =	vmul.f32 v48, v48  }
0x96: {  	v36 =	vld.idx.msk [tilespmem:v30+s16+$0x0], $0xffff;
	v8 =	vsub.f32 v8, v9;
	v24 =	vmul.f32 v55, v17;
	v25 =	vmul.f32 v18, v17  }
0x97: {  	v45 =	vld.idx.msk [tilespmem:v35+s19+$0x0], $0xffff;
	v26 =	vmul.f32 v17, v17;
	v54 =	vmul.f32 v22, v22;
	v55 =	vor.u32 $0x5, v5  }
0x98: {  	v9 =	vld.idx.msk [tilespmem:v58+s19+$0x0], $0xffff;
	v58 =	vor.u32 $0x25, v5;
	v10 =	vadd.f32 v46, v10;
	v7 =	vadd.f32 $0.0e+00, v7  }
0x99: {  	v14 =	vadd.f32 v14, v56;
	v8 =	vmul.f32 v8, v50;
	v27 =	vadd.f32 v24, v62  }
0x9a: {  	v12 =	vadd.f32 v26, v12;
	v37 =	vmul.f32 v19, v20;
	v6 =	vadd.f32 v10, v6  }
0x9b: {  	v14 =	vadd.f32 v15, v14;
	v31 =	vmul.f32 v27, v60;
	v15 =	vmul.f32 v61, v61  }
0x9c: {  	v10 =	vadd.f32 v53, v52;
	v52 =	vmul.f32 v36, v36;
	v57 =	vmul.f32 v45, v45  }
0x9d: {  	v50 =	vor.u32 $0x200, v3;
	v49 =	vld.idx.msk [tilespmem:v42+s19+$0x0], $0xffff;
	v38 =	vmul.f32 v29, v9;
	v41 =	vmul.f32 v9, v9  }
0x9e: {  	v42 =	vor.u32 $0x26, v4;
	v9 =	vmul.f32 v19, v9;
	v19 =	vmul.f32 v19, v19  }
0x9f: {  	v10 =	vmul.f32 v10, v48;
	v13 =	vadd.f32 v13, v14;
	v44 =	vadd.f32 v41, v40  }
0xa0: {  	v16 =	vadd.f32 v38, v37;
	v9 =	vsub.f32 v43, v9;
	v38 =	vor.u32 $0x26, v5  }
0xa1: {  	v48 =	vld.idx.msk [tilespmem:v39+s19+$0x0], $0xffff;
	v40 =	vor.u32 $0x6, v4;
	v8 =	vadd.f32 v8, v10;
	v10 =	vsub.f32 v63, v25  }
0xa2: {  	v59 =	vld.idx.msk [tilespmem:v50+s16+$0x0], $0xffff;
	v11 =	vadd.f32 v11, v13;
	v60 =	vmul.f32 v49, v45;
	v63 =	vor.u32 $0x25, v4  }
0xa3: {  	v30 =	vmul.f32 v49, v49;
	v13 =	vld.idx.msk [tilespmem:v55+s19+$0x0], $0xffff;
	v46 =	vadd.f32 v19, v44;
	v16 =	vmul.f32 v16, v36  }
0xa4: {  	v9 =	vmul.f32 v9, v22;
	v19 =	vld.idx.msk [tilespmem:v50+s17+$0x0], $0xffff;
	v36 =	vor.u32 $0x6, v5;
	v7 =	vadd.f32 v8, v7  }
0xa5: {  	v50 =	vor.u32 $0x300, v3;
	v8 =	vadd.f32 v28, v12;
	v6 =	vadd.f32 v11, v6;
	v11 =	vld.idx.msk [tilespmem:v33+s19+$0x0], $0xffff  }
0xa6: {  	v10 =	vmul.f32 v10, v61;
	v61 =	vor.u32 $0x5, v4;
	v33 =	vld.idx.msk [tilespmem:v58+s19+$0x0], $0xffff;
	v58 =	vor.u32 $0x27, v4  }
0xa7: {  	v51 =	vadd.f32 v47, v46;
	v62 =	vmul.f32 v48, v48;
	v8 =	vadd.f32 v32, v8  }
0xa8: {  	v28 =	vmul.f32 v48, v45;
	v10 =	vadd.f32 v10, v31;
	v31 =	vor.u32 $0x280, v3  }
0xa9: {  	v47 =	vld.idx.msk [tilespmem:v38+s19+$0x0], $0xffff;
	v53 =	vadd.f32 v52, v51;
	v8 =	vadd.f32 v34, v8;
	v34 =	vmul.f32 v59, v59  }
0xaa: {  	v51 =	vld.idx.msk [tilespmem:v42+s19+$0x0], $0xffff;
	v42 =	vor.u32 $0x28, v4;
	v56 =	vmul.f32 v11, v11;
	v21 =	vmul.f32 v48, v11  }
0xab: {  	v37 =	vld.idx.msk [tilespmem:v63+s19+$0x0], $0xffff;
	v7 =	vadd.f32 v10, v7;
	v27 =	vmul.f32 v49, v11;
	v48 =	vmul.f32 v13, v13  }
0xac: {  	v49 =	vmul.f32 v33, v33;
	v8 =	vadd.f32 v15, v8;
	v14 =	vadd.f32 v57, v56  }
0xad: {  	v39 =	vmul.f32 v19, v19;
	v32 =	vadd.f32 v60, v21;
	v10 =	vsub.f32 v27, v28  }
0xae: {  	v35 =	vld.idx.msk [tilespmem:v61+s19+$0x0], $0xffff;
	v52 =	vadd.f32 v49, v48;
	v56 =	vor.u32 $0x7, v4;
	v15 =	vmul.f32 v47, v47  }
0xaf: {  	v49 =	vadd.s32 $0x2000, v3;
	v6 =	vadd.f32 v8, v6;
	v8 =	vadd.f32 v9, v16  }
0xb0: {  	v9 =	vadd.f32 v54, v53;
	v46 =	vmul.f32 v37, v33;
	v53 =	vor.u32 $0x7, v5  }
0xb1: {  	v41 =	vld.idx.msk [tilespmem:v31+s16+$0x0], $0xffff;
	v54 =	vor.u32 $0x27, v5;
	v55 =	vmul.f32 v37, v37;
	v61 =	vmul.f32 v51, v47  }
0xb2: {  	v44 =	vld.idx.msk [tilespmem:v31+s17+$0x0], $0xffff;
	v31 =	vmul.f32 v51, v51;
	v29 =	vadd.f32 v62, v14;
	v17 =	vmul.f32 v32, v59  }
0xb3: {  	v28 =	vld.idx.msk [tilespmem:v58+s19+$0x0], $0xffff;
	v10 =	vmul.f32 v10, v19;
	v7 =	vadd.f32 v8, v7;
	v45 =	vmul.f32 v35, v13  }
0xb4: {  	v57 =	vld.idx.msk [tilespmem:v50+s16+$0x0], $0xffff;
	v6 =	vadd.f32 v9, v6;
	v13 =	vmul.f32 v37, v13;
	v11 =	vmul.f32 v35, v33  }
0xb5: {  	v19 =	vld.idx.msk [tilespmem:v40+s19+$0x0], $0xffff;
	v16 =	vmul.f32 v35, v35;
	v33 =	vor.u32 $0x8, v5;
	v12 =	vadd.f32 v30, v29  }
0xb6: {  	v59 =	vld.idx.msk [tilespmem:v50+s17+$0x0], $0xffff;
	v35 =	vor.u32 $0x28, v5;
	v8 =	vadd.f32 v10, v17;
	v9 =	vadd.f32 v46, v45  }
0xb7: {  	v29 =	vor.u32 $0x380, v3;
	v11 =	vsub.f32 v13, v11;
	v16 =	vadd.f32 v16, v52;
	v20 =	vld.idx.msk [tilespmem:v56+s19+$0x0], $0xffff  }
0xb8: {  	v10 =	vmul.f32 v41, v41;
	v46 =	vmul.f32 v28, v28;
	v7 =	vadd.f32 v8, v7;
	v8 =	vld.idx.msk [tilespmem:v36+s19+$0x0], $0xffff  }
0xb9: {  	v12 =	vadd.f32 v34, v12;
	v18 =	vld.idx.msk [tilespmem:v53+s19+$0x0], $0xffff;
	v34 =	vmul.f32 v57, v57;
	v9 =	vmul.f32 v9, v41  }
0xba: {  	v13 =	vld.idx.msk [tilespmem:v54+s19+$0x0], $0xffff;
	v54 =	vor.u32 $0x9, v5;
	v11 =	vmul.f32 v11, v44;
	v63 =	vmul.f32 v19, v47  }
0xbb: {  	v16 =	vadd.f32 v55, v16;
	v27 =	vmul.f32 v19, v19;
	v17 =	vmul.f32 v59, v59  }
0xbc: {  	v43 =	vadd.f32 v39, v12;
	v12 =	vmul.f32 v44, v44;
	v39 =	vor.u32 $0x8, v4  }
0xbd: {  	v9 =	vadd.f32 v11, v9;
	v10 =	vadd.f32 v10, v16;
	v60 =	vmul.f32 v19, v8  }
0xbe: {  	v6 =	vadd.f32 v43, v6;
	v62 =	vmul.f32 v51, v8;
	v8 =	vmul.f32 v8, v8  }
0xbf: {  	v10 =	vadd.f32 v12, v10;
	v37 =	vmul.f32 v20, v18;
	v38 =	vmul.f32 v28, v13  }
0xc0: {  	v36 =	vld.idx.msk [tilespmem:v29+s16+$0x0], $0xffff;
	v7 =	vadd.f32 v9, v7;
	v40 =	vmul.f32 v18, v18;
	v41 =	vmul.f32 v13, v13  }
0xc1: {  	v22 =	vld.idx.msk [tilespmem:v29+s17+$0x0], $0xffff;
	v43 =	vmul.f32 v28, v18;
	v13 =	vmul.f32 v20, v13;
	v26 =	vadd.f32 v61, v60  }
0xc2: {  	v20 =	vmul.f32 v20, v20;
	v11 =	vsub.f32 v62, v63;
	v8 =	vadd.f32 v15, v8  }
0xc3: {  	v48 =	vld.idx.msk [tilespmem:v42+s19+$0x0], $0xffff;
	v28 =	vadd.s32 $0x2080, v3;
	v6 =	vadd.f32 v10, v6;
	v44 =	vadd.f32 v41, v40  }
0xc4: {  	v12 =	vld.idx.msk [tilespmem:v35+s19+$0x0], $0xffff;
	v35 =	vor.u32 $0x2A, v5;
	v15 =	vadd.f32 v38, v37;
	v9 =	vsub.f32 v43, v13  }
0xc5: {  	v19 =	vld.idx.msk [tilespmem:v49+s17+$0x0], $0xffff;
	v60 =	vor.u32 $0x9, v4;
	v62 =	vor.u32 $0x29, v4;
	v37 =	vor.u32 $0xA, v4  }
0xc6: {  	v47 =	vld.idx.msk [tilespmem:v39+s19+$0x0], $0xffff;
	v39 =	vor.u32 $0x2A, v4;
	v51 =	vmul.f32 v36, v36;
	v53 =	vmul.f32 v22, v22  }
0xc7: {  	v58 =	vld.idx.msk [tilespmem:v49+s16+$0x0], $0xffff;
	v30 =	vmul.f32 v26, v57;
	v11 =	vmul.f32 v11, v59;
	v8 =	vadd.f32 v27, v8  }
0xc8: {  	v45 =	vadd.f32 v20, v44;
	v15 =	vmul.f32 v15, v36;
	v9 =	vmul.f32 v9, v22  }
0xc9: {  	v13 =	vld.idx.msk [tilespmem:v54+s19+$0x0], $0xffff;
	v57 =	vor.u32 $0x29, v5;
	v27 =	vmul.f32 v48, v48;
	v56 =	vmul.f32 v12, v12  }
0xca: {  	v59 =	vmul.f32 v48, v12;
	v32 =	vadd.f32 v11, v30;
	v8 =	vadd.f32 v31, v8;
	v11 =	vld.idx.msk [tilespmem:v33+s19+$0x0], $0xffff  }
0xcb: {  	v36 =	vmul.f32 v19, v19;
	v44 =	vld.idx.msk [tilespmem:v35+s19+$0x0], $0xffff;
	v35 =	vor.u32 $0xC, v4;
	v50 =	vadd.f32 v46, v45  }
0xcc: {  	v31 =	vmul.f32 v58, v58;
	v33 =	vor.u32 $0xA, v5;
	v8 =	vadd.f32 v34, v8  }
0xcd: {  	v61 =	vmul.f32 v47, v47;
	v25 =	vmul.f32 v47, v12;
	v7 =	vadd.f32 v32, v7;
	v32 =	vld.idx.msk [tilespmem:v60+s19+$0x0], $0xffff  }
0xce: {  	v45 =	vmul.f32 v13, v13;
	v52 =	vadd.f32 v51, v50;
	v34 =	vld.idx.msk [tilespmem:v62+s19+$0x0], $0xffff;
	v8 =	vadd.f32 v17, v8  }
0xcf: {  	v50 =	vor.u32 $0xB, v5;
	v51 =	vor.u32 $0x2B, v5;
	v55 =	vmul.f32 v11, v11  }
0xd0: {  	v21 =	vmul.f32 v47, v11;
	v63 =	vmul.f32 v48, v11;
	v6 =	vadd.f32 v8, v6  }
0xd1: {  	v30 =	vld.idx.msk [tilespmem:v57+s19+$0x0], $0xffff;
	v47 =	vadd.s32 $0x2100, v3;
	v8 =	vadd.f32 v9, v15;
	v9 =	vadd.f32 v53, v52  }
0xd2: {  	v53 =	vor.u32 $0xB, v4;
	v15 =	vmul.f32 v44, v44;
	v14 =	vadd.f32 v56, v55  }
0xd3: {  	v29 =	vadd.f32 v59, v21;
	v42 =	vmul.f32 v32, v13;
	v13 =	vmul.f32 v34, v13  }
0xd4: {  	v48 =	vld.idx.msk [tilespmem:v39+s19+$0x0], $0xffff;
	v10 =	vsub.f32 v63, v25;
	v16 =	vmul.f32 v32, v32;
	v52 =	vmul.f32 v34, v34  }
0xd5: {  	v55 =	vor.u32 $0x2B, v4;
	v18 =	vld.idx.msk [tilespmem:v50+s19+$0x0], $0xffff;
	v25 =	vadd.s32 $0x2180, v3;
	v50 =	vor.u32 $0xD, v5  }
0xd6: {  	v38 =	vld.idx.msk [tilespmem:v28+s16+$0x0], $0xffff;
	v7 =	vadd.f32 v8, v7;
	v6 =	vadd.f32 v9, v6;
	v43 =	vmul.f32 v34, v30  }
0xd7: {  	v41 =	vld.idx.msk [tilespmem:v28+s17+$0x0], $0xffff;
	v46 =	vmul.f32 v30, v30;
	v11 =	vmul.f32 v32, v30;
	v26 =	vadd.f32 v61, v14  }
0xd8: {  	v17 =	vmul.f32 v29, v58;
	v10 =	vmul.f32 v10, v19;
	v19 =	vld.idx.msk [tilespmem:v37+s19+$0x0], $0xffff;
	v9 =	vadd.f32 v43, v42  }
0xd9: {  	v29 =	vor.u32 $0xC, v5;
	v49 =	vadd.f32 v46, v45;
	v11 =	vsub.f32 v13, v11;
	v54 =	vld.idx.msk [tilespmem:v47+s16+$0x0], $0xffff  }
0xda: {  	v56 =	vld.idx.msk [tilespmem:v47+s17+$0x0], $0xffff;
	v58 =	vmul.f32 v48, v44;
	v45 =	vadd.s32 $0x2200, v3;
	v12 =	vadd.f32 v27, v26  }
0xdb: {  	v13 =	vld.idx.msk [tilespmem:v51+s19+$0x0], $0xffff;
	v8 =	vadd.f32 v10, v17;
	v10 =	vmul.f32 v38, v38;
	v27 =	vmul.f32 v48, v48  }
0xdc: {  	v20 =	vld.idx.msk [tilespmem:v53+s19+$0x0], $0xffff;
	v53 =	vor.u32 $0x2D, v5;
	v9 =	vmul.f32 v9, v38;
	v16 =	vadd.f32 v16, v49  }
0xdd: {  	v11 =	vmul.f32 v11, v41;
	v63 =	vld.idx.msk [tilespmem:v55+s19+$0x0], $0xffff;
	v38 =	vor.u32 $0x2C, v4;
	v12 =	vadd.f32 v31, v12  }
0xde: {  	v7 =	vadd.f32 v8, v7;
	v31 =	vor.u32 $0x2C, v5;
	v60 =	vmul.f32 v19, v44  }
0xdf: {  	v32 =	vld.idx.msk [tilespmem:v25+s16+$0x0], $0xffff;
	v62 =	vmul.f32 v19, v19;
	v40 =	vadd.f32 v36, v12;
	v12 =	vmul.f32 v41, v41  }
0xe0: {  	v22 =	vld.idx.msk [tilespmem:v25+s17+$0x0], $0xffff;
	v16 =	vadd.f32 v52, v16;
	v30 =	vmul.f32 v54, v54;
	v36 =	vmul.f32 v18, v18  }
0xe1: {  	v8 =	vld.idx.msk [tilespmem:v33+s19+$0x0], $0xffff;
	v9 =	vadd.f32 v11, v9;
	v37 =	vmul.f32 v13, v13;
	v17 =	vmul.f32 v56, v56  }
0xe2: {  	v10 =	vadd.f32 v10, v16;
	v33 =	vmul.f32 v20, v18;
	v34 =	vmul.f32 v63, v13  }
0xe3: {  	v7 =	vadd.f32 v9, v7;
	v39 =	vmul.f32 v63, v18;
	v13 =	vmul.f32 v20, v13  }
0xe4: {  	v6 =	vadd.f32 v40, v6;
	v20 =	vmul.f32 v20, v20;
	v42 =	vmul.f32 v63, v63  }
0xe5: {  	v43 =	vld.idx.msk [tilespmem:v35+s19+$0x0], $0xffff;
	v40 =	vadd.f32 v37, v36;
	v47 =	vmul.f32 v32, v32;
	v49 =	vmul.f32 v22, v22  }
0xe6: {  	v57 =	vmul.f32 v19, v8;
	v59 =	vmul.f32 v48, v8;
	v10 =	vadd.f32 v12, v10  }
0xe7: {  	v25 =	vld.idx.msk [tilespmem:v53+s19+$0x0], $0xffff;
	v8 =	vmul.f32 v8, v8;
	v9 =	vsub.f32 v39, v13;
	v41 =	vadd.f32 v20, v40  }
0xe8: {  	v44 =	vld.idx.msk [tilespmem:v38+s19+$0x0], $0xffff;
	v63 =	vadd.s32 $0x2280, v3;
	v61 =	vadd.f32 v58, v57;
	v11 =	vsub.f32 v59, v60  }
0xe9: {  	v13 =	vld.idx.msk [tilespmem:v50+s19+$0x0], $0xffff;
	v50 =	vor.u32 $0x2F, v4;
	v8 =	vadd.f32 v15, v8;
	v6 =	vadd.f32 v10, v6  }
0xea: {  	v15 =	vadd.f32 v34, v33;
	v57 =	vmul.f32 v43, v43;
	v58 =	vor.u32 $0x2D, v4  }
0xeb: {  	v12 =	vld.idx.msk [tilespmem:v31+s19+$0x0], $0xffff;
	v34 =	vor.u32 $0x2E, v4;
	v9 =	vmul.f32 v9, v22;
	v46 =	vadd.f32 v42, v41  }
0xec: {  	v19 =	vld.idx.msk [tilespmem:v45+s17+$0x0], $0xffff;
	v41 =	vmul.f32 v25, v25;
	v42 =	vadd.s32 $0x2300, v3;
	v26 =	vmul.f32 v61, v54  }
0xed: {  	v11 =	vmul.f32 v11, v56;
	v8 =	vadd.f32 v62, v8;
	v15 =	vmul.f32 v15, v32;
	v54 =	vld.idx.msk [tilespmem:v45+s16+$0x0], $0xffff  }
0xee: {  	v56 =	vor.u32 $0xD, v4;
	v62 =	vmul.f32 v44, v44;
	v32 =	vor.u32 $0xE, v4;
	v33 =	vld.idx.msk [tilespmem:v63+s16+$0x0], $0xffff  }
0xef: {  	v45 =	vor.u32 $0xF, v5;
	v28 =	vadd.f32 v11, v26;
	v8 =	vadd.f32 v27, v8;
	v11 =	vld.idx.msk [tilespmem:v29+s19+$0x0], $0xffff  }
0xf0: {  	v36 =	vld.idx.msk [tilespmem:v63+s17+$0x0], $0xffff;
	v63 =	vor.u32 $0x10, v5;
	v48 =	vadd.f32 v47, v46;
	v52 =	vmul.f32 v12, v12  }
0xf1: {  	v55 =	vmul.f32 v44, v12;
	v60 =	vmul.f32 v43, v12;
	v8 =	vadd.f32 v30, v8  }
0xf2: {  	v31 =	vmul.f32 v19, v19;
	v46 =	vor.u32 $0x2F, v5;
	v40 =	vmul.f32 v13, v13;
	v29 =	vld.idx.msk [tilespmem:v58+s19+$0x0], $0xffff  }
0xf3: {  	v58 =	vld.idx.msk [tilespmem:v50+s19+$0x0], $0xffff;
	v7 =	vadd.f32 v28, v7;
	v28 =	vor.u32 $0xE, v5;
	v8 =	vadd.f32 v17, v8  }
0xf4: {  	v30 =	vor.u32 $0x2E, v5;
	v26 =	vmul.f32 v54, v54;
	v51 =	vmul.f32 v11, v11  }
0xf5: {  	v27 =	vld.idx.msk [tilespmem:v56+s19+$0x0], $0xffff;
	v59 =	vmul.f32 v44, v11;
	v44 =	vadd.f32 v41, v40;
	v6 =	vadd.f32 v8, v6  }
0xf6: {  	v21 =	vmul.f32 v43, v11;
	v8 =	vadd.f32 v9, v15;
	v9 =	vadd.f32 v49, v48  }
0xf7: {  	v18 =	vld.idx.msk [tilespmem:v45+s19+$0x0], $0xffff;
	v38 =	vmul.f32 v29, v25;
	v47 =	vmul.f32 v29, v29;
	v48 =	vor.u32 $0xF, v4  }
0xf8: {  	v40 =	vmul.f32 v58, v58;
	v14 =	vadd.f32 v52, v51;
	v22 =	vadd.f32 v55, v21  }
0xf9: {  	v10 =	vsub.f32 v59, v60;
	v59 =	vadd.s32 $0x2380, v3;
	v7 =	vadd.f32 v8, v7  }
0xfa: {  	v6 =	vadd.f32 v9, v6;
	v37 =	vmul.f32 v27, v13;
	v13 =	vmul.f32 v29, v13  }
0xfb: {  	v43 =	vld.idx.msk [tilespmem:v34+s19+$0x0], $0xffff;
	v11 =	vmul.f32 v27, v25;
	v16 =	vmul.f32 v27, v27;
	v29 =	vor.u32 $0x30, v5  }
0xfc: {  	v39 =	vld.idx.msk [tilespmem:v30+s19+$0x0], $0xffff;
	v34 =	vmul.f32 v18, v18;
	v27 =	vor.u32 $0x12, v5;
	v61 =	vadd.f32 v57, v14  }
0xfd: {  	v51 =	vld.idx.msk [tilespmem:v42+s17+$0x0], $0xffff;
	v17 =	vmul.f32 v22, v54;
	v10 =	vmul.f32 v10, v19;
	v9 =	vadd.f32 v38, v37  }
0xfe: {  	v49 =	vld.idx.msk [tilespmem:v42+s16+$0x0], $0xffff;
	v11 =	vsub.f32 v13, v11;
	v16 =	vadd.f32 v16, v44;
	v37 =	vmul.f32 v58, v18  }
0xff: {  	v19 =	vld.idx.msk [tilespmem:v32+s19+$0x0], $0xffff;
	v12 =	vadd.f32 v62, v61;
	v8 =	vadd.f32 v10, v17;
	v10 =	vmul.f32 v33, v33  }
0x100: {  	v20 =	vld.idx.msk [tilespmem:v48+s19+$0x0], $0xffff;
	v61 =	vmul.f32 v43, v43;
	v48 =	vor.u32 $0x11, v5;
	v9 =	vmul.f32 v9, v33  }
0x101: {  	v13 =	vld.idx.msk [tilespmem:v46+s19+$0x0], $0xffff;
	v11 =	vmul.f32 v11, v36;
	v16 =	vadd.f32 v47, v16;
	v53 =	vmul.f32 v43, v39  }
0x102: {  	v15 =	vmul.f32 v39, v39;
	v30 =	vld.idx.msk [tilespmem:v59+s16+$0x0], $0xffff;
	v33 =	vor.u32 $0x10, v4;
	v17 =	vmul.f32 v51, v51  }
0x103: {  	v12 =	vadd.f32 v26, v12;
	v7 =	vadd.f32 v8, v7;
	v8 =	vld.idx.msk [tilespmem:v28+s19+$0x0], $0xffff;
	v28 =	vmul.f32 v49, v49  }
0x104: {  	v22 =	vld.idx.msk [tilespmem:v59+s17+$0x0], $0xffff;
	v9 =	vadd.f32 v11, v9;
	v55 =	vmul.f32 v19, v39;
	v10 =	vadd.f32 v10, v16  }
0x105: {  	v57 =	vmul.f32 v19, v19;
	v35 =	vadd.f32 v31, v12;
	v12 =	vmul.f32 v36, v36  }
0x106: {  	v32 =	vmul.f32 v58, v13;
	v36 =	vor.u32 $0x30, v4;
	v31 =	vmul.f32 v20, v18  }
0x107: {  	v6 =	vadd.f32 v35, v6;
	v35 =	vmul.f32 v13, v13;
	v13 =	vmul.f32 v20, v13  }
0x108: {  	v10 =	vadd.f32 v12, v10;
	v20 =	vmul.f32 v20, v20;
	v45 =	vmul.f32 v30, v30  }
0x109: {  	v7 =	vadd.f32 v9, v7;
	v47 =	vmul.f32 v22, v22;
	v52 =	vmul.f32 v19, v8  }
0x10a: {  	v54 =	vmul.f32 v43, v8;
	v8 =	vmul.f32 v8, v8;
	v6 =	vadd.f32 v10, v6  }
0x10b: {  	v12 =	vld.idx.msk [tilespmem:v29+s19+$0x0], $0xffff;
	v43 =	vadd.s32 $0x4000, v3;
	v38 =	vadd.f32 v35, v34;
	v9 =	vsub.f32 v37, v13  }
0x10c: {  	v41 =	vld.idx.msk [tilespmem:v33+s19+$0x0], $0xffff;
	v29 =	vor.u32 $0x32, v5;
	v56 =	vadd.f32 v53, v52;
	v11 =	vsub.f32 v54, v55  }
0x10d: {  	v33 =	vor.u32 $0x32, v4;
	v8 =	vadd.f32 v15, v8;
	v15 =	vadd.f32 v32, v31  }
0x10e: {  	v13 =	vld.idx.msk [tilespmem:v48+s19+$0x0], $0xffff;
	v54 =	vor.u32 $0x11, v4;
	v31 =	vor.u32 $0x12, v4;
	v9 =	vmul.f32 v9, v22  }
0x10f: {  	v42 =	vld.idx.msk [tilespmem:v36+s19+$0x0], $0xffff;
	v39 =	vadd.f32 v20, v38;
	v60 =	vmul.f32 v56, v49;
	v11 =	vmul.f32 v11, v51  }
0x110: {  	v8 =	vadd.f32 v57, v8;
	v15 =	vmul.f32 v15, v30;
	v50 =	vmul.f32 v12, v12;
	v52 =	vld.idx.msk [tilespmem:v43+s16+$0x0], $0xffff  }
0x111: {  	v51 =	vor.u32 $0x31, v5;
	v55 =	vmul.f32 v41, v41;
	v44 =	vadd.f32 v40, v39;
	v19 =	vld.idx.msk [tilespmem:v43+s17+$0x0], $0xffff  }
0x112: {  	v56 =	vor.u32 $0x31, v4;
	v62 =	vadd.f32 v11, v60;
	v8 =	vadd.f32 v61, v8;
	v11 =	vld.idx.msk [tilespmem:v63+s19+$0x0], $0xffff  }
0x113: {  	v58 =	vmul.f32 v41, v12;
	v61 =	vadd.s32 $0x4080, v3;
	v39 =	vmul.f32 v13, v13  }
0x114: {  	v46 =	vadd.f32 v45, v44;
	v53 =	vmul.f32 v42, v12;
	v26 =	vld.idx.msk [tilespmem:v54+s19+$0x0], $0xffff;
	v8 =	vadd.f32 v28, v8  }
0x115: {  	v38 =	vld.idx.msk [tilespmem:v29+s19+$0x0], $0xffff;
	v60 =	vmul.f32 v42, v42;
	v44 =	vor.u32 $0x13, v5;
	v45 =	vor.u32 $0x33, v5  }
0x116: {  	v63 =	vld.idx.msk [tilespmem:v51+s19+$0x0], $0xffff;
	v8 =	vadd.f32 v17, v8;
	v25 =	vmul.f32 v52, v52;
	v30 =	vmul.f32 v19, v19  }
0x117: {  	v7 =	vadd.f32 v62, v7;
	v28 =	vld.idx.msk [tilespmem:v56+s19+$0x0], $0xffff;
	v49 =	vmul.f32 v11, v11;
	v21 =	vmul.f32 v41, v11  }
0x118: {  	v57 =	vmul.f32 v42, v11;
	v41 =	vadd.s32 $0x4100, v3;
	v6 =	vadd.f32 v8, v6  }
0x119: {  	v8 =	vadd.f32 v9, v15;
	v9 =	vadd.f32 v47, v46;
	v36 =	vmul.f32 v26, v13  }
0x11a: {  	v16 =	vmul.f32 v26, v26;
	v47 =	vor.u32 $0x13, v4;
	v14 =	vadd.f32 v50, v49  }
0x11b: {  	v32 =	vld.idx.msk [tilespmem:v61+s16+$0x0], $0xffff;
	v15 =	vmul.f32 v38, v38;
	v62 =	vadd.f32 v53, v21;
	v10 =	vsub.f32 v57, v58  }
0x11c: {  	v35 =	vld.idx.msk [tilespmem:v61+s17+$0x0], $0xffff;
	v49 =	vor.u32 $0x33, v4;
	v58 =	vadd.s32 $0x4180, v3;
	v37 =	vmul.f32 v28, v63  }
0x11d: {  	v42 =	vld.idx.msk [tilespmem:v33+s19+$0x0], $0xffff;
	v7 =	vadd.f32 v8, v7;
	v40 =	vmul.f32 v63, v63;
	v13 =	vmul.f32 v28, v13  }
0x11e: {  	v18 =	vld.idx.msk [tilespmem:v44+s19+$0x0], $0xffff;
	v6 =	vadd.f32 v9, v6;
	v11 =	vmul.f32 v26, v63;
	v46 =	vmul.f32 v28, v28  }
0x11f: {  	v28 =	vor.u32 $0x34, v5;
	v26 =	vor.u32 $0x16, v5;
	v10 =	vmul.f32 v10, v19;
	v19 =	vld.idx.msk [tilespmem:v31+s19+$0x0], $0xffff  }
0x120: {  	v59 =	vadd.f32 v55, v14;
	v17 =	vmul.f32 v62, v52;
	v9 =	vadd.f32 v37, v36;
	v48 =	vld.idx.msk [tilespmem:v41+s16+$0x0], $0xffff  }
0x121: {  	v62 =	vor.u32 $0x14, v5;
	v43 =	vadd.f32 v40, v39;
	v11 =	vsub.f32 v13, v11;
	v50 =	vld.idx.msk [tilespmem:v41+s17+$0x0], $0xffff  }
0x122: {  	v52 =	vmul.f32 v42, v38;
	v13 =	vld.idx.msk [tilespmem:v45+s19+$0x0], $0xffff;
	v8 =	vadd.f32 v10, v17;
	v10 =	vmul.f32 v32, v32  }
0x123: {  	v12 =	vadd.f32 v60, v59;
	v20 =	vld.idx.msk [tilespmem:v47+s19+$0x0], $0xffff;
	v60 =	vmul.f32 v42, v42;
	v33 =	vmul.f32 v18, v18  }
0x124: {  	v47 =	vor.u32 $0x15, v5;
	v9 =	vmul.f32 v9, v32;
	v16 =	vadd.f32 v16, v43;
	v57 =	vld.idx.msk [tilespmem:v49+s19+$0x0], $0xffff  }
0x125: {  	v11 =	vmul.f32 v11, v35;
	v32 =	vor.u32 $0x14, v4;
	v12 =	vadd.f32 v25, v12  }
0x126: {  	v29 =	vld.idx.msk [tilespmem:v58+s16+$0x0], $0xffff;
	v7 =	vadd.f32 v8, v7;
	v54 =	vmul.f32 v19, v38;
	v56 =	vmul.f32 v19, v19  }
0x127: {  	v22 =	vld.idx.msk [tilespmem:v58+s17+$0x0], $0xffff;
	v34 =	vadd.f32 v30, v12;
	v12 =	vmul.f32 v35, v35;
	v63 =	vmul.f32 v48, v48  }
0x128: {  	v8 =	vld.idx.msk [tilespmem:v27+s19+$0x0], $0xffff;
	v16 =	vadd.f32 v46, v16;
	v17 =	vmul.f32 v50, v50;
	v30 =	vmul.f32 v20, v18  }
0x129: {  	v6 =	vadd.f32 v34, v6;
	v31 =	vmul.f32 v57, v13;
	v34 =	vmul.f32 v13, v13  }
0x12a: {  	v9 =	vadd.f32 v11, v9;
	v36 =	vmul.f32 v57, v18;
	v13 =	vmul.f32 v20, v13  }
0x12b: {  	v35 =	vor.u32 $0x34, v4;
	v20 =	vmul.f32 v20, v20;
	v39 =	vmul.f32 v57, v57  }
0x12c: {  	v10 =	vadd.f32 v10, v16;
	v44 =	vmul.f32 v29, v29;
	v46 =	vmul.f32 v22, v22  }
0x12d: {  	v7 =	vadd.f32 v9, v7;
	v51 =	vmul.f32 v19, v8;
	v53 =	vmul.f32 v42, v8  }
0x12e: {  	v8 =	vmul.f32 v8, v8;
	v10 =	vadd.f32 v12, v10;
	v37 =	vadd.f32 v34, v33  }
0x12f: {  	v42 =	vadd.s32 $0x4200, v3;
	v9 =	vsub.f32 v36, v13;
	v55 =	vadd.f32 v52, v51  }
0x130: {  	v40 =	vld.idx.msk [tilespmem:v32+s19+$0x0], $0xffff;
	v32 =	vor.u32 $0x36, v4;
	v11 =	vsub.f32 v53, v54;
	v8 =	vadd.f32 v15, v8  }
0x131: {  	v12 =	vld.idx.msk [tilespmem:v28+s19+$0x0], $0xffff;
	v28 =	vor.u32 $0x36, v5;
	v6 =	vadd.f32 v10, v6;
	v15 =	vadd.f32 v31, v30  }
0x132: {  	v13 =	vld.idx.msk [tilespmem:v47+s19+$0x0], $0xffff;
	v53 =	vor.u32 $0x15, v4;
	v30 =	vor.u32 $0x16, v4;
	v9 =	vmul.f32 v9, v22  }
0x133: {  	v41 =	vld.idx.msk [tilespmem:v35+s19+$0x0], $0xffff;
	v38 =	vadd.f32 v20, v37;
	v59 =	vmul.f32 v55, v48;
	v11 =	vmul.f32 v11, v50  }
0x134: {  	v8 =	vadd.f32 v56, v8;
	v15 =	vmul.f32 v15, v29;
	v50 =	vor.u32 $0x35, v5;
	v51 =	vld.idx.msk [tilespmem:v42+s16+$0x0], $0xffff  }
0x135: {  	v54 =	vmul.f32 v40, v40;
	v55 =	vor.u32 $0x35, v4;
	v43 =	vadd.f32 v39, v38;
	v19 =	vld.idx.msk [tilespmem:v42+s17+$0x0], $0xffff  }
0x136: {  	v49 =	vmul.f32 v12, v12;
	v61 =	vadd.f32 v11, v59;
	v8 =	vadd.f32 v60, v8;
	v11 =	vld.idx.msk [tilespmem:v62+s19+$0x0], $0xffff  }
0x137: {  	v57 =	vmul.f32 v40, v12;
	v60 =	vadd.s32 $0x4280, v3;
	v38 =	vmul.f32 v13, v13  }
0x138: {  	v45 =	vadd.f32 v44, v43;
	v52 =	vmul.f32 v41, v12;
	v25 =	vld.idx.msk [tilespmem:v53+s19+$0x0], $0xffff;
	v8 =	vadd.f32 v63, v8  }
0x139: {  	v37 =	vld.idx.msk [tilespmem:v28+s19+$0x0], $0xffff;
	v59 =	vmul.f32 v41, v41;
	v43 =	vor.u32 $0x17, v5;
	v44 =	vor.u32 $0x37, v5  }
0x13a: {  	v62 =	vld.idx.msk [tilespmem:v50+s19+$0x0], $0xffff;
	v8 =	vadd.f32 v17, v8;
	v63 =	vmul.f32 v51, v51;
	v29 =	vmul.f32 v19, v19  }
0x13b: {  	v7 =	vadd.f32 v61, v7;
	v27 =	vld.idx.msk [tilespmem:v55+s19+$0x0], $0xffff;
	v48 =	vmul.f32 v11, v11;
	v21 =	vmul.f32 v40, v11  }
0x13c: {  	v56 =	vmul.f32 v41, v11;
	v40 =	vadd.s32 $0x4300, v3;
	v6 =	vadd.f32 v8, v6  }
0x13d: {  	v8 =	vadd.f32 v9, v15;
	v9 =	vadd.f32 v46, v45;
	v35 =	vmul.f32 v25, v13  }
0x13e: {  	v16 =	vmul.f32 v25, v25;
	v46 =	vor.u32 $0x17, v4;
	v14 =	vadd.f32 v49, v48  }
0x13f: {  	v31 =	vld.idx.msk [tilespmem:v60+s16+$0x0], $0xffff;
	v15 =	vmul.f32 v37, v37;
	v61 =	vadd.f32 v52, v21;
	v10 =	vsub.f32 v56, v57  }
0x140: {  	v34 =	vld.idx.msk [tilespmem:v60+s17+$0x0], $0xffff;
	v48 =	vor.u32 $0x37, v4;
	v57 =	vadd.s32 $0x4380, v3;
	v36 =	vmul.f32 v27, v62  }
0x141: {  	v41 =	vld.idx.msk [tilespmem:v32+s19+$0x0], $0xffff;
	v7 =	vadd.f32 v8, v7;
	v39 =	vmul.f32 v62, v62;
	v13 =	vmul.f32 v27, v13  }
0x142: {  	v18 =	vld.idx.msk [tilespmem:v43+s19+$0x0], $0xffff;
	v6 =	vadd.f32 v9, v6;
	v11 =	vmul.f32 v25, v62;
	v45 =	vmul.f32 v27, v27  }
0x143: {  	v25 =	vor.u32 $0x1A, v5;
	v27 =	vor.u32 $0x3A, v5;
	v10 =	vmul.f32 v10, v19;
	v19 =	vld.idx.msk [tilespmem:v30+s19+$0x0], $0xffff  }
0x144: {  	v58 =	vadd.f32 v54, v14;
	v17 =	vmul.f32 v61, v51;
	v9 =	vadd.f32 v36, v35;
	v47 =	vld.idx.msk [tilespmem:v40+s16+$0x0], $0xffff  }
0x145: {  	v61 =	vor.u32 $0x18, v5;
	v42 =	vadd.f32 v39, v38;
	v11 =	vsub.f32 v13, v11;
	v49 =	vld.idx.msk [tilespmem:v40+s17+$0x0], $0xffff  }
0x146: {  	v51 =	vmul.f32 v41, v37;
	v13 =	vld.idx.msk [tilespmem:v44+s19+$0x0], $0xffff;
	v8 =	vadd.f32 v10, v17;
	v10 =	vmul.f32 v31, v31  }
0x147: {  	v12 =	vadd.f32 v59, v58;
	v20 =	vld.idx.msk [tilespmem:v46+s19+$0x0], $0xffff;
	v59 =	vmul.f32 v41, v41;
	v32 =	vmul.f32 v18, v18  }
0x148: {  	v46 =	vor.u32 $0x19, v5;
	v9 =	vmul.f32 v9, v31;
	v16 =	vadd.f32 v16, v42;
	v56 =	vld.idx.msk [tilespmem:v48+s19+$0x0], $0xffff  }
0x149: {  	v11 =	vmul.f32 v11, v34;
	v31 =	vor.u32 $0x18, v4;
	v12 =	vadd.f32 v63, v12  }
0x14a: {  	v7 =	vadd.f32 v8, v7;
	v63 =	vor.u32 $0x38, v5;
	v53 =	vmul.f32 v19, v37  }
0x14b: {  	v28 =	vld.idx.msk [tilespmem:v57+s16+$0x0], $0xffff;
	v55 =	vmul.f32 v19, v19;
	v33 =	vadd.f32 v29, v12;
	v12 =	vmul.f32 v34, v34  }
0x14c: {  	v8 =	vld.idx.msk [tilespmem:v26+s19+$0x0], $0xffff;
	v16 =	vadd.f32 v45, v16;
	v62 =	vmul.f32 v47, v47;
	v17 =	vmul.f32 v49, v49  }
0x14d: {  	v9 =	vadd.f32 v11, v9;
	v29 =	vmul.f32 v20, v18;
	v30 =	vmul.f32 v56, v13  }
0x14e: {  	v6 =	vadd.f32 v33, v6;
	v33 =	vmul.f32 v13, v13;
	v35 =	vmul.f32 v56, v18  }
0x14f: {  	v22 =	vld.idx.msk [tilespmem:v57+s17+$0x0], $0xffff;
	v34 =	vor.u32 $0x38, v4;
	v13 =	vmul.f32 v20, v13;
	v20 =	vmul.f32 v20, v20  }
0x150: {  	v10 =	vadd.f32 v10, v16;
	v38 =	vmul.f32 v56, v56;
	v43 =	vmul.f32 v28, v28  }
0x151: {  	v7 =	vadd.f32 v9, v7;
	v50 =	vmul.f32 v19, v8;
	v52 =	vmul.f32 v41, v8  }
0x152: {  	v8 =	vmul.f32 v8, v8;
	v10 =	vadd.f32 v12, v10;
	v36 =	vadd.f32 v33, v32  }
0x153: {  	v41 =	vadd.s32 $0x6000, v3;
	v9 =	vsub.f32 v35, v13;
	v54 =	vadd.f32 v51, v50  }
0x154: {  	v39 =	vld.idx.msk [tilespmem:v31+s19+$0x0], $0xffff;
	v45 =	vmul.f32 v22, v22;
	v11 =	vsub.f32 v52, v53;
	v8 =	vadd.f32 v15, v8  }
0x155: {  	v31 =	vor.u32 $0x3A, v4;
	v12 =	vld.idx.msk [tilespmem:v63+s19+$0x0], $0xffff;
	v6 =	vadd.f32 v10, v6;
	v15 =	vadd.f32 v30, v29  }
0x156: {  	v13 =	vld.idx.msk [tilespmem:v46+s19+$0x0], $0xffff;
	v52 =	vor.u32 $0x19, v4;
	v29 =	vor.u32 $0x1A, v4;
	v9 =	vmul.f32 v9, v22  }
0x157: {  	v40 =	vld.idx.msk [tilespmem:v34+s19+$0x0], $0xffff;
	v37 =	vadd.f32 v20, v36;
	v58 =	vmul.f32 v54, v47;
	v11 =	vmul.f32 v11, v49  }
0x158: {  	v8 =	vadd.f32 v55, v8;
	v15 =	vmul.f32 v15, v28;
	v49 =	vor.u32 $0x39, v5;
	v50 =	vld.idx.msk [tilespmem:v41+s16+$0x0], $0xffff  }
0x159: {  	v53 =	vmul.f32 v39, v39;
	v54 =	vor.u32 $0x39, v4;
	v42 =	vadd.f32 v38, v37;
	v19 =	vld.idx.msk [tilespmem:v41+s17+$0x0], $0xffff  }
0x15a: {  	v48 =	vmul.f32 v12, v12;
	v60 =	vadd.f32 v11, v58;
	v8 =	vadd.f32 v59, v8;
	v11 =	vld.idx.msk [tilespmem:v61+s19+$0x0], $0xffff  }
0x15b: {  	v56 =	vmul.f32 v39, v12;
	v59 =	vadd.s32 $0x6080, v3;
	v37 =	vmul.f32 v13, v13  }
0x15c: {  	v44 =	vadd.f32 v43, v42;
	v51 =	vmul.f32 v40, v12;
	v63 =	vld.idx.msk [tilespmem:v52+s19+$0x0], $0xffff;
	v8 =	vadd.f32 v62, v8  }
0x15d: {  	v36 =	vld.idx.msk [tilespmem:v27+s19+$0x0], $0xffff;
	v58 =	vmul.f32 v40, v40;
	v42 =	vor.u32 $0x1B, v5;
	v43 =	vor.u32 $0x3B, v5  }
0x15e: {  	v61 =	vld.idx.msk [tilespmem:v49+s19+$0x0], $0xffff;
	v8 =	vadd.f32 v17, v8;
	v62 =	vmul.f32 v50, v50;
	v28 =	vmul.f32 v19, v19  }
0x15f: {  	v7 =	vadd.f32 v60, v7;
	v26 =	vld.idx.msk [tilespmem:v54+s19+$0x0], $0xffff;
	v47 =	vmul.f32 v11, v11;
	v21 =	vmul.f32 v39, v11  }
0x160: {  	v55 =	vmul.f32 v40, v11;
	v39 =	vadd.s32 $0x6100, v3;
	v6 =	vadd.f32 v8, v6  }
0x161: {  	v8 =	vadd.f32 v9, v15;
	v9 =	vadd.f32 v45, v44;
	v34 =	vmul.f32 v63, v13  }
0x162: {  	v30 =	vld.idx.msk [tilespmem:v59+s16+$0x0], $0xffff;
	v16 =	vmul.f32 v63, v63;
	v45 =	vor.u32 $0x1B, v4;
	v14 =	vadd.f32 v48, v47  }
0x163: {  	v33 =	vld.idx.msk [tilespmem:v59+s17+$0x0], $0xffff;
	v15 =	vmul.f32 v36, v36;
	v60 =	vadd.f32 v51, v21;
	v10 =	vsub.f32 v55, v56  }
0x164: {  	v40 =	vld.idx.msk [tilespmem:v31+s19+$0x0], $0xffff;
	v47 =	vor.u32 $0x3B, v4;
	v56 =	vadd.s32 $0x6180, v3;
	v35 =	vmul.f32 v26, v61  }
0x165: {  	v18 =	vld.idx.msk [tilespmem:v42+s19+$0x0], $0xffff;
	v7 =	vadd.f32 v8, v7;
	v38 =	vmul.f32 v61, v61;
	v13 =	vmul.f32 v26, v13  }
0x166: {  	v6 =	vadd.f32 v9, v6;
	v11 =	vmul.f32 v63, v61;
	v10 =	vmul.f32 v10, v19;
	v19 =	vld.idx.msk [tilespmem:v29+s19+$0x0], $0xffff  }
0x167: {  	v44 =	vmul.f32 v26, v26;
	v57 =	vadd.f32 v53, v14;
	v17 =	vmul.f32 v60, v50;
	v46 =	vld.idx.msk [tilespmem:v39+s16+$0x0], $0xffff  }
0x168: {  	v60 =	vor.u32 $0x1C, v5;
	v9 =	vadd.f32 v35, v34;
	v41 =	vadd.f32 v38, v37;
	v48 =	vld.idx.msk [tilespmem:v39+s17+$0x0], $0xffff  }
0x169: {  	v11 =	vsub.f32 v13, v11;
	v50 =	vmul.f32 v40, v36;
	v13 =	vld.idx.msk [tilespmem:v43+s19+$0x0], $0xffff;
	v12 =	vadd.f32 v58, v57  }
0x16a: {  	v8 =	vadd.f32 v10, v17;
	v10 =	vmul.f32 v30, v30;
	v20 =	vld.idx.msk [tilespmem:v45+s19+$0x0], $0xffff;
	v58 =	vmul.f32 v40, v40  }
0x16b: {  	v31 =	vmul.f32 v18, v18;
	v45 =	vor.u32 $0x1D, v5;
	v9 =	vmul.f32 v9, v30;
	v55 =	vld.idx.msk [tilespmem:v47+s19+$0x0], $0xffff  }
0x16c: {  	v16 =	vadd.f32 v16, v41;
	v11 =	vmul.f32 v11, v33;
	v63 =	vld.idx.msk [tilespmem:v56+s16+$0x0], $0xffff;
	v30 =	vor.u32 $0x1C, v4  }
0x16d: {  	v22 =	vld.idx.msk [tilespmem:v56+s17+$0x0], $0xffff;
	v56 =	vor.u32 $0x3E, v5;
	v12 =	vadd.f32 v62, v12;
	v7 =	vadd.f32 v8, v7  }
0x16e: {  	v62 =	vor.u32 $0x3C, v5;
	v52 =	vmul.f32 v19, v36;
	v54 =	vmul.f32 v19, v19  }
0x16f: {  	v32 =	vadd.f32 v28, v12;
	v12 =	vmul.f32 v33, v33;
	v61 =	vmul.f32 v46, v46  }
0x170: {  	v8 =	vld.idx.msk [tilespmem:v25+s19+$0x0], $0xffff;
	v16 =	vadd.f32 v44, v16;
	v17 =	vmul.f32 v48, v48;
	v28 =	vmul.f32 v20, v18  }
0x171: {  	v6 =	vadd.f32 v32, v6;
	v29 =	vmul.f32 v55, v13;
	v32 =	vmul.f32 v13, v13  }
0x172: {  	v9 =	vadd.f32 v11, v9;
	v34 =	vmul.f32 v55, v18;
	v13 =	vmul.f32 v20, v13  }
0x173: {  	v33 =	vor.u32 $0x3C, v4;
	v20 =	vmul.f32 v20, v20;
	v37 =	vmul.f32 v55, v55  }
0x174: {  	v10 =	vadd.f32 v10, v16;
	v42 =	vmul.f32 v63, v63;
	v44 =	vmul.f32 v22, v22  }
0x175: {  	v7 =	vadd.f32 v9, v7;
	v49 =	vmul.f32 v19, v8;
	v51 =	vmul.f32 v40, v8  }
0x176: {  	v8 =	vmul.f32 v8, v8;
	v10 =	vadd.f32 v12, v10;
	v35 =	vadd.f32 v32, v31  }
0x177: {  	v38 =	vld.idx.msk [tilespmem:v30+s19+$0x0], $0xffff;
	v40 =	vadd.s32 $0x6200, v3;
	v9 =	vsub.f32 v34, v13;
	v53 =	vadd.f32 v50, v49  }
0x178: {  	v31 =	vadd.s32 $0x6300, v3;
	v11 =	vsub.f32 v51, v52;
	v8 =	vadd.f32 v15, v8  }
0x179: {  	v34 =	vor.u32 $0x1F, v5;
	v6 =	vadd.f32 v10, v6;
	v15 =	vadd.f32 v29, v28  }
0x17a: {  	v12 =	vld.idx.msk [tilespmem:v62+s19+$0x0], $0xffff;
	v51 =	vor.u32 $0x1D, v4;
	v36 =	vadd.f32 v20, v35;
	v9 =	vmul.f32 v9, v22  }
0x17b: {  	v57 =	vmul.f32 v53, v46;
	v11 =	vmul.f32 v11, v48;
	v8 =	vadd.f32 v54, v8  }
0x17c: {  	v39 =	vld.idx.msk [tilespmem:v33+s19+$0x0], $0xffff;
	v15 =	vmul.f32 v15, v63;
	v48 =	vor.u32 $0x3D, v5;
	v52 =	vmul.f32 v38, v38  }
0x17d: {  	v53 =	vor.u32 $0x3D, v4;
	v54 =	vor.u32 $0x1E, v5;
	v63 =	vadd.s32 $0x6280, v3;
	v49 =	vld.idx.msk [tilespmem:v40+s16+$0x0], $0xffff  }
0x17e: {  	v5 =	vor.u32 $0x3F, v5;
	v3 =	vadd.s32 $0x6380, v3;
	v41 =	vadd.f32 v37, v36;
	v19 =	vld.idx.msk [tilespmem:v40+s17+$0x0], $0xffff  }
0x17f: {  	v47 =	vmul.f32 v12, v12;
	v59 =	vadd.f32 v11, v57;
	v8 =	vadd.f32 v58, v8;
	v11 =	vld.idx.msk [tilespmem:v60+s19+$0x0], $0xffff  }
0x180: {  	v13 =	vld.idx.msk [tilespmem:v45+s19+$0x0], $0xffff;
	v40 =	vor.u32 $0x1F, v4;
	v58 =	vor.u32 $0x1E, v4;
	v43 =	vadd.f32 v42, v41  }
0x181: {  	v50 =	vmul.f32 v39, v12;
	v12 =	vmul.f32 v38, v12;
	v60 =	vld.idx.msk [tilespmem:v51+s19+$0x0], $0xffff;
	v8 =	vadd.f32 v61, v8  }
0x182: {  	v55 =	vmul.f32 v39, v39;
	v7 =	vadd.f32 v59, v7;
	v61 =	vor.u32 $0x3E, v4;
	v57 =	vld.idx.msk [tilespmem:v48+s19+$0x0], $0xffff  }
0x183: {  	v62 =	vld.idx.msk [tilespmem:v53+s19+$0x0], $0xffff;
	v8 =	vadd.f32 v17, v8;
	v59 =	vmul.f32 v49, v49;
	v28 =	vmul.f32 v19, v19  }
0x184: {  	v4 =	vor.u32 $0x3F, v4;
	v29 =	vld.idx.msk [tilespmem:v54+s19+$0x0], $0xffff;
	v46 =	vmul.f32 v11, v11;
	v21 =	vmul.f32 v38, v11  }
0x185: {  	v35 =	vld.idx.msk [tilespmem:v63+s16+$0x0], $0xffff;
	v11 =	vmul.f32 v39, v11;
	v38 =	vmul.f32 v13, v13;
	v6 =	vadd.f32 v8, v6  }
0x186: {  	v42 =	vld.idx.msk [tilespmem:v31+s16+$0x0], $0xffff;
	v8 =	vadd.f32 v9, v15;
	v9 =	vadd.f32 v44, v43;
	v36 =	vmul.f32 v60, v13  }
0x187: {  	v37 =	vld.idx.msk [tilespmem:v63+s17+$0x0], $0xffff;
	v43 =	vmul.f32 v60, v60;
	v14 =	vadd.f32 v47, v46;
	v39 =	vmul.f32 v57, v57  }
0x188: {  	v17 =	vld.idx.msk [tilespmem:v31+s17+$0x0], $0xffff;
	v21 =	vadd.f32 v50, v21;
	v41 =	vmul.f32 v62, v57;
	v13 =	vmul.f32 v62, v13  }
0x189: {  	v33 =	vld.idx.msk [tilespmem:v58+s19+$0x0], $0xffff;
	v11 =	vsub.f32 v11, v12;
	v12 =	vmul.f32 v60, v57;
	v47 =	vmul.f32 v62, v62  }
0x18a: {  	v30 =	vld.idx.msk [tilespmem:v56+s19+$0x0], $0xffff;
	v6 =	vadd.f32 v9, v6;
	v9 =	vmul.f32 v35, v35;
	v15 =	vmul.f32 v29, v29  }
0x18b: {  	v7 =	vadd.f32 v8, v7;
	v62 =	vmul.f32 v42, v42;
	v20 =	vmul.f32 v21, v49  }
0x18c: {  	v5 =	vld.idx.msk [tilespmem:v5+s19+$0x0], $0xffff;
	v14 =	vadd.f32 v52, v14;
	v11 =	vmul.f32 v11, v19;
	v52 =	vmul.f32 v37, v37  }
0x18d: {  	v4 =	vld.idx.msk [tilespmem:v4+s19+$0x0], $0xffff;
	v63 =	vmul.f32 v17, v17;
	v19 =	vadd.f32 v39, v38;
	v16 =	vadd.f32 v41, v36  }
0x18e: {  	v23 =	vld.idx.msk [tilespmem:v40+s19+$0x0], $0xffff;
	v44 =	vmul.f32 v33, v29;
	v12 =	vsub.f32 v13, v12;
	v8 =	vadd.f32 v11, v20  }
0x18f: {  	v50 =	vmul.f32 v33, v30;
	v10 =	vmul.f32 v33, v33;
	v14 =	vadd.f32 v55, v14  }
0x190: {  	v11 =	vmul.f32 v30, v30;
	v46 =	vadd.f32 v43, v19;
	v7 =	vadd.f32 v8, v7;
	v8 =	vld.idx.msk [tilespmem:v61+s19+$0x0], $0xffff  }
0x191: {  	v16 =	vmul.f32 v16, v35;
	v12 =	vmul.f32 v12, v37;
	v27 =	vadd.f32 v59, v14;
	v14 =	vld.idx.msk [tilespmem:v34+s19+$0x0], $0xffff  }
0x192: {  	v57 =	vmul.f32 v4, v5;
	v11 =	vadd.f32 v11, v15;
	v13 =	vadd.f32 v47, v46  }
0x193: {  	v59 =	vmul.f32 v23, v5;
	v12 =	vadd.f32 v12, v16;
	v32 =	vadd.f32 v28, v27  }
0x194: {  	v5 =	vmul.f32 v5, v5;
	v10 =	vadd.f32 v10, v11;
	v9 =	vadd.f32 v9, v13  }
0x195: {  	v7 =	vadd.f32 v12, v7;
	v6 =	vadd.f32 v32, v6;
	v45 =	vmul.f32 v8, v30  }
0x196: {  	v55 =	vld.idx.msk [tilespmem:v3+s16+$0x0], $0xffff;
	v49 =	vmul.f32 v8, v29;
	v9 =	vadd.f32 v52, v9;
	v56 =	vmul.f32 v23, v14  }
0x197: {  	v3 =	vld.idx.msk [tilespmem:v3+s17+$0x0], $0xffff;
	v58 =	vmul.f32 v4, v14;
	v14 =	vmul.f32 v14, v14;
	v48 =	vadd.f32 v45, v44  }
0x198: {  	v8 =	vmul.f32 v8, v8;
	v51 =	vsub.f32 v49, v50;
	v60 =	vadd.f32 v57, v56  }
0x199: {  	v61 =	vmul.f32 v23, v23;
	v15 =	vsub.f32 v58, v59;
	v5 =	vadd.f32 v5, v14  }
0x19a: {  	v4 =	vmul.f32 v4, v4;
	v8 =	vadd.f32 v8, v10;
	v6 =	vadd.f32 v9, v6  }
0x19b: {  	v53 =	vmul.f32 v48, v42;
	v54 =	vmul.f32 v51, v17;
	v5 =	vadd.f32 v61, v5  }
0x19c: {  	v11 =	vmul.f32 v60, v55;
	v15 =	vmul.f32 v15, v3;
	v8 =	vadd.f32 v62, v8  }
0x19d: {  	v13 =	vadd.f32 v54, v53;
	v4 =	vadd.f32 v4, v5;
	v5 =	vmul.f32 v55, v55  }
0x19e: {  	p1 =	sne.s32 s23, $0x30;
	v11 =	vadd.f32 v15, v11;
	v8 =	vadd.f32 v63, v8  }
.Ltmp3:
0x19f: {  	v3 =	vmul.f32 v3, v3;
	v7 =	vadd.f32 v13, v7;
	v4 =	vadd.f32 v5, v4;
	(pc) =	sbr.rel @p1 .LBB2_7-.Ltmp3, $4  }
0x1a0: {  	v5 =	vadd.f32 v8, v6  }
0x1a1: {  	v7 =	vadd.f32 v11, v7;
	v3 =	vadd.f32 v3, v4  }
0x1a2: {  	s2 =	sadd.s32 $0x10, s2;
	s18 =	sadd.s32 $0x10, s18  }
0x1a3: {  	s3 =	sadd.s32 $0x10, s3;
	s23 =	sadd.s32 $0x10, s23;
	[tilespmem:s1+$0x0] =	vst v7;
	s1 =	sadd.s32 $0x10, s1;
	v6 =	vadd.f32 v3, v5  }
0x1a4: {  	p1 =	sne.s32 s30, $0x10  }
.Ltmp4:
0x1a5: {  	s1 =	sshll.u32 s31, $0x6;
	(pc) =	sbr.rel @p1 .LBB2_2-.Ltmp4, $4  }
0x1a6: {  	s1 =	sadd.s32 s10, s1  }
0x1a7: {  	s0 =	sshll.u32 s0, $0x7;
	p0 =	por !p0, !p0;
	s1 =	sshrl.u32 s1, $0x3  }
0x1a8: {  	s31 =	smov.u32 s30;
	[tilespmem:$0x18500] =	vst v6;
	s0 =	sor.u32 $0x18400, s0;
	s1 =	sadd.s32 s9, s1  }
0x1a9: {  	[hbm4b:s1+s4] =	stream.linear.scatter [tilespmem:s0], [sflag:$0x3], $0x40, $0x38;
	[tilespmem:$0x18580] =	vst v63  }
0x1aa: {  	_ =	swait.ge [sflag:s20], $0x40;
	s29 =	sadd.s32 $0x1, s29  }
0x1ab: {  	[sflag:s20] =	ssyncset.done $0x0;
	p0 =	sne.s32 s29, s15  }
.Ltmp5:
0x1ac: {  	[sflag:s20] =	ssyncadd.s32 $0xFFFFFFC0;
	(pc) =	sbr.rel @p0 .LBB2_1-.Ltmp5, $4  }
0x1ad: {  	[hbm4b:s14+s4] =	stream.linear.scatter [tilespmem:s26], [sflag:$0x4], $0x80, $0x38;
	[tilespmem:$0x18580] =	vst v63  }
0x1ae: {  	_ =	swait.ge [sflag:s28], $0x80  }
0x1af: {  	[sflag:s28] =	ssyncset.done $0x0  }
0x1b0: {  	[sflag:s28] =	ssyncadd.s32 $0xFFFFFF80  }
0x1b1: {  	_ =	sfence.sel $0x180000  }
0x1b2: {  	[bflag:$0x0] =	sbarrier.arrive $0xFFFF  }
0x1b3: {  	_ =	strace $0x90000047  }
0x1b4: {  	s0 =	stileid.u32;
	[bflag:$0x2] =	sbarrier.arrive $0xFFFF  }
0x1b5: {  	p0 =	sne.s32 s0, $0x0;
	s0 =	rddreg [dreg:$0x3]  }
0x1b6: {  	s0 =	sadd.s32 @!p0 $0x100000, s0  }
0x1b7: {  	[sflag:s0] =	ssyncadd.tile.s32 @!p0 $0x1;
	_ =	shalt  }
.Lfunc_end2:
_tile_overlayer_lowered:
.L_overlay_start_2:
0x1b8: {  	(tag) =	ssettag $0x2  }
0x1b9: {  	s0 =	rddreg [dreg:$0x0];
	s2 =	stileid.u32  }
0x1ba: {  	s1 =	rddreg [dreg:$0x1];
	p0 =	sne.s32 s2, $0x0  }
0x1bb: {  	s3 =	rddreg [dreg:$0x2];
	[bflag:$0x3] =	sbarrier.arrive $0xFFFF;
	s2 =	simm.s32 @!p0 $0x1C04  }
0x1bc: {  	[timem:s3], [sflag:s2] =	dma.local @!p0 [hbm:s0], s1  }
0x1bd: {  	s0 =	simm.s32 @!p0 $0x4  }
0x1be: {  	_ =	swait.ge @!p0 [sflag:s0], s1  }
0x1bf: {  	s1 =	ssub.s32 @!p0 $0x0, s1;
	[sflag:s0] =	ssyncset.done @!p0 $0x0  }
0x1c0: {  	[sflag:s0] =	ssyncadd.s32 @!p0 s1  }
0x1c1: {  	[bflag:$0x3] =	sbarrier.arrive $0xFFFF  }
0x1c2: {  	_ =	shalt  }

</sc_bundles>
